<compile_context>
chip_gen: v7x
topology: tpu7x:2x2x1
jax: 0.10.2.dev20260603
libtpu: 0.0.44.dev20260713+nightly
codegen_flags: <defaults>
</compile_context>

<pallas_src>
import functools

import jax
import jax.numpy as jnp
from jax import lax
from jax.experimental import pallas as pl
from jax.experimental.pallas import tpu as pltpu
from jax.experimental.pallas import tpu_sc as plsc


def _tc_body(idx_ref, d_ref, w1t_ref, b1_ref, w2t_ref, b2_ref, out_ref):
    R, K = idx_ref.shape
    HI = lax.Precision.HIGHEST
    LO = lax.Precision.DEFAULT
    kk = lax.broadcasted_iota(jnp.int32, (K, K * K), 0)
    ll = lax.broadcasted_iota(jnp.int32, (K, K * K), 1)
    picki = (ll // K == kk).astype(jnp.float32)
    pickj = (ll % K == kk).astype(jnp.float32)
    dmat = picki - pickj
    l1 = lax.broadcasted_iota(jnp.int32, (1, K * K), 1)
    ltm = (l1 % K < l1 // K).astype(jnp.float32)
    s0 = lax.broadcasted_iota(jnp.int32, (K * K, K), 0)
    s1 = lax.broadcasted_iota(jnp.int32, (K * K, K), 1)
    sred = (s0 // K == s1).astype(jnp.float32)
    r0 = lax.broadcasted_iota(jnp.int32, (K, K), 0)
    r1 = lax.broadcasted_iota(jnp.int32, (K, K), 1)
    tri = (r0 <= r1).astype(jnp.float32)
    idx = idx_ref[...]
    d = d_ref[...]
    idxf = idx.astype(jnp.float32)
    diff = jnp.dot(idxf, dmat, precision=HI)
    eq2 = (diff == 0.0).astype(jnp.float32)
    seen = jnp.dot(eq2 * ltm, sred, precision=LO)
    is_new = ((idx != 0) & (seen == 0.0)).astype(jnp.float32)
    counts = jnp.dot(is_new, tri, precision=LO)
    feat = jnp.concatenate([d, counts], axis=-1)
    h = jnp.tanh(
        lax.dot_general(
            feat, w1t_ref[...], (((1,), (1,)), ((), ())), precision=HI)
        + b1_ref[...]
    )
    logit = jnp.sum(h * w2t_ref[...], axis=-1, keepdims=True) + b2_ref[...]
    tempe = jax.nn.sigmoid(logit)
    x = -d * tempe
    x = x - jnp.max(x, axis=-1, keepdims=True)
    e = jnp.exp(x)
    p = e / jnp.sum(e, axis=-1, keepdims=True)
    p2 = jnp.dot(p, pickj, precision=HI)
    comb = jnp.dot(eq2 * p2, sred, precision=HI)
    out_ref[...] = comb


def _tc_combine(idx, d, W1, b1, W2, b2):
    R, K = idx.shape
    return pl.pallas_call(
        _tc_body,
        out_shape=jax.ShapeDtypeStruct((R, K), jnp.float32),
    )(idx, d, W1.T, b1.reshape(1, -1), W2.reshape(1, -1), b2.reshape(1, 1))


@functools.cache
def _make_sc_scatter(B, S, K, V):
    NC, NS = 2, 16
    NW = NC * NS
    assert B == NW and K % 16 == 0
    CW = 1024
    NCHUNK = (V // CW) & ~1
    TW = V - NCHUNK * CW
    mesh = plsc.VectorSubcoreMesh(core_axis_name="c", subcore_axis_name="s")

    def _scatter_halves(buf, idx_v, val_v, base, width, vals_are_zero):
        for s in range(S):
            srow = jnp.full((16,), s, jnp.int32)
            for h in range(K // 16):
                iv = idx_v[s, pl.ds(h * 16, 16)]
                m = (iv >= base) & (iv < base + width)
                loc = jnp.where(m, iv - base, 0)
                if vals_are_zero:
                    vv = jnp.zeros((16,), jnp.float32)
                else:
                    vv = val_v[s, pl.ds(h * 16, 16)]
                plsc.store_scatter(buf, [srow, loc], vv, mask=m)

    @functools.partial(
        pl.kernel,
        mesh=mesh,
        out_type=jax.ShapeDtypeStruct((B, S, V), jnp.float32),
        compiler_params=pltpu.CompilerParams(needs_layout_passes=False),
        scratch_types=[
            pltpu.VMEM((S, CW), jnp.float32),
            pltpu.VMEM((S, CW), jnp.float32),
            pltpu.VMEM((S, TW), jnp.float32),
            pltpu.VMEM((S, K), jnp.int32),
            pltpu.VMEM((S, K), jnp.float32),
            pltpu.SemaphoreType.DMA,
            pltpu.SemaphoreType.DMA,
            pltpu.SemaphoreType.DMA,
        ],
    )
    def sc_scatter(zeros_hbm, idx_hbm, val_hbm, out_hbm,
                   buf_a, buf_b, tailbuf, idx_v, val_v, sem_a, sem_b, sem_p):
        b = lax.axis_index("s") * NC + lax.axis_index("c")
        pre = [
            pltpu.async_copy(zeros_hbm.at[:, pl.ds(0, CW)], buf_a, sem_p),
            pltpu.async_copy(zeros_hbm.at[:, pl.ds(0, CW)], buf_b, sem_p),
            pltpu.async_copy(zeros_hbm.at[:, pl.ds(CW, TW)], tailbuf, sem_p),
            pltpu.async_copy(idx_hbm.at[pl.ds(b * S, S)], idx_v, sem_p),
            pltpu.async_copy(val_hbm.at[pl.ds(b * S, S)], val_v, sem_p),
        ]
        for cp in pre:
            cp.wait()

        def _fire(buf, base, sem):
            return pltpu.async_copy(
                buf, out_hbm.at[b, :, pl.ds(base, CW)], sem)

        _scatter_halves(buf_a, idx_v, val_v, 0, CW, False)
        _fire(buf_a, 0, sem_a)
        _scatter_halves(buf_b, idx_v, val_v, CW, CW, False)
        _fire(buf_b, CW, sem_b)

        @pl.loop(1, NCHUNK // 2)
        def _chunk_pair(i):
            for buf, sem, par in ((buf_a, sem_a, 0), (buf_b, sem_b, 1)):
                base = (2 * i + par) * CW
                pltpu.make_async_copy(
                    buf, out_hbm.at[b, :, pl.ds(base - 2 * CW, CW)], sem
                ).wait()
                _scatter_halves(buf, idx_v, val_v, base - 2 * CW, CW, True)
                _scatter_halves(buf, idx_v, val_v, base, CW, False)
                _fire(buf, base, sem)

        base = NCHUNK * CW
        _scatter_halves(tailbuf, idx_v, val_v, base, TW, False)
        tail_cp = pltpu.async_copy(
            tailbuf, out_hbm.at[b, :, pl.ds(base, TW)], sem_p)
        pltpu.make_async_copy(
            buf_a, out_hbm.at[b, :, pl.ds(0, CW)], sem_a).wait()
        pltpu.make_async_copy(
            buf_b, out_hbm.at[b, :, pl.ds(0, CW)], sem_b).wait()
        tail_cp.wait()

    return sc_scatter


def kernel(tgt_index, knn_dists, nmt_prob, W1, b1, W2, b2):
    B, S, K = knn_dists.shape
    V = nmt_prob.shape[-1]
    R = B * S
    idx = tgt_index.reshape(R, K).astype(jnp.int32)
    d = knn_dists.reshape(R, K).astype(jnp.float32)
    vals = _tc_combine(idx, d, W1, b1, W2, b2)
    CW = 1024
    TW = V - ((V // CW) & ~1) * CW
    zeros_src = jnp.zeros((S, CW + TW), jnp.float32)
    return _make_sc_scatter(B, S, K, V)(zeros_src, idx, vals)

# --- scband reference (transcript-rebuilt; emitter-appended) ---
"""Pipeline reference for scband-me-combiner-1271310319763 (READ-ONLY COPY).

The authoritative reference and input builder live on the scoring server;
editing this copy changes nothing except your own understanding.
"""

import jax, jax.numpy as jnp
import numpy as np

B, S, K, V = 32, 8, 32, 100000
MID = 32

def setup_inputs(seed: int = 0) -> dict:
    key = jax.random.key(seed)
    ks = jax.random.split(key, 6)
    tgt_index = jax.random.randint(ks[0], (B, S, K), 0, V, dtype=jnp.int64 if jax.config.jax_enable_x64 else jnp.int32)
    knn_dists = jax.random.uniform(ks[1], (B, S, K), dtype=jnp.float32)
    nmt_prob = jax.random.uniform(ks[2], (B, S, V), dtype=jnp.float32)
    W1 = jax.random.normal(ks[3], (2 * K, MID), dtype=jnp.float32) * 0.1
    b1 = jnp.zeros((MID,), dtype=jnp.float32)
    W2 = jax.random.normal(ks[4], (MID, 1), dtype=jnp.float32) * 0.1
    b2 = jnp.zeros((1,), dtype=jnp.float32)
    return {"tgt_index": tgt_index, "knn_dists": knn_dists, "nmt_prob": nmt_prob, "W1": W1, "b1": b1, "W2": W2, "b2": b2}

def _label_count_segment(vals):
    # vals: int [B,S,K]; faithful port of MetaKNetwork._get_label_count_segment (relative=False)
    Bv, Sv, Kv = vals.shape
    mask = jnp.triu(jnp.ones((Kv, Kv), dtype=bool), k=1)
    expand = jnp.broadcast_to(vals[:, :, None, :], (Bv, Sv, Kv, Kv))
    expand = jnp.where(mask[None, None, :, :], jnp.array(-1, dtype=vals.dtype), expand)
    ls = jnp.sort(expand, axis=-1)
    tail = ls[..., 1:] * (ls[..., 1:] != ls[..., :-1]).astype(ls.dtype)
    ls = jnp.concatenate([ls[..., :1], tail], axis=-1)
    counts = (ls != 0).sum(axis=-1)
    counts = counts.at[..., :-1].add(-1)
    return counts

def reference(tgt_index, knn_dists, nmt_prob, W1, b1, W2, b2):
    Bv, Sv, Kv = knn_dists.shape
    Vv = nmt_prob.shape[-1]
    label_counts = _label_count_segment(tgt_index)
    knn_feat = jnp.concatenate([knn_dists, label_counts.astype(jnp.float32)], axis=-1)  # [B,S,2K]
    h = jnp.tanh(jnp.dot(knn_feat, W1) + b1)
    lambda_logit = jnp.dot(h, W2) + b2  # [B,S,1]
    tempe = jax.nn.sigmoid(lambda_logit)
    probs = jax.nn.softmax(-knn_dists * tempe, axis=-1)  # [B,S,K]
    bidx = jnp.arange(Bv)[:, None, None]
    sidx = jnp.arange(Sv)[None, :, None]
    knn_prob = jnp.zeros((Bv, Sv, Vv), dtype=jnp.float32).at[bidx, sidx, tgt_index].add(probs)
    return knn_prob

if __name__ == "__main__":
    import jax
    _d = setup_inputs()
    print(jax.jit(kernel)(*tuple(_d.values())))

</pallas_src>

<mosaic_0001>
#map = affine_map<(d0, d1) -> (0, 0)>
#map1 = affine_map<(d0, d1) -> (0, 0, 0)>
module attributes {stable_mosaic.version = 14 : i64} {
  func.func @sc_scatter(%arg0: i32, %arg1: i32, %arg2: memref<8x2720xf32, #tpu.memory_space<hbm>>, %arg3: memref<256x32xi32, #tpu.memory_space<hbm>>, %arg4: memref<256x32xf32, #tpu.memory_space<hbm>>, %arg5: memref<32x8x100000xf32, #tpu.memory_space<hbm>>, %arg6: memref<8x1024xf32, #tpu.memory_space<vmem>>, %arg7: memref<8x1024xf32, #tpu.memory_space<vmem>>, %arg8: memref<8x1696xf32, #tpu.memory_space<vmem>>, %arg9: memref<8x32xi32, #tpu.memory_space<vmem>>, %arg10: memref<8x32xf32, #tpu.memory_space<vmem>>, %arg11: memref<!tpu.dma_semaphore, #tpu.memory_space<semaphore_mem>>, %arg12: memref<!tpu.dma_semaphore, #tpu.memory_space<semaphore_mem>>, %arg13: memref<!tpu.dma_semaphore, #tpu.memory_space<semaphore_mem>>) attributes {dimension_semantics = [#tpu.dimension_semantics<core_parallel>, #tpu.dimension_semantics<subcore_parallel>], iteration_bounds = array<i64: 2, 16>, scalar_prefetch = 0 : i64, scratch_operands = 8 : i64, tpu.core_type = #tpu.core_type<sc_vector_subcore>, window_params = [{transform_indices = #map}, {transform_indices = #map}, {transform_indices = #map}, {transform_indices = #map1}]} {
    %mul3A = arith.constant 2 : i32
    %mul3A_0 = arith.muli %arg1, %mul3A : i32
    %add3A = arith.addi %mul3A_0, %arg0 : i32
    %dma_start3A = arith.constant 0 : i32
    %dma_start3A_1 = arith.constant 0 : i32
    %dma_start3A_2 = tpu.memref_slice %arg2[%dma_start3A, %dma_start3A_1] : memref<8x2720xf32, #tpu.memory_space<hbm>> -> memref<8x1024xf32, #tpu.memory_space<hbm>>
    %dma_start3A_3 = arith.constant 0 : i32
    %dma_start3A_4 = arith.constant 0 : i32
    %dma_start3A_5 = tpu.memref_slice %arg2[%dma_start3A_3, %dma_start3A_4] : memref<8x2720xf32, #tpu.memory_space<hbm>> -> memref<8x1024xf32, #tpu.memory_space<hbm>>
    tpu.enqueue_dma source(%dma_start3A_5 : memref<8x1024xf32, #tpu.memory_space<hbm>>) target(%arg6 : memref<8x1024xf32, #tpu.memory_space<vmem>>) target_semaphore(%arg13 : memref<!tpu.dma_semaphore, #tpu.memory_space<semaphore_mem>>)
    %dma_start3A_6 = arith.constant 0 : i32
    %dma_start3A_7 = arith.constant 0 : i32
    %dma_start3A_8 = tpu.memref_slice %arg2[%dma_start3A_6, %dma_start3A_7] : memref<8x2720xf32, #tpu.memory_space<hbm>> -> memref<8x1024xf32, #tpu.memory_space<hbm>>
    %dma_start3A_9 = arith.constant 0 : i32
    %dma_start3A_10 = arith.constant 0 : i32
    %dma_start3A_11 = tpu.memref_slice %arg2[%dma_start3A_9, %dma_start3A_10] : memref<8x2720xf32, #tpu.memory_space<hbm>> -> memref<8x1024xf32, #tpu.memory_space<hbm>>
    tpu.enqueue_dma source(%dma_start3A_11 : memref<8x1024xf32, #tpu.memory_space<hbm>>) target(%arg7 : memref<8x1024xf32, #tpu.memory_space<vmem>>) target_semaphore(%arg13 : memref<!tpu.dma_semaphore, #tpu.memory_space<semaphore_mem>>)
    %dma_start3A_12 = arith.constant 0 : i32
    %dma_start3A_13 = arith.constant 1024 : i32
    %dma_start3A_14 = tpu.memref_slice %arg2[%dma_start3A_12, %dma_start3A_13] : memref<8x2720xf32, #tpu.memory_space<hbm>> -> memref<8x1696xf32, #tpu.memory_space<hbm>>
    %dma_start3A_15 = arith.constant 0 : i32
    %dma_start3A_16 = arith.constant 1024 : i32
    %dma_start3A_17 = tpu.memref_slice %arg2[%dma_start3A_15, %dma_start3A_16] : memref<8x2720xf32, #tpu.memory_space<hbm>> -> memref<8x1696xf32, #tpu.memory_space<hbm>>
    tpu.enqueue_dma source(%dma_start3A_17 : memref<8x1696xf32, #tpu.memory_space<hbm>>) target(%arg8 : memref<8x1696xf32, #tpu.memory_space<vmem>>) target_semaphore(%arg13 : memref<!tpu.dma_semaphore, #tpu.memory_space<semaphore_mem>>)
    %mul3A_18 = arith.constant 8 : i32
    %mul3A_19 = arith.muli %add3A, %mul3A_18 : i32
    %dma_start3A_20 = arith.constant 0 : i32
    %dma_start3A_21 = tpu.memref_slice %arg3[%mul3A_19, %dma_start3A_20] : memref<256x32xi32, #tpu.memory_space<hbm>> -> memref<8x32xi32, #tpu.memory_space<hbm>>
    %dma_start3A_22 = arith.constant 0 : i32
    %dma_start3A_23 = tpu.memref_slice %arg3[%mul3A_19, %dma_start3A_22] : memref<256x32xi32, #tpu.memory_space<hbm>> -> memref<8x32xi32, #tpu.memory_space<hbm>>
    tpu.enqueue_dma source(%dma_start3A_23 : memref<8x32xi32, #tpu.memory_space<hbm>>) target(%arg9 : memref<8x32xi32, #tpu.memory_space<vmem>>) target_semaphore(%arg13 : memref<!tpu.dma_semaphore, #tpu.memory_space<semaphore_mem>>)
    %mul3A_24 = arith.constant 8 : i32
    %mul3A_25 = arith.muli %add3A, %mul3A_24 : i32
    %dma_start3A_26 = arith.constant 0 : i32
    %dma_start3A_27 = tpu.memref_slice %arg4[%mul3A_25, %dma_start3A_26] : memref<256x32xf32, #tpu.memory_space<hbm>> -> memref<8x32xf32, #tpu.memory_space<hbm>>
    %dma_start3A_28 = arith.constant 0 : i32
    %dma_start3A_29 = tpu.memref_slice %arg4[%mul3A_25, %dma_start3A_28] : memref<256x32xf32, #tpu.memory_space<hbm>> -> memref<8x32xf32, #tpu.memory_space<hbm>>
    tpu.enqueue_dma source(%dma_start3A_29 : memref<8x32xf32, #tpu.memory_space<hbm>>) target(%arg10 : memref<8x32xf32, #tpu.memory_space<vmem>>) target_semaphore(%arg13 : memref<!tpu.dma_semaphore, #tpu.memory_space<semaphore_mem>>)
    %dma_wait3A = arith.constant 0 : i32
    %dma_wait3A_30 = arith.constant 0 : i32
    %dma_wait3A_31 = tpu.memref_slice %arg2[%dma_wait3A, %dma_wait3A_30] : memref<8x2720xf32, #tpu.memory_space<hbm>> -> memref<8x1024xf32, #tpu.memory_space<hbm>>
    %dma_wait3A_32 = arith.constant 0 : i32
    %dma_wait3A_33 = arith.constant 0 : i32
    %dma_wait3A_34 = tpu.memref_slice %arg2[%dma_wait3A_32, %dma_wait3A_33] : memref<8x2720xf32, #tpu.memory_space<hbm>> -> memref<8x1024xf32, #tpu.memory_space<hbm>>
    tpu.wait_dma2 semaphore(%arg13 : memref<!tpu.dma_semaphore, #tpu.memory_space<semaphore_mem>>) src(%dma_wait3A_34 : memref<8x1024xf32, #tpu.memory_space<hbm>>) dst(%arg6 : memref<8x1024xf32, #tpu.memory_space<vmem>>)
    %dma_wait3A_35 = arith.constant 0 : i32
    %dma_wait3A_36 = arith.constant 0 : i32
    %dma_wait3A_37 = tpu.memref_slice %arg2[%dma_wait3A_35, %dma_wait3A_36] : memref<8x2720xf32, #tpu.memory_space<hbm>> -> memref<8x1024xf32, #tpu.memory_space<hbm>>
    %dma_wait3A_38 = arith.constant 0 : i32
    %dma_wait3A_39 = arith.constant 0 : i32
    %dma_wait3A_40 = tpu.memref_slice %arg2[%dma_wait3A_38, %dma_wait3A_39] : memref<8x2720xf32, #tpu.memory_space<hbm>> -> memref<8x1024xf32, #tpu.memory_space<hbm>>
    tpu.wait_dma2 semaphore(%arg13 : memref<!tpu.dma_semaphore, #tpu.memory_space<semaphore_mem>>) src(%dma_wait3A_40 : memref<8x1024xf32, #tpu.memory_space<hbm>>) dst(%arg7 : memref<8x1024xf32, #tpu.memory_space<vmem>>)
    %dma_wait3A_41 = arith.constant 0 : i32
    %dma_wait3A_42 = arith.constant 1024 : i32
    %dma_wait3A_43 = tpu.memref_slice %arg2[%dma_wait3A_41, %dma_wait3A_42] : memref<8x2720xf32, #tpu.memory_space<hbm>> -> memref<8x1696xf32, #tpu.memory_space<hbm>>
    %dma_wait3A_44 = arith.constant 0 : i32
    %dma_wait3A_45 = arith.constant 1024 : i32
    %dma_wait3A_46 = tpu.memref_slice %arg2[%dma_wait3A_44, %dma_wait3A_45] : memref<8x2720xf32, #tpu.memory_space<hbm>> -> memref<8x1696xf32, #tpu.memory_space<hbm>>
    tpu.wait_dma2 semaphore(%arg13 : memref<!tpu.dma_semaphore, #tpu.memory_space<semaphore_mem>>) src(%dma_wait3A_46 : memref<8x1696xf32, #tpu.memory_space<hbm>>) dst(%arg8 : memref<8x1696xf32, #tpu.memory_space<vmem>>)
    %dma_wait3A_47 = arith.constant 0 : i32
    %dma_wait3A_48 = tpu.memref_slice %arg3[%mul3A_19, %dma_wait3A_47] : memref<256x32xi32, #tpu.memory_space<hbm>> -> memref<8x32xi32, #tpu.memory_space<hbm>>
    %dma_wait3A_49 = arith.constant 0 : i32
    %dma_wait3A_50 = tpu.memref_slice %arg3[%mul3A_19, %dma_wait3A_49] : memref<256x32xi32, #tpu.memory_space<hbm>> -> memref<8x32xi32, #tpu.memory_space<hbm>>
    tpu.wait_dma2 semaphore(%arg13 : memref<!tpu.dma_semaphore, #tpu.memory_space<semaphore_mem>>) src(%dma_wait3A_50 : memref<8x32xi32, #tpu.memory_space<hbm>>) dst(%arg9 : memref<8x32xi32, #tpu.memory_space<vmem>>)
    %dma_wait3A_51 = arith.constant 0 : i32
    %dma_wait3A_52 = tpu.memref_slice %arg4[%mul3A_25, %dma_wait3A_51] : memref<256x32xf32, #tpu.memory_space<hbm>> -> memref<8x32xf32, #tpu.memory_space<hbm>>
    %dma_wait3A_53 = arith.constant 0 : i32
    %dma_wait3A_54 = tpu.memref_slice %arg4[%mul3A_25, %dma_wait3A_53] : memref<256x32xf32, #tpu.memory_space<hbm>> -> memref<8x32xf32, #tpu.memory_space<hbm>>
    tpu.wait_dma2 semaphore(%arg13 : memref<!tpu.dma_semaphore, #tpu.memory_space<semaphore_mem>>) src(%dma_wait3A_54 : memref<8x32xf32, #tpu.memory_space<hbm>>) dst(%arg10 : memref<8x32xf32, #tpu.memory_space<vmem>>)
    %broadcast_in_dim3A = arith.constant 0 : i32
    %broadcast_in_dim3A_55 = vector.broadcast %broadcast_in_dim3A : i32 to vector<16xi32>
    %get3A = arith.constant 0 : i32
    %get3A_56 = arith.index_cast %get3A : i32 to index
    %get3A_57 = arith.constant 0 : index
    %get3A_58 = tpu.vector_load %arg9[%get3A_56, %get3A_57] {strides = array<i32>} : memref<8x32xi32, #tpu.memory_space<vmem>>, vector<16xi32>,
    %ge3A = arith.constant 0 : i32
    %ge3A_59 = vector.broadcast %ge3A : i32 to vector<16xi32>
    %ge3A_60 = arith.cmpi sge, %get3A_58, %ge3A_59 : vector<16xi32>
    %lt3A = arith.constant 1024 : i32
    %lt3A_61 = vector.broadcast %lt3A : i32 to vector<16xi32>
    %lt3A_62 = arith.cmpi slt, %get3A_58, %lt3A_61 : vector<16xi32>
    %and3A = arith.andi %ge3A_60, %lt3A_62 : vector<16xi1>
    %sub3A = arith.constant 0 : i32
    %sub3A_63 = vector.broadcast %sub3A : i32 to vector<16xi32>
    %sub3A_64 = arith.subi %get3A_58, %sub3A_63 : vector<16xi32>
    %jit3A = arith.constant 0 : i32
    %broadcast_in_dim3A_65 = vector.broadcast %jit3A : i32 to vector<16xi32>
    %select_n3A = arith.select %and3A, %sub3A_64, %broadcast_in_dim3A_65 : vector<16xi1>, vector<16xi32>
    %get3A_66 = arith.constant 0 : i32
    %get3A_67 = arith.index_cast %get3A_66 : i32 to index
    %get3A_68 = arith.constant 0 : index
    %get3A_69 = tpu.vector_load %arg10[%get3A_67, %get3A_68] {strides = array<i32>} : memref<8x32xf32, #tpu.memory_space<vmem>>, vector<16xf32>,
    tpu.vector_store_idx %arg6[%broadcast_in_dim3A_55, %select_n3A], %get3A_69 masked %and3A : memref<8x1024xf32, #tpu.memory_space<vmem>>[vector<16xi32>, vector<16xi32>], vector<16xf32>, vector<16xi1>
    %get3A_70 = arith.constant 0 : i32
    %get3A_71 = arith.index_cast %get3A_70 : i32 to index
    %get3A_72 = arith.constant 16 : index
    %get3A_73 = tpu.vector_load %arg9[%get3A_71, %get3A_72] {strides = array<i32>} : memref<8x32xi32, #tpu.memory_space<vmem>>, vector<16xi32>,
    %ge3A_74 = arith.constant 0 : i32
    %ge3A_75 = vector.broadcast %ge3A_74 : i32 to vector<16xi32>
    %ge3A_76 = arith.cmpi sge, %get3A_73, %ge3A_75 : vector<16xi32>
    %lt3A_77 = arith.constant 1024 : i32
    %lt3A_78 = vector.broadcast %lt3A_77 : i32 to vector<16xi32>
    %lt3A_79 = arith.cmpi slt, %get3A_73, %lt3A_78 : vector<16xi32>
    %and3A_80 = arith.andi %ge3A_76, %lt3A_79 : vector<16xi1>
    %sub3A_81 = arith.constant 0 : i32
    %sub3A_82 = vector.broadcast %sub3A_81 : i32 to vector<16xi32>
    %sub3A_83 = arith.subi %get3A_73, %sub3A_82 : vector<16xi32>
    %jit3A_84 = arith.constant 0 : i32
    %broadcast_in_dim3A_85 = vector.broadcast %jit3A_84 : i32 to vector<16xi32>
    %select_n3A_86 = arith.select %and3A_80, %sub3A_83, %broadcast_in_dim3A_85 : vector<16xi1>, vector<16xi32>
    %get3A_87 = arith.constant 0 : i32
    %get3A_88 = arith.index_cast %get3A_87 : i32 to index
    %get3A_89 = arith.constant 16 : index
    %get3A_90 = tpu.vector_load %arg10[%get3A_88, %get3A_89] {strides = array<i32>} : memref<8x32xf32, #tpu.memory_space<vmem>>, vector<16xf32>,
    tpu.vector_store_idx %arg6[%broadcast_in_dim3A_55, %select_n3A_86], %get3A_90 masked %and3A_80 : memref<8x1024xf32, #tpu.memory_space<vmem>>[vector<16xi32>, vector<16xi32>], vector<16xf32>, vector<16xi1>
    %broadcast_in_dim3A_91 = arith.constant 1 : i32
    %broadcast_in_dim3A_92 = vector.broadcast %broadcast_in_dim3A_91 : i32 to vector<16xi32>
    %get3A_93 = arith.constant 1 : i32
    %get3A_94 = arith.index_cast %get3A_93 : i32 to index
    %get3A_95 = arith.constant 0 : index
    %get3A_96 = tpu.vector_load %arg9[%get3A_94, %get3A_95] {strides = array<i32>} : memref<8x32xi32, #tpu.memory_space<vmem>>, vector<16xi32>,
    %ge3A_97 = arith.constant 0 : i32
    %ge3A_98 = vector.broadcast %ge3A_97 : i32 to vector<16xi32>
    %ge3A_99 = arith.cmpi sge, %get3A_96, %ge3A_98 : vector<16xi32>
    %lt3A_100 = arith.constant 1024 : i32
    %lt3A_101 = vector.broadcast %lt3A_100 : i32 to vector<16xi32>
    %lt3A_102 = arith.cmpi slt, %get3A_96, %lt3A_101 : vector<16xi32>
    %and3A_103 = arith.andi %ge3A_99, %lt3A_102 : vector<16xi1>
    %sub3A_104 = arith.constant 0 : i32
    %sub3A_105 = vector.broadcast %sub3A_104 : i32 to vector<16xi32>
    %sub3A_106 = arith.subi %get3A_96, %sub3A_105 : vector<16xi32>
    %jit3A_107 = arith.constant 0 : i32
    %broadcast_in_dim3A_108 = vector.broadcast %jit3A_107 : i32 to vector<16xi32>
    %select_n3A_109 = arith.select %and3A_103, %sub3A_106, %broadcast_in_dim3A_108 : vector<16xi1>, vector<16xi32>
    %get3A_110 = arith.constant 1 : i32
    %get3A_111 = arith.index_cast %get3A_110 : i32 to index
    %get3A_112 = arith.constant 0 : index
    %get3A_113 = tpu.vector_load %arg10[%get3A_111, %get3A_112] {strides = array<i32>} : memref<8x32xf32, #tpu.memory_space<vmem>>, vector<16xf32>,
    tpu.vector_store_idx %arg6[%broadcast_in_dim3A_92, %select_n3A_109], %get3A_113 masked %and3A_103 : memref<8x1024xf32, #tpu.memory_space<vmem>>[vector<16xi32>, vector<16xi32>], vector<16xf32>, vector<16xi1>
    %get3A_114 = arith.constant 1 : i32
    %get3A_115 = arith.index_cast %get3A_114 : i32 to index
    %get3A_116 = arith.constant 16 : index
    %get3A_117 = tpu.vector_load %arg9[%get3A_115, %get3A_116] {strides = array<i32>} : memref<8x32xi32, #tpu.memory_space<vmem>>, vector<16xi32>,
    %ge3A_118 = arith.constant 0 : i32
    %ge3A_119 = vector.broadcast %ge3A_118 : i32 to vector<16xi32>
    %ge3A_120 = arith.cmpi sge, %get3A_117, %ge3A_119 : vector<16xi32>
    %lt3A_121 = arith.constant 1024 : i32
    %lt3A_122 = vector.broadcast %lt3A_121 : i32 to vector<16xi32>
    %lt3A_123 = arith.cmpi slt, %get3A_117, %lt3A_122 : vector<16xi32>
    %and3A_124 = arith.andi %ge3A_120, %lt3A_123 : vector<16xi1>
    %sub3A_125 = arith.constant 0 : i32
    %sub3A_126 = vector.broadcast %sub3A_125 : i32 to vector<16xi32>
    %sub3A_127 = arith.subi %get3A_117, %sub3A_126 : vector<16xi32>
    %jit3A_128 = arith.constant 0 : i32
    %broadcast_in_dim3A_129 = vector.broadcast %jit3A_128 : i32 to vector<16xi32>
    %select_n3A_130 = arith.select %and3A_124, %sub3A_127, %broadcast_in_dim3A_129 : vector<16xi1>, vector<16xi32>
    %get3A_131 = arith.constant 1 : i32
    %get3A_132 = arith.index_cast %get3A_131 : i32 to index
    %get3A_133 = arith.constant 16 : index
    %get3A_134 = tpu.vector_load %arg10[%get3A_132, %get3A_133] {strides = array<i32>} : memref<8x32xf32, #tpu.memory_space<vmem>>, vector<16xf32>,
    tpu.vector_store_idx %arg6[%broadcast_in_dim3A_92, %select_n3A_130], %get3A_134 masked %and3A_124 : memref<8x1024xf32, #tpu.memory_space<vmem>>[vector<16xi32>, vector<16xi32>], vector<16xf32>, vector<16xi1>
    %broadcast_in_dim3A_135 = arith.constant 2 : i32
    %broadcast_in_dim3A_136 = vector.broadcast %broadcast_in_dim3A_135 : i32 to vector<16xi32>
    %get3A_137 = arith.constant 2 : i32
    %get3A_138 = arith.index_cast %get3A_137 : i32 to index
    %get3A_139 = arith.constant 0 : index
    %get3A_140 = tpu.vector_load %arg9[%get3A_138, %get3A_139] {strides = array<i32>} : memref<8x32xi32, #tpu.memory_space<vmem>>, vector<16xi32>,
    %ge3A_141 = arith.constant 0 : i32
    %ge3A_142 = vector.broadcast %ge3A_141 : i32 to vector<16xi32>
    %ge3A_143 = arith.cmpi sge, %get3A_140, %ge3A_142 : vector<16xi32>
    %lt3A_144 = arith.constant 1024 : i32
    %lt3A_145 = vector.broadcast %lt3A_144 : i32 to vector<16xi32>
    %lt3A_146 = arith.cmpi slt, %get3A_140, %lt3A_145 : vector<16xi32>
    %and3A_147 = arith.andi %ge3A_143, %lt3A_146 : vector<16xi1>
    %sub3A_148 = arith.constant 0 : i32
    %sub3A_149 = vector.broadcast %sub3A_148 : i32 to vector<16xi32>
    %sub3A_150 = arith.subi %get3A_140, %sub3A_149 : vector<16xi32>
    %jit3A_151 = arith.constant 0 : i32
    %broadcast_in_dim3A_152 = vector.broadcast %jit3A_151 : i32 to vector<16xi32>
    %select_n3A_153 = arith.select %and3A_147, %sub3A_150, %broadcast_in_dim3A_152 : vector<16xi1>, vector<16xi32>
    %get3A_154 = arith.constant 2 : i32
    %get3A_155 = arith.index_cast %get3A_154 : i32 to index
    %get3A_156 = arith.constant 0 : index
    %get3A_157 = tpu.vector_load %arg10[%get3A_155, %get3A_156] {strides = array<i32>} : memref<8x32xf32, #tpu.memory_space<vmem>>, vector<16xf32>,
    tpu.vector_store_idx %arg6[%broadcast_in_dim3A_136, %select_n3A_153], %get3A_157 masked %and3A_147 : memref<8x1024xf32, #tpu.memory_space<vmem>>[vector<16xi32>, vector<16xi32>], vector<16xf32>, vector<16xi1>
    %get3A_158 = arith.constant 2 : i32
    %get3A_159 = arith.index_cast %get3A_158 : i32 to index
    %get3A_160 = arith.constant 16 : index
    %get3A_161 = tpu.vector_load %arg9[%get3A_159, %get3A_160] {strides = array<i32>} : memref<8x32xi32, #tpu.memory_space<vmem>>, vector<16xi32>,
    %ge3A_162 = arith.constant 0 : i32
    %ge3A_163 = vector.broadcast %ge3A_162 : i32 to vector<16xi32>
    %ge3A_164 = arith.cmpi sge, %get3A_161, %ge3A_163 : vector<16xi32>
    %lt3A_165 = arith.constant 1024 : i32
    %lt3A_166 = vector.broadcast %lt3A_165 : i32 to vector<16xi32>
    %lt3A_167 = arith.cmpi slt, %get3A_161, %lt3A_166 : vector<16xi32>
    %and3A_168 = arith.andi %ge3A_164, %lt3A_167 : vector<16xi1>
    %sub3A_169 = arith.constant 0 : i32
    %sub3A_170 = vector.broadcast %sub3A_169 : i32 to vector<16xi32>
    %sub3A_171 = arith.subi %get3A_161, %sub3A_170 : vector<16xi32>
    %jit3A_172 = arith.constant 0 : i32
    %broadcast_in_dim3A_173 = vector.broadcast %jit3A_172 : i32 to vector<16xi32>
    %select_n3A_174 = arith.select %and3A_168, %sub3A_171, %broadcast_in_dim3A_173 : vector<16xi1>, vector<16xi32>
    %get3A_175 = arith.constant 2 : i32
    %get3A_176 = arith.index_cast %get3A_175 : i32 to index
    %get3A_177 = arith.constant 16 : index
    %get3A_178 = tpu.vector_load %arg10[%get3A_176, %get3A_177] {strides = array<i32>} : memref<8x32xf32, #tpu.memory_space<vmem>>, vector<16xf32>,
    tpu.vector_store_idx %arg6[%broadcast_in_dim3A_136, %select_n3A_174], %get3A_178 masked %and3A_168 : memref<8x1024xf32, #tpu.memory_space<vmem>>[vector<16xi32>, vector<16xi32>], vector<16xf32>, vector<16xi1>
    %broadcast_in_dim3A_179 = arith.constant 3 : i32
    %broadcast_in_dim3A_180 = vector.broadcast %broadcast_in_dim3A_179 : i32 to vector<16xi32>
    %get3A_181 = arith.constant 3 : i32
    %get3A_182 = arith.index_cast %get3A_181 : i32 to index
    %get3A_183 = arith.constant 0 : index
    %get3A_184 = tpu.vector_load %arg9[%get3A_182, %get3A_183] {strides = array<i32>} : memref<8x32xi32, #tpu.memory_space<vmem>>, vector<16xi32>,
    %ge3A_185 = arith.constant 0 : i32
    %ge3A_186 = vector.broadcast %ge3A_185 : i32 to vector<16xi32>
    %ge3A_187 = arith.cmpi sge, %get3A_184, %ge3A_186 : vector<16xi32>
    %lt3A_188 = arith.constant 1024 : i32
    %lt3A_189 = vector.broadcast %lt3A_188 : i32 to vector<16xi32>
    %lt3A_190 = arith.cmpi slt, %get3A_184, %lt3A_189 : vector<16xi32>
    %and3A_191 = arith.andi %ge3A_187, %lt3A_190 : vector<16xi1>
    %sub3A_192 = arith.constant 0 : i32
    %sub3A_193 = vector.broadcast %sub3A_192 : i32 to vector<16xi32>
    %sub3A_194 = arith.subi %get3A_184, %sub3A_193 : vector<16xi32>
    %jit3A_195 = arith.constant 0 : i32
    %broadcast_in_dim3A_196 = vector.broadcast %jit3A_195 : i32 to vector<16xi32>
    %select_n3A_197 = arith.select %and3A_191, %sub3A_194, %broadcast_in_dim3A_196 : vector<16xi1>, vector<16xi32>
    %get3A_198 = arith.constant 3 : i32
    %get3A_199 = arith.index_cast %get3A_198 : i32 to index
    %get3A_200 = arith.constant 0 : index
    %get3A_201 = tpu.vector_load %arg10[%get3A_199, %get3A_200] {strides = array<i32>} : memref<8x32xf32, #tpu.memory_space<vmem>>, vector<16xf32>,
    tpu.vector_store_idx %arg6[%broadcast_in_dim3A_180, %select_n3A_197], %get3A_201 masked %and3A_191 : memref<8x1024xf32, #tpu.memory_space<vmem>>[vector<16xi32>, vector<16xi32>], vector<16xf32>, vector<16xi1>
    %get3A_202 = arith.constant 3 : i32
    %get3A_203 = arith.index_cast %get3A_202 : i32 to index
    %get3A_204 = arith.constant 16 : index
    %get3A_205 = tpu.vector_load %arg9[%get3A_203, %get3A_204] {strides = array<i32>} : memref<8x32xi32, #tpu.memory_space<vmem>>, vector<16xi32>,
    %ge3A_206 = arith.constant 0 : i32
    %ge3A_207 = vector.broadcast %ge3A_206 : i32 to vector<16xi32>
    %ge3A_208 = arith.cmpi sge, %get3A_205, %ge3A_207 : vector<16xi32>
    %lt3A_209 = arith.constant 1024 : i32
    %lt3A_210 = vector.broadcast %lt3A_209 : i32 to vector<16xi32>
    %lt3A_211 = arith.cmpi slt, %get3A_205, %lt3A_210 : vector<16xi32>
    %and3A_212 = arith.andi %ge3A_208, %lt3A_211 : vector<16xi1>
    %sub3A_213 = arith.constant 0 : i32
    %sub3A_214 = vector.broadcast %sub3A_213 : i32 to vector<16xi32>
    %sub3A_215 = arith.subi %get3A_205, %sub3A_214 : vector<16xi32>
    %jit3A_216 = arith.constant 0 : i32
    %broadcast_in_dim3A_217 = vector.broadcast %jit3A_216 : i32 to vector<16xi32>
    %select_n3A_218 = arith.select %and3A_212, %sub3A_215, %broadcast_in_dim3A_217 : vector<16xi1>, vector<16xi32>
    %get3A_219 = arith.constant 3 : i32
    %get3A_220 = arith.index_cast %get3A_219 : i32 to index
    %get3A_221 = arith.constant 16 : index
    %get3A_222 = tpu.vector_load %arg10[%get3A_220, %get3A_221] {strides = array<i32>} : memref<8x32xf32, #tpu.memory_space<vmem>>, vector<16xf32>,
    tpu.vector_store_idx %arg6[%broadcast_in_dim3A_180, %select_n3A_218], %get3A_222 masked %and3A_212 : memref<8x1024xf32, #tpu.memory_space<vmem>>[vector<16xi32>, vector<16xi32>], vector<16xf32>, vector<16xi1>
    %broadcast_in_dim3A_223 = arith.constant 4 : i32
    %broadcast_in_dim3A_224 = vector.broadcast %broadcast_in_dim3A_223 : i32 to vector<16xi32>
    %get3A_225 = arith.constant 4 : i32
    %get3A_226 = arith.index_cast %get3A_225 : i32 to index
    %get3A_227 = arith.constant 0 : index
    %get3A_228 = tpu.vector_load %arg9[%get3A_226, %get3A_227] {strides = array<i32>} : memref<8x32xi32, #tpu.memory_space<vmem>>, vector<16xi32>,
    %ge3A_229 = arith.constant 0 : i32
    %ge3A_230 = vector.broadcast %ge3A_229 : i32 to vector<16xi32>
    %ge3A_231 = arith.cmpi sge, %get3A_228, %ge3A_230 : vector<16xi32>
    %lt3A_232 = arith.constant 1024 : i32
    %lt3A_233 = vector.broadcast %lt3A_232 : i32 to vector<16xi32>
    %lt3A_234 = arith.cmpi slt, %get3A_228, %lt3A_233 : vector<16xi32>
    %and3A_235 = arith.andi %ge3A_231, %lt3A_234 : vector<16xi1>
    %sub3A_236 = arith.constant 0 : i32
    %sub3A_237 = vector.broadcast %sub3A_236 : i32 to vector<16xi32>
    %sub3A_238 = arith.subi %get3A_228, %sub3A_237 : vector<16xi32>
    %jit3A_239 = arith.constant 0 : i32
    %broadcast_in_dim3A_240 = vector.broadcast %jit3A_239 : i32 to vector<16xi32>
    %select_n3A_241 = arith.select %and3A_235, %sub3A_238, %broadcast_in_dim3A_240 : vector<16xi1>, vector<16xi32>
    %get3A_242 = arith.constant 4 : i32
    %get3A_243 = arith.index_cast %get3A_242 : i32 to index
    %get3A_244 = arith.constant 0 : index
    %get3A_245 = tpu.vector_load %arg10[%get3A_243, %get3A_244] {strides = array<i32>} : memref<8x32xf32, #tpu.memory_space<vmem>>, vector<16xf32>,
    tpu.vector_store_idx %arg6[%broadcast_in_dim3A_224, %select_n3A_241], %get3A_245 masked %and3A_235 : memref<8x1024xf32, #tpu.memory_space<vmem>>[vector<16xi32>, vector<16xi32>], vector<16xf32>, vector<16xi1>
    %get3A_246 = arith.constant 4 : i32
    %get3A_247 = arith.index_cast %get3A_246 : i32 to index
    %get3A_248 = arith.constant 16 : index
    %get3A_249 = tpu.vector_load %arg9[%get3A_247, %get3A_248] {strides = array<i32>} : memref<8x32xi32, #tpu.memory_space<vmem>>, vector<16xi32>,
    %ge3A_250 = arith.constant 0 : i32
    %ge3A_251 = vector.broadcast %ge3A_250 : i32 to vector<16xi32>
    %ge3A_252 = arith.cmpi sge, %get3A_249, %ge3A_251 : vector<16xi32>
    %lt3A_253 = arith.constant 1024 : i32
    %lt3A_254 = vector.broadcast %lt3A_253 : i32 to vector<16xi32>
    %lt3A_255 = arith.cmpi slt, %get3A_249, %lt3A_254 : vector<16xi32>
    %and3A_256 = arith.andi %ge3A_252, %lt3A_255 : vector<16xi1>
    %sub3A_257 = arith.constant 0 : i32
    %sub3A_258 = vector.broadcast %sub3A_257 : i32 to vector<16xi32>
    %sub3A_259 = arith.subi %get3A_249, %sub3A_258 : vector<16xi32>
    %jit3A_260 = arith.constant 0 : i32
    %broadcast_in_dim3A_261 = vector.broadcast %jit3A_260 : i32 to vector<16xi32>
    %select_n3A_262 = arith.select %and3A_256, %sub3A_259, %broadcast_in_dim3A_261 : vector<16xi1>, vector<16xi32>
    %get3A_263 = arith.constant 4 : i32
    %get3A_264 = arith.index_cast %get3A_263 : i32 to index
    %get3A_265 = arith.constant 16 : index
    %get3A_266 = tpu.vector_load %arg10[%get3A_264, %get3A_265] {strides = array<i32>} : memref<8x32xf32, #tpu.memory_space<vmem>>, vector<16xf32>,
    tpu.vector_store_idx %arg6[%broadcast_in_dim3A_224, %select_n3A_262], %get3A_266 masked %and3A_256 : memref<8x1024xf32, #tpu.memory_space<vmem>>[vector<16xi32>, vector<16xi32>], vector<16xf32>, vector<16xi1>
    %broadcast_in_dim3A_267 = arith.constant 5 : i32
    %broadcast_in_dim3A_268 = vector.broadcast %broadcast_in_dim3A_267 : i32 to vector<16xi32>
    %get3A_269 = arith.constant 5 : i32
    %get3A_270 = arith.index_cast %get3A_269 : i32 to index
    %get3A_271 = arith.constant 0 : index
    %get3A_272 = tpu.vector_load %arg9[%get3A_270, %get3A_271] {strides = array<i32>} : memref<8x32xi32, #tpu.memory_space<vmem>>, vector<16xi32>,
    %ge3A_273 = arith.constant 0 : i32
    %ge3A_274 = vector.broadcast %ge3A_273 : i32 to vector<16xi32>
    %ge3A_275 = arith.cmpi sge, %get3A_272, %ge3A_274 : vector<16xi32>
    %lt3A_276 = arith.constant 1024 : i32
    %lt3A_277 = vector.broadcast %lt3A_276 : i32 to vector<16xi32>
    %lt3A_278 = arith.cmpi slt, %get3A_272, %lt3A_277 : vector<16xi32>
    %and3A_279 = arith.andi %ge3A_275, %lt3A_278 : vector<16xi1>
    %sub3A_280 = arith.constant 0 : i32
    %sub3A_281 = vector.broadcast %sub3A_280 : i32 to vector<16xi32>
    %sub3A_282 = arith.subi %get3A_272, %sub3A_281 : vector<16xi32>
    %jit3A_283 = arith.constant 0 : i32
    %broadcast_in_dim3A_284 = vector.broadcast %jit3A_283 : i32 to vector<16xi32>
    %select_n3A_285 = arith.select %and3A_279, %sub3A_282, %broadcast_in_dim3A_284 : vector<16xi1>, vector<16xi32>
    %get3A_286 = arith.constant 5 : i32
    %get3A_287 = arith.index_cast %get3A_286 : i32 to index
    %get3A_288 = arith.constant 0 : index
    %get3A_289 = tpu.vector_load %arg10[%get3A_287, %get3A_288] {strides = array<i32>} : memref<8x32xf32, #tpu.memory_space<vmem>>, vector<16xf32>,
    tpu.vector_store_idx %arg6[%broadcast_in_dim3A_268, %select_n3A_285], %get3A_289 masked %and3A_279 : memref<8x1024xf32, #tpu.memory_space<vmem>>[vector<16xi32>, vector<16xi32>], vector<16xf32>, vector<16xi1>
    %get3A_290 = arith.constant 5 : i32
    %get3A_291 = arith.index_cast %get3A_290 : i32 to index
    %get3A_292 = arith.constant 16 : index
    %get3A_293 = tpu.vector_load %arg9[%get3A_291, %get3A_292] {strides = array<i32>} : memref<8x32xi32, #tpu.memory_space<vmem>>, vector<16xi32>,
    %ge3A_294 = arith.constant 0 : i32
    %ge3A_295 = vector.broadcast %ge3A_294 : i32 to vector<16xi32>
    %ge3A_296 = arith.cmpi sge, %get3A_293, %ge3A_295 : vector<16xi32>
    %lt3A_297 = arith.constant 1024 : i32
    %lt3A_298 = vector.broadcast %lt3A_297 : i32 to vector<16xi32>
    %lt3A_299 = arith.cmpi slt, %get3A_293, %lt3A_298 : vector<16xi32>
    %and3A_300 = arith.andi %ge3A_296, %lt3A_299 : vector<16xi1>
    %sub3A_301 = arith.constant 0 : i32
    %sub3A_302 = vector.broadcast %sub3A_301 : i32 to vector<16xi32>
    %sub3A_303 = arith.subi %get3A_293, %sub3A_302 : vector<16xi32>
    %jit3A_304 = arith.constant 0 : i32
    %broadcast_in_dim3A_305 = vector.broadcast %jit3A_304 : i32 to vector<16xi32>
    %select_n3A_306 = arith.select %and3A_300, %sub3A_303, %broadcast_in_dim3A_305 : vector<16xi1>, vector<16xi32>
    %get3A_307 = arith.constant 5 : i32
    %get3A_308 = arith.index_cast %get3A_307 : i32 to index
    %get3A_309 = arith.constant 16 : index
    %get3A_310 = tpu.vector_load %arg10[%get3A_308, %get3A_309] {strides = array<i32>} : memref<8x32xf32, #tpu.memory_space<vmem>>, vector<16xf32>,
    tpu.vector_store_idx %arg6[%broadcast_in_dim3A_268, %select_n3A_306], %get3A_310 masked %and3A_300 : memref<8x1024xf32, #tpu.memory_space<vmem>>[vector<16xi32>, vector<16xi32>], vector<16xf32>, vector<16xi1>
    %broadcast_in_dim3A_311 = arith.constant 6 : i32
    %broadcast_in_dim3A_312 = vector.broadcast %broadcast_in_dim3A_311 : i32 to vector<16xi32>
    %get3A_313 = arith.constant 6 : i32
    %get3A_314 = arith.index_cast %get3A_313 : i32 to index
    %get3A_315 = arith.constant 0 : index
    %get3A_316 = tpu.vector_load %arg9[%get3A_314, %get3A_315] {strides = array<i32>} : memref<8x32xi32, #tpu.memory_space<vmem>>, vector<16xi32>,
    %ge3A_317 = arith.constant 0 : i32
    %ge3A_318 = vector.broadcast %ge3A_317 : i32 to vector<16xi32>
    %ge3A_319 = arith.cmpi sge, %get3A_316, %ge3A_318 : vector<16xi32>
    %lt3A_320 = arith.constant 1024 : i32
    %lt3A_321 = vector.broadcast %lt3A_320 : i32 to vector<16xi32>
    %lt3A_322 = arith.cmpi slt, %get3A_316, %lt3A_321 : vector<16xi32>
    %and3A_323 = arith.andi %ge3A_319, %lt3A_322 : vector<16xi1>
    %sub3A_324 = arith.constant 0 : i32
    %sub3A_325 = vector.broadcast %sub3A_324 : i32 to vector<16xi32>
    %sub3A_326 = arith.subi %get3A_316, %sub3A_325 : vector<16xi32>
    %jit3A_327 = arith.constant 0 : i32
    %broadcast_in_dim3A_328 = vector.broadcast %jit3A_327 : i32 to vector<16xi32>
    %select_n3A_329 = arith.select %and3A_323, %sub3A_326, %broadcast_in_dim3A_328 : vector<16xi1>, vector<16xi32>
    %get3A_330 = arith.constant 6 : i32
    %get3A_331 = arith.index_cast %get3A_330 : i32 to index
    %get3A_332 = arith.constant 0 : index
    %get3A_333 = tpu.vector_load %arg10[%get3A_331, %get3A_332] {strides = array<i32>} : memref<8x32xf32, #tpu.memory_space<vmem>>, vector<16xf32>,
    tpu.vector_store_idx %arg6[%broadcast_in_dim3A_312, %select_n3A_329], %get3A_333 masked %and3A_323 : memref<8x1024xf32, #tpu.memory_space<vmem>>[vector<16xi32>, vector<16xi32>], vector<16xf32>, vector<16xi1>
    %get3A_334 = arith.constant 6 : i32
    %get3A_335 = arith.index_cast %get3A_334 : i32 to index
    %get3A_336 = arith.constant 16 : index
    %get3A_337 = tpu.vector_load %arg9[%get3A_335, %get3A_336] {strides = array<i32>} : memref<8x32xi32, #tpu.memory_space<vmem>>, vector<16xi32>,
    %ge3A_338 = arith.constant 0 : i32
    %ge3A_339 = vector.broadcast %ge3A_338 : i32 to vector<16xi32>
    %ge3A_340 = arith.cmpi sge, %get3A_337, %ge3A_339 : vector<16xi32>
    %lt3A_341 = arith.constant 1024 : i32
    %lt3A_342 = vector.broadcast %lt3A_341 : i32 to vector<16xi32>
    %lt3A_343 = arith.cmpi slt, %get3A_337, %lt3A_342 : vector<16xi32>
    %and3A_344 = arith.andi %ge3A_340, %lt3A_343 : vector<16xi1>
    %sub3A_345 = arith.constant 0 : i32
    %sub3A_346 = vector.broadcast %sub3A_345 : i32 to vector<16xi32>
    %sub3A_347 = arith.subi %get3A_337, %sub3A_346 : vector<16xi32>
    %jit3A_348 = arith.constant 0 : i32
    %broadcast_in_dim3A_349 = vector.broadcast %jit3A_348 : i32 to vector<16xi32>
    %select_n3A_350 = arith.select %and3A_344, %sub3A_347, %broadcast_in_dim3A_349 : vector<16xi1>, vector<16xi32>
    %get3A_351 = arith.constant 6 : i32
    %get3A_352 = arith.index_cast %get3A_351 : i32 to index
    %get3A_353 = arith.constant 16 : index
    %get3A_354 = tpu.vector_load %arg10[%get3A_352, %get3A_353] {strides = array<i32>} : memref<8x32xf32, #tpu.memory_space<vmem>>, vector<16xf32>,
    tpu.vector_store_idx %arg6[%broadcast_in_dim3A_312, %select_n3A_350], %get3A_354 masked %and3A_344 : memref<8x1024xf32, #tpu.memory_space<vmem>>[vector<16xi32>, vector<16xi32>], vector<16xf32>, vector<16xi1>
    %broadcast_in_dim3A_355 = arith.constant 7 : i32
    %broadcast_in_dim3A_356 = vector.broadcast %broadcast_in_dim3A_355 : i32 to vector<16xi32>
    %get3A_357 = arith.constant 7 : i32
    %get3A_358 = arith.index_cast %get3A_357 : i32 to index
    %get3A_359 = arith.constant 0 : index
    %get3A_360 = tpu.vector_load %arg9[%get3A_358, %get3A_359] {strides = array<i32>} : memref<8x32xi32, #tpu.memory_space<vmem>>, vector<16xi32>,
    %ge3A_361 = arith.constant 0 : i32
    %ge3A_362 = vector.broadcast %ge3A_361 : i32 to vector<16xi32>
    %ge3A_363 = arith.cmpi sge, %get3A_360, %ge3A_362 : vector<16xi32>
    %lt3A_364 = arith.constant 1024 : i32
    %lt3A_365 = vector.broadcast %lt3A_364 : i32 to vector<16xi32>
    %lt3A_366 = arith.cmpi slt, %get3A_360, %lt3A_365 : vector<16xi32>
    %and3A_367 = arith.andi %ge3A_363, %lt3A_366 : vector<16xi1>
    %sub3A_368 = arith.constant 0 : i32
    %sub3A_369 = vector.broadcast %sub3A_368 : i32 to vector<16xi32>
    %sub3A_370 = arith.subi %get3A_360, %sub3A_369 : vector<16xi32>
    %jit3A_371 = arith.constant 0 : i32
    %broadcast_in_dim3A_372 = vector.broadcast %jit3A_371 : i32 to vector<16xi32>
    %select_n3A_373 = arith.select %and3A_367, %sub3A_370, %broadcast_in_dim3A_372 : vector<16xi1>, vector<16xi32>
    %get3A_374 = arith.constant 7 : i32
    %get3A_375 = arith.index_cast %get3A_374 : i32 to index
    %get3A_376 = arith.constant 0 : index
    %get3A_377 = tpu.vector_load %arg10[%get3A_375, %get3A_376] {strides = array<i32>} : memref<8x32xf32, #tpu.memory_space<vmem>>, vector<16xf32>,
    tpu.vector_store_idx %arg6[%broadcast_in_dim3A_356, %select_n3A_373], %get3A_377 masked %and3A_367 : memref<8x1024xf32, #tpu.memory_space<vmem>>[vector<16xi32>, vector<16xi32>], vector<16xf32>, vector<16xi1>
    %get3A_378 = arith.constant 7 : i32
    %get3A_379 = arith.index_cast %get3A_378 : i32 to index
    %get3A_380 = arith.constant 16 : index
    %get3A_381 = tpu.vector_load %arg9[%get3A_379, %get3A_380] {strides = array<i32>} : memref<8x32xi32, #tpu.memory_space<vmem>>, vector<16xi32>,
    %ge3A_382 = arith.constant 0 : i32
    %ge3A_383 = vector.broadcast %ge3A_382 : i32 to vector<16xi32>
    %ge3A_384 = arith.cmpi sge, %get3A_381, %ge3A_383 : vector<16xi32>
    %lt3A_385 = arith.constant 1024 : i32
    %lt3A_386 = vector.broadcast %lt3A_385 : i32 to vector<16xi32>
    %lt3A_387 = arith.cmpi slt, %get3A_381, %lt3A_386 : vector<16xi32>
    %and3A_388 = arith.andi %ge3A_384, %lt3A_387 : vector<16xi1>
    %sub3A_389 = arith.constant 0 : i32
    %sub3A_390 = vector.broadcast %sub3A_389 : i32 to vector<16xi32>
    %sub3A_391 = arith.subi %get3A_381, %sub3A_390 : vector<16xi32>
    %jit3A_392 = arith.constant 0 : i32
    %broadcast_in_dim3A_393 = vector.broadcast %jit3A_392 : i32 to vector<16xi32>
    %select_n3A_394 = arith.select %and3A_388, %sub3A_391, %broadcast_in_dim3A_393 : vector<16xi1>, vector<16xi32>
    %get3A_395 = arith.constant 7 : i32
    %get3A_396 = arith.index_cast %get3A_395 : i32 to index
    %get3A_397 = arith.constant 16 : index
    %get3A_398 = tpu.vector_load %arg10[%get3A_396, %get3A_397] {strides = array<i32>} : memref<8x32xf32, #tpu.memory_space<vmem>>, vector<16xf32>,
    tpu.vector_store_idx %arg6[%broadcast_in_dim3A_356, %select_n3A_394], %get3A_398 masked %and3A_388 : memref<8x1024xf32, #tpu.memory_space<vmem>>[vector<16xi32>, vector<16xi32>], vector<16xf32>, vector<16xi1>
    %dma_start3A_399 = arith.constant 0 : i32
    %dma_start3A_400 = arith.constant 0 : i32
    %dma_start3A_401 = tpu.memref_slice %arg5[%add3A, %dma_start3A_399, %dma_start3A_400] : memref<32x8x100000xf32, #tpu.memory_space<hbm>> -> memref<1x8x1024xf32, #tpu.memory_space<hbm>>
    %dma_start3A_402 = tpu.memref_squeeze %dma_start3A_401 : memref<1x8x1024xf32, #tpu.memory_space<hbm>> -> memref<8x1024xf32, #tpu.memory_space<hbm>>
    %dma_start3A_403 = arith.constant 0 : i32
    %dma_start3A_404 = arith.constant 0 : i32
    %dma_start3A_405 = tpu.memref_slice %arg5[%add3A, %dma_start3A_403, %dma_start3A_404] : memref<32x8x100000xf32, #tpu.memory_space<hbm>> -> memref<1x8x1024xf32, #tpu.memory_space<hbm>>
    %dma_start3A_406 = tpu.memref_squeeze %dma_start3A_405 : memref<1x8x1024xf32, #tpu.memory_space<hbm>> -> memref<8x1024xf32, #tpu.memory_space<hbm>>
    tpu.enqueue_dma source(%arg6 : memref<8x1024xf32, #tpu.memory_space<vmem>>) target(%dma_start3A_406 : memref<8x1024xf32, #tpu.memory_space<hbm>>) target_semaphore(%arg11 : memref<!tpu.dma_semaphore, #tpu.memory_space<semaphore_mem>>)
    %broadcast_in_dim3A_407 = arith.constant 0 : i32
    %broadcast_in_dim3A_408 = vector.broadcast %broadcast_in_dim3A_407 : i32 to vector<16xi32>
    %get3A_409 = arith.constant 0 : i32
    %get3A_410 = arith.index_cast %get3A_409 : i32 to index
    %get3A_411 = arith.constant 0 : index
    %get3A_412 = tpu.vector_load %arg9[%get3A_410, %get3A_411] {strides = array<i32>} : memref<8x32xi32, #tpu.memory_space<vmem>>, vector<16xi32>,
    %ge3A_413 = arith.constant 1024 : i32
    %ge3A_414 = vector.broadcast %ge3A_413 : i32 to vector<16xi32>
    %ge3A_415 = arith.cmpi sge, %get3A_412, %ge3A_414 : vector<16xi32>
    %lt3A_416 = arith.constant 2048 : i32
    %lt3A_417 = vector.broadcast %lt3A_416 : i32 to vector<16xi32>
    %lt3A_418 = arith.cmpi slt, %get3A_412, %lt3A_417 : vector<16xi32>
    %and3A_419 = arith.andi %ge3A_415, %lt3A_418 : vector<16xi1>
    %sub3A_420 = arith.constant 1024 : i32
    %sub3A_421 = vector.broadcast %sub3A_420 : i32 to vector<16xi32>
    %sub3A_422 = arith.subi %get3A_412, %sub3A_421 : vector<16xi32>
    %jit3A_423 = arith.constant 0 : i32
    %broadcast_in_dim3A_424 = vector.broadcast %jit3A_423 : i32 to vector<16xi32>
    %select_n3A_425 = arith.select %and3A_419, %sub3A_422, %broadcast_in_dim3A_424 : vector<16xi1>, vector<16xi32>
    %get3A_426 = arith.constant 0 : i32
    %get3A_427 = arith.index_cast %get3A_426 : i32 to index
    %get3A_428 = arith.constant 0 : index
    %get3A_429 = tpu.vector_load %arg10[%get3A_427, %get3A_428] {strides = array<i32>} : memref<8x32xf32, #tpu.memory_space<vmem>>, vector<16xf32>,
    tpu.vector_store_idx %arg7[%broadcast_in_dim3A_408, %select_n3A_425], %get3A_429 masked %and3A_419 : memref<8x1024xf32, #tpu.memory_space<vmem>>[vector<16xi32>, vector<16xi32>], vector<16xf32>, vector<16xi1>
    %get3A_430 = arith.constant 0 : i32
    %get3A_431 = arith.index_cast %get3A_430 : i32 to index
    %get3A_432 = arith.constant 16 : index
    %get3A_433 = tpu.vector_load %arg9[%get3A_431, %get3A_432] {strides = array<i32>} : memref<8x32xi32, #tpu.memory_space<vmem>>, vector<16xi32>,
    %ge3A_434 = arith.constant 1024 : i32
    %ge3A_435 = vector.broadcast %ge3A_434 : i32 to vector<16xi32>
    %ge3A_436 = arith.cmpi sge, %get3A_433, %ge3A_435 : vector<16xi32>
    %lt3A_437 = arith.constant 2048 : i32
    %lt3A_438 = vector.broadcast %lt3A_437 : i32 to vector<16xi32>
    %lt3A_439 = arith.cmpi slt, %get3A_433, %lt3A_438 : vector<16xi32>
    %and3A_440 = arith.andi %ge3A_436, %lt3A_439 : vector<16xi1>
    %sub3A_441 = arith.constant 1024 : i32
    %sub3A_442 = vector.broadcast %sub3A_441 : i32 to vector<16xi32>
    %sub3A_443 = arith.subi %get3A_433, %sub3A_442 : vector<16xi32>
    %jit3A_444 = arith.constant 0 : i32
    %broadcast_in_dim3A_445 = vector.broadcast %jit3A_444 : i32 to vector<16xi32>
    %select_n3A_446 = arith.select %and3A_440, %sub3A_443, %broadcast_in_dim3A_445 : vector<16xi1>, vector<16xi32>
    %get3A_447 = arith.constant 0 : i32
    %get3A_448 = arith.index_cast %get3A_447 : i32 to index
    %get3A_449 = arith.constant 16 : index
    %get3A_450 = tpu.vector_load %arg10[%get3A_448, %get3A_449] {strides = array<i32>} : memref<8x32xf32, #tpu.memory_space<vmem>>, vector<16xf32>,
    tpu.vector_store_idx %arg7[%broadcast_in_dim3A_408, %select_n3A_446], %get3A_450 masked %and3A_440 : memref<8x1024xf32, #tpu.memory_space<vmem>>[vector<16xi32>, vector<16xi32>], vector<16xf32>, vector<16xi1>
    %broadcast_in_dim3A_451 = arith.constant 1 : i32
    %broadcast_in_dim3A_452 = vector.broadcast %broadcast_in_dim3A_451 : i32 to vector<16xi32>
    %get3A_453 = arith.constant 1 : i32
    %get3A_454 = arith.index_cast %get3A_453 : i32 to index
    %get3A_455 = arith.constant 0 : index
    %get3A_456 = tpu.vector_load %arg9[%get3A_454, %get3A_455] {strides = array<i32>} : memref<8x32xi32, #tpu.memory_space<vmem>>, vector<16xi32>,
    %ge3A_457 = arith.constant 1024 : i32
    %ge3A_458 = vector.broadcast %ge3A_457 : i32 to vector<16xi32>
    %ge3A_459 = arith.cmpi sge, %get3A_456, %ge3A_458 : vector<16xi32>
    %lt3A_460 = arith.constant 2048 : i32
    %lt3A_461 = vector.broadcast %lt3A_460 : i32 to vector<16xi32>
    %lt3A_462 = arith.cmpi slt, %get3A_456, %lt3A_461 : vector<16xi32>
    %and3A_463 = arith.andi %ge3A_459, %lt3A_462 : vector<16xi1>
    %sub3A_464 = arith.constant 1024 : i32
    %sub3A_465 = vector.broadcast %sub3A_464 : i32 to vector<16xi32>
    %sub3A_466 = arith.subi %get3A_456, %sub3A_465 : vector<16xi32>
    %jit3A_467 = arith.constant 0 : i32
    %broadcast_in_dim3A_468 = vector.broadcast %jit3A_467 : i32 to vector<16xi32>
    %select_n3A_469 = arith.select %and3A_463, %sub3A_466, %broadcast_in_dim3A_468 : vector<16xi1>, vector<16xi32>
    %get3A_470 = arith.constant 1 : i32
    %get3A_471 = arith.index_cast %get3A_470 : i32 to index
    %get3A_472 = arith.constant 0 : index
    %get3A_473 = tpu.vector_load %arg10[%get3A_471, %get3A_472] {strides = array<i32>} : memref<8x32xf32, #tpu.memory_space<vmem>>, vector<16xf32>,
    tpu.vector_store_idx %arg7[%broadcast_in_dim3A_452, %select_n3A_469], %get3A_473 masked %and3A_463 : memref<8x1024xf32, #tpu.memory_space<vmem>>[vector<16xi32>, vector<16xi32>], vector<16xf32>, vector<16xi1>
    %get3A_474 = arith.constant 1 : i32
    %get3A_475 = arith.index_cast %get3A_474 : i32 to index
    %get3A_476 = arith.constant 16 : index
    %get3A_477 = tpu.vector_load %arg9[%get3A_475, %get3A_476] {strides = array<i32>} : memref<8x32xi32, #tpu.memory_space<vmem>>, vector<16xi32>,
    %ge3A_478 = arith.constant 1024 : i32
    %ge3A_479 = vector.broadcast %ge3A_478 : i32 to vector<16xi32>
    %ge3A_480 = arith.cmpi sge, %get3A_477, %ge3A_479 : vector<16xi32>
    %lt3A_481 = arith.constant 2048 : i32
    %lt3A_482 = vector.broadcast %lt3A_481 : i32 to vector<16xi32>
    %lt3A_483 = arith.cmpi slt, %get3A_477, %lt3A_482 : vector<16xi32>
    %and3A_484 = arith.andi %ge3A_480, %lt3A_483 : vector<16xi1>
    %sub3A_485 = arith.constant 1024 : i32
    %sub3A_486 = vector.broadcast %sub3A_485 : i32 to vector<16xi32>
    %sub3A_487 = arith.subi %get3A_477, %sub3A_486 : vector<16xi32>
    %jit3A_488 = arith.constant 0 : i32
    %broadcast_in_dim3A_489 = vector.broadcast %jit3A_488 : i32 to vector<16xi32>
    %select_n3A_490 = arith.select %and3A_484, %sub3A_487, %broadcast_in_dim3A_489 : vector<16xi1>, vector<16xi32>
    %get3A_491 = arith.constant 1 : i32
    %get3A_492 = arith.index_cast %get3A_491 : i32 to index
    %get3A_493 = arith.constant 16 : index
    %get3A_494 = tpu.vector_load %arg10[%get3A_492, %get3A_493] {strides = array<i32>} : memref<8x32xf32, #tpu.memory_space<vmem>>, vector<16xf32>,
    tpu.vector_store_idx %arg7[%broadcast_in_dim3A_452, %select_n3A_490], %get3A_494 masked %and3A_484 : memref<8x1024xf32, #tpu.memory_space<vmem>>[vector<16xi32>, vector<16xi32>], vector<16xf32>, vector<16xi1>
    %broadcast_in_dim3A_495 = arith.constant 2 : i32
    %broadcast_in_dim3A_496 = vector.broadcast %broadcast_in_dim3A_495 : i32 to vector<16xi32>
    %get3A_497 = arith.constant 2 : i32
    %get3A_498 = arith.index_cast %get3A_497 : i32 to index
    %get3A_499 = arith.constant 0 : index
    %get3A_500 = tpu.vector_load %arg9[%get3A_498, %get3A_499] {strides = array<i32>} : memref<8x32xi32, #tpu.memory_space<vmem>>, vector<16xi32>,
    %ge3A_501 = arith.constant 1024 : i32
    %ge3A_502 = vector.broadcast %ge3A_501 : i32 to vector<16xi32>
    %ge3A_503 = arith.cmpi sge, %get3A_500, %ge3A_502 : vector<16xi32>
    %lt3A_504 = arith.constant 2048 : i32
    %lt3A_505 = vector.broadcast %lt3A_504 : i32 to vector<16xi32>
    %lt3A_506 = arith.cmpi slt, %get3A_500, %lt3A_505 : vector<16xi32>
    %and3A_507 = arith.andi %ge3A_503, %lt3A_506 : vector<16xi1>
    %sub3A_508 = arith.constant 1024 : i32
    %sub3A_509 = vector.broadcast %sub3A_508 : i32 to vector<16xi32>
    %sub3A_510 = arith.subi %get3A_500, %sub3A_509 : vector<16xi32>
    %jit3A_511 = arith.constant 0 : i32
    %broadcast_in_dim3A_512 = vector.broadcast %jit3A_511 : i32 to vector<16xi32>
    %select_n3A_513 = arith.select %and3A_507, %sub3A_510, %broadcast_in_dim3A_512 : vector<16xi1>, vector<16xi32>
    %get3A_514 = arith.constant 2 : i32
    %get3A_515 = arith.index_cast %get3A_514 : i32 to index
    %get3A_516 = arith.constant 0 : index
    %get3A_517 = tpu.vector_load %arg10[%get3A_515, %get3A_516] {strides = array<i32>} : memref<8x32xf32, #tpu.memory_space<vmem>>, vector<16xf32>,
    tpu.vector_store_idx %arg7[%broadcast_in_dim3A_496, %select_n3A_513], %get3A_517 masked %and3A_507 : memref<8x1024xf32, #tpu.memory_space<vmem>>[vector<16xi32>, vector<16xi32>], vector<16xf32>, vector<16xi1>
    %get3A_518 = arith.constant 2 : i32
    %get3A_519 = arith.index_cast %get3A_518 : i32 to index
    %get3A_520 = arith.constant 16 : index
    %get3A_521 = tpu.vector_load %arg9[%get3A_519, %get3A_520] {strides = array<i32>} : memref<8x32xi32, #tpu.memory_space<vmem>>, vector<16xi32>,
    %ge3A_522 = arith.constant 1024 : i32
    %ge3A_523 = vector.broadcast %ge3A_522 : i32 to vector<16xi32>
    %ge3A_524 = arith.cmpi sge, %get3A_521, %ge3A_523 : vector<16xi32>
    %lt3A_525 = arith.constant 2048 : i32
    %lt3A_526 = vector.broadcast %lt3A_525 : i32 to vector<16xi32>
    %lt3A_527 = arith.cmpi slt, %get3A_521, %lt3A_526 : vector<16xi32>
    %and3A_528 = arith.andi %ge3A_524, %lt3A_527 : vector<16xi1>
    %sub3A_529 = arith.constant 1024 : i32
    %sub3A_530 = vector.broadcast %sub3A_529 : i32 to vector<16xi32>
    %sub3A_531 = arith.subi %get3A_521, %sub3A_530 : vector<16xi32>
    %jit3A_532 = arith.constant 0 : i32
    %broadcast_in_dim3A_533 = vector.broadcast %jit3A_532 : i32 to vector<16xi32>
    %select_n3A_534 = arith.select %and3A_528, %sub3A_531, %broadcast_in_dim3A_533 : vector<16xi1>, vector<16xi32>
    %get3A_535 = arith.constant 2 : i32
    %get3A_536 = arith.index_cast %get3A_535 : i32 to index
    %get3A_537 = arith.constant 16 : index
    %get3A_538 = tpu.vector_load %arg10[%get3A_536, %get3A_537] {strides = array<i32>} : memref<8x32xf32, #tpu.memory_space<vmem>>, vector<16xf32>,
    tpu.vector_store_idx %arg7[%broadcast_in_dim3A_496, %select_n3A_534], %get3A_538 masked %and3A_528 : memref<8x1024xf32, #tpu.memory_space<vmem>>[vector<16xi32>, vector<16xi32>], vector<16xf32>, vector<16xi1>
    %broadcast_in_dim3A_539 = arith.constant 3 : i32
    %broadcast_in_dim3A_540 = vector.broadcast %broadcast_in_dim3A_539 : i32 to vector<16xi32>
    %get3A_541 = arith.constant 3 : i32
    %get3A_542 = arith.index_cast %get3A_541 : i32 to index
    %get3A_543 = arith.constant 0 : index
    %get3A_544 = tpu.vector_load %arg9[%get3A_542, %get3A_543] {strides = array<i32>} : memref<8x32xi32, #tpu.memory_space<vmem>>, vector<16xi32>,
    %ge3A_545 = arith.constant 1024 : i32
    %ge3A_546 = vector.broadcast %ge3A_545 : i32 to vector<16xi32>
    %ge3A_547 = arith.cmpi sge, %get3A_544, %ge3A_546 : vector<16xi32>
    %lt3A_548 = arith.constant 2048 : i32
    %lt3A_549 = vector.broadcast %lt3A_548 : i32 to vector<16xi32>
    %lt3A_550 = arith.cmpi slt, %get3A_544, %lt3A_549 : vector<16xi32>
    %and3A_551 = arith.andi %ge3A_547, %lt3A_550 : vector<16xi1>
    %sub3A_552 = arith.constant 1024 : i32
    %sub3A_553 = vector.broadcast %sub3A_552 : i32 to vector<16xi32>
    %sub3A_554 = arith.subi %get3A_544, %sub3A_553 : vector<16xi32>
    %jit3A_555 = arith.constant 0 : i32
    %broadcast_in_dim3A_556 = vector.broadcast %jit3A_555 : i32 to vector<16xi32>
    %select_n3A_557 = arith.select %and3A_551, %sub3A_554, %broadcast_in_dim3A_556 : vector<16xi1>, vector<16xi32>
    %get3A_558 = arith.constant 3 : i32
    %get3A_559 = arith.index_cast %get3A_558 : i32 to index
    %get3A_560 = arith.constant 0 : index
    %get3A_561 = tpu.vector_load %arg10[%get3A_559, %get3A_560] {strides = array<i32>} : memref<8x32xf32, #tpu.memory_space<vmem>>, vector<16xf32>,
    tpu.vector_store_idx %arg7[%broadcast_in_dim3A_540, %select_n3A_557], %get3A_561 masked %and3A_551 : memref<8x1024xf32, #tpu.memory_space<vmem>>[vector<16xi32>, vector<16xi32>], vector<16xf32>, vector<16xi1>
    %get3A_562 = arith.constant 3 : i32
    %get3A_563 = arith.index_cast %get3A_562 : i32 to index
    %get3A_564 = arith.constant 16 : index
    %get3A_565 = tpu.vector_load %arg9[%get3A_563, %get3A_564] {strides = array<i32>} : memref<8x32xi32, #tpu.memory_space<vmem>>, vector<16xi32>,
    %ge3A_566 = arith.constant 1024 : i32
    %ge3A_567 = vector.broadcast %ge3A_566 : i32 to vector<16xi32>
    %ge3A_568 = arith.cmpi sge, %get3A_565, %ge3A_567 : vector<16xi32>
    %lt3A_569 = arith.constant 2048 : i32
    %lt3A_570 = vector.broadcast %lt3A_569 : i32 to vector<16xi32>
    %lt3A_571 = arith.cmpi slt, %get3A_565, %lt3A_570 : vector<16xi32>
    %and3A_572 = arith.andi %ge3A_568, %lt3A_571 : vector<16xi1>
    %sub3A_573 = arith.constant 1024 : i32
    %sub3A_574 = vector.broadcast %sub3A_573 : i32 to vector<16xi32>
    %sub3A_575 = arith.subi %get3A_565, %sub3A_574 : vector<16xi32>
    %jit3A_576 = arith.constant 0 : i32
    %broadcast_in_dim3A_577 = vector.broadcast %jit3A_576 : i32 to vector<16xi32>
    %select_n3A_578 = arith.select %and3A_572, %sub3A_575, %broadcast_in_dim3A_577 : vector<16xi1>, vector<16xi32>
    %get3A_579 = arith.constant 3 : i32
    %get3A_580 = arith.index_cast %get3A_579 : i32 to index
    %get3A_581 = arith.constant 16 : index
    %get3A_582 = tpu.vector_load %arg10[%get3A_580, %get3A_581] {strides = array<i32>} : memref<8x32xf32, #tpu.memory_space<vmem>>, vector<16xf32>,
    tpu.vector_store_idx %arg7[%broadcast_in_dim3A_540, %select_n3A_578], %get3A_582 masked %and3A_572 : memref<8x1024xf32, #tpu.memory_space<vmem>>[vector<16xi32>, vector<16xi32>], vector<16xf32>, vector<16xi1>
    %broadcast_in_dim3A_583 = arith.constant 4 : i32
    %broadcast_in_dim3A_584 = vector.broadcast %broadcast_in_dim3A_583 : i32 to vector<16xi32>
    %get3A_585 = arith.constant 4 : i32
    %get3A_586 = arith.index_cast %get3A_585 : i32 to index
    %get3A_587 = arith.constant 0 : index
    %get3A_588 = tpu.vector_load %arg9[%get3A_586, %get3A_587] {strides = array<i32>} : memref<8x32xi32, #tpu.memory_space<vmem>>, vector<16xi32>,
    %ge3A_589 = arith.constant 1024 : i32
    %ge3A_590 = vector.broadcast %ge3A_589 : i32 to vector<16xi32>
    %ge3A_591 = arith.cmpi sge, %get3A_588, %ge3A_590 : vector<16xi32>
    %lt3A_592 = arith.constant 2048 : i32
    %lt3A_593 = vector.broadcast %lt3A_592 : i32 to vector<16xi32>
    %lt3A_594 = arith.cmpi slt, %get3A_588, %lt3A_593 : vector<16xi32>
    %and3A_595 = arith.andi %ge3A_591, %lt3A_594 : vector<16xi1>
    %sub3A_596 = arith.constant 1024 : i32
    %sub3A_597 = vector.broadcast %sub3A_596 : i32 to vector<16xi32>
    %sub3A_598 = arith.subi %get3A_588, %sub3A_597 : vector<16xi32>
    %jit3A_599 = arith.constant 0 : i32
    %broadcast_in_dim3A_600 = vector.broadcast %jit3A_599 : i32 to vector<16xi32>
    %select_n3A_601 = arith.select %and3A_595, %sub3A_598, %broadcast_in_dim3A_600 : vector<16xi1>, vector<16xi32>
    %get3A_602 = arith.constant 4 : i32
    %get3A_603 = arith.index_cast %get3A_602 : i32 to index
    %get3A_604 = arith.constant 0 : index
    %get3A_605 = tpu.vector_load %arg10[%get3A_603, %get3A_604] {strides = array<i32>} : memref<8x32xf32, #tpu.memory_space<vmem>>, vector<16xf32>,
    tpu.vector_store_idx %arg7[%broadcast_in_dim3A_584, %select_n3A_601], %get3A_605 masked %and3A_595 : memref<8x1024xf32, #tpu.memory_space<vmem>>[vector<16xi32>, vector<16xi32>], vector<16xf32>, vector<16xi1>
    %get3A_606 = arith.constant 4 : i32
    %get3A_607 = arith.index_cast %get3A_606 : i32 to index
    %get3A_608 = arith.constant 16 : index
    %get3A_609 = tpu.vector_load %arg9[%get3A_607, %get3A_608] {strides = array<i32>} : memref<8x32xi32, #tpu.memory_space<vmem>>, vector<16xi32>,
    %ge3A_610 = arith.constant 1024 : i32
    %ge3A_611 = vector.broadcast %ge3A_610 : i32 to vector<16xi32>
    %ge3A_612 = arith.cmpi sge, %get3A_609, %ge3A_611 : vector<16xi32>
    %lt3A_613 = arith.constant 2048 : i32
    %lt3A_614 = vector.broadcast %lt3A_613 : i32 to vector<16xi32>
    %lt3A_615 = arith.cmpi slt, %get3A_609, %lt3A_614 : vector<16xi32>
    %and3A_616 = arith.andi %ge3A_612, %lt3A_615 : vector<16xi1>
    %sub3A_617 = arith.constant 1024 : i32
    %sub3A_618 = vector.broadcast %sub3A_617 : i32 to vector<16xi32>
    %sub3A_619 = arith.subi %get3A_609, %sub3A_618 : vector<16xi32>
    %jit3A_620 = arith.constant 0 : i32
    %broadcast_in_dim3A_621 = vector.broadcast %jit3A_620 : i32 to vector<16xi32>
    %select_n3A_622 = arith.select %and3A_616, %sub3A_619, %broadcast_in_dim3A_621 : vector<16xi1>, vector<16xi32>
    %get3A_623 = arith.constant 4 : i32
    %get3A_624 = arith.index_cast %get3A_623 : i32 to index
    %get3A_625 = arith.constant 16 : index
    %get3A_626 = tpu.vector_load %arg10[%get3A_624, %get3A_625] {strides = array<i32>} : memref<8x32xf32, #tpu.memory_space<vmem>>, vector<16xf32>,
    tpu.vector_store_idx %arg7[%broadcast_in_dim3A_584, %select_n3A_622], %get3A_626 masked %and3A_616 : memref<8x1024xf32, #tpu.memory_space<vmem>>[vector<16xi32>, vector<16xi32>], vector<16xf32>, vector<16xi1>
    %broadcast_in_dim3A_627 = arith.constant 5 : i32
    %broadcast_in_dim3A_628 = vector.broadcast %broadcast_in_dim3A_627 : i32 to vector<16xi32>
    %get3A_629 = arith.constant 5 : i32
    %get3A_630 = arith.index_cast %get3A_629 : i32 to index
    %get3A_631 = arith.constant 0 : index
    %get3A_632 = tpu.vector_load %arg9[%get3A_630, %get3A_631] {strides = array<i32>} : memref<8x32xi32, #tpu.memory_space<vmem>>, vector<16xi32>,
    %ge3A_633 = arith.constant 1024 : i32
    %ge3A_634 = vector.broadcast %ge3A_633 : i32 to vector<16xi32>
    %ge3A_635 = arith.cmpi sge, %get3A_632, %ge3A_634 : vector<16xi32>
    %lt3A_636 = arith.constant 2048 : i32
    %lt3A_637 = vector.broadcast %lt3A_636 : i32 to vector<16xi32>
    %lt3A_638 = arith.cmpi slt, %get3A_632, %lt3A_637 : vector<16xi32>
    %and3A_639 = arith.andi %ge3A_635, %lt3A_638 : vector<16xi1>
    %sub3A_640 = arith.constant 1024 : i32
    %sub3A_641 = vector.broadcast %sub3A_640 : i32 to vector<16xi32>
    %sub3A_642 = arith.subi %get3A_632, %sub3A_641 : vector<16xi32>
    %jit3A_643 = arith.constant 0 : i32
    %broadcast_in_dim3A_644 = vector.broadcast %jit3A_643 : i32 to vector<16xi32>
    %select_n3A_645 = arith.select %and3A_639, %sub3A_642, %broadcast_in_dim3A_644 : vector<16xi1>, vector<16xi32>
    %get3A_646 = arith.constant 5 : i32
    %get3A_647 = arith.index_cast %get3A_646 : i32 to index
    %get3A_648 = arith.constant 0 : index
    %get3A_649 = tpu.vector_load %arg10[%get3A_647, %get3A_648] {strides = array<i32>} : memref<8x32xf32, #tpu.memory_space<vmem>>, vector<16xf32>,
    tpu.vector_store_idx %arg7[%broadcast_in_dim3A_628, %select_n3A_645], %get3A_649 masked %and3A_639 : memref<8x1024xf32, #tpu.memory_space<vmem>>[vector<16xi32>, vector<16xi32>], vector<16xf32>, vector<16xi1>
    %get3A_650 = arith.constant 5 : i32
    %get3A_651 = arith.index_cast %get3A_650 : i32 to index
    %get3A_652 = arith.constant 16 : index
    %get3A_653 = tpu.vector_load %arg9[%get3A_651, %get3A_652] {strides = array<i32>} : memref<8x32xi32, #tpu.memory_space<vmem>>, vector<16xi32>,
    %ge3A_654 = arith.constant 1024 : i32
    %ge3A_655 = vector.broadcast %ge3A_654 : i32 to vector<16xi32>
    %ge3A_656 = arith.cmpi sge, %get3A_653, %ge3A_655 : vector<16xi32>
    %lt3A_657 = arith.constant 2048 : i32
    %lt3A_658 = vector.broadcast %lt3A_657 : i32 to vector<16xi32>
    %lt3A_659 = arith.cmpi slt, %get3A_653, %lt3A_658 : vector<16xi32>
    %and3A_660 = arith.andi %ge3A_656, %lt3A_659 : vector<16xi1>
    %sub3A_661 = arith.constant 1024 : i32
    %sub3A_662 = vector.broadcast %sub3A_661 : i32 to vector<16xi32>
    %sub3A_663 = arith.subi %get3A_653, %sub3A_662 : vector<16xi32>
    %jit3A_664 = arith.constant 0 : i32
    %broadcast_in_dim3A_665 = vector.broadcast %jit3A_664 : i32 to vector<16xi32>
    %select_n3A_666 = arith.select %and3A_660, %sub3A_663, %broadcast_in_dim3A_665 : vector<16xi1>, vector<16xi32>
    %get3A_667 = arith.constant 5 : i32
    %get3A_668 = arith.index_cast %get3A_667 : i32 to index
    %get3A_669 = arith.constant 16 : index
    %get3A_670 = tpu.vector_load %arg10[%get3A_668, %get3A_669] {strides = array<i32>} : memref<8x32xf32, #tpu.memory_space<vmem>>, vector<16xf32>,
    tpu.vector_store_idx %arg7[%broadcast_in_dim3A_628, %select_n3A_666], %get3A_670 masked %and3A_660 : memref<8x1024xf32, #tpu.memory_space<vmem>>[vector<16xi32>, vector<16xi32>], vector<16xf32>, vector<16xi1>
    %broadcast_in_dim3A_671 = arith.constant 6 : i32
    %broadcast_in_dim3A_672 = vector.broadcast %broadcast_in_dim3A_671 : i32 to vector<16xi32>
    %get3A_673 = arith.constant 6 : i32
    %get3A_674 = arith.index_cast %get3A_673 : i32 to index
    %get3A_675 = arith.constant 0 : index
    %get3A_676 = tpu.vector_load %arg9[%get3A_674, %get3A_675] {strides = array<i32>} : memref<8x32xi32, #tpu.memory_space<vmem>>, vector<16xi32>,
    %ge3A_677 = arith.constant 1024 : i32
    %ge3A_678 = vector.broadcast %ge3A_677 : i32 to vector<16xi32>
    %ge3A_679 = arith.cmpi sge, %get3A_676, %ge3A_678 : vector<16xi32>
    %lt3A_680 = arith.constant 2048 : i32
    %lt3A_681 = vector.broadcast %lt3A_680 : i32 to vector<16xi32>
    %lt3A_682 = arith.cmpi slt, %get3A_676, %lt3A_681 : vector<16xi32>
    %and3A_683 = arith.andi %ge3A_679, %lt3A_682 : vector<16xi1>
    %sub3A_684 = arith.constant 1024 : i32
    %sub3A_685 = vector.broadcast %sub3A_684 : i32 to vector<16xi32>
    %sub3A_686 = arith.subi %get3A_676, %sub3A_685 : vector<16xi32>
    %jit3A_687 = arith.constant 0 : i32
    %broadcast_in_dim3A_688 = vector.broadcast %jit3A_687 : i32 to vector<16xi32>
    %select_n3A_689 = arith.select %and3A_683, %sub3A_686, %broadcast_in_dim3A_688 : vector<16xi1>, vector<16xi32>
    %get3A_690 = arith.constant 6 : i32
    %get3A_691 = arith.index_cast %get3A_690 : i32 to index
    %get3A_692 = arith.constant 0 : index
    %get3A_693 = tpu.vector_load %arg10[%get3A_691, %get3A_692] {strides = array<i32>} : memref<8x32xf32, #tpu.memory_space<vmem>>, vector<16xf32>,
    tpu.vector_store_idx %arg7[%broadcast_in_dim3A_672, %select_n3A_689], %get3A_693 masked %and3A_683 : memref<8x1024xf32, #tpu.memory_space<vmem>>[vector<16xi32>, vector<16xi32>], vector<16xf32>, vector<16xi1>
    %get3A_694 = arith.constant 6 : i32
    %get3A_695 = arith.index_cast %get3A_694 : i32 to index
    %get3A_696 = arith.constant 16 : index
    %get3A_697 = tpu.vector_load %arg9[%get3A_695, %get3A_696] {strides = array<i32>} : memref<8x32xi32, #tpu.memory_space<vmem>>, vector<16xi32>,
    %ge3A_698 = arith.constant 1024 : i32
    %ge3A_699 = vector.broadcast %ge3A_698 : i32 to vector<16xi32>
    %ge3A_700 = arith.cmpi sge, %get3A_697, %ge3A_699 : vector<16xi32>
    %lt3A_701 = arith.constant 2048 : i32
    %lt3A_702 = vector.broadcast %lt3A_701 : i32 to vector<16xi32>
    %lt3A_703 = arith.cmpi slt, %get3A_697, %lt3A_702 : vector<16xi32>
    %and3A_704 = arith.andi %ge3A_700, %lt3A_703 : vector<16xi1>
    %sub3A_705 = arith.constant 1024 : i32
    %sub3A_706 = vector.broadcast %sub3A_705 : i32 to vector<16xi32>
    %sub3A_707 = arith.subi %get3A_697, %sub3A_706 : vector<16xi32>
    %jit3A_708 = arith.constant 0 : i32
    %broadcast_in_dim3A_709 = vector.broadcast %jit3A_708 : i32 to vector<16xi32>
    %select_n3A_710 = arith.select %and3A_704, %sub3A_707, %broadcast_in_dim3A_709 : vector<16xi1>, vector<16xi32>
    %get3A_711 = arith.constant 6 : i32
    %get3A_712 = arith.index_cast %get3A_711 : i32 to index
    %get3A_713 = arith.constant 16 : index
    %get3A_714 = tpu.vector_load %arg10[%get3A_712, %get3A_713] {strides = array<i32>} : memref<8x32xf32, #tpu.memory_space<vmem>>, vector<16xf32>,
    tpu.vector_store_idx %arg7[%broadcast_in_dim3A_672, %select_n3A_710], %get3A_714 masked %and3A_704 : memref<8x1024xf32, #tpu.memory_space<vmem>>[vector<16xi32>, vector<16xi32>], vector<16xf32>, vector<16xi1>
    %broadcast_in_dim3A_715 = arith.constant 7 : i32
    %broadcast_in_dim3A_716 = vector.broadcast %broadcast_in_dim3A_715 : i32 to vector<16xi32>
    %get3A_717 = arith.constant 7 : i32
    %get3A_718 = arith.index_cast %get3A_717 : i32 to index
    %get3A_719 = arith.constant 0 : index
    %get3A_720 = tpu.vector_load %arg9[%get3A_718, %get3A_719] {strides = array<i32>} : memref<8x32xi32, #tpu.memory_space<vmem>>, vector<16xi32>,
    %ge3A_721 = arith.constant 1024 : i32
    %ge3A_722 = vector.broadcast %ge3A_721 : i32 to vector<16xi32>
    %ge3A_723 = arith.cmpi sge, %get3A_720, %ge3A_722 : vector<16xi32>
    %lt3A_724 = arith.constant 2048 : i32
    %lt3A_725 = vector.broadcast %lt3A_724 : i32 to vector<16xi32>
    %lt3A_726 = arith.cmpi slt, %get3A_720, %lt3A_725 : vector<16xi32>
    %and3A_727 = arith.andi %ge3A_723, %lt3A_726 : vector<16xi1>
    %sub3A_728 = arith.constant 1024 : i32
    %sub3A_729 = vector.broadcast %sub3A_728 : i32 to vector<16xi32>
    %sub3A_730 = arith.subi %get3A_720, %sub3A_729 : vector<16xi32>
    %jit3A_731 = arith.constant 0 : i32
    %broadcast_in_dim3A_732 = vector.broadcast %jit3A_731 : i32 to vector<16xi32>
    %select_n3A_733 = arith.select %and3A_727, %sub3A_730, %broadcast_in_dim3A_732 : vector<16xi1>, vector<16xi32>
    %get3A_734 = arith.constant 7 : i32
    %get3A_735 = arith.index_cast %get3A_734 : i32 to index
    %get3A_736 = arith.constant 0 : index
    %get3A_737 = tpu.vector_load %arg10[%get3A_735, %get3A_736] {strides = array<i32>} : memref<8x32xf32, #tpu.memory_space<vmem>>, vector<16xf32>,
    tpu.vector_store_idx %arg7[%broadcast_in_dim3A_716, %select_n3A_733], %get3A_737 masked %and3A_727 : memref<8x1024xf32, #tpu.memory_space<vmem>>[vector<16xi32>, vector<16xi32>], vector<16xf32>, vector<16xi1>
    %get3A_738 = arith.constant 7 : i32
    %get3A_739 = arith.index_cast %get3A_738 : i32 to index
    %get3A_740 = arith.constant 16 : index
    %get3A_741 = tpu.vector_load %arg9[%get3A_739, %get3A_740] {strides = array<i32>} : memref<8x32xi32, #tpu.memory_space<vmem>>, vector<16xi32>,
    %ge3A_742 = arith.constant 1024 : i32
    %ge3A_743 = vector.broadcast %ge3A_742 : i32 to vector<16xi32>
    %ge3A_744 = arith.cmpi sge, %get3A_741, %ge3A_743 : vector<16xi32>
    %lt3A_745 = arith.constant 2048 : i32
    %lt3A_746 = vector.broadcast %lt3A_745 : i32 to vector<16xi32>
    %lt3A_747 = arith.cmpi slt, %get3A_741, %lt3A_746 : vector<16xi32>
    %and3A_748 = arith.andi %ge3A_744, %lt3A_747 : vector<16xi1>
    %sub3A_749 = arith.constant 1024 : i32
    %sub3A_750 = vector.broadcast %sub3A_749 : i32 to vector<16xi32>
    %sub3A_751 = arith.subi %get3A_741, %sub3A_750 : vector<16xi32>
    %jit3A_752 = arith.constant 0 : i32
    %broadcast_in_dim3A_753 = vector.broadcast %jit3A_752 : i32 to vector<16xi32>
    %select_n3A_754 = arith.select %and3A_748, %sub3A_751, %broadcast_in_dim3A_753 : vector<16xi1>, vector<16xi32>
    %get3A_755 = arith.constant 7 : i32
    %get3A_756 = arith.index_cast %get3A_755 : i32 to index
    %get3A_757 = arith.constant 16 : index
    %get3A_758 = tpu.vector_load %arg10[%get3A_756, %get3A_757] {strides = array<i32>} : memref<8x32xf32, #tpu.memory_space<vmem>>, vector<16xf32>,
    tpu.vector_store_idx %arg7[%broadcast_in_dim3A_716, %select_n3A_754], %get3A_758 masked %and3A_748 : memref<8x1024xf32, #tpu.memory_space<vmem>>[vector<16xi32>, vector<16xi32>], vector<16xf32>, vector<16xi1>
    %dma_start3A_759 = arith.constant 0 : i32
    %dma_start3A_760 = arith.constant 1024 : i32
    %dma_start3A_761 = tpu.memref_slice %arg5[%add3A, %dma_start3A_759, %dma_start3A_760] : memref<32x8x100000xf32, #tpu.memory_space<hbm>> -> memref<1x8x1024xf32, #tpu.memory_space<hbm>>
    %dma_start3A_762 = tpu.memref_squeeze %dma_start3A_761 : memref<1x8x1024xf32, #tpu.memory_space<hbm>> -> memref<8x1024xf32, #tpu.memory_space<hbm>>
    %dma_start3A_763 = arith.constant 0 : i32
    %dma_start3A_764 = arith.constant 1024 : i32
    %dma_start3A_765 = tpu.memref_slice %arg5[%add3A, %dma_start3A_763, %dma_start3A_764] : memref<32x8x100000xf32, #tpu.memory_space<hbm>> -> memref<1x8x1024xf32, #tpu.memory_space<hbm>>
    %dma_start3A_766 = tpu.memref_squeeze %dma_start3A_765 : memref<1x8x1024xf32, #tpu.memory_space<hbm>> -> memref<8x1024xf32, #tpu.memory_space<hbm>>
    tpu.enqueue_dma source(%arg7 : memref<8x1024xf32, #tpu.memory_space<vmem>>) target(%dma_start3A_766 : memref<8x1024xf32, #tpu.memory_space<hbm>>) target_semaphore(%arg12 : memref<!tpu.dma_semaphore, #tpu.memory_space<semaphore_mem>>)
    %scan3A = arith.constant 0 : i32
    %scan3A_767 = arith.constant 47 : i32
    %scan3A_768 = arith.addi %scan3A, %scan3A_767 : i32
    %scan3A_769 = arith.constant 1 : i32
    scf.for %scan3A_1155 = %scan3A to %scan3A_768 step %scan3A_769  : i32 {
      %mul3A_1156 = arith.constant 1 : i32
      %mul3A_1157 = arith.muli %scan3A_1155, %mul3A_1156 : i32
      %add3A_1158 = arith.constant 1 : i32
      %add3A_1159 = arith.addi %add3A_1158, %mul3A_1157 : i32
      %mul3A_1160 = arith.constant 2 : i32
      %mul3A_1161 = arith.muli %mul3A_1160, %add3A_1159 : i32
      %add3A_1162 = arith.constant 0 : i32
      %add3A_1163 = arith.addi %mul3A_1161, %add3A_1162 : i32
      %mul3A_1164 = arith.constant 1024 : i32
      %mul3A_1165 = arith.muli %add3A_1163, %mul3A_1164 : i32
      %sub3A_1166 = arith.constant 2048 : i32
      %sub3A_1167 = arith.subi %mul3A_1165, %sub3A_1166 : i32
      %dma_wait3A_1168 = arith.constant 0 : i32
      %dma_wait3A_1169 = tpu.memref_slice %arg5[%add3A, %dma_wait3A_1168, %sub3A_1167] : memref<32x8x100000xf32, #tpu.memory_space<hbm>> -> memref<1x8x1024xf32, #tpu.memory_space<hbm>>
      %dma_wait3A_1170 = tpu.memref_squeeze %dma_wait3A_1169 : memref<1x8x1024xf32, #tpu.memory_space<hbm>> -> memref<8x1024xf32, #tpu.memory_space<hbm>>
      %dma_wait3A_1171 = arith.constant 0 : i32
      %dma_wait3A_1172 = tpu.memref_slice %arg5[%add3A, %dma_wait3A_1171, %sub3A_1167] : memref<32x8x100000xf32, #tpu.memory_space<hbm>> -> memref<1x8x1024xf32, #tpu.memory_space<hbm>>
      %dma_wait3A_1173 = tpu.memref_squeeze %dma_wait3A_1172 : memref<1x8x1024xf32, #tpu.memory_space<hbm>> -> memref<8x1024xf32, #tpu.memory_space<hbm>>
      tpu.wait_dma2 semaphore(%arg11 : memref<!tpu.dma_semaphore, #tpu.memory_space<semaphore_mem>>) src(%arg6 : memref<8x1024xf32, #tpu.memory_space<vmem>>) dst(%dma_wait3A_1173 : memref<8x1024xf32, #tpu.memory_space<hbm>>)
      %sub3A_1174 = arith.constant 2048 : i32
      %sub3A_1175 = arith.subi %mul3A_1165, %sub3A_1174 : i32
      %broadcast_in_dim3A_1176 = arith.constant 0 : i32
      %broadcast_in_dim3A_1177 = vector.broadcast %broadcast_in_dim3A_1176 : i32 to vector<16xi32>
      %get3A_1178 = arith.constant 0 : i32
      %get3A_1179 = arith.index_cast %get3A_1178 : i32 to index
      %get3A_1180 = arith.constant 0 : index
      %get3A_1181 = tpu.vector_load %arg9[%get3A_1179, %get3A_1180] {strides = array<i32>} : memref<8x32xi32, #tpu.memory_space<vmem>>, vector<16xi32>,
      %ge3A_1182 = vector.broadcast %sub3A_1175 : i32 to vector<16xi32>
      %ge3A_1183 = arith.cmpi sge, %get3A_1181, %ge3A_1182 : vector<16xi32>
      %add3A_1184 = arith.constant 1024 : i32
      %add3A_1185 = arith.addi %sub3A_1175, %add3A_1184 : i32
      %lt3A_1186 = vector.broadcast %add3A_1185 : i32 to vector<16xi32>
      %lt3A_1187 = arith.cmpi slt, %get3A_1181, %lt3A_1186 : vector<16xi32>
      %and3A_1188 = arith.andi %ge3A_1183, %lt3A_1187 : vector<16xi1>
      %sub3A_1189 = vector.broadcast %sub3A_1175 : i32 to vector<16xi32>
      %sub3A_1190 = arith.subi %get3A_1181, %sub3A_1189 : vector<16xi32>
      %jit3A_1191 = arith.constant 0 : i32
      %broadcast_in_dim3A_1192 = vector.broadcast %jit3A_1191 : i32 to vector<16xi32>
      %select_n3A_1193 = arith.select %and3A_1188, %sub3A_1190, %broadcast_in_dim3A_1192 : vector<16xi1>, vector<16xi32>
      %broadcast_in_dim3A_1194 = arith.constant 0.000000e+00 : f32
      %broadcast_in_dim3A_1195 = vector.broadcast %broadcast_in_dim3A_1194 : f32 to vector<16xf32>
      tpu.vector_store_idx %arg6[%broadcast_in_dim3A_1177, %select_n3A_1193], %broadcast_in_dim3A_1195 masked %and3A_1188 : memref<8x1024xf32, #tpu.memory_space<vmem>>[vector<16xi32>, vector<16xi32>], vector<16xf32>, vector<16xi1>
      %get3A_1196 = arith.constant 0 : i32
      %get3A_1197 = arith.index_cast %get3A_1196 : i32 to index
      %get3A_1198 = arith.constant 16 : index
      %get3A_1199 = tpu.vector_load %arg9[%get3A_1197, %get3A_1198] {strides = array<i32>} : memref<8x32xi32, #tpu.memory_space<vmem>>, vector<16xi32>,
      %ge3A_1200 = vector.broadcast %sub3A_1175 : i32 to vector<16xi32>
      %ge3A_1201 = arith.cmpi sge, %get3A_1199, %ge3A_1200 : vector<16xi32>
      %add3A_1202 = arith.constant 1024 : i32
      %add3A_1203 = arith.addi %sub3A_1175, %add3A_1202 : i32
      %lt3A_1204 = vector.broadcast %add3A_1203 : i32 to vector<16xi32>
      %lt3A_1205 = arith.cmpi slt, %get3A_1199, %lt3A_1204 : vector<16xi32>
      %and3A_1206 = arith.andi %ge3A_1201, %lt3A_1205 : vector<16xi1>
      %sub3A_1207 = vector.broadcast %sub3A_1175 : i32 to vector<16xi32>
      %sub3A_1208 = arith.subi %get3A_1199, %sub3A_1207 : vector<16xi32>
      %jit3A_1209 = arith.constant 0 : i32
      %broadcast_in_dim3A_1210 = vector.broadcast %jit3A_1209 : i32 to vector<16xi32>
      %select_n3A_1211 = arith.select %and3A_1206, %sub3A_1208, %broadcast_in_dim3A_1210 : vector<16xi1>, vector<16xi32>
      %broadcast_in_dim3A_1212 = arith.constant 0.000000e+00 : f32
      %broadcast_in_dim3A_1213 = vector.broadcast %broadcast_in_dim3A_1212 : f32 to vector<16xf32>
      tpu.vector_store_idx %arg6[%broadcast_in_dim3A_1177, %select_n3A_1211], %broadcast_in_dim3A_1213 masked %and3A_1206 : memref<8x1024xf32, #tpu.memory_space<vmem>>[vector<16xi32>, vector<16xi32>], vector<16xf32>, vector<16xi1>
      %broadcast_in_dim3A_1214 = arith.constant 1 : i32
      %broadcast_in_dim3A_1215 = vector.broadcast %broadcast_in_dim3A_1214 : i32 to vector<16xi32>
      %get3A_1216 = arith.constant 1 : i32
      %get3A_1217 = arith.index_cast %get3A_1216 : i32 to index
      %get3A_1218 = arith.constant 0 : index
      %get3A_1219 = tpu.vector_load %arg9[%get3A_1217, %get3A_1218] {strides = array<i32>} : memref<8x32xi32, #tpu.memory_space<vmem>>, vector<16xi32>,
      %ge3A_1220 = vector.broadcast %sub3A_1175 : i32 to vector<16xi32>
      %ge3A_1221 = arith.cmpi sge, %get3A_1219, %ge3A_1220 : vector<16xi32>
      %add3A_1222 = arith.constant 1024 : i32
      %add3A_1223 = arith.addi %sub3A_1175, %add3A_1222 : i32
      %lt3A_1224 = vector.broadcast %add3A_1223 : i32 to vector<16xi32>
      %lt3A_1225 = arith.cmpi slt, %get3A_1219, %lt3A_1224 : vector<16xi32>
      %and3A_1226 = arith.andi %ge3A_1221, %lt3A_1225 : vector<16xi1>
      %sub3A_1227 = vector.broadcast %sub3A_1175 : i32 to vector<16xi32>
      %sub3A_1228 = arith.subi %get3A_1219, %sub3A_1227 : vector<16xi32>
      %jit3A_1229 = arith.constant 0 : i32
      %broadcast_in_dim3A_1230 = vector.broadcast %jit3A_1229 : i32 to vector<16xi32>
      %select_n3A_1231 = arith.select %and3A_1226, %sub3A_1228, %broadcast_in_dim3A_1230 : vector<16xi1>, vector<16xi32>
      %broadcast_in_dim3A_1232 = arith.constant 0.000000e+00 : f32
      %broadcast_in_dim3A_1233 = vector.broadcast %broadcast_in_dim3A_1232 : f32 to vector<16xf32>
      tpu.vector_store_idx %arg6[%broadcast_in_dim3A_1215, %select_n3A_1231], %broadcast_in_dim3A_1233 masked %and3A_1226 : memref<8x1024xf32, #tpu.memory_space<vmem>>[vector<16xi32>, vector<16xi32>], vector<16xf32>, vector<16xi1>
      %get3A_1234 = arith.constant 1 : i32
      %get3A_1235 = arith.index_cast %get3A_1234 : i32 to index
      %get3A_1236 = arith.constant 16 : index
      %get3A_1237 = tpu.vector_load %arg9[%get3A_1235, %get3A_1236] {strides = array<i32>} : memref<8x32xi32, #tpu.memory_space<vmem>>, vector<16xi32>,
      %ge3A_1238 = vector.broadcast %sub3A_1175 : i32 to vector<16xi32>
      %ge3A_1239 = arith.cmpi sge, %get3A_1237, %ge3A_1238 : vector<16xi32>
      %add3A_1240 = arith.constant 1024 : i32
      %add3A_1241 = arith.addi %sub3A_1175, %add3A_1240 : i32
      %lt3A_1242 = vector.broadcast %add3A_1241 : i32 to vector<16xi32>
      %lt3A_1243 = arith.cmpi slt, %get3A_1237, %lt3A_1242 : vector<16xi32>
      %and3A_1244 = arith.andi %ge3A_1239, %lt3A_1243 : vector<16xi1>
      %sub3A_1245 = vector.broadcast %sub3A_1175 : i32 to vector<16xi32>
      %sub3A_1246 = arith.subi %get3A_1237, %sub3A_1245 : vector<16xi32>
      %jit3A_1247 = arith.constant 0 : i32
      %broadcast_in_dim3A_1248 = vector.broadcast %jit3A_1247 : i32 to vector<16xi32>
      %select_n3A_1249 = arith.select %and3A_1244, %sub3A_1246, %broadcast_in_dim3A_1248 : vector<16xi1>, vector<16xi32>
      %broadcast_in_dim3A_1250 = arith.constant 0.000000e+00 : f32
      %broadcast_in_dim3A_1251 = vector.broadcast %broadcast_in_dim3A_1250 : f32 to vector<16xf32>
      tpu.vector_store_idx %arg6[%broadcast_in_dim3A_1215, %select_n3A_1249], %broadcast_in_dim3A_1251 masked %and3A_1244 : memref<8x1024xf32, #tpu.memory_space<vmem>>[vector<16xi32>, vector<16xi32>], vector<16xf32>, vector<16xi1>
      %broadcast_in_dim3A_1252 = arith.constant 2 : i32
      %broadcast_in_dim3A_1253 = vector.broadcast %broadcast_in_dim3A_1252 : i32 to vector<16xi32>
      %get3A_1254 = arith.constant 2 : i32
      %get3A_1255 = arith.index_cast %get3A_1254 : i32 to index
      %get3A_1256 = arith.constant 0 : index
      %get3A_1257 = tpu.vector_load %arg9[%get3A_1255, %get3A_1256] {strides = array<i32>} : memref<8x32xi32, #tpu.memory_space<vmem>>, vector<16xi32>,
      %ge3A_1258 = vector.broadcast %sub3A_1175 : i32 to vector<16xi32>
      %ge3A_1259 = arith.cmpi sge, %get3A_1257, %ge3A_1258 : vector<16xi32>
      %add3A_1260 = arith.constant 1024 : i32
      %add3A_1261 = arith.addi %sub3A_1175, %add3A_1260 : i32
      %lt3A_1262 = vector.broadcast %add3A_1261 : i32 to vector<16xi32>
      %lt3A_1263 = arith.cmpi slt, %get3A_1257, %lt3A_1262 : vector<16xi32>
      %and3A_1264 = arith.andi %ge3A_1259, %lt3A_1263 : vector<16xi1>
      %sub3A_1265 = vector.broadcast %sub3A_1175 : i32 to vector<16xi32>
      %sub3A_1266 = arith.subi %get3A_1257, %sub3A_1265 : vector<16xi32>
      %jit3A_1267 = arith.constant 0 : i32
      %broadcast_in_dim3A_1268 = vector.broadcast %jit3A_1267 : i32 to vector<16xi32>
      %select_n3A_1269 = arith.select %and3A_1264, %sub3A_1266, %broadcast_in_dim3A_1268 : vector<16xi1>, vector<16xi32>
      %broadcast_in_dim3A_1270 = arith.constant 0.000000e+00 : f32
      %broadcast_in_dim3A_1271 = vector.broadcast %broadcast_in_dim3A_1270 : f32 to vector<16xf32>
      tpu.vector_store_idx %arg6[%broadcast_in_dim3A_1253, %select_n3A_1269], %broadcast_in_dim3A_1271 masked %and3A_1264 : memref<8x1024xf32, #tpu.memory_space<vmem>>[vector<16xi32>, vector<16xi32>], vector<16xf32>, vector<16xi1>
      %get3A_1272 = arith.constant 2 : i32
      %get3A_1273 = arith.index_cast %get3A_1272 : i32 to index
      %get3A_1274 = arith.constant 16 : index
      %get3A_1275 = tpu.vector_load %arg9[%get3A_1273, %get3A_1274] {strides = array<i32>} : memref<8x32xi32, #tpu.memory_space<vmem>>, vector<16xi32>,
      %ge3A_1276 = vector.broadcast %sub3A_1175 : i32 to vector<16xi32>
      %ge3A_1277 = arith.cmpi sge, %get3A_1275, %ge3A_1276 : vector<16xi32>
      %add3A_1278 = arith.constant 1024 : i32
      %add3A_1279 = arith.addi %sub3A_1175, %add3A_1278 : i32
      %lt3A_1280 = vector.broadcast %add3A_1279 : i32 to vector<16xi32>
      %lt3A_1281 = arith.cmpi slt, %get3A_1275, %lt3A_1280 : vector<16xi32>
      %and3A_1282 = arith.andi %ge3A_1277, %lt3A_1281 : vector<16xi1>
      %sub3A_1283 = vector.broadcast %sub3A_1175 : i32 to vector<16xi32>
      %sub3A_1284 = arith.subi %get3A_1275, %sub3A_1283 : vector<16xi32>
      %jit3A_1285 = arith.constant 0 : i32
      %broadcast_in_dim3A_1286 = vector.broadcast %jit3A_1285 : i32 to vector<16xi32>
      %select_n3A_1287 = arith.select %and3A_1282, %sub3A_1284, %broadcast_in_dim3A_1286 : vector<16xi1>, vector<16xi32>
      %broadcast_in_dim3A_1288 = arith.constant 0.000000e+00 : f32
      %broadcast_in_dim3A_1289 = vector.broadcast %broadcast_in_dim3A_1288 : f32 to vector<16xf32>
      tpu.vector_store_idx %arg6[%broadcast_in_dim3A_1253, %select_n3A_1287], %broadcast_in_dim3A_1289 masked %and3A_1282 : memref<8x1024xf32, #tpu.memory_space<vmem>>[vector<16xi32>, vector<16xi32>], vector<16xf32>, vector<16xi1>
      %broadcast_in_dim3A_1290 = arith.constant 3 : i32
      %broadcast_in_dim3A_1291 = vector.broadcast %broadcast_in_dim3A_1290 : i32 to vector<16xi32>
      %get3A_1292 = arith.constant 3 : i32
      %get3A_1293 = arith.index_cast %get3A_1292 : i32 to index
      %get3A_1294 = arith.constant 0 : index
      %get3A_1295 = tpu.vector_load %arg9[%get3A_1293, %get3A_1294] {strides = array<i32>} : memref<8x32xi32, #tpu.memory_space<vmem>>, vector<16xi32>,
      %ge3A_1296 = vector.broadcast %sub3A_1175 : i32 to vector<16xi32>
      %ge3A_1297 = arith.cmpi sge, %get3A_1295, %ge3A_1296 : vector<16xi32>
      %add3A_1298 = arith.constant 1024 : i32
      %add3A_1299 = arith.addi %sub3A_1175, %add3A_1298 : i32
      %lt3A_1300 = vector.broadcast %add3A_1299 : i32 to vector<16xi32>
      %lt3A_1301 = arith.cmpi slt, %get3A_1295, %lt3A_1300 : vector<16xi32>
      %and3A_1302 = arith.andi %ge3A_1297, %lt3A_1301 : vector<16xi1>
      %sub3A_1303 = vector.broadcast %sub3A_1175 : i32 to vector<16xi32>
      %sub3A_1304 = arith.subi %get3A_1295, %sub3A_1303 : vector<16xi32>
      %jit3A_1305 = arith.constant 0 : i32
      %broadcast_in_dim3A_1306 = vector.broadcast %jit3A_1305 : i32 to vector<16xi32>
      %select_n3A_1307 = arith.select %and3A_1302, %sub3A_1304, %broadcast_in_dim3A_1306 : vector<16xi1>, vector<16xi32>
      %broadcast_in_dim3A_1308 = arith.constant 0.000000e+00 : f32
      %broadcast_in_dim3A_1309 = vector.broadcast %broadcast_in_dim3A_1308 : f32 to vector<16xf32>
      tpu.vector_store_idx %arg6[%broadcast_in_dim3A_1291, %select_n3A_1307], %broadcast_in_dim3A_1309 masked %and3A_1302 : memref<8x1024xf32, #tpu.memory_space<vmem>>[vector<16xi32>, vector<16xi32>], vector<16xf32>, vector<16xi1>
      %get3A_1310 = arith.constant 3 : i32
      %get3A_1311 = arith.index_cast %get3A_1310 : i32 to index
      %get3A_1312 = arith.constant 16 : index
      %get3A_1313 = tpu.vector_load %arg9[%get3A_1311, %get3A_1312] {strides = array<i32>} : memref<8x32xi32, #tpu.memory_space<vmem>>, vector<16xi32>,
      %ge3A_1314 = vector.broadcast %sub3A_1175 : i32 to vector<16xi32>
      %ge3A_1315 = arith.cmpi sge, %get3A_1313, %ge3A_1314 : vector<16xi32>
      %add3A_1316 = arith.constant 1024 : i32
      %add3A_1317 = arith.addi %sub3A_1175, %add3A_1316 : i32
      %lt3A_1318 = vector.broadcast %add3A_1317 : i32 to vector<16xi32>
      %lt3A_1319 = arith.cmpi slt, %get3A_1313, %lt3A_1318 : vector<16xi32>
      %and3A_1320 = arith.andi %ge3A_1315, %lt3A_1319 : vector<16xi1>
      %sub3A_1321 = vector.broadcast %sub3A_1175 : i32 to vector<16xi32>
      %sub3A_1322 = arith.subi %get3A_1313, %sub3A_1321 : vector<16xi32>
      %jit3A_1323 = arith.constant 0 : i32
      %broadcast_in_dim3A_1324 = vector.broadcast %jit3A_1323 : i32 to vector<16xi32>
      %select_n3A_1325 = arith.select %and3A_1320, %sub3A_1322, %broadcast_in_dim3A_1324 : vector<16xi1>, vector<16xi32>
      %broadcast_in_dim3A_1326 = arith.constant 0.000000e+00 : f32
      %broadcast_in_dim3A_1327 = vector.broadcast %broadcast_in_dim3A_1326 : f32 to vector<16xf32>
      tpu.vector_store_idx %arg6[%broadcast_in_dim3A_1291, %select_n3A_1325], %broadcast_in_dim3A_1327 masked %and3A_1320 : memref<8x1024xf32, #tpu.memory_space<vmem>>[vector<16xi32>, vector<16xi32>], vector<16xf32>, vector<16xi1>
      %broadcast_in_dim3A_1328 = arith.constant 4 : i32
      %broadcast_in_dim3A_1329 = vector.broadcast %broadcast_in_dim3A_1328 : i32 to vector<16xi32>
      %get3A_1330 = arith.constant 4 : i32
      %get3A_1331 = arith.index_cast %get3A_1330 : i32 to index
      %get3A_1332 = arith.constant 0 : index
      %get3A_1333 = tpu.vector_load %arg9[%get3A_1331, %get3A_1332] {strides = array<i32>} : memref<8x32xi32, #tpu.memory_space<vmem>>, vector<16xi32>,
      %ge3A_1334 = vector.broadcast %sub3A_1175 : i32 to vector<16xi32>
      %ge3A_1335 = arith.cmpi sge, %get3A_1333, %ge3A_1334 : vector<16xi32>
      %add3A_1336 = arith.constant 1024 : i32
      %add3A_1337 = arith.addi %sub3A_1175, %add3A_1336 : i32
      %lt3A_1338 = vector.broadcast %add3A_1337 : i32 to vector<16xi32>
      %lt3A_1339 = arith.cmpi slt, %get3A_1333, %lt3A_1338 : vector<16xi32>
      %and3A_1340 = arith.andi %ge3A_1335, %lt3A_1339 : vector<16xi1>
      %sub3A_1341 = vector.broadcast %sub3A_1175 : i32 to vector<16xi32>
      %sub3A_1342 = arith.subi %get3A_1333, %sub3A_1341 : vector<16xi32>
      %jit3A_1343 = arith.constant 0 : i32
      %broadcast_in_dim3A_1344 = vector.broadcast %jit3A_1343 : i32 to vector<16xi32>
      %select_n3A_1345 = arith.select %and3A_1340, %sub3A_1342, %broadcast_in_dim3A_1344 : vector<16xi1>, vector<16xi32>
      %broadcast_in_dim3A_1346 = arith.constant 0.000000e+00 : f32
      %broadcast_in_dim3A_1347 = vector.broadcast %broadcast_in_dim3A_1346 : f32 to vector<16xf32>
      tpu.vector_store_idx %arg6[%broadcast_in_dim3A_1329, %select_n3A_1345], %broadcast_in_dim3A_1347 masked %and3A_1340 : memref<8x1024xf32, #tpu.memory_space<vmem>>[vector<16xi32>, vector<16xi32>], vector<16xf32>, vector<16xi1>
      %get3A_1348 = arith.constant 4 : i32
      %get3A_1349 = arith.index_cast %get3A_1348 : i32 to index
      %get3A_1350 = arith.constant 16 : index
      %get3A_1351 = tpu.vector_load %arg9[%get3A_1349, %get3A_1350] {strides = array<i32>} : memref<8x32xi32, #tpu.memory_space<vmem>>, vector<16xi32>,
      %ge3A_1352 = vector.broadcast %sub3A_1175 : i32 to vector<16xi32>
      %ge3A_1353 = arith.cmpi sge, %get3A_1351, %ge3A_1352 : vector<16xi32>
      %add3A_1354 = arith.constant 1024 : i32
      %add3A_1355 = arith.addi %sub3A_1175, %add3A_1354 : i32
      %lt3A_1356 = vector.broadcast %add3A_1355 : i32 to vector<16xi32>
      %lt3A_1357 = arith.cmpi slt, %get3A_1351, %lt3A_1356 : vector<16xi32>
      %and3A_1358 = arith.andi %ge3A_1353, %lt3A_1357 : vector<16xi1>
      %sub3A_1359 = vector.broadcast %sub3A_1175 : i32 to vector<16xi32>
      %sub3A_1360 = arith.subi %get3A_1351, %sub3A_1359 : vector<16xi32>
      %jit3A_1361 = arith.constant 0 : i32
      %broadcast_in_dim3A_1362 = vector.broadcast %jit3A_1361 : i32 to vector<16xi32>
      %select_n3A_1363 = arith.select %and3A_1358, %sub3A_1360, %broadcast_in_dim3A_1362 : vector<16xi1>, vector<16xi32>
      %broadcast_in_dim3A_1364 = arith.constant 0.000000e+00 : f32
      %broadcast_in_dim3A_1365 = vector.broadcast %broadcast_in_dim3A_1364 : f32 to vector<16xf32>
      tpu.vector_store_idx %arg6[%broadcast_in_dim3A_1329, %select_n3A_1363], %broadcast_in_dim3A_1365 masked %and3A_1358 : memref<8x1024xf32, #tpu.memory_space<vmem>>[vector<16xi32>, vector<16xi32>], vector<16xf32>, vector<16xi1>
      %broadcast_in_dim3A_1366 = arith.constant 5 : i32
      %broadcast_in_dim3A_1367 = vector.broadcast %broadcast_in_dim3A_1366 : i32 to vector<16xi32>
      %get3A_1368 = arith.constant 5 : i32
      %get3A_1369 = arith.index_cast %get3A_1368 : i32 to index
      %get3A_1370 = arith.constant 0 : index
      %get3A_1371 = tpu.vector_load %arg9[%get3A_1369, %get3A_1370] {strides = array<i32>} : memref<8x32xi32, #tpu.memory_space<vmem>>, vector<16xi32>,
      %ge3A_1372 = vector.broadcast %sub3A_1175 : i32 to vector<16xi32>
      %ge3A_1373 = arith.cmpi sge, %get3A_1371, %ge3A_1372 : vector<16xi32>
      %add3A_1374 = arith.constant 1024 : i32
      %add3A_1375 = arith.addi %sub3A_1175, %add3A_1374 : i32
      %lt3A_1376 = vector.broadcast %add3A_1375 : i32 to vector<16xi32>
      %lt3A_1377 = arith.cmpi slt, %get3A_1371, %lt3A_1376 : vector<16xi32>
      %and3A_1378 = arith.andi %ge3A_1373, %lt3A_1377 : vector<16xi1>
      %sub3A_1379 = vector.broadcast %sub3A_1175 : i32 to vector<16xi32>
      %sub3A_1380 = arith.subi %get3A_1371, %sub3A_1379 : vector<16xi32>
      %jit3A_1381 = arith.constant 0 : i32
      %broadcast_in_dim3A_1382 = vector.broadcast %jit3A_1381 : i32 to vector<16xi32>
      %select_n3A_1383 = arith.select %and3A_1378, %sub3A_1380, %broadcast_in_dim3A_1382 : vector<16xi1>, vector<16xi32>
      %broadcast_in_dim3A_1384 = arith.constant 0.000000e+00 : f32
      %broadcast_in_dim3A_1385 = vector.broadcast %broadcast_in_dim3A_1384 : f32 to vector<16xf32>
      tpu.vector_store_idx %arg6[%broadcast_in_dim3A_1367, %select_n3A_1383], %broadcast_in_dim3A_1385 masked %and3A_1378 : memref<8x1024xf32, #tpu.memory_space<vmem>>[vector<16xi32>, vector<16xi32>], vector<16xf32>, vector<16xi1>
      %get3A_1386 = arith.constant 5 : i32
      %get3A_1387 = arith.index_cast %get3A_1386 : i32 to index
      %get3A_1388 = arith.constant 16 : index
      %get3A_1389 = tpu.vector_load %arg9[%get3A_1387, %get3A_1388] {strides = array<i32>} : memref<8x32xi32, #tpu.memory_space<vmem>>, vector<16xi32>,
      %ge3A_1390 = vector.broadcast %sub3A_1175 : i32 to vector<16xi32>
      %ge3A_1391 = arith.cmpi sge, %get3A_1389, %ge3A_1390 : vector<16xi32>
      %add3A_1392 = arith.constant 1024 : i32
      %add3A_1393 = arith.addi %sub3A_1175, %add3A_1392 : i32
      %lt3A_1394 = vector.broadcast %add3A_1393 : i32 to vector<16xi32>
      %lt3A_1395 = arith.cmpi slt, %get3A_1389, %lt3A_1394 : vector<16xi32>
      %and3A_1396 = arith.andi %ge3A_1391, %lt3A_1395 : vector<16xi1>
      %sub3A_1397 = vector.broadcast %sub3A_1175 : i32 to vector<16xi32>
      %sub3A_1398 = arith.subi %get3A_1389, %sub3A_1397 : vector<16xi32>
      %jit3A_1399 = arith.constant 0 : i32
      %broadcast_in_dim3A_1400 = vector.broadcast %jit3A_1399 : i32 to vector<16xi32>
      %select_n3A_1401 = arith.select %and3A_1396, %sub3A_1398, %broadcast_in_dim3A_1400 : vector<16xi1>, vector<16xi32>
      %broadcast_in_dim3A_1402 = arith.constant 0.000000e+00 : f32
      %broadcast_in_dim3A_1403 = vector.broadcast %broadcast_in_dim3A_1402 : f32 to vector<16xf32>
      tpu.vector_store_idx %arg6[%broadcast_in_dim3A_1367, %select_n3A_1401], %broadcast_in_dim3A_1403 masked %and3A_1396 : memref<8x1024xf32, #tpu.memory_space<vmem>>[vector<16xi32>, vector<16xi32>], vector<16xf32>, vector<16xi1>
      %broadcast_in_dim3A_1404 = arith.constant 6 : i32
      %broadcast_in_dim3A_1405 = vector.broadcast %broadcast_in_dim3A_1404 : i32 to vector<16xi32>
      %get3A_1406 = arith.constant 6 : i32
      %get3A_1407 = arith.index_cast %get3A_1406 : i32 to index
      %get3A_1408 = arith.constant 0 : index
      %get3A_1409 = tpu.vector_load %arg9[%get3A_1407, %get3A_1408] {strides = array<i32>} : memref<8x32xi32, #tpu.memory_space<vmem>>, vector<16xi32>,
      %ge3A_1410 = vector.broadcast %sub3A_1175 : i32 to vector<16xi32>
      %ge3A_1411 = arith.cmpi sge, %get3A_1409, %ge3A_1410 : vector<16xi32>
      %add3A_1412 = arith.constant 1024 : i32
      %add3A_1413 = arith.addi %sub3A_1175, %add3A_1412 : i32
      %lt3A_1414 = vector.broadcast %add3A_1413 : i32 to vector<16xi32>
      %lt3A_1415 = arith.cmpi slt, %get3A_1409, %lt3A_1414 : vector<16xi32>
      %and3A_1416 = arith.andi %ge3A_1411, %lt3A_1415 : vector<16xi1>
      %sub3A_1417 = vector.broadcast %sub3A_1175 : i32 to vector<16xi32>
      %sub3A_1418 = arith.subi %get3A_1409, %sub3A_1417 : vector<16xi32>
      %jit3A_1419 = arith.constant 0 : i32
      %broadcast_in_dim3A_1420 = vector.broadcast %jit3A_1419 : i32 to vector<16xi32>
      %select_n3A_1421 = arith.select %and3A_1416, %sub3A_1418, %broadcast_in_dim3A_1420 : vector<16xi1>, vector<16xi32>
      %broadcast_in_dim3A_1422 = arith.constant 0.000000e+00 : f32
      %broadcast_in_dim3A_1423 = vector.broadcast %broadcast_in_dim3A_1422 : f32 to vector<16xf32>
      tpu.vector_store_idx %arg6[%broadcast_in_dim3A_1405, %select_n3A_1421], %broadcast_in_dim3A_1423 masked %and3A_1416 : memref<8x1024xf32, #tpu.memory_space<vmem>>[vector<16xi32>, vector<16xi32>], vector<16xf32>, vector<16xi1>
      %get3A_1424 = arith.constant 6 : i32
      %get3A_1425 = arith.index_cast %get3A_1424 : i32 to index
      %get3A_1426 = arith.constant 16 : index
      %get3A_1427 = tpu.vector_load %arg9[%get3A_1425, %get3A_1426] {strides = array<i32>} : memref<8x32xi32, #tpu.memory_space<vmem>>, vector<16xi32>,
      %ge3A_1428 = vector.broadcast %sub3A_1175 : i32 to vector<16xi32>
      %ge3A_1429 = arith.cmpi sge, %get3A_1427, %ge3A_1428 : vector<16xi32>
      %add3A_1430 = arith.constant 1024 : i32
      %add3A_1431 = arith.addi %sub3A_1175, %add3A_1430 : i32
      %lt3A_1432 = vector.broadcast %add3A_1431 : i32 to vector<16xi32>
      %lt3A_1433 = arith.cmpi slt, %get3A_1427, %lt3A_1432 : vector<16xi32>
      %and3A_1434 = arith.andi %ge3A_1429, %lt3A_1433 : vector<16xi1>
      %sub3A_1435 = vector.broadcast %sub3A_1175 : i32 to vector<16xi32>
      %sub3A_1436 = arith.subi %get3A_1427, %sub3A_1435 : vector<16xi32>
      %jit3A_1437 = arith.constant 0 : i32
      %broadcast_in_dim3A_1438 = vector.broadcast %jit3A_1437 : i32 to vector<16xi32>
      %select_n3A_1439 = arith.select %and3A_1434, %sub3A_1436, %broadcast_in_dim3A_1438 : vector<16xi1>, vector<16xi32>
      %broadcast_in_dim3A_1440 = arith.constant 0.000000e+00 : f32
      %broadcast_in_dim3A_1441 = vector.broadcast %broadcast_in_dim3A_1440 : f32 to vector<16xf32>
      tpu.vector_store_idx %arg6[%broadcast_in_dim3A_1405, %select_n3A_1439], %broadcast_in_dim3A_1441 masked %and3A_1434 : memref<8x1024xf32, #tpu.memory_space<vmem>>[vector<16xi32>, vector<16xi32>], vector<16xf32>, vector<16xi1>
      %broadcast_in_dim3A_1442 = arith.constant 7 : i32
      %broadcast_in_dim3A_1443 = vector.broadcast %broadcast_in_dim3A_1442 : i32 to vector<16xi32>
      %get3A_1444 = arith.constant 7 : i32
      %get3A_1445 = arith.index_cast %get3A_1444 : i32 to index
      %get3A_1446 = arith.constant 0 : index
      %get3A_1447 = tpu.vector_load %arg9[%get3A_1445, %get3A_1446] {strides = array<i32>} : memref<8x32xi32, #tpu.memory_space<vmem>>, vector<16xi32>,
      %ge3A_1448 = vector.broadcast %sub3A_1175 : i32 to vector<16xi32>
      %ge3A_1449 = arith.cmpi sge, %get3A_1447, %ge3A_1448 : vector<16xi32>
      %add3A_1450 = arith.constant 1024 : i32
      %add3A_1451 = arith.addi %sub3A_1175, %add3A_1450 : i32
      %lt3A_1452 = vector.broadcast %add3A_1451 : i32 to vector<16xi32>
      %lt3A_1453 = arith.cmpi slt, %get3A_1447, %lt3A_1452 : vector<16xi32>
      %and3A_1454 = arith.andi %ge3A_1449, %lt3A_1453 : vector<16xi1>
      %sub3A_1455 = vector.broadcast %sub3A_1175 : i32 to vector<16xi32>
      %sub3A_1456 = arith.subi %get3A_1447, %sub3A_1455 : vector<16xi32>
      %jit3A_1457 = arith.constant 0 : i32
      %broadcast_in_dim3A_1458 = vector.broadcast %jit3A_1457 : i32 to vector<16xi32>
      %select_n3A_1459 = arith.select %and3A_1454, %sub3A_1456, %broadcast_in_dim3A_1458 : vector<16xi1>, vector<16xi32>
      %broadcast_in_dim3A_1460 = arith.constant 0.000000e+00 : f32
      %broadcast_in_dim3A_1461 = vector.broadcast %broadcast_in_dim3A_1460 : f32 to vector<16xf32>
      tpu.vector_store_idx %arg6[%broadcast_in_dim3A_1443, %select_n3A_1459], %broadcast_in_dim3A_1461 masked %and3A_1454 : memref<8x1024xf32, #tpu.memory_space<vmem>>[vector<16xi32>, vector<16xi32>], vector<16xf32>, vector<16xi1>
      %get3A_1462 = arith.constant 7 : i32
      %get3A_1463 = arith.index_cast %get3A_1462 : i32 to index
      %get3A_1464 = arith.constant 16 : index
      %get3A_1465 = tpu.vector_load %arg9[%get3A_1463, %get3A_1464] {strides = array<i32>} : memref<8x32xi32, #tpu.memory_space<vmem>>, vector<16xi32>,
      %ge3A_1466 = vector.broadcast %sub3A_1175 : i32 to vector<16xi32>
      %ge3A_1467 = arith.cmpi sge, %get3A_1465, %ge3A_1466 : vector<16xi32>
      %add3A_1468 = arith.constant 1024 : i32
      %add3A_1469 = arith.addi %sub3A_1175, %add3A_1468 : i32
      %lt3A_1470 = vector.broadcast %add3A_1469 : i32 to vector<16xi32>
      %lt3A_1471 = arith.cmpi slt, %get3A_1465, %lt3A_1470 : vector<16xi32>
      %and3A_1472 = arith.andi %ge3A_1467, %lt3A_1471 : vector<16xi1>
      %sub3A_1473 = vector.broadcast %sub3A_1175 : i32 to vector<16xi32>
      %sub3A_1474 = arith.subi %get3A_1465, %sub3A_1473 : vector<16xi32>
      %jit3A_1475 = arith.constant 0 : i32
      %broadcast_in_dim3A_1476 = vector.broadcast %jit3A_1475 : i32 to vector<16xi32>
      %select_n3A_1477 = arith.select %and3A_1472, %sub3A_1474, %broadcast_in_dim3A_1476 : vector<16xi1>, vector<16xi32>
      %broadcast_in_dim3A_1478 = arith.constant 0.000000e+00 : f32
      %broadcast_in_dim3A_1479 = vector.broadcast %broadcast_in_dim3A_1478 : f32 to vector<16xf32>
      tpu.vector_store_idx %arg6[%broadcast_in_dim3A_1443, %select_n3A_1477], %broadcast_in_dim3A_1479 masked %and3A_1472 : memref<8x1024xf32, #tpu.memory_space<vmem>>[vector<16xi32>, vector<16xi32>], vector<16xf32>, vector<16xi1>
      %broadcast_in_dim3A_1480 = arith.constant 0 : i32
      %broadcast_in_dim3A_1481 = vector.broadcast %broadcast_in_dim3A_1480 : i32 to vector<16xi32>
      %get3A_1482 = arith.constant 0 : i32
      %get3A_1483 = arith.index_cast %get3A_1482 : i32 to index
      %get3A_1484 = arith.constant 0 : index
      %get3A_1485 = tpu.vector_load %arg9[%get3A_1483, %get3A_1484] {strides = array<i32>} : memref<8x32xi32, #tpu.memory_space<vmem>>, vector<16xi32>,
      %ge3A_1486 = vector.broadcast %mul3A_1165 : i32 to vector<16xi32>
      %ge3A_1487 = arith.cmpi sge, %get3A_1485, %ge3A_1486 : vector<16xi32>
      %add3A_1488 = arith.constant 1024 : i32
      %add3A_1489 = arith.addi %mul3A_1165, %add3A_1488 : i32
      %lt3A_1490 = vector.broadcast %add3A_1489 : i32 to vector<16xi32>
      %lt3A_1491 = arith.cmpi slt, %get3A_1485, %lt3A_1490 : vector<16xi32>
      %and3A_1492 = arith.andi %ge3A_1487, %lt3A_1491 : vector<16xi1>
      %sub3A_1493 = vector.broadcast %mul3A_1165 : i32 to vector<16xi32>
      %sub3A_1494 = arith.subi %get3A_1485, %sub3A_1493 : vector<16xi32>
      %jit3A_1495 = arith.constant 0 : i32
      %broadcast_in_dim3A_1496 = vector.broadcast %jit3A_1495 : i32 to vector<16xi32>
      %select_n3A_1497 = arith.select %and3A_1492, %sub3A_1494, %broadcast_in_dim3A_1496 : vector<16xi1>, vector<16xi32>
      %get3A_1498 = arith.constant 0 : i32
      %get3A_1499 = arith.index_cast %get3A_1498 : i32 to index
      %get3A_1500 = arith.constant 0 : index
      %get3A_1501 = tpu.vector_load %arg10[%get3A_1499, %get3A_1500] {strides = array<i32>} : memref<8x32xf32, #tpu.memory_space<vmem>>, vector<16xf32>,
      tpu.vector_store_idx %arg6[%broadcast_in_dim3A_1481, %select_n3A_1497], %get3A_1501 masked %and3A_1492 : memref<8x1024xf32, #tpu.memory_space<vmem>>[vector<16xi32>, vector<16xi32>], vector<16xf32>, vector<16xi1>
      %get3A_1502 = arith.constant 0 : i32
      %get3A_1503 = arith.index_cast %get3A_1502 : i32 to index
      %get3A_1504 = arith.constant 16 : index
      %get3A_1505 = tpu.vector_load %arg9[%get3A_1503, %get3A_1504] {strides = array<i32>} : memref<8x32xi32, #tpu.memory_space<vmem>>, vector<16xi32>,
      %ge3A_1506 = vector.broadcast %mul3A_1165 : i32 to vector<16xi32>
      %ge3A_1507 = arith.cmpi sge, %get3A_1505, %ge3A_1506 : vector<16xi32>
      %add3A_1508 = arith.constant 1024 : i32
      %add3A_1509 = arith.addi %mul3A_1165, %add3A_1508 : i32
      %lt3A_1510 = vector.broadcast %add3A_1509 : i32 to vector<16xi32>
      %lt3A_1511 = arith.cmpi slt, %get3A_1505, %lt3A_1510 : vector<16xi32>
      %and3A_1512 = arith.andi %ge3A_1507, %lt3A_1511 : vector<16xi1>
      %sub3A_1513 = vector.broadcast %mul3A_1165 : i32 to vector<16xi32>
      %sub3A_1514 = arith.subi %get3A_1505, %sub3A_1513 : vector<16xi32>
      %jit3A_1515 = arith.constant 0 : i32
      %broadcast_in_dim3A_1516 = vector.broadcast %jit3A_1515 : i32 to vector<16xi32>
      %select_n3A_1517 = arith.select %and3A_1512, %sub3A_1514, %broadcast_in_dim3A_1516 : vector<16xi1>, vector<16xi32>
      %get3A_1518 = arith.constant 0 : i32
      %get3A_1519 = arith.index_cast %get3A_1518 : i32 to index
      %get3A_1520 = arith.constant 16 : index
      %get3A_1521 = tpu.vector_load %arg10[%get3A_1519, %get3A_1520] {strides = array<i32>} : memref<8x32xf32, #tpu.memory_space<vmem>>, vector<16xf32>,
      tpu.vector_store_idx %arg6[%broadcast_in_dim3A_1481, %select_n3A_1517], %get3A_1521 masked %and3A_1512 : memref<8x1024xf32, #tpu.memory_space<vmem>>[vector<16xi32>, vector<16xi32>], vector<16xf32>, vector<16xi1>
      %broadcast_in_dim3A_1522 = arith.constant 1 : i32
      %broadcast_in_dim3A_1523 = vector.broadcast %broadcast_in_dim3A_1522 : i32 to vector<16xi32>
      %get3A_1524 = arith.constant 1 : i32
      %get3A_1525 = arith.index_cast %get3A_1524 : i32 to index
      %get3A_1526 = arith.constant 0 : index
      %get3A_1527 = tpu.vector_load %arg9[%get3A_1525, %get3A_1526] {strides = array<i32>} : memref<8x32xi32, #tpu.memory_space<vmem>>, vector<16xi32>,
      %ge3A_1528 = vector.broadcast %mul3A_1165 : i32 to vector<16xi32>
      %ge3A_1529 = arith.cmpi sge, %get3A_1527, %ge3A_1528 : vector<16xi32>
      %add3A_1530 = arith.constant 1024 : i32
      %add3A_1531 = arith.addi %mul3A_1165, %add3A_1530 : i32
      %lt3A_1532 = vector.broadcast %add3A_1531 : i32 to vector<16xi32>
      %lt3A_1533 = arith.cmpi slt, %get3A_1527, %lt3A_1532 : vector<16xi32>
      %and3A_1534 = arith.andi %ge3A_1529, %lt3A_1533 : vector<16xi1>
      %sub3A_1535 = vector.broadcast %mul3A_1165 : i32 to vector<16xi32>
      %sub3A_1536 = arith.subi %get3A_1527, %sub3A_1535 : vector<16xi32>
      %jit3A_1537 = arith.constant 0 : i32
      %broadcast_in_dim3A_1538 = vector.broadcast %jit3A_1537 : i32 to vector<16xi32>
      %select_n3A_1539 = arith.select %and3A_1534, %sub3A_1536, %broadcast_in_dim3A_1538 : vector<16xi1>, vector<16xi32>
      %get3A_1540 = arith.constant 1 : i32
      %get3A_1541 = arith.index_cast %get3A_1540 : i32 to index
      %get3A_1542 = arith.constant 0 : index
      %get3A_1543 = tpu.vector_load %arg10[%get3A_1541, %get3A_1542] {strides = array<i32>} : memref<8x32xf32, #tpu.memory_space<vmem>>, vector<16xf32>,
      tpu.vector_store_idx %arg6[%broadcast_in_dim3A_1523, %select_n3A_1539], %get3A_1543 masked %and3A_1534 : memref<8x1024xf32, #tpu.memory_space<vmem>>[vector<16xi32>, vector<16xi32>], vector<16xf32>, vector<16xi1>
      %get3A_1544 = arith.constant 1 : i32
      %get3A_1545 = arith.index_cast %get3A_1544 : i32 to index
      %get3A_1546 = arith.constant 16 : index
      %get3A_1547 = tpu.vector_load %arg9[%get3A_1545, %get3A_1546] {strides = array<i32>} : memref<8x32xi32, #tpu.memory_space<vmem>>, vector<16xi32>,
      %ge3A_1548 = vector.broadcast %mul3A_1165 : i32 to vector<16xi32>
      %ge3A_1549 = arith.cmpi sge, %get3A_1547, %ge3A_1548 : vector<16xi32>
      %add3A_1550 = arith.constant 1024 : i32
      %add3A_1551 = arith.addi %mul3A_1165, %add3A_1550 : i32
      %lt3A_1552 = vector.broadcast %add3A_1551 : i32 to vector<16xi32>
      %lt3A_1553 = arith.cmpi slt, %get3A_1547, %lt3A_1552 : vector<16xi32>
      %and3A_1554 = arith.andi %ge3A_1549, %lt3A_1553 : vector<16xi1>
      %sub3A_1555 = vector.broadcast %mul3A_1165 : i32 to vector<16xi32>
      %sub3A_1556 = arith.subi %get3A_1547, %sub3A_1555 : vector<16xi32>
      %jit3A_1557 = arith.constant 0 : i32
      %broadcast_in_dim3A_1558 = vector.broadcast %jit3A_1557 : i32 to vector<16xi32>
      %select_n3A_1559 = arith.select %and3A_1554, %sub3A_1556, %broadcast_in_dim3A_1558 : vector<16xi1>, vector<16xi32>
      %get3A_1560 = arith.constant 1 : i32
      %get3A_1561 = arith.index_cast %get3A_1560 : i32 to index
      %get3A_1562 = arith.constant 16 : index
      %get3A_1563 = tpu.vector_load %arg10[%get3A_1561, %get3A_1562] {strides = array<i32>} : memref<8x32xf32, #tpu.memory_space<vmem>>, vector<16xf32>,
      tpu.vector_store_idx %arg6[%broadcast_in_dim3A_1523, %select_n3A_1559], %get3A_1563 masked %and3A_1554 : memref<8x1024xf32, #tpu.memory_space<vmem>>[vector<16xi32>, vector<16xi32>], vector<16xf32>, vector<16xi1>
      %broadcast_in_dim3A_1564 = arith.constant 2 : i32
      %broadcast_in_dim3A_1565 = vector.broadcast %broadcast_in_dim3A_1564 : i32 to vector<16xi32>
      %get3A_1566 = arith.constant 2 : i32
      %get3A_1567 = arith.index_cast %get3A_1566 : i32 to index
      %get3A_1568 = arith.constant 0 : index
      %get3A_1569 = tpu.vector_load %arg9[%get3A_1567, %get3A_1568] {strides = array<i32>} : memref<8x32xi32, #tpu.memory_space<vmem>>, vector<16xi32>,
      %ge3A_1570 = vector.broadcast %mul3A_1165 : i32 to vector<16xi32>
      %ge3A_1571 = arith.cmpi sge, %get3A_1569, %ge3A_1570 : vector<16xi32>
      %add3A_1572 = arith.constant 1024 : i32
      %add3A_1573 = arith.addi %mul3A_1165, %add3A_1572 : i32
      %lt3A_1574 = vector.broadcast %add3A_1573 : i32 to vector<16xi32>
      %lt3A_1575 = arith.cmpi slt, %get3A_1569, %lt3A_1574 : vector<16xi32>
      %and3A_1576 = arith.andi %ge3A_1571, %lt3A_1575 : vector<16xi1>
      %sub3A_1577 = vector.broadcast %mul3A_1165 : i32 to vector<16xi32>
      %sub3A_1578 = arith.subi %get3A_1569, %sub3A_1577 : vector<16xi32>
      %jit3A_1579 = arith.constant 0 : i32
      %broadcast_in_dim3A_1580 = vector.broadcast %jit3A_1579 : i32 to vector<16xi32>
      %select_n3A_1581 = arith.select %and3A_1576, %sub3A_1578, %broadcast_in_dim3A_1580 : vector<16xi1>, vector<16xi32>
      %get3A_1582 = arith.constant 2 : i32
      %get3A_1583 = arith.index_cast %get3A_1582 : i32 to index
      %get3A_1584 = arith.constant 0 : index
      %get3A_1585 = tpu.vector_load %arg10[%get3A_1583, %get3A_1584] {strides = array<i32>} : memref<8x32xf32, #tpu.memory_space<vmem>>, vector<16xf32>,
      tpu.vector_store_idx %arg6[%broadcast_in_dim3A_1565, %select_n3A_1581], %get3A_1585 masked %and3A_1576 : memref<8x1024xf32, #tpu.memory_space<vmem>>[vector<16xi32>, vector<16xi32>], vector<16xf32>, vector<16xi1>
      %get3A_1586 = arith.constant 2 : i32
      %get3A_1587 = arith.index_cast %get3A_1586 : i32 to index
      %get3A_1588 = arith.constant 16 : index
      %get3A_1589 = tpu.vector_load %arg9[%get3A_1587, %get3A_1588] {strides = array<i32>} : memref<8x32xi32, #tpu.memory_space<vmem>>, vector<16xi32>,
      %ge3A_1590 = vector.broadcast %mul3A_1165 : i32 to vector<16xi32>
      %ge3A_1591 = arith.cmpi sge, %get3A_1589, %ge3A_1590 : vector<16xi32>
      %add3A_1592 = arith.constant 1024 : i32
      %add3A_1593 = arith.addi %mul3A_1165, %add3A_1592 : i32
      %lt3A_1594 = vector.broadcast %add3A_1593 : i32 to vector<16xi32>
      %lt3A_1595 = arith.cmpi slt, %get3A_1589, %lt3A_1594 : vector<16xi32>
      %and3A_1596 = arith.andi %ge3A_1591, %lt3A_1595 : vector<16xi1>
      %sub3A_1597 = vector.broadcast %mul3A_1165 : i32 to vector<16xi32>
      %sub3A_1598 = arith.subi %get3A_1589, %sub3A_1597 : vector<16xi32>
      %jit3A_1599 = arith.constant 0 : i32
      %broadcast_in_dim3A_1600 = vector.broadcast %jit3A_1599 : i32 to vector<16xi32>
      %select_n3A_1601 = arith.select %and3A_1596, %sub3A_1598, %broadcast_in_dim3A_1600 : vector<16xi1>, vector<16xi32>
      %get3A_1602 = arith.constant 2 : i32
      %get3A_1603 = arith.index_cast %get3A_1602 : i32 to index
      %get3A_1604 = arith.constant 16 : index
      %get3A_1605 = tpu.vector_load %arg10[%get3A_1603, %get3A_1604] {strides = array<i32>} : memref<8x32xf32, #tpu.memory_space<vmem>>, vector<16xf32>,
      tpu.vector_store_idx %arg6[%broadcast_in_dim3A_1565, %select_n3A_1601], %get3A_1605 masked %and3A_1596 : memref<8x1024xf32, #tpu.memory_space<vmem>>[vector<16xi32>, vector<16xi32>], vector<16xf32>, vector<16xi1>
      %broadcast_in_dim3A_1606 = arith.constant 3 : i32
      %broadcast_in_dim3A_1607 = vector.broadcast %broadcast_in_dim3A_1606 : i32 to vector<16xi32>
      %get3A_1608 = arith.constant 3 : i32
      %get3A_1609 = arith.index_cast %get3A_1608 : i32 to index
      %get3A_1610 = arith.constant 0 : index
      %get3A_1611 = tpu.vector_load %arg9[%get3A_1609, %get3A_1610] {strides = array<i32>} : memref<8x32xi32, #tpu.memory_space<vmem>>, vector<16xi32>,
      %ge3A_1612 = vector.broadcast %mul3A_1165 : i32 to vector<16xi32>
      %ge3A_1613 = arith.cmpi sge, %get3A_1611, %ge3A_1612 : vector<16xi32>
      %add3A_1614 = arith.constant 1024 : i32
      %add3A_1615 = arith.addi %mul3A_1165, %add3A_1614 : i32
      %lt3A_1616 = vector.broadcast %add3A_1615 : i32 to vector<16xi32>
      %lt3A_1617 = arith.cmpi slt, %get3A_1611, %lt3A_1616 : vector<16xi32>
      %and3A_1618 = arith.andi %ge3A_1613, %lt3A_1617 : vector<16xi1>
      %sub3A_1619 = vector.broadcast %mul3A_1165 : i32 to vector<16xi32>
      %sub3A_1620 = arith.subi %get3A_1611, %sub3A_1619 : vector<16xi32>
      %jit3A_1621 = arith.constant 0 : i32
      %broadcast_in_dim3A_1622 = vector.broadcast %jit3A_1621 : i32 to vector<16xi32>
      %select_n3A_1623 = arith.select %and3A_1618, %sub3A_1620, %broadcast_in_dim3A_1622 : vector<16xi1>, vector<16xi32>
      %get3A_1624 = arith.constant 3 : i32
      %get3A_1625 = arith.index_cast %get3A_1624 : i32 to index
      %get3A_1626 = arith.constant 0 : index
      %get3A_1627 = tpu.vector_load %arg10[%get3A_1625, %get3A_1626] {strides = array<i32>} : memref<8x32xf32, #tpu.memory_space<vmem>>, vector<16xf32>,
      tpu.vector_store_idx %arg6[%broadcast_in_dim3A_1607, %select_n3A_1623], %get3A_1627 masked %and3A_1618 : memref<8x1024xf32, #tpu.memory_space<vmem>>[vector<16xi32>, vector<16xi32>], vector<16xf32>, vector<16xi1>
      %get3A_1628 = arith.constant 3 : i32
      %get3A_1629 = arith.index_cast %get3A_1628 : i32 to index
      %get3A_1630 = arith.constant 16 : index
      %get3A_1631 = tpu.vector_load %arg9[%get3A_1629, %get3A_1630] {strides = array<i32>} : memref<8x32xi32, #tpu.memory_space<vmem>>, vector<16xi32>,
      %ge3A_1632 = vector.broadcast %mul3A_1165 : i32 to vector<16xi32>
      %ge3A_1633 = arith.cmpi sge, %get3A_1631, %ge3A_1632 : vector<16xi32>
      %add3A_1634 = arith.constant 1024 : i32
      %add3A_1635 = arith.addi %mul3A_1165, %add3A_1634 : i32
      %lt3A_1636 = vector.broadcast %add3A_1635 : i32 to vector<16xi32>
      %lt3A_1637 = arith.cmpi slt, %get3A_1631, %lt3A_1636 : vector<16xi32>
      %and3A_1638 = arith.andi %ge3A_1633, %lt3A_1637 : vector<16xi1>
      %sub3A_1639 = vector.broadcast %mul3A_1165 : i32 to vector<16xi32>
      %sub3A_1640 = arith.subi %get3A_1631, %sub3A_1639 : vector<16xi32>
      %jit3A_1641 = arith.constant 0 : i32
      %broadcast_in_dim3A_1642 = vector.broadcast %jit3A_1641 : i32 to vector<16xi32>
      %select_n3A_1643 = arith.select %and3A_1638, %sub3A_1640, %broadcast_in_dim3A_1642 : vector<16xi1>, vector<16xi32>
      %get3A_1644 = arith.constant 3 : i32
      %get3A_1645 = arith.index_cast %get3A_1644 : i32 to index
      %get3A_1646 = arith.constant 16 : index
      %get3A_1647 = tpu.vector_load %arg10[%get3A_1645, %get3A_1646] {strides = array<i32>} : memref<8x32xf32, #tpu.memory_space<vmem>>, vector<16xf32>,
      tpu.vector_store_idx %arg6[%broadcast_in_dim3A_1607, %select_n3A_1643], %get3A_1647 masked %and3A_1638 : memref<8x1024xf32, #tpu.memory_space<vmem>>[vector<16xi32>, vector<16xi32>], vector<16xf32>, vector<16xi1>
      %broadcast_in_dim3A_1648 = arith.constant 4 : i32
      %broadcast_in_dim3A_1649 = vector.broadcast %broadcast_in_dim3A_1648 : i32 to vector<16xi32>
      %get3A_1650 = arith.constant 4 : i32
      %get3A_1651 = arith.index_cast %get3A_1650 : i32 to index
      %get3A_1652 = arith.constant 0 : index
      %get3A_1653 = tpu.vector_load %arg9[%get3A_1651, %get3A_1652] {strides = array<i32>} : memref<8x32xi32, #tpu.memory_space<vmem>>, vector<16xi32>,
      %ge3A_1654 = vector.broadcast %mul3A_1165 : i32 to vector<16xi32>
      %ge3A_1655 = arith.cmpi sge, %get3A_1653, %ge3A_1654 : vector<16xi32>
      %add3A_1656 = arith.constant 1024 : i32
      %add3A_1657 = arith.addi %mul3A_1165, %add3A_1656 : i32
      %lt3A_1658 = vector.broadcast %add3A_1657 : i32 to vector<16xi32>
      %lt3A_1659 = arith.cmpi slt, %get3A_1653, %lt3A_1658 : vector<16xi32>
      %and3A_1660 = arith.andi %ge3A_1655, %lt3A_1659 : vector<16xi1>
      %sub3A_1661 = vector.broadcast %mul3A_1165 : i32 to vector<16xi32>
      %sub3A_1662 = arith.subi %get3A_1653, %sub3A_1661 : vector<16xi32>
      %jit3A_1663 = arith.constant 0 : i32
      %broadcast_in_dim3A_1664 = vector.broadcast %jit3A_1663 : i32 to vector<16xi32>
      %select_n3A_1665 = arith.select %and3A_1660, %sub3A_1662, %broadcast_in_dim3A_1664 : vector<16xi1>, vector<16xi32>
      %get3A_1666 = arith.constant 4 : i32
      %get3A_1667 = arith.index_cast %get3A_1666 : i32 to index
      %get3A_1668 = arith.constant 0 : index
      %get3A_1669 = tpu.vector_load %arg10[%get3A_1667, %get3A_1668] {strides = array<i32>} : memref<8x32xf32, #tpu.memory_space<vmem>>, vector<16xf32>,
      tpu.vector_store_idx %arg6[%broadcast_in_dim3A_1649, %select_n3A_1665], %get3A_1669 masked %and3A_1660 : memref<8x1024xf32, #tpu.memory_space<vmem>>[vector<16xi32>, vector<16xi32>], vector<16xf32>, vector<16xi1>
      %get3A_1670 = arith.constant 4 : i32
      %get3A_1671 = arith.index_cast %get3A_1670 : i32 to index
      %get3A_1672 = arith.constant 16 : index
      %get3A_1673 = tpu.vector_load %arg9[%get3A_1671, %get3A_1672] {strides = array<i32>} : memref<8x32xi32, #tpu.memory_space<vmem>>, vector<16xi32>,
      %ge3A_1674 = vector.broadcast %mul3A_1165 : i32 to vector<16xi32>
      %ge3A_1675 = arith.cmpi sge, %get3A_1673, %ge3A_1674 : vector<16xi32>
      %add3A_1676 = arith.constant 1024 : i32
      %add3A_1677 = arith.addi %mul3A_1165, %add3A_1676 : i32
      %lt3A_1678 = vector.broadcast %add3A_1677 : i32 to vector<16xi32>
      %lt3A_1679 = arith.cmpi slt, %get3A_1673, %lt3A_1678 : vector<16xi32>
      %and3A_1680 = arith.andi %ge3A_1675, %lt3A_1679 : vector<16xi1>
      %sub3A_1681 = vector.broadcast %mul3A_1165 : i32 to vector<16xi32>
      %sub3A_1682 = arith.subi %get3A_1673, %sub3A_1681 : vector<16xi32>
      %jit3A_1683 = arith.constant 0 : i32
      %broadcast_in_dim3A_1684 = vector.broadcast %jit3A_1683 : i32 to vector<16xi32>
      %select_n3A_1685 = arith.select %and3A_1680, %sub3A_1682, %broadcast_in_dim3A_1684 : vector<16xi1>, vector<16xi32>
      %get3A_1686 = arith.constant 4 : i32
      %get3A_1687 = arith.index_cast %get3A_1686 : i32 to index
      %get3A_1688 = arith.constant 16 : index
      %get3A_1689 = tpu.vector_load %arg10[%get3A_1687, %get3A_1688] {strides = array<i32>} : memref<8x32xf32, #tpu.memory_space<vmem>>, vector<16xf32>,
      tpu.vector_store_idx %arg6[%broadcast_in_dim3A_1649, %select_n3A_1685], %get3A_1689 masked %and3A_1680 : memref<8x1024xf32, #tpu.memory_space<vmem>>[vector<16xi32>, vector<16xi32>], vector<16xf32>, vector<16xi1>
      %broadcast_in_dim3A_1690 = arith.constant 5 : i32
      %broadcast_in_dim3A_1691 = vector.broadcast %broadcast_in_dim3A_1690 : i32 to vector<16xi32>
      %get3A_1692 = arith.constant 5 : i32
      %get3A_1693 = arith.index_cast %get3A_1692 : i32 to index
      %get3A_1694 = arith.constant 0 : index
      %get3A_1695 = tpu.vector_load %arg9[%get3A_1693, %get3A_1694] {strides = array<i32>} : memref<8x32xi32, #tpu.memory_space<vmem>>, vector<16xi32>,
      %ge3A_1696 = vector.broadcast %mul3A_1165 : i32 to vector<16xi32>
      %ge3A_1697 = arith.cmpi sge, %get3A_1695, %ge3A_1696 : vector<16xi32>
      %add3A_1698 = arith.constant 1024 : i32
      %add3A_1699 = arith.addi %mul3A_1165, %add3A_1698 : i32
      %lt3A_1700 = vector.broadcast %add3A_1699 : i32 to vector<16xi32>
      %lt3A_1701 = arith.cmpi slt, %get3A_1695, %lt3A_1700 : vector<16xi32>
      %and3A_1702 = arith.andi %ge3A_1697, %lt3A_1701 : vector<16xi1>
      %sub3A_1703 = vector.broadcast %mul3A_1165 : i32 to vector<16xi32>
      %sub3A_1704 = arith.subi %get3A_1695, %sub3A_1703 : vector<16xi32>
      %jit3A_1705 = arith.constant 0 : i32
      %broadcast_in_dim3A_1706 = vector.broadcast %jit3A_1705 : i32 to vector<16xi32>
      %select_n3A_1707 = arith.select %and3A_1702, %sub3A_1704, %broadcast_in_dim3A_1706 : vector<16xi1>, vector<16xi32>
      %get3A_1708 = arith.constant 5 : i32
      %get3A_1709 = arith.index_cast %get3A_1708 : i32 to index
      %get3A_1710 = arith.constant 0 : index
      %get3A_1711 = tpu.vector_load %arg10[%get3A_1709, %get3A_1710] {strides = array<i32>} : memref<8x32xf32, #tpu.memory_space<vmem>>, vector<16xf32>,
      tpu.vector_store_idx %arg6[%broadcast_in_dim3A_1691, %select_n3A_1707], %get3A_1711 masked %and3A_1702 : memref<8x1024xf32, #tpu.memory_space<vmem>>[vector<16xi32>, vector<16xi32>], vector<16xf32>, vector<16xi1>
      %get3A_1712 = arith.constant 5 : i32
      %get3A_1713 = arith.index_cast %get3A_1712 : i32 to index
      %get3A_1714 = arith.constant 16 : index
      %get3A_1715 = tpu.vector_load %arg9[%get3A_1713, %get3A_1714] {strides = array<i32>} : memref<8x32xi32, #tpu.memory_space<vmem>>, vector<16xi32>,
      %ge3A_1716 = vector.broadcast %mul3A_1165 : i32 to vector<16xi32>
      %ge3A_1717 = arith.cmpi sge, %get3A_1715, %ge3A_1716 : vector<16xi32>
      %add3A_1718 = arith.constant 1024 : i32
      %add3A_1719 = arith.addi %mul3A_1165, %add3A_1718 : i32
      %lt3A_1720 = vector.broadcast %add3A_1719 : i32 to vector<16xi32>
      %lt3A_1721 = arith.cmpi slt, %get3A_1715, %lt3A_1720 : vector<16xi32>
      %and3A_1722 = arith.andi %ge3A_1717, %lt3A_1721 : vector<16xi1>
      %sub3A_1723 = vector.broadcast %mul3A_1165 : i32 to vector<16xi32>
      %sub3A_1724 = arith.subi %get3A_1715, %sub3A_1723 : vector<16xi32>
      %jit3A_1725 = arith.constant 0 : i32
      %broadcast_in_dim3A_1726 = vector.broadcast %jit3A_1725 : i32 to vector<16xi32>
      %select_n3A_1727 = arith.select %and3A_1722, %sub3A_1724, %broadcast_in_dim3A_1726 : vector<16xi1>, vector<16xi32>
      %get3A_1728 = arith.constant 5 : i32
      %get3A_1729 = arith.index_cast %get3A_1728 : i32 to index
      %get3A_1730 = arith.constant 16 : index
      %get3A_1731 = tpu.vector_load %arg10[%get3A_1729, %get3A_1730] {strides = array<i32>} : memref<8x32xf32, #tpu.memory_space<vmem>>, vector<16xf32>,
      tpu.vector_store_idx %arg6[%broadcast_in_dim3A_1691, %select_n3A_1727], %get3A_1731 masked %and3A_1722 : memref<8x1024xf32, #tpu.memory_space<vmem>>[vector<16xi32>, vector<16xi32>], vector<16xf32>, vector<16xi1>
      %broadcast_in_dim3A_1732 = arith.constant 6 : i32
      %broadcast_in_dim3A_1733 = vector.broadcast %broadcast_in_dim3A_1732 : i32 to vector<16xi32>
      %get3A_1734 = arith.constant 6 : i32
      %get3A_1735 = arith.index_cast %get3A_1734 : i32 to index
      %get3A_1736 = arith.constant 0 : index
      %get3A_1737 = tpu.vector_load %arg9[%get3A_1735, %get3A_1736] {strides = array<i32>} : memref<8x32xi32, #tpu.memory_space<vmem>>, vector<16xi32>,
      %ge3A_1738 = vector.broadcast %mul3A_1165 : i32 to vector<16xi32>
      %ge3A_1739 = arith.cmpi sge, %get3A_1737, %ge3A_1738 : vector<16xi32>
      %add3A_1740 = arith.constant 1024 : i32
      %add3A_1741 = arith.addi %mul3A_1165, %add3A_1740 : i32
      %lt3A_1742 = vector.broadcast %add3A_1741 : i32 to vector<16xi32>
      %lt3A_1743 = arith.cmpi slt, %get3A_1737, %lt3A_1742 : vector<16xi32>
      %and3A_1744 = arith.andi %ge3A_1739, %lt3A_1743 : vector<16xi1>
      %sub3A_1745 = vector.broadcast %mul3A_1165 : i32 to vector<16xi32>
      %sub3A_1746 = arith.subi %get3A_1737, %sub3A_1745 : vector<16xi32>
      %jit3A_1747 = arith.constant 0 : i32
      %broadcast_in_dim3A_1748 = vector.broadcast %jit3A_1747 : i32 to vector<16xi32>
      %select_n3A_1749 = arith.select %and3A_1744, %sub3A_1746, %broadcast_in_dim3A_1748 : vector<16xi1>, vector<16xi32>
      %get3A_1750 = arith.constant 6 : i32
      %get3A_1751 = arith.index_cast %get3A_1750 : i32 to index
      %get3A_1752 = arith.constant 0 : index
      %get3A_1753 = tpu.vector_load %arg10[%get3A_1751, %get3A_1752] {strides = array<i32>} : memref<8x32xf32, #tpu.memory_space<vmem>>, vector<16xf32>,
      tpu.vector_store_idx %arg6[%broadcast_in_dim3A_1733, %select_n3A_1749], %get3A_1753 masked %and3A_1744 : memref<8x1024xf32, #tpu.memory_space<vmem>>[vector<16xi32>, vector<16xi32>], vector<16xf32>, vector<16xi1>
      %get3A_1754 = arith.constant 6 : i32
      %get3A_1755 = arith.index_cast %get3A_1754 : i32 to index
      %get3A_1756 = arith.constant 16 : index
      %get3A_1757 = tpu.vector_load %arg9[%get3A_1755, %get3A_1756] {strides = array<i32>} : memref<8x32xi32, #tpu.memory_space<vmem>>, vector<16xi32>,
      %ge3A_1758 = vector.broadcast %mul3A_1165 : i32 to vector<16xi32>
      %ge3A_1759 = arith.cmpi sge, %get3A_1757, %ge3A_1758 : vector<16xi32>
      %add3A_1760 = arith.constant 1024 : i32
      %add3A_1761 = arith.addi %mul3A_1165, %add3A_1760 : i32
      %lt3A_1762 = vector.broadcast %add3A_1761 : i32 to vector<16xi32>
      %lt3A_1763 = arith.cmpi slt, %get3A_1757, %lt3A_1762 : vector<16xi32>
      %and3A_1764 = arith.andi %ge3A_1759, %lt3A_1763 : vector<16xi1>
      %sub3A_1765 = vector.broadcast %mul3A_1165 : i32 to vector<16xi32>
      %sub3A_1766 = arith.subi %get3A_1757, %sub3A_1765 : vector<16xi32>
      %jit3A_1767 = arith.constant 0 : i32
      %broadcast_in_dim3A_1768 = vector.broadcast %jit3A_1767 : i32 to vector<16xi32>
      %select_n3A_1769 = arith.select %and3A_1764, %sub3A_1766, %broadcast_in_dim3A_1768 : vector<16xi1>, vector<16xi32>
      %get3A_1770 = arith.constant 6 : i32
      %get3A_1771 = arith.index_cast %get3A_1770 : i32 to index
      %get3A_1772 = arith.constant 16 : index
      %get3A_1773 = tpu.vector_load %arg10[%get3A_1771, %get3A_1772] {strides = array<i32>} : memref<8x32xf32, #tpu.memory_space<vmem>>, vector<16xf32>,
      tpu.vector_store_idx %arg6[%broadcast_in_dim3A_1733, %select_n3A_1769], %get3A_1773 masked %and3A_1764 : memref<8x1024xf32, #tpu.memory_space<vmem>>[vector<16xi32>, vector<16xi32>], vector<16xf32>, vector<16xi1>
      %broadcast_in_dim3A_1774 = arith.constant 7 : i32
      %broadcast_in_dim3A_1775 = vector.broadcast %broadcast_in_dim3A_1774 : i32 to vector<16xi32>
      %get3A_1776 = arith.constant 7 : i32
      %get3A_1777 = arith.index_cast %get3A_1776 : i32 to index
      %get3A_1778 = arith.constant 0 : index
      %get3A_1779 = tpu.vector_load %arg9[%get3A_1777, %get3A_1778] {strides = array<i32>} : memref<8x32xi32, #tpu.memory_space<vmem>>, vector<16xi32>,
      %ge3A_1780 = vector.broadcast %mul3A_1165 : i32 to vector<16xi32>
      %ge3A_1781 = arith.cmpi sge, %get3A_1779, %ge3A_1780 : vector<16xi32>
      %add3A_1782 = arith.constant 1024 : i32
      %add3A_1783 = arith.addi %mul3A_1165, %add3A_1782 : i32
      %lt3A_1784 = vector.broadcast %add3A_1783 : i32 to vector<16xi32>
      %lt3A_1785 = arith.cmpi slt, %get3A_1779, %lt3A_1784 : vector<16xi32>
      %and3A_1786 = arith.andi %ge3A_1781, %lt3A_1785 : vector<16xi1>
      %sub3A_1787 = vector.broadcast %mul3A_1165 : i32 to vector<16xi32>
      %sub3A_1788 = arith.subi %get3A_1779, %sub3A_1787 : vector<16xi32>
      %jit3A_1789 = arith.constant 0 : i32
      %broadcast_in_dim3A_1790 = vector.broadcast %jit3A_1789 : i32 to vector<16xi32>
      %select_n3A_1791 = arith.select %and3A_1786, %sub3A_1788, %broadcast_in_dim3A_1790 : vector<16xi1>, vector<16xi32>
      %get3A_1792 = arith.constant 7 : i32
      %get3A_1793 = arith.index_cast %get3A_1792 : i32 to index
      %get3A_1794 = arith.constant 0 : index
      %get3A_1795 = tpu.vector_load %arg10[%get3A_1793, %get3A_1794] {strides = array<i32>} : memref<8x32xf32, #tpu.memory_space<vmem>>, vector<16xf32>,
      tpu.vector_store_idx %arg6[%broadcast_in_dim3A_1775, %select_n3A_1791], %get3A_1795 masked %and3A_1786 : memref<8x1024xf32, #tpu.memory_space<vmem>>[vector<16xi32>, vector<16xi32>], vector<16xf32>, vector<16xi1>
      %get3A_1796 = arith.constant 7 : i32
      %get3A_1797 = arith.index_cast %get3A_1796 : i32 to index
      %get3A_1798 = arith.constant 16 : index
      %get3A_1799 = tpu.vector_load %arg9[%get3A_1797, %get3A_1798] {strides = array<i32>} : memref<8x32xi32, #tpu.memory_space<vmem>>, vector<16xi32>,
      %ge3A_1800 = vector.broadcast %mul3A_1165 : i32 to vector<16xi32>
      %ge3A_1801 = arith.cmpi sge, %get3A_1799, %ge3A_1800 : vector<16xi32>
      %add3A_1802 = arith.constant 1024 : i32
      %add3A_1803 = arith.addi %mul3A_1165, %add3A_1802 : i32
      %lt3A_1804 = vector.broadcast %add3A_1803 : i32 to vector<16xi32>
      %lt3A_1805 = arith.cmpi slt, %get3A_1799, %lt3A_1804 : vector<16xi32>
      %and3A_1806 = arith.andi %ge3A_1801, %lt3A_1805 : vector<16xi1>
      %sub3A_1807 = vector.broadcast %mul3A_1165 : i32 to vector<16xi32>
      %sub3A_1808 = arith.subi %get3A_1799, %sub3A_1807 : vector<16xi32>
      %jit3A_1809 = arith.constant 0 : i32
      %broadcast_in_dim3A_1810 = vector.broadcast %jit3A_1809 : i32 to vector<16xi32>
      %select_n3A_1811 = arith.select %and3A_1806, %sub3A_1808, %broadcast_in_dim3A_1810 : vector<16xi1>, vector<16xi32>
      %get3A_1812 = arith.constant 7 : i32
      %get3A_1813 = arith.index_cast %get3A_1812 : i32 to index
      %get3A_1814 = arith.constant 16 : index
      %get3A_1815 = tpu.vector_load %arg10[%get3A_1813, %get3A_1814] {strides = array<i32>} : memref<8x32xf32, #tpu.memory_space<vmem>>, vector<16xf32>,
      tpu.vector_store_idx %arg6[%broadcast_in_dim3A_1775, %select_n3A_1811], %get3A_1815 masked %and3A_1806 : memref<8x1024xf32, #tpu.memory_space<vmem>>[vector<16xi32>, vector<16xi32>], vector<16xf32>, vector<16xi1>
      %dma_start3A_1816 = arith.constant 0 : i32
      %dma_start3A_1817 = tpu.memref_slice %arg5[%add3A, %dma_start3A_1816, %mul3A_1165] : memref<32x8x100000xf32, #tpu.memory_space<hbm>> -> memref<1x8x1024xf32, #tpu.memory_space<hbm>>
      %dma_start3A_1818 = tpu.memref_squeeze %dma_start3A_1817 : memref<1x8x1024xf32, #tpu.memory_space<hbm>> -> memref<8x1024xf32, #tpu.memory_space<hbm>>
      %dma_start3A_1819 = arith.constant 0 : i32
      %dma_start3A_1820 = tpu.memref_slice %arg5[%add3A, %dma_start3A_1819, %mul3A_1165] : memref<32x8x100000xf32, #tpu.memory_space<hbm>> -> memref<1x8x1024xf32, #tpu.memory_space<hbm>>
      %dma_start3A_1821 = tpu.memref_squeeze %dma_start3A_1820 : memref<1x8x1024xf32, #tpu.memory_space<hbm>> -> memref<8x1024xf32, #tpu.memory_space<hbm>>
      tpu.enqueue_dma source(%arg6 : memref<8x1024xf32, #tpu.memory_space<vmem>>) target(%dma_start3A_1821 : memref<8x1024xf32, #tpu.memory_space<hbm>>) target_semaphore(%arg11 : memref<!tpu.dma_semaphore, #tpu.memory_space<semaphore_mem>>)
      %mul3A_1822 = arith.constant 2 : i32
      %mul3A_1823 = arith.muli %mul3A_1822, %add3A_1159 : i32
      %add3A_1824 = arith.constant 1 : i32
      %add3A_1825 = arith.addi %mul3A_1823, %add3A_1824 : i32
      %mul3A_1826 = arith.constant 1024 : i32
      %mul3A_1827 = arith.muli %add3A_1825, %mul3A_1826 : i32
      %sub3A_1828 = arith.constant 2048 : i32
      %sub3A_1829 = arith.subi %mul3A_1827, %sub3A_1828 : i32
      %dma_wait3A_1830 = arith.constant 0 : i32
      %dma_wait3A_1831 = tpu.memref_slice %arg5[%add3A, %dma_wait3A_1830, %sub3A_1829] : memref<32x8x100000xf32, #tpu.memory_space<hbm>> -> memref<1x8x1024xf32, #tpu.memory_space<hbm>>
      %dma_wait3A_1832 = tpu.memref_squeeze %dma_wait3A_1831 : memref<1x8x1024xf32, #tpu.memory_space<hbm>> -> memref<8x1024xf32, #tpu.memory_space<hbm>>
      %dma_wait3A_1833 = arith.constant 0 : i32
      %dma_wait3A_1834 = tpu.memref_slice %arg5[%add3A, %dma_wait3A_1833, %sub3A_1829] : memref<32x8x100000xf32, #tpu.memory_space<hbm>> -> memref<1x8x1024xf32, #tpu.memory_space<hbm>>
      %dma_wait3A_1835 = tpu.memref_squeeze %dma_wait3A_1834 : memref<1x8x1024xf32, #tpu.memory_space<hbm>> -> memref<8x1024xf32, #tpu.memory_space<hbm>>
      tpu.wait_dma2 semaphore(%arg12 : memref<!tpu.dma_semaphore, #tpu.memory_space<semaphore_mem>>) src(%arg7 : memref<8x1024xf32, #tpu.memory_space<vmem>>) dst(%dma_wait3A_1835 : memref<8x1024xf32, #tpu.memory_space<hbm>>)
      %sub3A_1836 = arith.constant 2048 : i32
      %sub3A_1837 = arith.subi %mul3A_1827, %sub3A_1836 : i32
      %broadcast_in_dim3A_1838 = arith.constant 0 : i32
      %broadcast_in_dim3A_1839 = vector.broadcast %broadcast_in_dim3A_1838 : i32 to vector<16xi32>
      %get3A_1840 = arith.constant 0 : i32
      %get3A_1841 = arith.index_cast %get3A_1840 : i32 to index
      %get3A_1842 = arith.constant 0 : index
      %get3A_1843 = tpu.vector_load %arg9[%get3A_1841, %get3A_1842] {strides = array<i32>} : memref<8x32xi32, #tpu.memory_space<vmem>>, vector<16xi32>,
      %ge3A_1844 = vector.broadcast %sub3A_1837 : i32 to vector<16xi32>
      %ge3A_1845 = arith.cmpi sge, %get3A_1843, %ge3A_1844 : vector<16xi32>
      %add3A_1846 = arith.constant 1024 : i32
      %add3A_1847 = arith.addi %sub3A_1837, %add3A_1846 : i32
      %lt3A_1848 = vector.broadcast %add3A_1847 : i32 to vector<16xi32>
      %lt3A_1849 = arith.cmpi slt, %get3A_1843, %lt3A_1848 : vector<16xi32>
      %and3A_1850 = arith.andi %ge3A_1845, %lt3A_1849 : vector<16xi1>
      %sub3A_1851 = vector.broadcast %sub3A_1837 : i32 to vector<16xi32>
      %sub3A_1852 = arith.subi %get3A_1843, %sub3A_1851 : vector<16xi32>
      %jit3A_1853 = arith.constant 0 : i32
      %broadcast_in_dim3A_1854 = vector.broadcast %jit3A_1853 : i32 to vector<16xi32>
      %select_n3A_1855 = arith.select %and3A_1850, %sub3A_1852, %broadcast_in_dim3A_1854 : vector<16xi1>, vector<16xi32>
      %broadcast_in_dim3A_1856 = arith.constant 0.000000e+00 : f32
      %broadcast_in_dim3A_1857 = vector.broadcast %broadcast_in_dim3A_1856 : f32 to vector<16xf32>
      tpu.vector_store_idx %arg7[%broadcast_in_dim3A_1839, %select_n3A_1855], %broadcast_in_dim3A_1857 masked %and3A_1850 : memref<8x1024xf32, #tpu.memory_space<vmem>>[vector<16xi32>, vector<16xi32>], vector<16xf32>, vector<16xi1>
      %get3A_1858 = arith.constant 0 : i32
      %get3A_1859 = arith.index_cast %get3A_1858 : i32 to index
      %get3A_1860 = arith.constant 16 : index
      %get3A_1861 = tpu.vector_load %arg9[%get3A_1859, %get3A_1860] {strides = array<i32>} : memref<8x32xi32, #tpu.memory_space<vmem>>, vector<16xi32>,
      %ge3A_1862 = vector.broadcast %sub3A_1837 : i32 to vector<16xi32>
      %ge3A_1863 = arith.cmpi sge, %get3A_1861, %ge3A_1862 : vector<16xi32>
      %add3A_1864 = arith.constant 1024 : i32
      %add3A_1865 = arith.addi %sub3A_1837, %add3A_1864 : i32
      %lt3A_1866 = vector.broadcast %add3A_1865 : i32 to vector<16xi32>
      %lt3A_1867 = arith.cmpi slt, %get3A_1861, %lt3A_1866 : vector<16xi32>
      %and3A_1868 = arith.andi %ge3A_1863, %lt3A_1867 : vector<16xi1>
      %sub3A_1869 = vector.broadcast %sub3A_1837 : i32 to vector<16xi32>
      %sub3A_1870 = arith.subi %get3A_1861, %sub3A_1869 : vector<16xi32>
      %jit3A_1871 = arith.constant 0 : i32
      %broadcast_in_dim3A_1872 = vector.broadcast %jit3A_1871 : i32 to vector<16xi32>
      %select_n3A_1873 = arith.select %and3A_1868, %sub3A_1870, %broadcast_in_dim3A_1872 : vector<16xi1>, vector<16xi32>
      %broadcast_in_dim3A_1874 = arith.constant 0.000000e+00 : f32
      %broadcast_in_dim3A_1875 = vector.broadcast %broadcast_in_dim3A_1874 : f32 to vector<16xf32>
      tpu.vector_store_idx %arg7[%broadcast_in_dim3A_1839, %select_n3A_1873], %broadcast_in_dim3A_1875 masked %and3A_1868 : memref<8x1024xf32, #tpu.memory_space<vmem>>[vector<16xi32>, vector<16xi32>], vector<16xf32>, vector<16xi1>
      %broadcast_in_dim3A_1876 = arith.constant 1 : i32
      %broadcast_in_dim3A_1877 = vector.broadcast %broadcast_in_dim3A_1876 : i32 to vector<16xi32>
      %get3A_1878 = arith.constant 1 : i32
      %get3A_1879 = arith.index_cast %get3A_1878 : i32 to index
      %get3A_1880 = arith.constant 0 : index
      %get3A_1881 = tpu.vector_load %arg9[%get3A_1879, %get3A_1880] {strides = array<i32>} : memref<8x32xi32, #tpu.memory_space<vmem>>, vector<16xi32>,
      %ge3A_1882 = vector.broadcast %sub3A_1837 : i32 to vector<16xi32>
      %ge3A_1883 = arith.cmpi sge, %get3A_1881, %ge3A_1882 : vector<16xi32>
      %add3A_1884 = arith.constant 1024 : i32
      %add3A_1885 = arith.addi %sub3A_1837, %add3A_1884 : i32
      %lt3A_1886 = vector.broadcast %add3A_1885 : i32 to vector<16xi32>
      %lt3A_1887 = arith.cmpi slt, %get3A_1881, %lt3A_1886 : vector<16xi32>
      %and3A_1888 = arith.andi %ge3A_1883, %lt3A_1887 : vector<16xi1>
      %sub3A_1889 = vector.broadcast %sub3A_1837 : i32 to vector<16xi32>
      %sub3A_1890 = arith.subi %get3A_1881, %sub3A_1889 : vector<16xi32>
      %jit3A_1891 = arith.constant 0 : i32
      %broadcast_in_dim3A_1892 = vector.broadcast %jit3A_1891 : i32 to vector<16xi32>
      %select_n3A_1893 = arith.select %and3A_1888, %sub3A_1890, %broadcast_in_dim3A_1892 : vector<16xi1>, vector<16xi32>
      %broadcast_in_dim3A_1894 = arith.constant 0.000000e+00 : f32
      %broadcast_in_dim3A_1895 = vector.broadcast %broadcast_in_dim3A_1894 : f32 to vector<16xf32>
      tpu.vector_store_idx %arg7[%broadcast_in_dim3A_1877, %select_n3A_1893], %broadcast_in_dim3A_1895 masked %and3A_1888 : memref<8x1024xf32, #tpu.memory_space<vmem>>[vector<16xi32>, vector<16xi32>], vector<16xf32>, vector<16xi1>
      %get3A_1896 = arith.constant 1 : i32
      %get3A_1897 = arith.index_cast %get3A_1896 : i32 to index
      %get3A_1898 = arith.constant 16 : index
      %get3A_1899 = tpu.vector_load %arg9[%get3A_1897, %get3A_1898] {strides = array<i32>} : memref<8x32xi32, #tpu.memory_space<vmem>>, vector<16xi32>,
      %ge3A_1900 = vector.broadcast %sub3A_1837 : i32 to vector<16xi32>
      %ge3A_1901 = arith.cmpi sge, %get3A_1899, %ge3A_1900 : vector<16xi32>
      %add3A_1902 = arith.constant 1024 : i32
      %add3A_1903 = arith.addi %sub3A_1837, %add3A_1902 : i32
      %lt3A_1904 = vector.broadcast %add3A_1903 : i32 to vector<16xi32>
      %lt3A_1905 = arith.cmpi slt, %get3A_1899, %lt3A_1904 : vector<16xi32>
      %and3A_1906 = arith.andi %ge3A_1901, %lt3A_1905 : vector<16xi1>
      %sub3A_1907 = vector.broadcast %sub3A_1837 : i32 to vector<16xi32>
      %sub3A_1908 = arith.subi %get3A_1899, %sub3A_1907 : vector<16xi32>
      %jit3A_1909 = arith.constant 0 : i32
      %broadcast_in_dim3A_1910 = vector.broadcast %jit3A_1909 : i32 to vector<16xi32>
      %select_n3A_1911 = arith.select %and3A_1906, %sub3A_1908, %broadcast_in_dim3A_1910 : vector<16xi1>, vector<16xi32>
      %broadcast_in_dim3A_1912 = arith.constant 0.000000e+00 : f32
      %broadcast_in_dim3A_1913 = vector.broadcast %broadcast_in_dim3A_1912 : f32 to vector<16xf32>
      tpu.vector_store_idx %arg7[%broadcast_in_dim3A_1877, %select_n3A_1911], %broadcast_in_dim3A_1913 masked %and3A_1906 : memref<8x1024xf32, #tpu.memory_space<vmem>>[vector<16xi32>, vector<16xi32>], vector<16xf32>, vector<16xi1>
      %broadcast_in_dim3A_1914 = arith.constant 2 : i32
      %broadcast_in_dim3A_1915 = vector.broadcast %broadcast_in_dim3A_1914 : i32 to vector<16xi32>
      %get3A_1916 = arith.constant 2 : i32
      %get3A_1917 = arith.index_cast %get3A_1916 : i32 to index
      %get3A_1918 = arith.constant 0 : index
      %get3A_1919 = tpu.vector_load %arg9[%get3A_1917, %get3A_1918] {strides = array<i32>} : memref<8x32xi32, #tpu.memory_space<vmem>>, vector<16xi32>,
      %ge3A_1920 = vector.broadcast %sub3A_1837 : i32 to vector<16xi32>
      %ge3A_1921 = arith.cmpi sge, %get3A_1919, %ge3A_1920 : vector<16xi32>
      %add3A_1922 = arith.constant 1024 : i32
      %add3A_1923 = arith.addi %sub3A_1837, %add3A_1922 : i32
      %lt3A_1924 = vector.broadcast %add3A_1923 : i32 to vector<16xi32>
      %lt3A_1925 = arith.cmpi slt, %get3A_1919, %lt3A_1924 : vector<16xi32>
      %and3A_1926 = arith.andi %ge3A_1921, %lt3A_1925 : vector<16xi1>
      %sub3A_1927 = vector.broadcast %sub3A_1837 : i32 to vector<16xi32>
      %sub3A_1928 = arith.subi %get3A_1919, %sub3A_1927 : vector<16xi32>
      %jit3A_1929 = arith.constant 0 : i32
      %broadcast_in_dim3A_1930 = vector.broadcast %jit3A_1929 : i32 to vector<16xi32>
      %select_n3A_1931 = arith.select %and3A_1926, %sub3A_1928, %broadcast_in_dim3A_1930 : vector<16xi1>, vector<16xi32>
      %broadcast_in_dim3A_1932 = arith.constant 0.000000e+00 : f32
      %broadcast_in_dim3A_1933 = vector.broadcast %broadcast_in_dim3A_1932 : f32 to vector<16xf32>
      tpu.vector_store_idx %arg7[%broadcast_in_dim3A_1915, %select_n3A_1931], %broadcast_in_dim3A_1933 masked %and3A_1926 : memref<8x1024xf32, #tpu.memory_space<vmem>>[vector<16xi32>, vector<16xi32>], vector<16xf32>, vector<16xi1>
      %get3A_1934 = arith.constant 2 : i32
      %get3A_1935 = arith.index_cast %get3A_1934 : i32 to index
      %get3A_1936 = arith.constant 16 : index
      %get3A_1937 = tpu.vector_load %arg9[%get3A_1935, %get3A_1936] {strides = array<i32>} : memref<8x32xi32, #tpu.memory_space<vmem>>, vector<16xi32>,
      %ge3A_1938 = vector.broadcast %sub3A_1837 : i32 to vector<16xi32>
      %ge3A_1939 = arith.cmpi sge, %get3A_1937, %ge3A_1938 : vector<16xi32>
      %add3A_1940 = arith.constant 1024 : i32
      %add3A_1941 = arith.addi %sub3A_1837, %add3A_1940 : i32
      %lt3A_1942 = vector.broadcast %add3A_1941 : i32 to vector<16xi32>
      %lt3A_1943 = arith.cmpi slt, %get3A_1937, %lt3A_1942 : vector<16xi32>
      %and3A_1944 = arith.andi %ge3A_1939, %lt3A_1943 : vector<16xi1>
      %sub3A_1945 = vector.broadcast %sub3A_1837 : i32 to vector<16xi32>
      %sub3A_1946 = arith.subi %get3A_1937, %sub3A_1945 : vector<16xi32>
      %jit3A_1947 = arith.constant 0 : i32
      %broadcast_in_dim3A_1948 = vector.broadcast %jit3A_1947 : i32 to vector<16xi32>
      %select_n3A_1949 = arith.select %and3A_1944, %sub3A_1946, %broadcast_in_dim3A_1948 : vector<16xi1>, vector<16xi32>
      %broadcast_in_dim3A_1950 = arith.constant 0.000000e+00 : f32
      %broadcast_in_dim3A_1951 = vector.broadcast %broadcast_in_dim3A_1950 : f32 to vector<16xf32>
      tpu.vector_store_idx %arg7[%broadcast_in_dim3A_1915, %select_n3A_1949], %broadcast_in_dim3A_1951 masked %and3A_1944 : memref<8x1024xf32, #tpu.memory_space<vmem>>[vector<16xi32>, vector<16xi32>], vector<16xf32>, vector<16xi1>
      %broadcast_in_dim3A_1952 = arith.constant 3 : i32
      %broadcast_in_dim3A_1953 = vector.broadcast %broadcast_in_dim3A_1952 : i32 to vector<16xi32>
      %get3A_1954 = arith.constant 3 : i32
      %get3A_1955 = arith.index_cast %get3A_1954 : i32 to index
      %get3A_1956 = arith.constant 0 : index
      %get3A_1957 = tpu.vector_load %arg9[%get3A_1955, %get3A_1956] {strides = array<i32>} : memref<8x32xi32, #tpu.memory_space<vmem>>, vector<16xi32>,
      %ge3A_1958 = vector.broadcast %sub3A_1837 : i32 to vector<16xi32>
      %ge3A_1959 = arith.cmpi sge, %get3A_1957, %ge3A_1958 : vector<16xi32>
      %add3A_1960 = arith.constant 1024 : i32
      %add3A_1961 = arith.addi %sub3A_1837, %add3A_1960 : i32
      %lt3A_1962 = vector.broadcast %add3A_1961 : i32 to vector<16xi32>
      %lt3A_1963 = arith.cmpi slt, %get3A_1957, %lt3A_1962 : vector<16xi32>
      %and3A_1964 = arith.andi %ge3A_1959, %lt3A_1963 : vector<16xi1>
      %sub3A_1965 = vector.broadcast %sub3A_1837 : i32 to vector<16xi32>
      %sub3A_1966 = arith.subi %get3A_1957, %sub3A_1965 : vector<16xi32>
      %jit3A_1967 = arith.constant 0 : i32
      %broadcast_in_dim3A_1968 = vector.broadcast %jit3A_1967 : i32 to vector<16xi32>
      %select_n3A_1969 = arith.select %and3A_1964, %sub3A_1966, %broadcast_in_dim3A_1968 : vector<16xi1>, vector<16xi32>
      %broadcast_in_dim3A_1970 = arith.constant 0.000000e+00 : f32
      %broadcast_in_dim3A_1971 = vector.broadcast %broadcast_in_dim3A_1970 : f32 to vector<16xf32>
      tpu.vector_store_idx %arg7[%broadcast_in_dim3A_1953, %select_n3A_1969], %broadcast_in_dim3A_1971 masked %and3A_1964 : memref<8x1024xf32, #tpu.memory_space<vmem>>[vector<16xi32>, vector<16xi32>], vector<16xf32>, vector<16xi1>
      %get3A_1972 = arith.constant 3 : i32
      %get3A_1973 = arith.index_cast %get3A_1972 : i32 to index
      %get3A_1974 = arith.constant 16 : index
      %get3A_1975 = tpu.vector_load %arg9[%get3A_1973, %get3A_1974] {strides = array<i32>} : memref<8x32xi32, #tpu.memory_space<vmem>>, vector<16xi32>,
      %ge3A_1976 = vector.broadcast %sub3A_1837 : i32 to vector<16xi32>
      %ge3A_1977 = arith.cmpi sge, %get3A_1975, %ge3A_1976 : vector<16xi32>
      %add3A_1978 = arith.constant 1024 : i32
      %add3A_1979 = arith.addi %sub3A_1837, %add3A_1978 : i32
      %lt3A_1980 = vector.broadcast %add3A_1979 : i32 to vector<16xi32>
      %lt3A_1981 = arith.cmpi slt, %get3A_1975, %lt3A_1980 : vector<16xi32>
      %and3A_1982 = arith.andi %ge3A_1977, %lt3A_1981 : vector<16xi1>
      %sub3A_1983 = vector.broadcast %sub3A_1837 : i32 to vector<16xi32>
      %sub3A_1984 = arith.subi %get3A_1975, %sub3A_1983 : vector<16xi32>
      %jit3A_1985 = arith.constant 0 : i32
      %broadcast_in_dim3A_1986 = vector.broadcast %jit3A_1985 : i32 to vector<16xi32>
      %select_n3A_1987 = arith.select %and3A_1982, %sub3A_1984, %broadcast_in_dim3A_1986 : vector<16xi1>, vector<16xi32>
      %broadcast_in_dim3A_1988 = arith.constant 0.000000e+00 : f32
      %broadcast_in_dim3A_1989 = vector.broadcast %broadcast_in_dim3A_1988 : f32 to vector<16xf32>
      tpu.vector_store_idx %arg7[%broadcast_in_dim3A_1953, %select_n3A_1987], %broadcast_in_dim3A_1989 masked %and3A_1982 : memref<8x1024xf32, #tpu.memory_space<vmem>>[vector<16xi32>, vector<16xi32>], vector<16xf32>, vector<16xi1>
      %broadcast_in_dim3A_1990 = arith.constant 4 : i32
      %broadcast_in_dim3A_1991 = vector.broadcast %broadcast_in_dim3A_1990 : i32 to vector<16xi32>
      %get3A_1992 = arith.constant 4 : i32
      %get3A_1993 = arith.index_cast %get3A_1992 : i32 to index
      %get3A_1994 = arith.constant 0 : index
      %get3A_1995 = tpu.vector_load %arg9[%get3A_1993, %get3A_1994] {strides = array<i32>} : memref<8x32xi32, #tpu.memory_space<vmem>>, vector<16xi32>,
      %ge3A_1996 = vector.broadcast %sub3A_1837 : i32 to vector<16xi32>
      %ge3A_1997 = arith.cmpi sge, %get3A_1995, %ge3A_1996 : vector<16xi32>
      %add3A_1998 = arith.constant 1024 : i32
      %add3A_1999 = arith.addi %sub3A_1837, %add3A_1998 : i32
      %lt3A_2000 = vector.broadcast %add3A_1999 : i32 to vector<16xi32>
      %lt3A_2001 = arith.cmpi slt, %get3A_1995, %lt3A_2000 : vector<16xi32>
      %and3A_2002 = arith.andi %ge3A_1997, %lt3A_2001 : vector<16xi1>
      %sub3A_2003 = vector.broadcast %sub3A_1837 : i32 to vector<16xi32>
      %sub3A_2004 = arith.subi %get3A_1995, %sub3A_2003 : vector<16xi32>
      %jit3A_2005 = arith.constant 0 : i32
      %broadcast_in_dim3A_2006 = vector.broadcast %jit3A_2005 : i32 to vector<16xi32>
      %select_n3A_2007 = arith.select %and3A_2002, %sub3A_2004, %broadcast_in_dim3A_2006 : vector<16xi1>, vector<16xi32>
      %broadcast_in_dim3A_2008 = arith.constant 0.000000e+00 : f32
      %broadcast_in_dim3A_2009 = vector.broadcast %broadcast_in_dim3A_2008 : f32 to vector<16xf32>
      tpu.vector_store_idx %arg7[%broadcast_in_dim3A_1991, %select_n3A_2007], %broadcast_in_dim3A_2009 masked %and3A_2002 : memref<8x1024xf32, #tpu.memory_space<vmem>>[vector<16xi32>, vector<16xi32>], vector<16xf32>, vector<16xi1>
      %get3A_2010 = arith.constant 4 : i32
      %get3A_2011 = arith.index_cast %get3A_2010 : i32 to index
      %get3A_2012 = arith.constant 16 : index
      %get3A_2013 = tpu.vector_load %arg9[%get3A_2011, %get3A_2012] {strides = array<i32>} : memref<8x32xi32, #tpu.memory_space<vmem>>, vector<16xi32>,
      %ge3A_2014 = vector.broadcast %sub3A_1837 : i32 to vector<16xi32>
      %ge3A_2015 = arith.cmpi sge, %get3A_2013, %ge3A_2014 : vector<16xi32>
      %add3A_2016 = arith.constant 1024 : i32
      %add3A_2017 = arith.addi %sub3A_1837, %add3A_2016 : i32
      %lt3A_2018 = vector.broadcast %add3A_2017 : i32 to vector<16xi32>
      %lt3A_2019 = arith.cmpi slt, %get3A_2013, %lt3A_2018 : vector<16xi32>
      %and3A_2020 = arith.andi %ge3A_2015, %lt3A_2019 : vector<16xi1>
      %sub3A_2021 = vector.broadcast %sub3A_1837 : i32 to vector<16xi32>
      %sub3A_2022 = arith.subi %get3A_2013, %sub3A_2021 : vector<16xi32>
      %jit3A_2023 = arith.constant 0 : i32
      %broadcast_in_dim3A_2024 = vector.broadcast %jit3A_2023 : i32 to vector<16xi32>
      %select_n3A_2025 = arith.select %and3A_2020, %sub3A_2022, %broadcast_in_dim3A_2024 : vector<16xi1>, vector<16xi32>
      %broadcast_in_dim3A_2026 = arith.constant 0.000000e+00 : f32
      %broadcast_in_dim3A_2027 = vector.broadcast %broadcast_in_dim3A_2026 : f32 to vector<16xf32>
      tpu.vector_store_idx %arg7[%broadcast_in_dim3A_1991, %select_n3A_2025], %broadcast_in_dim3A_2027 masked %and3A_2020 : memref<8x1024xf32, #tpu.memory_space<vmem>>[vector<16xi32>, vector<16xi32>], vector<16xf32>, vector<16xi1>
      %broadcast_in_dim3A_2028 = arith.constant 5 : i32
      %broadcast_in_dim3A_2029 = vector.broadcast %broadcast_in_dim3A_2028 : i32 to vector<16xi32>
      %get3A_2030 = arith.constant 5 : i32
      %get3A_2031 = arith.index_cast %get3A_2030 : i32 to index
      %get3A_2032 = arith.constant 0 : index
      %get3A_2033 = tpu.vector_load %arg9[%get3A_2031, %get3A_2032] {strides = array<i32>} : memref<8x32xi32, #tpu.memory_space<vmem>>, vector<16xi32>,
      %ge3A_2034 = vector.broadcast %sub3A_1837 : i32 to vector<16xi32>
      %ge3A_2035 = arith.cmpi sge, %get3A_2033, %ge3A_2034 : vector<16xi32>
      %add3A_2036 = arith.constant 1024 : i32
      %add3A_2037 = arith.addi %sub3A_1837, %add3A_2036 : i32
      %lt3A_2038 = vector.broadcast %add3A_2037 : i32 to vector<16xi32>
      %lt3A_2039 = arith.cmpi slt, %get3A_2033, %lt3A_2038 : vector<16xi32>
      %and3A_2040 = arith.andi %ge3A_2035, %lt3A_2039 : vector<16xi1>
      %sub3A_2041 = vector.broadcast %sub3A_1837 : i32 to vector<16xi32>
      %sub3A_2042 = arith.subi %get3A_2033, %sub3A_2041 : vector<16xi32>
      %jit3A_2043 = arith.constant 0 : i32
      %broadcast_in_dim3A_2044 = vector.broadcast %jit3A_2043 : i32 to vector<16xi32>
      %select_n3A_2045 = arith.select %and3A_2040, %sub3A_2042, %broadcast_in_dim3A_2044 : vector<16xi1>, vector<16xi32>
      %broadcast_in_dim3A_2046 = arith.constant 0.000000e+00 : f32
      %broadcast_in_dim3A_2047 = vector.broadcast %broadcast_in_dim3A_2046 : f32 to vector<16xf32>
      tpu.vector_store_idx %arg7[%broadcast_in_dim3A_2029, %select_n3A_2045], %broadcast_in_dim3A_2047 masked %and3A_2040 : memref<8x1024xf32, #tpu.memory_space<vmem>>[vector<16xi32>, vector<16xi32>], vector<16xf32>, vector<16xi1>
      %get3A_2048 = arith.constant 5 : i32
      %get3A_2049 = arith.index_cast %get3A_2048 : i32 to index
      %get3A_2050 = arith.constant 16 : index
      %get3A_2051 = tpu.vector_load %arg9[%get3A_2049, %get3A_2050] {strides = array<i32>} : memref<8x32xi32, #tpu.memory_space<vmem>>, vector<16xi32>,
      %ge3A_2052 = vector.broadcast %sub3A_1837 : i32 to vector<16xi32>
      %ge3A_2053 = arith.cmpi sge, %get3A_2051, %ge3A_2052 : vector<16xi32>
      %add3A_2054 = arith.constant 1024 : i32
      %add3A_2055 = arith.addi %sub3A_1837, %add3A_2054 : i32
      %lt3A_2056 = vector.broadcast %add3A_2055 : i32 to vector<16xi32>
      %lt3A_2057 = arith.cmpi slt, %get3A_2051, %lt3A_2056 : vector<16xi32>
      %and3A_2058 = arith.andi %ge3A_2053, %lt3A_2057 : vector<16xi1>
      %sub3A_2059 = vector.broadcast %sub3A_1837 : i32 to vector<16xi32>
      %sub3A_2060 = arith.subi %get3A_2051, %sub3A_2059 : vector<16xi32>
      %jit3A_2061 = arith.constant 0 : i32
      %broadcast_in_dim3A_2062 = vector.broadcast %jit3A_2061 : i32 to vector<16xi32>
      %select_n3A_2063 = arith.select %and3A_2058, %sub3A_2060, %broadcast_in_dim3A_2062 : vector<16xi1>, vector<16xi32>
      %broadcast_in_dim3A_2064 = arith.constant 0.000000e+00 : f32
      %broadcast_in_dim3A_2065 = vector.broadcast %broadcast_in_dim3A_2064 : f32 to vector<16xf32>
      tpu.vector_store_idx %arg7[%broadcast_in_dim3A_2029, %select_n3A_2063], %broadcast_in_dim3A_2065 masked %and3A_2058 : memref<8x1024xf32, #tpu.memory_space<vmem>>[vector<16xi32>, vector<16xi32>], vector<16xf32>, vector<16xi1>
      %broadcast_in_dim3A_2066 = arith.constant 6 : i32
      %broadcast_in_dim3A_2067 = vector.broadcast %broadcast_in_dim3A_2066 : i32 to vector<16xi32>
      %get3A_2068 = arith.constant 6 : i32
      %get3A_2069 = arith.index_cast %get3A_2068 : i32 to index
      %get3A_2070 = arith.constant 0 : index
      %get3A_2071 = tpu.vector_load %arg9[%get3A_2069, %get3A_2070] {strides = array<i32>} : memref<8x32xi32, #tpu.memory_space<vmem>>, vector<16xi32>,
      %ge3A_2072 = vector.broadcast %sub3A_1837 : i32 to vector<16xi32>
      %ge3A_2073 = arith.cmpi sge, %get3A_2071, %ge3A_2072 : vector<16xi32>
      %add3A_2074 = arith.constant 1024 : i32
      %add3A_2075 = arith.addi %sub3A_1837, %add3A_2074 : i32
      %lt3A_2076 = vector.broadcast %add3A_2075 : i32 to vector<16xi32>
      %lt3A_2077 = arith.cmpi slt, %get3A_2071, %lt3A_2076 : vector<16xi32>
      %and3A_2078 = arith.andi %ge3A_2073, %lt3A_2077 : vector<16xi1>
      %sub3A_2079 = vector.broadcast %sub3A_1837 : i32 to vector<16xi32>
      %sub3A_2080 = arith.subi %get3A_2071, %sub3A_2079 : vector<16xi32>
      %jit3A_2081 = arith.constant 0 : i32
      %broadcast_in_dim3A_2082 = vector.broadcast %jit3A_2081 : i32 to vector<16xi32>
      %select_n3A_2083 = arith.select %and3A_2078, %sub3A_2080, %broadcast_in_dim3A_2082 : vector<16xi1>, vector<16xi32>
      %broadcast_in_dim3A_2084 = arith.constant 0.000000e+00 : f32
      %broadcast_in_dim3A_2085 = vector.broadcast %broadcast_in_dim3A_2084 : f32 to vector<16xf32>
      tpu.vector_store_idx %arg7[%broadcast_in_dim3A_2067, %select_n3A_2083], %broadcast_in_dim3A_2085 masked %and3A_2078 : memref<8x1024xf32, #tpu.memory_space<vmem>>[vector<16xi32>, vector<16xi32>], vector<16xf32>, vector<16xi1>
      %get3A_2086 = arith.constant 6 : i32
      %get3A_2087 = arith.index_cast %get3A_2086 : i32 to index
      %get3A_2088 = arith.constant 16 : index
      %get3A_2089 = tpu.vector_load %arg9[%get3A_2087, %get3A_2088] {strides = array<i32>} : memref<8x32xi32, #tpu.memory_space<vmem>>, vector<16xi32>,
      %ge3A_2090 = vector.broadcast %sub3A_1837 : i32 to vector<16xi32>
      %ge3A_2091 = arith.cmpi sge, %get3A_2089, %ge3A_2090 : vector<16xi32>
      %add3A_2092 = arith.constant 1024 : i32
      %add3A_2093 = arith.addi %sub3A_1837, %add3A_2092 : i32
      %lt3A_2094 = vector.broadcast %add3A_2093 : i32 to vector<16xi32>
      %lt3A_2095 = arith.cmpi slt, %get3A_2089, %lt3A_2094 : vector<16xi32>
      %and3A_2096 = arith.andi %ge3A_2091, %lt3A_2095 : vector<16xi1>
      %sub3A_2097 = vector.broadcast %sub3A_1837 : i32 to vector<16xi32>
      %sub3A_2098 = arith.subi %get3A_2089, %sub3A_2097 : vector<16xi32>
      %jit3A_2099 = arith.constant 0 : i32
      %broadcast_in_dim3A_2100 = vector.broadcast %jit3A_2099 : i32 to vector<16xi32>
      %select_n3A_2101 = arith.select %and3A_2096, %sub3A_2098, %broadcast_in_dim3A_2100 : vector<16xi1>, vector<16xi32>
      %broadcast_in_dim3A_2102 = arith.constant 0.000000e+00 : f32
      %broadcast_in_dim3A_2103 = vector.broadcast %broadcast_in_dim3A_2102 : f32 to vector<16xf32>
      tpu.vector_store_idx %arg7[%broadcast_in_dim3A_2067, %select_n3A_2101], %broadcast_in_dim3A_2103 masked %and3A_2096 : memref<8x1024xf32, #tpu.memory_space<vmem>>[vector<16xi32>, vector<16xi32>], vector<16xf32>, vector<16xi1>
      %broadcast_in_dim3A_2104 = arith.constant 7 : i32
      %broadcast_in_dim3A_2105 = vector.broadcast %broadcast_in_dim3A_2104 : i32 to vector<16xi32>
      %get3A_2106 = arith.constant 7 : i32
      %get3A_2107 = arith.index_cast %get3A_2106 : i32 to index
      %get3A_2108 = arith.constant 0 : index
      %get3A_2109 = tpu.vector_load %arg9[%get3A_2107, %get3A_2108] {strides = array<i32>} : memref<8x32xi32, #tpu.memory_space<vmem>>, vector<16xi32>,
      %ge3A_2110 = vector.broadcast %sub3A_1837 : i32 to vector<16xi32>
      %ge3A_2111 = arith.cmpi sge, %get3A_2109, %ge3A_2110 : vector<16xi32>
      %add3A_2112 = arith.constant 1024 : i32
      %add3A_2113 = arith.addi %sub3A_1837, %add3A_2112 : i32
      %lt3A_2114 = vector.broadcast %add3A_2113 : i32 to vector<16xi32>
      %lt3A_2115 = arith.cmpi slt, %get3A_2109, %lt3A_2114 : vector<16xi32>
      %and3A_2116 = arith.andi %ge3A_2111, %lt3A_2115 : vector<16xi1>
      %sub3A_2117 = vector.broadcast %sub3A_1837 : i32 to vector<16xi32>
      %sub3A_2118 = arith.subi %get3A_2109, %sub3A_2117 : vector<16xi32>
      %jit3A_2119 = arith.constant 0 : i32
      %broadcast_in_dim3A_2120 = vector.broadcast %jit3A_2119 : i32 to vector<16xi32>
      %select_n3A_2121 = arith.select %and3A_2116, %sub3A_2118, %broadcast_in_dim3A_2120 : vector<16xi1>, vector<16xi32>
      %broadcast_in_dim3A_2122 = arith.constant 0.000000e+00 : f32
      %broadcast_in_dim3A_2123 = vector.broadcast %broadcast_in_dim3A_2122 : f32 to vector<16xf32>
      tpu.vector_store_idx %arg7[%broadcast_in_dim3A_2105, %select_n3A_2121], %broadcast_in_dim3A_2123 masked %and3A_2116 : memref<8x1024xf32, #tpu.memory_space<vmem>>[vector<16xi32>, vector<16xi32>], vector<16xf32>, vector<16xi1>
      %get3A_2124 = arith.constant 7 : i32
      %get3A_2125 = arith.index_cast %get3A_2124 : i32 to index
      %get3A_2126 = arith.constant 16 : index
      %get3A_2127 = tpu.vector_load %arg9[%get3A_2125, %get3A_2126] {strides = array<i32>} : memref<8x32xi32, #tpu.memory_space<vmem>>, vector<16xi32>,
      %ge3A_2128 = vector.broadcast %sub3A_1837 : i32 to vector<16xi32>
      %ge3A_2129 = arith.cmpi sge, %get3A_2127, %ge3A_2128 : vector<16xi32>
      %add3A_2130 = arith.constant 1024 : i32
      %add3A_2131 = arith.addi %sub3A_1837, %add3A_2130 : i32
      %lt3A_2132 = vector.broadcast %add3A_2131 : i32 to vector<16xi32>
      %lt3A_2133 = arith.cmpi slt, %get3A_2127, %lt3A_2132 : vector<16xi32>
      %and3A_2134 = arith.andi %ge3A_2129, %lt3A_2133 : vector<16xi1>
      %sub3A_2135 = vector.broadcast %sub3A_1837 : i32 to vector<16xi32>
      %sub3A_2136 = arith.subi %get3A_2127, %sub3A_2135 : vector<16xi32>
      %jit3A_2137 = arith.constant 0 : i32
      %broadcast_in_dim3A_2138 = vector.broadcast %jit3A_2137 : i32 to vector<16xi32>
      %select_n3A_2139 = arith.select %and3A_2134, %sub3A_2136, %broadcast_in_dim3A_2138 : vector<16xi1>, vector<16xi32>
      %broadcast_in_dim3A_2140 = arith.constant 0.000000e+00 : f32
      %broadcast_in_dim3A_2141 = vector.broadcast %broadcast_in_dim3A_2140 : f32 to vector<16xf32>
      tpu.vector_store_idx %arg7[%broadcast_in_dim3A_2105, %select_n3A_2139], %broadcast_in_dim3A_2141 masked %and3A_2134 : memref<8x1024xf32, #tpu.memory_space<vmem>>[vector<16xi32>, vector<16xi32>], vector<16xf32>, vector<16xi1>
      %broadcast_in_dim3A_2142 = arith.constant 0 : i32
      %broadcast_in_dim3A_2143 = vector.broadcast %broadcast_in_dim3A_2142 : i32 to vector<16xi32>
      %get3A_2144 = arith.constant 0 : i32
      %get3A_2145 = arith.index_cast %get3A_2144 : i32 to index
      %get3A_2146 = arith.constant 0 : index
      %get3A_2147 = tpu.vector_load %arg9[%get3A_2145, %get3A_2146] {strides = array<i32>} : memref<8x32xi32, #tpu.memory_space<vmem>>, vector<16xi32>,
      %ge3A_2148 = vector.broadcast %mul3A_1827 : i32 to vector<16xi32>
      %ge3A_2149 = arith.cmpi sge, %get3A_2147, %ge3A_2148 : vector<16xi32>
      %add3A_2150 = arith.constant 1024 : i32
      %add3A_2151 = arith.addi %mul3A_1827, %add3A_2150 : i32
      %lt3A_2152 = vector.broadcast %add3A_2151 : i32 to vector<16xi32>
      %lt3A_2153 = arith.cmpi slt, %get3A_2147, %lt3A_2152 : vector<16xi32>
      %and3A_2154 = arith.andi %ge3A_2149, %lt3A_2153 : vector<16xi1>
      %sub3A_2155 = vector.broadcast %mul3A_1827 : i32 to vector<16xi32>
      %sub3A_2156 = arith.subi %get3A_2147, %sub3A_2155 : vector<16xi32>
      %jit3A_2157 = arith.constant 0 : i32
      %broadcast_in_dim3A_2158 = vector.broadcast %jit3A_2157 : i32 to vector<16xi32>
      %select_n3A_2159 = arith.select %and3A_2154, %sub3A_2156, %broadcast_in_dim3A_2158 : vector<16xi1>, vector<16xi32>
      %get3A_2160 = arith.constant 0 : i32
      %get3A_2161 = arith.index_cast %get3A_2160 : i32 to index
      %get3A_2162 = arith.constant 0 : index
      %get3A_2163 = tpu.vector_load %arg10[%get3A_2161, %get3A_2162] {strides = array<i32>} : memref<8x32xf32, #tpu.memory_space<vmem>>, vector<16xf32>,
      tpu.vector_store_idx %arg7[%broadcast_in_dim3A_2143, %select_n3A_2159], %get3A_2163 masked %and3A_2154 : memref<8x1024xf32, #tpu.memory_space<vmem>>[vector<16xi32>, vector<16xi32>], vector<16xf32>, vector<16xi1>
      %get3A_2164 = arith.constant 0 : i32
      %get3A_2165 = arith.index_cast %get3A_2164 : i32 to index
      %get3A_2166 = arith.constant 16 : index
      %get3A_2167 = tpu.vector_load %arg9[%get3A_2165, %get3A_2166] {strides = array<i32>} : memref<8x32xi32, #tpu.memory_space<vmem>>, vector<16xi32>,
      %ge3A_2168 = vector.broadcast %mul3A_1827 : i32 to vector<16xi32>
      %ge3A_2169 = arith.cmpi sge, %get3A_2167, %ge3A_2168 : vector<16xi32>
      %add3A_2170 = arith.constant 1024 : i32
      %add3A_2171 = arith.addi %mul3A_1827, %add3A_2170 : i32
      %lt3A_2172 = vector.broadcast %add3A_2171 : i32 to vector<16xi32>
      %lt3A_2173 = arith.cmpi slt, %get3A_2167, %lt3A_2172 : vector<16xi32>
      %and3A_2174 = arith.andi %ge3A_2169, %lt3A_2173 : vector<16xi1>
      %sub3A_2175 = vector.broadcast %mul3A_1827 : i32 to vector<16xi32>
      %sub3A_2176 = arith.subi %get3A_2167, %sub3A_2175 : vector<16xi32>
      %jit3A_2177 = arith.constant 0 : i32
      %broadcast_in_dim3A_2178 = vector.broadcast %jit3A_2177 : i32 to vector<16xi32>
      %select_n3A_2179 = arith.select %and3A_2174, %sub3A_2176, %broadcast_in_dim3A_2178 : vector<16xi1>, vector<16xi32>
      %get3A_2180 = arith.constant 0 : i32
      %get3A_2181 = arith.index_cast %get3A_2180 : i32 to index
      %get3A_2182 = arith.constant 16 : index
      %get3A_2183 = tpu.vector_load %arg10[%get3A_2181, %get3A_2182] {strides = array<i32>} : memref<8x32xf32, #tpu.memory_space<vmem>>, vector<16xf32>,
      tpu.vector_store_idx %arg7[%broadcast_in_dim3A_2143, %select_n3A_2179], %get3A_2183 masked %and3A_2174 : memref<8x1024xf32, #tpu.memory_space<vmem>>[vector<16xi32>, vector<16xi32>], vector<16xf32>, vector<16xi1>
      %broadcast_in_dim3A_2184 = arith.constant 1 : i32
      %broadcast_in_dim3A_2185 = vector.broadcast %broadcast_in_dim3A_2184 : i32 to vector<16xi32>
      %get3A_2186 = arith.constant 1 : i32
      %get3A_2187 = arith.index_cast %get3A_2186 : i32 to index
      %get3A_2188 = arith.constant 0 : index
      %get3A_2189 = tpu.vector_load %arg9[%get3A_2187, %get3A_2188] {strides = array<i32>} : memref<8x32xi32, #tpu.memory_space<vmem>>, vector<16xi32>,
      %ge3A_2190 = vector.broadcast %mul3A_1827 : i32 to vector<16xi32>
      %ge3A_2191 = arith.cmpi sge, %get3A_2189, %ge3A_2190 : vector<16xi32>
      %add3A_2192 = arith.constant 1024 : i32
      %add3A_2193 = arith.addi %mul3A_1827, %add3A_2192 : i32
      %lt3A_2194 = vector.broadcast %add3A_2193 : i32 to vector<16xi32>
      %lt3A_2195 = arith.cmpi slt, %get3A_2189, %lt3A_2194 : vector<16xi32>
      %and3A_2196 = arith.andi %ge3A_2191, %lt3A_2195 : vector<16xi1>
      %sub3A_2197 = vector.broadcast %mul3A_1827 : i32 to vector<16xi32>
      %sub3A_2198 = arith.subi %get3A_2189, %sub3A_2197 : vector<16xi32>
      %jit3A_2199 = arith.constant 0 : i32
      %broadcast_in_dim3A_2200 = vector.broadcast %jit3A_2199 : i32 to vector<16xi32>
      %select_n3A_2201 = arith.select %and3A_2196, %sub3A_2198, %broadcast_in_dim3A_2200 : vector<16xi1>, vector<16xi32>
      %get3A_2202 = arith.constant 1 : i32
      %get3A_2203 = arith.index_cast %get3A_2202 : i32 to index
      %get3A_2204 = arith.constant 0 : index
      %get3A_2205 = tpu.vector_load %arg10[%get3A_2203, %get3A_2204] {strides = array<i32>} : memref<8x32xf32, #tpu.memory_space<vmem>>, vector<16xf32>,
      tpu.vector_store_idx %arg7[%broadcast_in_dim3A_2185, %select_n3A_2201], %get3A_2205 masked %and3A_2196 : memref<8x1024xf32, #tpu.memory_space<vmem>>[vector<16xi32>, vector<16xi32>], vector<16xf32>, vector<16xi1>
      %get3A_2206 = arith.constant 1 : i32
      %get3A_2207 = arith.index_cast %get3A_2206 : i32 to index
      %get3A_2208 = arith.constant 16 : index
      %get3A_2209 = tpu.vector_load %arg9[%get3A_2207, %get3A_2208] {strides = array<i32>} : memref<8x32xi32, #tpu.memory_space<vmem>>, vector<16xi32>,
      %ge3A_2210 = vector.broadcast %mul3A_1827 : i32 to vector<16xi32>
      %ge3A_2211 = arith.cmpi sge, %get3A_2209, %ge3A_2210 : vector<16xi32>
      %add3A_2212 = arith.constant 1024 : i32
      %add3A_2213 = arith.addi %mul3A_1827, %add3A_2212 : i32
      %lt3A_2214 = vector.broadcast %add3A_2213 : i32 to vector<16xi32>
      %lt3A_2215 = arith.cmpi slt, %get3A_2209, %lt3A_2214 : vector<16xi32>
      %and3A_2216 = arith.andi %ge3A_2211, %lt3A_2215 : vector<16xi1>
      %sub3A_2217 = vector.broadcast %mul3A_1827 : i32 to vector<16xi32>
      %sub3A_2218 = arith.subi %get3A_2209, %sub3A_2217 : vector<16xi32>
      %jit3A_2219 = arith.constant 0 : i32
      %broadcast_in_dim3A_2220 = vector.broadcast %jit3A_2219 : i32 to vector<16xi32>
      %select_n3A_2221 = arith.select %and3A_2216, %sub3A_2218, %broadcast_in_dim3A_2220 : vector<16xi1>, vector<16xi32>
      %get3A_2222 = arith.constant 1 : i32
      %get3A_2223 = arith.index_cast %get3A_2222 : i32 to index
      %get3A_2224 = arith.constant 16 : index
      %get3A_2225 = tpu.vector_load %arg10[%get3A_2223, %get3A_2224] {strides = array<i32>} : memref<8x32xf32, #tpu.memory_space<vmem>>, vector<16xf32>,
      tpu.vector_store_idx %arg7[%broadcast_in_dim3A_2185, %select_n3A_2221], %get3A_2225 masked %and3A_2216 : memref<8x1024xf32, #tpu.memory_space<vmem>>[vector<16xi32>, vector<16xi32>], vector<16xf32>, vector<16xi1>
      %broadcast_in_dim3A_2226 = arith.constant 2 : i32
      %broadcast_in_dim3A_2227 = vector.broadcast %broadcast_in_dim3A_2226 : i32 to vector<16xi32>
      %get3A_2228 = arith.constant 2 : i32
      %get3A_2229 = arith.index_cast %get3A_2228 : i32 to index
      %get3A_2230 = arith.constant 0 : index
      %get3A_2231 = tpu.vector_load %arg9[%get3A_2229, %get3A_2230] {strides = array<i32>} : memref<8x32xi32, #tpu.memory_space<vmem>>, vector<16xi32>,
      %ge3A_2232 = vector.broadcast %mul3A_1827 : i32 to vector<16xi32>
      %ge3A_2233 = arith.cmpi sge, %get3A_2231, %ge3A_2232 : vector<16xi32>
      %add3A_2234 = arith.constant 1024 : i32
      %add3A_2235 = arith.addi %mul3A_1827, %add3A_2234 : i32
      %lt3A_2236 = vector.broadcast %add3A_2235 : i32 to vector<16xi32>
      %lt3A_2237 = arith.cmpi slt, %get3A_2231, %lt3A_2236 : vector<16xi32>
      %and3A_2238 = arith.andi %ge3A_2233, %lt3A_2237 : vector<16xi1>
      %sub3A_2239 = vector.broadcast %mul3A_1827 : i32 to vector<16xi32>
      %sub3A_2240 = arith.subi %get3A_2231, %sub3A_2239 : vector<16xi32>
      %jit3A_2241 = arith.constant 0 : i32
      %broadcast_in_dim3A_2242 = vector.broadcast %jit3A_2241 : i32 to vector<16xi32>
      %select_n3A_2243 = arith.select %and3A_2238, %sub3A_2240, %broadcast_in_dim3A_2242 : vector<16xi1>, vector<16xi32>
      %get3A_2244 = arith.constant 2 : i32
      %get3A_2245 = arith.index_cast %get3A_2244 : i32 to index
      %get3A_2246 = arith.constant 0 : index
      %get3A_2247 = tpu.vector_load %arg10[%get3A_2245, %get3A_2246] {strides = array<i32>} : memref<8x32xf32, #tpu.memory_space<vmem>>, vector<16xf32>,
      tpu.vector_store_idx %arg7[%broadcast_in_dim3A_2227, %select_n3A_2243], %get3A_2247 masked %and3A_2238 : memref<8x1024xf32, #tpu.memory_space<vmem>>[vector<16xi32>, vector<16xi32>], vector<16xf32>, vector<16xi1>
      %get3A_2248 = arith.constant 2 : i32
      %get3A_2249 = arith.index_cast %get3A_2248 : i32 to index
      %get3A_2250 = arith.constant 16 : index
      %get3A_2251 = tpu.vector_load %arg9[%get3A_2249, %get3A_2250] {strides = array<i32>} : memref<8x32xi32, #tpu.memory_space<vmem>>, vector<16xi32>,
      %ge3A_2252 = vector.broadcast %mul3A_1827 : i32 to vector<16xi32>
      %ge3A_2253 = arith.cmpi sge, %get3A_2251, %ge3A_2252 : vector<16xi32>
      %add3A_2254 = arith.constant 1024 : i32
      %add3A_2255 = arith.addi %mul3A_1827, %add3A_2254 : i32
      %lt3A_2256 = vector.broadcast %add3A_2255 : i32 to vector<16xi32>
      %lt3A_2257 = arith.cmpi slt, %get3A_2251, %lt3A_2256 : vector<16xi32>
      %and3A_2258 = arith.andi %ge3A_2253, %lt3A_2257 : vector<16xi1>
      %sub3A_2259 = vector.broadcast %mul3A_1827 : i32 to vector<16xi32>
      %sub3A_2260 = arith.subi %get3A_2251, %sub3A_2259 : vector<16xi32>
      %jit3A_2261 = arith.constant 0 : i32
      %broadcast_in_dim3A_2262 = vector.broadcast %jit3A_2261 : i32 to vector<16xi32>
      %select_n3A_2263 = arith.select %and3A_2258, %sub3A_2260, %broadcast_in_dim3A_2262 : vector<16xi1>, vector<16xi32>
      %get3A_2264 = arith.constant 2 : i32
      %get3A_2265 = arith.index_cast %get3A_2264 : i32 to index
      %get3A_2266 = arith.constant 16 : index
      %get3A_2267 = tpu.vector_load %arg10[%get3A_2265, %get3A_2266] {strides = array<i32>} : memref<8x32xf32, #tpu.memory_space<vmem>>, vector<16xf32>,
      tpu.vector_store_idx %arg7[%broadcast_in_dim3A_2227, %select_n3A_2263], %get3A_2267 masked %and3A_2258 : memref<8x1024xf32, #tpu.memory_space<vmem>>[vector<16xi32>, vector<16xi32>], vector<16xf32>, vector<16xi1>
      %broadcast_in_dim3A_2268 = arith.constant 3 : i32
      %broadcast_in_dim3A_2269 = vector.broadcast %broadcast_in_dim3A_2268 : i32 to vector<16xi32>
      %get3A_2270 = arith.constant 3 : i32
      %get3A_2271 = arith.index_cast %get3A_2270 : i32 to index
      %get3A_2272 = arith.constant 0 : index
      %get3A_2273 = tpu.vector_load %arg9[%get3A_2271, %get3A_2272] {strides = array<i32>} : memref<8x32xi32, #tpu.memory_space<vmem>>, vector<16xi32>,
      %ge3A_2274 = vector.broadcast %mul3A_1827 : i32 to vector<16xi32>
      %ge3A_2275 = arith.cmpi sge, %get3A_2273, %ge3A_2274 : vector<16xi32>
      %add3A_2276 = arith.constant 1024 : i32
      %add3A_2277 = arith.addi %mul3A_1827, %add3A_2276 : i32
      %lt3A_2278 = vector.broadcast %add3A_2277 : i32 to vector<16xi32>
      %lt3A_2279 = arith.cmpi slt, %get3A_2273, %lt3A_2278 : vector<16xi32>
      %and3A_2280 = arith.andi %ge3A_2275, %lt3A_2279 : vector<16xi1>
      %sub3A_2281 = vector.broadcast %mul3A_1827 : i32 to vector<16xi32>
      %sub3A_2282 = arith.subi %get3A_2273, %sub3A_2281 : vector<16xi32>
      %jit3A_2283 = arith.constant 0 : i32
      %broadcast_in_dim3A_2284 = vector.broadcast %jit3A_2283 : i32 to vector<16xi32>
      %select_n3A_2285 = arith.select %and3A_2280, %sub3A_2282, %broadcast_in_dim3A_2284 : vector<16xi1>, vector<16xi32>
      %get3A_2286 = arith.constant 3 : i32
      %get3A_2287 = arith.index_cast %get3A_2286 : i32 to index
      %get3A_2288 = arith.constant 0 : index
      %get3A_2289 = tpu.vector_load %arg10[%get3A_2287, %get3A_2288] {strides = array<i32>} : memref<8x32xf32, #tpu.memory_space<vmem>>, vector<16xf32>,
      tpu.vector_store_idx %arg7[%broadcast_in_dim3A_2269, %select_n3A_2285], %get3A_2289 masked %and3A_2280 : memref<8x1024xf32, #tpu.memory_space<vmem>>[vector<16xi32>, vector<16xi32>], vector<16xf32>, vector<16xi1>
      %get3A_2290 = arith.constant 3 : i32
      %get3A_2291 = arith.index_cast %get3A_2290 : i32 to index
      %get3A_2292 = arith.constant 16 : index
      %get3A_2293 = tpu.vector_load %arg9[%get3A_2291, %get3A_2292] {strides = array<i32>} : memref<8x32xi32, #tpu.memory_space<vmem>>, vector<16xi32>,
      %ge3A_2294 = vector.broadcast %mul3A_1827 : i32 to vector<16xi32>
      %ge3A_2295 = arith.cmpi sge, %get3A_2293, %ge3A_2294 : vector<16xi32>
      %add3A_2296 = arith.constant 1024 : i32
      %add3A_2297 = arith.addi %mul3A_1827, %add3A_2296 : i32
      %lt3A_2298 = vector.broadcast %add3A_2297 : i32 to vector<16xi32>
      %lt3A_2299 = arith.cmpi slt, %get3A_2293, %lt3A_2298 : vector<16xi32>
      %and3A_2300 = arith.andi %ge3A_2295, %lt3A_2299 : vector<16xi1>
      %sub3A_2301 = vector.broadcast %mul3A_1827 : i32 to vector<16xi32>
      %sub3A_2302 = arith.subi %get3A_2293, %sub3A_2301 : vector<16xi32>
      %jit3A_2303 = arith.constant 0 : i32
      %broadcast_in_dim3A_2304 = vector.broadcast %jit3A_2303 : i32 to vector<16xi32>
      %select_n3A_2305 = arith.select %and3A_2300, %sub3A_2302, %broadcast_in_dim3A_2304 : vector<16xi1>, vector<16xi32>
      %get3A_2306 = arith.constant 3 : i32
      %get3A_2307 = arith.index_cast %get3A_2306 : i32 to index
      %get3A_2308 = arith.constant 16 : index
      %get3A_2309 = tpu.vector_load %arg10[%get3A_2307, %get3A_2308] {strides = array<i32>} : memref<8x32xf32, #tpu.memory_space<vmem>>, vector<16xf32>,
      tpu.vector_store_idx %arg7[%broadcast_in_dim3A_2269, %select_n3A_2305], %get3A_2309 masked %and3A_2300 : memref<8x1024xf32, #tpu.memory_space<vmem>>[vector<16xi32>, vector<16xi32>], vector<16xf32>, vector<16xi1>
      %broadcast_in_dim3A_2310 = arith.constant 4 : i32
      %broadcast_in_dim3A_2311 = vector.broadcast %broadcast_in_dim3A_2310 : i32 to vector<16xi32>
      %get3A_2312 = arith.constant 4 : i32
      %get3A_2313 = arith.index_cast %get3A_2312 : i32 to index
      %get3A_2314 = arith.constant 0 : index
      %get3A_2315 = tpu.vector_load %arg9[%get3A_2313, %get3A_2314] {strides = array<i32>} : memref<8x32xi32, #tpu.memory_space<vmem>>, vector<16xi32>,
      %ge3A_2316 = vector.broadcast %mul3A_1827 : i32 to vector<16xi32>
      %ge3A_2317 = arith.cmpi sge, %get3A_2315, %ge3A_2316 : vector<16xi32>
      %add3A_2318 = arith.constant 1024 : i32
      %add3A_2319 = arith.addi %mul3A_1827, %add3A_2318 : i32
      %lt3A_2320 = vector.broadcast %add3A_2319 : i32 to vector<16xi32>
      %lt3A_2321 = arith.cmpi slt, %get3A_2315, %lt3A_2320 : vector<16xi32>
      %and3A_2322 = arith.andi %ge3A_2317, %lt3A_2321 : vector<16xi1>
      %sub3A_2323 = vector.broadcast %mul3A_1827 : i32 to vector<16xi32>
      %sub3A_2324 = arith.subi %get3A_2315, %sub3A_2323 : vector<16xi32>
      %jit3A_2325 = arith.constant 0 : i32
      %broadcast_in_dim3A_2326 = vector.broadcast %jit3A_2325 : i32 to vector<16xi32>
      %select_n3A_2327 = arith.select %and3A_2322, %sub3A_2324, %broadcast_in_dim3A_2326 : vector<16xi1>, vector<16xi32>
      %get3A_2328 = arith.constant 4 : i32
      %get3A_2329 = arith.index_cast %get3A_2328 : i32 to index
      %get3A_2330 = arith.constant 0 : index
      %get3A_2331 = tpu.vector_load %arg10[%get3A_2329, %get3A_2330] {strides = array<i32>} : memref<8x32xf32, #tpu.memory_space<vmem>>, vector<16xf32>,
      tpu.vector_store_idx %arg7[%broadcast_in_dim3A_2311, %select_n3A_2327], %get3A_2331 masked %and3A_2322 : memref<8x1024xf32, #tpu.memory_space<vmem>>[vector<16xi32>, vector<16xi32>], vector<16xf32>, vector<16xi1>
      %get3A_2332 = arith.constant 4 : i32
      %get3A_2333 = arith.index_cast %get3A_2332 : i32 to index
      %get3A_2334 = arith.constant 16 : index
      %get3A_2335 = tpu.vector_load %arg9[%get3A_2333, %get3A_2334] {strides = array<i32>} : memref<8x32xi32, #tpu.memory_space<vmem>>, vector<16xi32>,
      %ge3A_2336 = vector.broadcast %mul3A_1827 : i32 to vector<16xi32>
      %ge3A_2337 = arith.cmpi sge, %get3A_2335, %ge3A_2336 : vector<16xi32>
      %add3A_2338 = arith.constant 1024 : i32
      %add3A_2339 = arith.addi %mul3A_1827, %add3A_2338 : i32
      %lt3A_2340 = vector.broadcast %add3A_2339 : i32 to vector<16xi32>
      %lt3A_2341 = arith.cmpi slt, %get3A_2335, %lt3A_2340 : vector<16xi32>
      %and3A_2342 = arith.andi %ge3A_2337, %lt3A_2341 : vector<16xi1>
      %sub3A_2343 = vector.broadcast %mul3A_1827 : i32 to vector<16xi32>
      %sub3A_2344 = arith.subi %get3A_2335, %sub3A_2343 : vector<16xi32>
      %jit3A_2345 = arith.constant 0 : i32
      %broadcast_in_dim3A_2346 = vector.broadcast %jit3A_2345 : i32 to vector<16xi32>
      %select_n3A_2347 = arith.select %and3A_2342, %sub3A_2344, %broadcast_in_dim3A_2346 : vector<16xi1>, vector<16xi32>
      %get3A_2348 = arith.constant 4 : i32
      %get3A_2349 = arith.index_cast %get3A_2348 : i32 to index
      %get3A_2350 = arith.constant 16 : index
      %get3A_2351 = tpu.vector_load %arg10[%get3A_2349, %get3A_2350] {strides = array<i32>} : memref<8x32xf32, #tpu.memory_space<vmem>>, vector<16xf32>,
      tpu.vector_store_idx %arg7[%broadcast_in_dim3A_2311, %select_n3A_2347], %get3A_2351 masked %and3A_2342 : memref<8x1024xf32, #tpu.memory_space<vmem>>[vector<16xi32>, vector<16xi32>], vector<16xf32>, vector<16xi1>
      %broadcast_in_dim3A_2352 = arith.constant 5 : i32
      %broadcast_in_dim3A_2353 = vector.broadcast %broadcast_in_dim3A_2352 : i32 to vector<16xi32>
      %get3A_2354 = arith.constant 5 : i32
      %get3A_2355 = arith.index_cast %get3A_2354 : i32 to index
      %get3A_2356 = arith.constant 0 : index
      %get3A_2357 = tpu.vector_load %arg9[%get3A_2355, %get3A_2356] {strides = array<i32>} : memref<8x32xi32, #tpu.memory_space<vmem>>, vector<16xi32>,
      %ge3A_2358 = vector.broadcast %mul3A_1827 : i32 to vector<16xi32>
      %ge3A_2359 = arith.cmpi sge, %get3A_2357, %ge3A_2358 : vector<16xi32>
      %add3A_2360 = arith.constant 1024 : i32
      %add3A_2361 = arith.addi %mul3A_1827, %add3A_2360 : i32
      %lt3A_2362 = vector.broadcast %add3A_2361 : i32 to vector<16xi32>
      %lt3A_2363 = arith.cmpi slt, %get3A_2357, %lt3A_2362 : vector<16xi32>
      %and3A_2364 = arith.andi %ge3A_2359, %lt3A_2363 : vector<16xi1>
      %sub3A_2365 = vector.broadcast %mul3A_1827 : i32 to vector<16xi32>
      %sub3A_2366 = arith.subi %get3A_2357, %sub3A_2365 : vector<16xi32>
      %jit3A_2367 = arith.constant 0 : i32
      %broadcast_in_dim3A_2368 = vector.broadcast %jit3A_2367 : i32 to vector<16xi32>
      %select_n3A_2369 = arith.select %and3A_2364, %sub3A_2366, %broadcast_in_dim3A_2368 : vector<16xi1>, vector<16xi32>
      %get3A_2370 = arith.constant 5 : i32
      %get3A_2371 = arith.index_cast %get3A_2370 : i32 to index
      %get3A_2372 = arith.constant 0 : index
      %get3A_2373 = tpu.vector_load %arg10[%get3A_2371, %get3A_2372] {strides = array<i32>} : memref<8x32xf32, #tpu.memory_space<vmem>>, vector<16xf32>,
      tpu.vector_store_idx %arg7[%broadcast_in_dim3A_2353, %select_n3A_2369], %get3A_2373 masked %and3A_2364 : memref<8x1024xf32, #tpu.memory_space<vmem>>[vector<16xi32>, vector<16xi32>], vector<16xf32>, vector<16xi1>
      %get3A_2374 = arith.constant 5 : i32
      %get3A_2375 = arith.index_cast %get3A_2374 : i32 to index
      %get3A_2376 = arith.constant 16 : index
      %get3A_2377 = tpu.vector_load %arg9[%get3A_2375, %get3A_2376] {strides = array<i32>} : memref<8x32xi32, #tpu.memory_space<vmem>>, vector<16xi32>,
      %ge3A_2378 = vector.broadcast %mul3A_1827 : i32 to vector<16xi32>
      %ge3A_2379 = arith.cmpi sge, %get3A_2377, %ge3A_2378 : vector<16xi32>
      %add3A_2380 = arith.constant 1024 : i32
      %add3A_2381 = arith.addi %mul3A_1827, %add3A_2380 : i32
      %lt3A_2382 = vector.broadcast %add3A_2381 : i32 to vector<16xi32>
      %lt3A_2383 = arith.cmpi slt, %get3A_2377, %lt3A_2382 : vector<16xi32>
      %and3A_2384 = arith.andi %ge3A_2379, %lt3A_2383 : vector<16xi1>
      %sub3A_2385 = vector.broadcast %mul3A_1827 : i32 to vector<16xi32>
      %sub3A_2386 = arith.subi %get3A_2377, %sub3A_2385 : vector<16xi32>
      %jit3A_2387 = arith.constant 0 : i32
      %broadcast_in_dim3A_2388 = vector.broadcast %jit3A_2387 : i32 to vector<16xi32>
      %select_n3A_2389 = arith.select %and3A_2384, %sub3A_2386, %broadcast_in_dim3A_2388 : vector<16xi1>, vector<16xi32>
      %get3A_2390 = arith.constant 5 : i32
      %get3A_2391 = arith.index_cast %get3A_2390 : i32 to index
      %get3A_2392 = arith.constant 16 : index
      %get3A_2393 = tpu.vector_load %arg10[%get3A_2391, %get3A_2392] {strides = array<i32>} : memref<8x32xf32, #tpu.memory_space<vmem>>, vector<16xf32>,
      tpu.vector_store_idx %arg7[%broadcast_in_dim3A_2353, %select_n3A_2389], %get3A_2393 masked %and3A_2384 : memref<8x1024xf32, #tpu.memory_space<vmem>>[vector<16xi32>, vector<16xi32>], vector<16xf32>, vector<16xi1>
      %broadcast_in_dim3A_2394 = arith.constant 6 : i32
      %broadcast_in_dim3A_2395 = vector.broadcast %broadcast_in_dim3A_2394 : i32 to vector<16xi32>
      %get3A_2396 = arith.constant 6 : i32
      %get3A_2397 = arith.index_cast %get3A_2396 : i32 to index
      %get3A_2398 = arith.constant 0 : index
      %get3A_2399 = tpu.vector_load %arg9[%get3A_2397, %get3A_2398] {strides = array<i32>} : memref<8x32xi32, #tpu.memory_space<vmem>>, vector<16xi32>,
      %ge3A_2400 = vector.broadcast %mul3A_1827 : i32 to vector<16xi32>
      %ge3A_2401 = arith.cmpi sge, %get3A_2399, %ge3A_2400 : vector<16xi32>
      %add3A_2402 = arith.constant 1024 : i32
      %add3A_2403 = arith.addi %mul3A_1827, %add3A_2402 : i32
      %lt3A_2404 = vector.broadcast %add3A_2403 : i32 to vector<16xi32>
      %lt3A_2405 = arith.cmpi slt, %get3A_2399, %lt3A_2404 : vector<16xi32>
      %and3A_2406 = arith.andi %ge3A_2401, %lt3A_2405 : vector<16xi1>
      %sub3A_2407 = vector.broadcast %mul3A_1827 : i32 to vector<16xi32>
      %sub3A_2408 = arith.subi %get3A_2399, %sub3A_2407 : vector<16xi32>
      %jit3A_2409 = arith.constant 0 : i32
      %broadcast_in_dim3A_2410 = vector.broadcast %jit3A_2409 : i32 to vector<16xi32>
      %select_n3A_2411 = arith.select %and3A_2406, %sub3A_2408, %broadcast_in_dim3A_2410 : vector<16xi1>, vector<16xi32>
      %get3A_2412 = arith.constant 6 : i32
      %get3A_2413 = arith.index_cast %get3A_2412 : i32 to index
      %get3A_2414 = arith.constant 0 : index
      %get3A_2415 = tpu.vector_load %arg10[%get3A_2413, %get3A_2414] {strides = array<i32>} : memref<8x32xf32, #tpu.memory_space<vmem>>, vector<16xf32>,
      tpu.vector_store_idx %arg7[%broadcast_in_dim3A_2395, %select_n3A_2411], %get3A_2415 masked %and3A_2406 : memref<8x1024xf32, #tpu.memory_space<vmem>>[vector<16xi32>, vector<16xi32>], vector<16xf32>, vector<16xi1>
      %get3A_2416 = arith.constant 6 : i32
      %get3A_2417 = arith.index_cast %get3A_2416 : i32 to index
      %get3A_2418 = arith.constant 16 : index
      %get3A_2419 = tpu.vector_load %arg9[%get3A_2417, %get3A_2418] {strides = array<i32>} : memref<8x32xi32, #tpu.memory_space<vmem>>, vector<16xi32>,
      %ge3A_2420 = vector.broadcast %mul3A_1827 : i32 to vector<16xi32>
      %ge3A_2421 = arith.cmpi sge, %get3A_2419, %ge3A_2420 : vector<16xi32>
      %add3A_2422 = arith.constant 1024 : i32
      %add3A_2423 = arith.addi %mul3A_1827, %add3A_2422 : i32
      %lt3A_2424 = vector.broadcast %add3A_2423 : i32 to vector<16xi32>
      %lt3A_2425 = arith.cmpi slt, %get3A_2419, %lt3A_2424 : vector<16xi32>
      %and3A_2426 = arith.andi %ge3A_2421, %lt3A_2425 : vector<16xi1>
      %sub3A_2427 = vector.broadcast %mul3A_1827 : i32 to vector<16xi32>
      %sub3A_2428 = arith.subi %get3A_2419, %sub3A_2427 : vector<16xi32>
      %jit3A_2429 = arith.constant 0 : i32
      %broadcast_in_dim3A_2430 = vector.broadcast %jit3A_2429 : i32 to vector<16xi32>
      %select_n3A_2431 = arith.select %and3A_2426, %sub3A_2428, %broadcast_in_dim3A_2430 : vector<16xi1>, vector<16xi32>
      %get3A_2432 = arith.constant 6 : i32
      %get3A_2433 = arith.index_cast %get3A_2432 : i32 to index
      %get3A_2434 = arith.constant 16 : index
      %get3A_2435 = tpu.vector_load %arg10[%get3A_2433, %get3A_2434] {strides = array<i32>} : memref<8x32xf32, #tpu.memory_space<vmem>>, vector<16xf32>,
      tpu.vector_store_idx %arg7[%broadcast_in_dim3A_2395, %select_n3A_2431], %get3A_2435 masked %and3A_2426 : memref<8x1024xf32, #tpu.memory_space<vmem>>[vector<16xi32>, vector<16xi32>], vector<16xf32>, vector<16xi1>
      %broadcast_in_dim3A_2436 = arith.constant 7 : i32
      %broadcast_in_dim3A_2437 = vector.broadcast %broadcast_in_dim3A_2436 : i32 to vector<16xi32>
      %get3A_2438 = arith.constant 7 : i32
      %get3A_2439 = arith.index_cast %get3A_2438 : i32 to index
      %get3A_2440 = arith.constant 0 : index
      %get3A_2441 = tpu.vector_load %arg9[%get3A_2439, %get3A_2440] {strides = array<i32>} : memref<8x32xi32, #tpu.memory_space<vmem>>, vector<16xi32>,
      %ge3A_2442 = vector.broadcast %mul3A_1827 : i32 to vector<16xi32>
      %ge3A_2443 = arith.cmpi sge, %get3A_2441, %ge3A_2442 : vector<16xi32>
      %add3A_2444 = arith.constant 1024 : i32
      %add3A_2445 = arith.addi %mul3A_1827, %add3A_2444 : i32
      %lt3A_2446 = vector.broadcast %add3A_2445 : i32 to vector<16xi32>
      %lt3A_2447 = arith.cmpi slt, %get3A_2441, %lt3A_2446 : vector<16xi32>
      %and3A_2448 = arith.andi %ge3A_2443, %lt3A_2447 : vector<16xi1>
      %sub3A_2449 = vector.broadcast %mul3A_1827 : i32 to vector<16xi32>
      %sub3A_2450 = arith.subi %get3A_2441, %sub3A_2449 : vector<16xi32>
      %jit3A_2451 = arith.constant 0 : i32
      %broadcast_in_dim3A_2452 = vector.broadcast %jit3A_2451 : i32 to vector<16xi32>
      %select_n3A_2453 = arith.select %and3A_2448, %sub3A_2450, %broadcast_in_dim3A_2452 : vector<16xi1>, vector<16xi32>
      %get3A_2454 = arith.constant 7 : i32
      %get3A_2455 = arith.index_cast %get3A_2454 : i32 to index
      %get3A_2456 = arith.constant 0 : index
      %get3A_2457 = tpu.vector_load %arg10[%get3A_2455, %get3A_2456] {strides = array<i32>} : memref<8x32xf32, #tpu.memory_space<vmem>>, vector<16xf32>,
      tpu.vector_store_idx %arg7[%broadcast_in_dim3A_2437, %select_n3A_2453], %get3A_2457 masked %and3A_2448 : memref<8x1024xf32, #tpu.memory_space<vmem>>[vector<16xi32>, vector<16xi32>], vector<16xf32>, vector<16xi1>
      %get3A_2458 = arith.constant 7 : i32
      %get3A_2459 = arith.index_cast %get3A_2458 : i32 to index
      %get3A_2460 = arith.constant 16 : index
      %get3A_2461 = tpu.vector_load %arg9[%get3A_2459, %get3A_2460] {strides = array<i32>} : memref<8x32xi32, #tpu.memory_space<vmem>>, vector<16xi32>,
      %ge3A_2462 = vector.broadcast %mul3A_1827 : i32 to vector<16xi32>
      %ge3A_2463 = arith.cmpi sge, %get3A_2461, %ge3A_2462 : vector<16xi32>
      %add3A_2464 = arith.constant 1024 : i32
      %add3A_2465 = arith.addi %mul3A_1827, %add3A_2464 : i32
      %lt3A_2466 = vector.broadcast %add3A_2465 : i32 to vector<16xi32>
      %lt3A_2467 = arith.cmpi slt, %get3A_2461, %lt3A_2466 : vector<16xi32>
      %and3A_2468 = arith.andi %ge3A_2463, %lt3A_2467 : vector<16xi1>
      %sub3A_2469 = vector.broadcast %mul3A_1827 : i32 to vector<16xi32>
      %sub3A_2470 = arith.subi %get3A_2461, %sub3A_2469 : vector<16xi32>
      %jit3A_2471 = arith.constant 0 : i32
      %broadcast_in_dim3A_2472 = vector.broadcast %jit3A_2471 : i32 to vector<16xi32>
      %select_n3A_2473 = arith.select %and3A_2468, %sub3A_2470, %broadcast_in_dim3A_2472 : vector<16xi1>, vector<16xi32>
      %get3A_2474 = arith.constant 7 : i32
      %get3A_2475 = arith.index_cast %get3A_2474 : i32 to index
      %get3A_2476 = arith.constant 16 : index
      %get3A_2477 = tpu.vector_load %arg10[%get3A_2475, %get3A_2476] {strides = array<i32>} : memref<8x32xf32, #tpu.memory_space<vmem>>, vector<16xf32>,
      tpu.vector_store_idx %arg7[%broadcast_in_dim3A_2437, %select_n3A_2473], %get3A_2477 masked %and3A_2468 : memref<8x1024xf32, #tpu.memory_space<vmem>>[vector<16xi32>, vector<16xi32>], vector<16xf32>, vector<16xi1>
      %dma_start3A_2478 = arith.constant 0 : i32
      %dma_start3A_2479 = tpu.memref_slice %arg5[%add3A, %dma_start3A_2478, %mul3A_1827] : memref<32x8x100000xf32, #tpu.memory_space<hbm>> -> memref<1x8x1024xf32, #tpu.memory_space<hbm>>
      %dma_start3A_2480 = tpu.memref_squeeze %dma_start3A_2479 : memref<1x8x1024xf32, #tpu.memory_space<hbm>> -> memref<8x1024xf32, #tpu.memory_space<hbm>>
      %dma_start3A_2481 = arith.constant 0 : i32
      %dma_start3A_2482 = tpu.memref_slice %arg5[%add3A, %dma_start3A_2481, %mul3A_1827] : memref<32x8x100000xf32, #tpu.memory_space<hbm>> -> memref<1x8x1024xf32, #tpu.memory_space<hbm>>
      %dma_start3A_2483 = tpu.memref_squeeze %dma_start3A_2482 : memref<1x8x1024xf32, #tpu.memory_space<hbm>> -> memref<8x1024xf32, #tpu.memory_space<hbm>>
      tpu.enqueue_dma source(%arg7 : memref<8x1024xf32, #tpu.memory_space<vmem>>) target(%dma_start3A_2483 : memref<8x1024xf32, #tpu.memory_space<hbm>>) target_semaphore(%arg12 : memref<!tpu.dma_semaphore, #tpu.memory_space<semaphore_mem>>)
    }
    %scan3A_770 = arith.constant 47 : i32
    %broadcast_in_dim3A_771 = arith.constant 0 : i32
    %broadcast_in_dim3A_772 = vector.broadcast %broadcast_in_dim3A_771 : i32 to vector<16xi32>
    %get3A_773 = arith.constant 0 : i32
    %get3A_774 = arith.index_cast %get3A_773 : i32 to index
    %get3A_775 = arith.constant 0 : index
    %get3A_776 = tpu.vector_load %arg9[%get3A_774, %get3A_775] {strides = array<i32>} : memref<8x32xi32, #tpu.memory_space<vmem>>, vector<16xi32>,
    %ge3A_777 = arith.constant 98304 : i32
    %ge3A_778 = vector.broadcast %ge3A_777 : i32 to vector<16xi32>
    %ge3A_779 = arith.cmpi sge, %get3A_776, %ge3A_778 : vector<16xi32>
    %lt3A_780 = arith.constant 100000 : i32
    %lt3A_781 = vector.broadcast %lt3A_780 : i32 to vector<16xi32>
    %lt3A_782 = arith.cmpi slt, %get3A_776, %lt3A_781 : vector<16xi32>
    %and3A_783 = arith.andi %ge3A_779, %lt3A_782 : vector<16xi1>
    %sub3A_784 = arith.constant 98304 : i32
    %sub3A_785 = vector.broadcast %sub3A_784 : i32 to vector<16xi32>
    %sub3A_786 = arith.subi %get3A_776, %sub3A_785 : vector<16xi32>
    %jit3A_787 = arith.constant 0 : i32
    %broadcast_in_dim3A_788 = vector.broadcast %jit3A_787 : i32 to vector<16xi32>
    %select_n3A_789 = arith.select %and3A_783, %sub3A_786, %broadcast_in_dim3A_788 : vector<16xi1>, vector<16xi32>
    %get3A_790 = arith.constant 0 : i32
    %get3A_791 = arith.index_cast %get3A_790 : i32 to index
    %get3A_792 = arith.constant 0 : index
    %get3A_793 = tpu.vector_load %arg10[%get3A_791, %get3A_792] {strides = array<i32>} : memref<8x32xf32, #tpu.memory_space<vmem>>, vector<16xf32>,
    tpu.vector_store_idx %arg8[%broadcast_in_dim3A_772, %select_n3A_789], %get3A_793 masked %and3A_783 : memref<8x1696xf32, #tpu.memory_space<vmem>>[vector<16xi32>, vector<16xi32>], vector<16xf32>, vector<16xi1>
    %get3A_794 = arith.constant 0 : i32
    %get3A_795 = arith.index_cast %get3A_794 : i32 to index
    %get3A_796 = arith.constant 16 : index
    %get3A_797 = tpu.vector_load %arg9[%get3A_795, %get3A_796] {strides = array<i32>} : memref<8x32xi32, #tpu.memory_space<vmem>>, vector<16xi32>,
    %ge3A_798 = arith.constant 98304 : i32
    %ge3A_799 = vector.broadcast %ge3A_798 : i32 to vector<16xi32>
    %ge3A_800 = arith.cmpi sge, %get3A_797, %ge3A_799 : vector<16xi32>
    %lt3A_801 = arith.constant 100000 : i32
    %lt3A_802 = vector.broadcast %lt3A_801 : i32 to vector<16xi32>
    %lt3A_803 = arith.cmpi slt, %get3A_797, %lt3A_802 : vector<16xi32>
    %and3A_804 = arith.andi %ge3A_800, %lt3A_803 : vector<16xi1>
    %sub3A_805 = arith.constant 98304 : i32
    %sub3A_806 = vector.broadcast %sub3A_805 : i32 to vector<16xi32>
    %sub3A_807 = arith.subi %get3A_797, %sub3A_806 : vector<16xi32>
    %jit3A_808 = arith.constant 0 : i32
    %broadcast_in_dim3A_809 = vector.broadcast %jit3A_808 : i32 to vector<16xi32>
    %select_n3A_810 = arith.select %and3A_804, %sub3A_807, %broadcast_in_dim3A_809 : vector<16xi1>, vector<16xi32>
    %get3A_811 = arith.constant 0 : i32
    %get3A_812 = arith.index_cast %get3A_811 : i32 to index
    %get3A_813 = arith.constant 16 : index
    %get3A_814 = tpu.vector_load %arg10[%get3A_812, %get3A_813] {strides = array<i32>} : memref<8x32xf32, #tpu.memory_space<vmem>>, vector<16xf32>,
    tpu.vector_store_idx %arg8[%broadcast_in_dim3A_772, %select_n3A_810], %get3A_814 masked %and3A_804 : memref<8x1696xf32, #tpu.memory_space<vmem>>[vector<16xi32>, vector<16xi32>], vector<16xf32>, vector<16xi1>
    %broadcast_in_dim3A_815 = arith.constant 1 : i32
    %broadcast_in_dim3A_816 = vector.broadcast %broadcast_in_dim3A_815 : i32 to vector<16xi32>
    %get3A_817 = arith.constant 1 : i32
    %get3A_818 = arith.index_cast %get3A_817 : i32 to index
    %get3A_819 = arith.constant 0 : index
    %get3A_820 = tpu.vector_load %arg9[%get3A_818, %get3A_819] {strides = array<i32>} : memref<8x32xi32, #tpu.memory_space<vmem>>, vector<16xi32>,
    %ge3A_821 = arith.constant 98304 : i32
    %ge3A_822 = vector.broadcast %ge3A_821 : i32 to vector<16xi32>
    %ge3A_823 = arith.cmpi sge, %get3A_820, %ge3A_822 : vector<16xi32>
    %lt3A_824 = arith.constant 100000 : i32
    %lt3A_825 = vector.broadcast %lt3A_824 : i32 to vector<16xi32>
    %lt3A_826 = arith.cmpi slt, %get3A_820, %lt3A_825 : vector<16xi32>
    %and3A_827 = arith.andi %ge3A_823, %lt3A_826 : vector<16xi1>
    %sub3A_828 = arith.constant 98304 : i32
    %sub3A_829 = vector.broadcast %sub3A_828 : i32 to vector<16xi32>
    %sub3A_830 = arith.subi %get3A_820, %sub3A_829 : vector<16xi32>
    %jit3A_831 = arith.constant 0 : i32
    %broadcast_in_dim3A_832 = vector.broadcast %jit3A_831 : i32 to vector<16xi32>
    %select_n3A_833 = arith.select %and3A_827, %sub3A_830, %broadcast_in_dim3A_832 : vector<16xi1>, vector<16xi32>
    %get3A_834 = arith.constant 1 : i32
    %get3A_835 = arith.index_cast %get3A_834 : i32 to index
    %get3A_836 = arith.constant 0 : index
    %get3A_837 = tpu.vector_load %arg10[%get3A_835, %get3A_836] {strides = array<i32>} : memref<8x32xf32, #tpu.memory_space<vmem>>, vector<16xf32>,
    tpu.vector_store_idx %arg8[%broadcast_in_dim3A_816, %select_n3A_833], %get3A_837 masked %and3A_827 : memref<8x1696xf32, #tpu.memory_space<vmem>>[vector<16xi32>, vector<16xi32>], vector<16xf32>, vector<16xi1>
    %get3A_838 = arith.constant 1 : i32
    %get3A_839 = arith.index_cast %get3A_838 : i32 to index
    %get3A_840 = arith.constant 16 : index
    %get3A_841 = tpu.vector_load %arg9[%get3A_839, %get3A_840] {strides = array<i32>} : memref<8x32xi32, #tpu.memory_space<vmem>>, vector<16xi32>,
    %ge3A_842 = arith.constant 98304 : i32
    %ge3A_843 = vector.broadcast %ge3A_842 : i32 to vector<16xi32>
    %ge3A_844 = arith.cmpi sge, %get3A_841, %ge3A_843 : vector<16xi32>
    %lt3A_845 = arith.constant 100000 : i32
    %lt3A_846 = vector.broadcast %lt3A_845 : i32 to vector<16xi32>
    %lt3A_847 = arith.cmpi slt, %get3A_841, %lt3A_846 : vector<16xi32>
    %and3A_848 = arith.andi %ge3A_844, %lt3A_847 : vector<16xi1>
    %sub3A_849 = arith.constant 98304 : i32
    %sub3A_850 = vector.broadcast %sub3A_849 : i32 to vector<16xi32>
    %sub3A_851 = arith.subi %get3A_841, %sub3A_850 : vector<16xi32>
    %jit3A_852 = arith.constant 0 : i32
    %broadcast_in_dim3A_853 = vector.broadcast %jit3A_852 : i32 to vector<16xi32>
    %select_n3A_854 = arith.select %and3A_848, %sub3A_851, %broadcast_in_dim3A_853 : vector<16xi1>, vector<16xi32>
    %get3A_855 = arith.constant 1 : i32
    %get3A_856 = arith.index_cast %get3A_855 : i32 to index
    %get3A_857 = arith.constant 16 : index
    %get3A_858 = tpu.vector_load %arg10[%get3A_856, %get3A_857] {strides = array<i32>} : memref<8x32xf32, #tpu.memory_space<vmem>>, vector<16xf32>,
    tpu.vector_store_idx %arg8[%broadcast_in_dim3A_816, %select_n3A_854], %get3A_858 masked %and3A_848 : memref<8x1696xf32, #tpu.memory_space<vmem>>[vector<16xi32>, vector<16xi32>], vector<16xf32>, vector<16xi1>
    %broadcast_in_dim3A_859 = arith.constant 2 : i32
    %broadcast_in_dim3A_860 = vector.broadcast %broadcast_in_dim3A_859 : i32 to vector<16xi32>
    %get3A_861 = arith.constant 2 : i32
    %get3A_862 = arith.index_cast %get3A_861 : i32 to index
    %get3A_863 = arith.constant 0 : index
    %get3A_864 = tpu.vector_load %arg9[%get3A_862, %get3A_863] {strides = array<i32>} : memref<8x32xi32, #tpu.memory_space<vmem>>, vector<16xi32>,
    %ge3A_865 = arith.constant 98304 : i32
    %ge3A_866 = vector.broadcast %ge3A_865 : i32 to vector<16xi32>
    %ge3A_867 = arith.cmpi sge, %get3A_864, %ge3A_866 : vector<16xi32>
    %lt3A_868 = arith.constant 100000 : i32
    %lt3A_869 = vector.broadcast %lt3A_868 : i32 to vector<16xi32>
    %lt3A_870 = arith.cmpi slt, %get3A_864, %lt3A_869 : vector<16xi32>
    %and3A_871 = arith.andi %ge3A_867, %lt3A_870 : vector<16xi1>
    %sub3A_872 = arith.constant 98304 : i32
    %sub3A_873 = vector.broadcast %sub3A_872 : i32 to vector<16xi32>
    %sub3A_874 = arith.subi %get3A_864, %sub3A_873 : vector<16xi32>
    %jit3A_875 = arith.constant 0 : i32
    %broadcast_in_dim3A_876 = vector.broadcast %jit3A_875 : i32 to vector<16xi32>
    %select_n3A_877 = arith.select %and3A_871, %sub3A_874, %broadcast_in_dim3A_876 : vector<16xi1>, vector<16xi32>
    %get3A_878 = arith.constant 2 : i32
    %get3A_879 = arith.index_cast %get3A_878 : i32 to index
    %get3A_880 = arith.constant 0 : index
    %get3A_881 = tpu.vector_load %arg10[%get3A_879, %get3A_880] {strides = array<i32>} : memref<8x32xf32, #tpu.memory_space<vmem>>, vector<16xf32>,
    tpu.vector_store_idx %arg8[%broadcast_in_dim3A_860, %select_n3A_877], %get3A_881 masked %and3A_871 : memref<8x1696xf32, #tpu.memory_space<vmem>>[vector<16xi32>, vector<16xi32>], vector<16xf32>, vector<16xi1>
    %get3A_882 = arith.constant 2 : i32
    %get3A_883 = arith.index_cast %get3A_882 : i32 to index
    %get3A_884 = arith.constant 16 : index
    %get3A_885 = tpu.vector_load %arg9[%get3A_883, %get3A_884] {strides = array<i32>} : memref<8x32xi32, #tpu.memory_space<vmem>>, vector<16xi32>,
    %ge3A_886 = arith.constant 98304 : i32
    %ge3A_887 = vector.broadcast %ge3A_886 : i32 to vector<16xi32>
    %ge3A_888 = arith.cmpi sge, %get3A_885, %ge3A_887 : vector<16xi32>
    %lt3A_889 = arith.constant 100000 : i32
    %lt3A_890 = vector.broadcast %lt3A_889 : i32 to vector<16xi32>
    %lt3A_891 = arith.cmpi slt, %get3A_885, %lt3A_890 : vector<16xi32>
    %and3A_892 = arith.andi %ge3A_888, %lt3A_891 : vector<16xi1>
    %sub3A_893 = arith.constant 98304 : i32
    %sub3A_894 = vector.broadcast %sub3A_893 : i32 to vector<16xi32>
    %sub3A_895 = arith.subi %get3A_885, %sub3A_894 : vector<16xi32>
    %jit3A_896 = arith.constant 0 : i32
    %broadcast_in_dim3A_897 = vector.broadcast %jit3A_896 : i32 to vector<16xi32>
    %select_n3A_898 = arith.select %and3A_892, %sub3A_895, %broadcast_in_dim3A_897 : vector<16xi1>, vector<16xi32>
    %get3A_899 = arith.constant 2 : i32
    %get3A_900 = arith.index_cast %get3A_899 : i32 to index
    %get3A_901 = arith.constant 16 : index
    %get3A_902 = tpu.vector_load %arg10[%get3A_900, %get3A_901] {strides = array<i32>} : memref<8x32xf32, #tpu.memory_space<vmem>>, vector<16xf32>,
    tpu.vector_store_idx %arg8[%broadcast_in_dim3A_860, %select_n3A_898], %get3A_902 masked %and3A_892 : memref<8x1696xf32, #tpu.memory_space<vmem>>[vector<16xi32>, vector<16xi32>], vector<16xf32>, vector<16xi1>
    %broadcast_in_dim3A_903 = arith.constant 3 : i32
    %broadcast_in_dim3A_904 = vector.broadcast %broadcast_in_dim3A_903 : i32 to vector<16xi32>
    %get3A_905 = arith.constant 3 : i32
    %get3A_906 = arith.index_cast %get3A_905 : i32 to index
    %get3A_907 = arith.constant 0 : index
    %get3A_908 = tpu.vector_load %arg9[%get3A_906, %get3A_907] {strides = array<i32>} : memref<8x32xi32, #tpu.memory_space<vmem>>, vector<16xi32>,
    %ge3A_909 = arith.constant 98304 : i32
    %ge3A_910 = vector.broadcast %ge3A_909 : i32 to vector<16xi32>
    %ge3A_911 = arith.cmpi sge, %get3A_908, %ge3A_910 : vector<16xi32>
    %lt3A_912 = arith.constant 100000 : i32
    %lt3A_913 = vector.broadcast %lt3A_912 : i32 to vector<16xi32>
    %lt3A_914 = arith.cmpi slt, %get3A_908, %lt3A_913 : vector<16xi32>
    %and3A_915 = arith.andi %ge3A_911, %lt3A_914 : vector<16xi1>
    %sub3A_916 = arith.constant 98304 : i32
    %sub3A_917 = vector.broadcast %sub3A_916 : i32 to vector<16xi32>
    %sub3A_918 = arith.subi %get3A_908, %sub3A_917 : vector<16xi32>
    %jit3A_919 = arith.constant 0 : i32
    %broadcast_in_dim3A_920 = vector.broadcast %jit3A_919 : i32 to vector<16xi32>
    %select_n3A_921 = arith.select %and3A_915, %sub3A_918, %broadcast_in_dim3A_920 : vector<16xi1>, vector<16xi32>
    %get3A_922 = arith.constant 3 : i32
    %get3A_923 = arith.index_cast %get3A_922 : i32 to index
    %get3A_924 = arith.constant 0 : index
    %get3A_925 = tpu.vector_load %arg10[%get3A_923, %get3A_924] {strides = array<i32>} : memref<8x32xf32, #tpu.memory_space<vmem>>, vector<16xf32>,
    tpu.vector_store_idx %arg8[%broadcast_in_dim3A_904, %select_n3A_921], %get3A_925 masked %and3A_915 : memref<8x1696xf32, #tpu.memory_space<vmem>>[vector<16xi32>, vector<16xi32>], vector<16xf32>, vector<16xi1>
    %get3A_926 = arith.constant 3 : i32
    %get3A_927 = arith.index_cast %get3A_926 : i32 to index
    %get3A_928 = arith.constant 16 : index
    %get3A_929 = tpu.vector_load %arg9[%get3A_927, %get3A_928] {strides = array<i32>} : memref<8x32xi32, #tpu.memory_space<vmem>>, vector<16xi32>,
    %ge3A_930 = arith.constant 98304 : i32
    %ge3A_931 = vector.broadcast %ge3A_930 : i32 to vector<16xi32>
    %ge3A_932 = arith.cmpi sge, %get3A_929, %ge3A_931 : vector<16xi32>
    %lt3A_933 = arith.constant 100000 : i32
    %lt3A_934 = vector.broadcast %lt3A_933 : i32 to vector<16xi32>
    %lt3A_935 = arith.cmpi slt, %get3A_929, %lt3A_934 : vector<16xi32>
    %and3A_936 = arith.andi %ge3A_932, %lt3A_935 : vector<16xi1>
    %sub3A_937 = arith.constant 98304 : i32
    %sub3A_938 = vector.broadcast %sub3A_937 : i32 to vector<16xi32>
    %sub3A_939 = arith.subi %get3A_929, %sub3A_938 : vector<16xi32>
    %jit3A_940 = arith.constant 0 : i32
    %broadcast_in_dim3A_941 = vector.broadcast %jit3A_940 : i32 to vector<16xi32>
    %select_n3A_942 = arith.select %and3A_936, %sub3A_939, %broadcast_in_dim3A_941 : vector<16xi1>, vector<16xi32>
    %get3A_943 = arith.constant 3 : i32
    %get3A_944 = arith.index_cast %get3A_943 : i32 to index
    %get3A_945 = arith.constant 16 : index
    %get3A_946 = tpu.vector_load %arg10[%get3A_944, %get3A_945] {strides = array<i32>} : memref<8x32xf32, #tpu.memory_space<vmem>>, vector<16xf32>,
    tpu.vector_store_idx %arg8[%broadcast_in_dim3A_904, %select_n3A_942], %get3A_946 masked %and3A_936 : memref<8x1696xf32, #tpu.memory_space<vmem>>[vector<16xi32>, vector<16xi32>], vector<16xf32>, vector<16xi1>
    %broadcast_in_dim3A_947 = arith.constant 4 : i32
    %broadcast_in_dim3A_948 = vector.broadcast %broadcast_in_dim3A_947 : i32 to vector<16xi32>
    %get3A_949 = arith.constant 4 : i32
    %get3A_950 = arith.index_cast %get3A_949 : i32 to index
    %get3A_951 = arith.constant 0 : index
    %get3A_952 = tpu.vector_load %arg9[%get3A_950, %get3A_951] {strides = array<i32>} : memref<8x32xi32, #tpu.memory_space<vmem>>, vector<16xi32>,
    %ge3A_953 = arith.constant 98304 : i32
    %ge3A_954 = vector.broadcast %ge3A_953 : i32 to vector<16xi32>
    %ge3A_955 = arith.cmpi sge, %get3A_952, %ge3A_954 : vector<16xi32>
    %lt3A_956 = arith.constant 100000 : i32
    %lt3A_957 = vector.broadcast %lt3A_956 : i32 to vector<16xi32>
    %lt3A_958 = arith.cmpi slt, %get3A_952, %lt3A_957 : vector<16xi32>
    %and3A_959 = arith.andi %ge3A_955, %lt3A_958 : vector<16xi1>
    %sub3A_960 = arith.constant 98304 : i32
    %sub3A_961 = vector.broadcast %sub3A_960 : i32 to vector<16xi32>
    %sub3A_962 = arith.subi %get3A_952, %sub3A_961 : vector<16xi32>
    %jit3A_963 = arith.constant 0 : i32
    %broadcast_in_dim3A_964 = vector.broadcast %jit3A_963 : i32 to vector<16xi32>
    %select_n3A_965 = arith.select %and3A_959, %sub3A_962, %broadcast_in_dim3A_964 : vector<16xi1>, vector<16xi32>
    %get3A_966 = arith.constant 4 : i32
    %get3A_967 = arith.index_cast %get3A_966 : i32 to index
    %get3A_968 = arith.constant 0 : index
    %get3A_969 = tpu.vector_load %arg10[%get3A_967, %get3A_968] {strides = array<i32>} : memref<8x32xf32, #tpu.memory_space<vmem>>, vector<16xf32>,
    tpu.vector_store_idx %arg8[%broadcast_in_dim3A_948, %select_n3A_965], %get3A_969 masked %and3A_959 : memref<8x1696xf32, #tpu.memory_space<vmem>>[vector<16xi32>, vector<16xi32>], vector<16xf32>, vector<16xi1>
    %get3A_970 = arith.constant 4 : i32
    %get3A_971 = arith.index_cast %get3A_970 : i32 to index
    %get3A_972 = arith.constant 16 : index
    %get3A_973 = tpu.vector_load %arg9[%get3A_971, %get3A_972] {strides = array<i32>} : memref<8x32xi32, #tpu.memory_space<vmem>>, vector<16xi32>,
    %ge3A_974 = arith.constant 98304 : i32
    %ge3A_975 = vector.broadcast %ge3A_974 : i32 to vector<16xi32>
    %ge3A_976 = arith.cmpi sge, %get3A_973, %ge3A_975 : vector<16xi32>
    %lt3A_977 = arith.constant 100000 : i32
    %lt3A_978 = vector.broadcast %lt3A_977 : i32 to vector<16xi32>
    %lt3A_979 = arith.cmpi slt, %get3A_973, %lt3A_978 : vector<16xi32>
    %and3A_980 = arith.andi %ge3A_976, %lt3A_979 : vector<16xi1>
    %sub3A_981 = arith.constant 98304 : i32
    %sub3A_982 = vector.broadcast %sub3A_981 : i32 to vector<16xi32>
    %sub3A_983 = arith.subi %get3A_973, %sub3A_982 : vector<16xi32>
    %jit3A_984 = arith.constant 0 : i32
    %broadcast_in_dim3A_985 = vector.broadcast %jit3A_984 : i32 to vector<16xi32>
    %select_n3A_986 = arith.select %and3A_980, %sub3A_983, %broadcast_in_dim3A_985 : vector<16xi1>, vector<16xi32>
    %get3A_987 = arith.constant 4 : i32
    %get3A_988 = arith.index_cast %get3A_987 : i32 to index
    %get3A_989 = arith.constant 16 : index
    %get3A_990 = tpu.vector_load %arg10[%get3A_988, %get3A_989] {strides = array<i32>} : memref<8x32xf32, #tpu.memory_space<vmem>>, vector<16xf32>,
    tpu.vector_store_idx %arg8[%broadcast_in_dim3A_948, %select_n3A_986], %get3A_990 masked %and3A_980 : memref<8x1696xf32, #tpu.memory_space<vmem>>[vector<16xi32>, vector<16xi32>], vector<16xf32>, vector<16xi1>
    %broadcast_in_dim3A_991 = arith.constant 5 : i32
    %broadcast_in_dim3A_992 = vector.broadcast %broadcast_in_dim3A_991 : i32 to vector<16xi32>
    %get3A_993 = arith.constant 5 : i32
    %get3A_994 = arith.index_cast %get3A_993 : i32 to index
    %get3A_995 = arith.constant 0 : index
    %get3A_996 = tpu.vector_load %arg9[%get3A_994, %get3A_995] {strides = array<i32>} : memref<8x32xi32, #tpu.memory_space<vmem>>, vector<16xi32>,
    %ge3A_997 = arith.constant 98304 : i32
    %ge3A_998 = vector.broadcast %ge3A_997 : i32 to vector<16xi32>
    %ge3A_999 = arith.cmpi sge, %get3A_996, %ge3A_998 : vector<16xi32>
    %lt3A_1000 = arith.constant 100000 : i32
    %lt3A_1001 = vector.broadcast %lt3A_1000 : i32 to vector<16xi32>
    %lt3A_1002 = arith.cmpi slt, %get3A_996, %lt3A_1001 : vector<16xi32>
    %and3A_1003 = arith.andi %ge3A_999, %lt3A_1002 : vector<16xi1>
    %sub3A_1004 = arith.constant 98304 : i32
    %sub3A_1005 = vector.broadcast %sub3A_1004 : i32 to vector<16xi32>
    %sub3A_1006 = arith.subi %get3A_996, %sub3A_1005 : vector<16xi32>
    %jit3A_1007 = arith.constant 0 : i32
    %broadcast_in_dim3A_1008 = vector.broadcast %jit3A_1007 : i32 to vector<16xi32>
    %select_n3A_1009 = arith.select %and3A_1003, %sub3A_1006, %broadcast_in_dim3A_1008 : vector<16xi1>, vector<16xi32>
    %get3A_1010 = arith.constant 5 : i32
    %get3A_1011 = arith.index_cast %get3A_1010 : i32 to index
    %get3A_1012 = arith.constant 0 : index
    %get3A_1013 = tpu.vector_load %arg10[%get3A_1011, %get3A_1012] {strides = array<i32>} : memref<8x32xf32, #tpu.memory_space<vmem>>, vector<16xf32>,
    tpu.vector_store_idx %arg8[%broadcast_in_dim3A_992, %select_n3A_1009], %get3A_1013 masked %and3A_1003 : memref<8x1696xf32, #tpu.memory_space<vmem>>[vector<16xi32>, vector<16xi32>], vector<16xf32>, vector<16xi1>
    %get3A_1014 = arith.constant 5 : i32
    %get3A_1015 = arith.index_cast %get3A_1014 : i32 to index
    %get3A_1016 = arith.constant 16 : index
    %get3A_1017 = tpu.vector_load %arg9[%get3A_1015, %get3A_1016] {strides = array<i32>} : memref<8x32xi32, #tpu.memory_space<vmem>>, vector<16xi32>,
    %ge3A_1018 = arith.constant 98304 : i32
    %ge3A_1019 = vector.broadcast %ge3A_1018 : i32 to vector<16xi32>
    %ge3A_1020 = arith.cmpi sge, %get3A_1017, %ge3A_1019 : vector<16xi32>
    %lt3A_1021 = arith.constant 100000 : i32
    %lt3A_1022 = vector.broadcast %lt3A_1021 : i32 to vector<16xi32>
    %lt3A_1023 = arith.cmpi slt, %get3A_1017, %lt3A_1022 : vector<16xi32>
    %and3A_1024 = arith.andi %ge3A_1020, %lt3A_1023 : vector<16xi1>
    %sub3A_1025 = arith.constant 98304 : i32
    %sub3A_1026 = vector.broadcast %sub3A_1025 : i32 to vector<16xi32>
    %sub3A_1027 = arith.subi %get3A_1017, %sub3A_1026 : vector<16xi32>
    %jit3A_1028 = arith.constant 0 : i32
    %broadcast_in_dim3A_1029 = vector.broadcast %jit3A_1028 : i32 to vector<16xi32>
    %select_n3A_1030 = arith.select %and3A_1024, %sub3A_1027, %broadcast_in_dim3A_1029 : vector<16xi1>, vector<16xi32>
    %get3A_1031 = arith.constant 5 : i32
    %get3A_1032 = arith.index_cast %get3A_1031 : i32 to index
    %get3A_1033 = arith.constant 16 : index
    %get3A_1034 = tpu.vector_load %arg10[%get3A_1032, %get3A_1033] {strides = array<i32>} : memref<8x32xf32, #tpu.memory_space<vmem>>, vector<16xf32>,
    tpu.vector_store_idx %arg8[%broadcast_in_dim3A_992, %select_n3A_1030], %get3A_1034 masked %and3A_1024 : memref<8x1696xf32, #tpu.memory_space<vmem>>[vector<16xi32>, vector<16xi32>], vector<16xf32>, vector<16xi1>
    %broadcast_in_dim3A_1035 = arith.constant 6 : i32
    %broadcast_in_dim3A_1036 = vector.broadcast %broadcast_in_dim3A_1035 : i32 to vector<16xi32>
    %get3A_1037 = arith.constant 6 : i32
    %get3A_1038 = arith.index_cast %get3A_1037 : i32 to index
    %get3A_1039 = arith.constant 0 : index
    %get3A_1040 = tpu.vector_load %arg9[%get3A_1038, %get3A_1039] {strides = array<i32>} : memref<8x32xi32, #tpu.memory_space<vmem>>, vector<16xi32>,
    %ge3A_1041 = arith.constant 98304 : i32
    %ge3A_1042 = vector.broadcast %ge3A_1041 : i32 to vector<16xi32>
    %ge3A_1043 = arith.cmpi sge, %get3A_1040, %ge3A_1042 : vector<16xi32>
    %lt3A_1044 = arith.constant 100000 : i32
    %lt3A_1045 = vector.broadcast %lt3A_1044 : i32 to vector<16xi32>
    %lt3A_1046 = arith.cmpi slt, %get3A_1040, %lt3A_1045 : vector<16xi32>
    %and3A_1047 = arith.andi %ge3A_1043, %lt3A_1046 : vector<16xi1>
    %sub3A_1048 = arith.constant 98304 : i32
    %sub3A_1049 = vector.broadcast %sub3A_1048 : i32 to vector<16xi32>
    %sub3A_1050 = arith.subi %get3A_1040, %sub3A_1049 : vector<16xi32>
    %jit3A_1051 = arith.constant 0 : i32
    %broadcast_in_dim3A_1052 = vector.broadcast %jit3A_1051 : i32 to vector<16xi32>
    %select_n3A_1053 = arith.select %and3A_1047, %sub3A_1050, %broadcast_in_dim3A_1052 : vector<16xi1>, vector<16xi32>
    %get3A_1054 = arith.constant 6 : i32
    %get3A_1055 = arith.index_cast %get3A_1054 : i32 to index
    %get3A_1056 = arith.constant 0 : index
    %get3A_1057 = tpu.vector_load %arg10[%get3A_1055, %get3A_1056] {strides = array<i32>} : memref<8x32xf32, #tpu.memory_space<vmem>>, vector<16xf32>,
    tpu.vector_store_idx %arg8[%broadcast_in_dim3A_1036, %select_n3A_1053], %get3A_1057 masked %and3A_1047 : memref<8x1696xf32, #tpu.memory_space<vmem>>[vector<16xi32>, vector<16xi32>], vector<16xf32>, vector<16xi1>
    %get3A_1058 = arith.constant 6 : i32
    %get3A_1059 = arith.index_cast %get3A_1058 : i32 to index
    %get3A_1060 = arith.constant 16 : index
    %get3A_1061 = tpu.vector_load %arg9[%get3A_1059, %get3A_1060] {strides = array<i32>} : memref<8x32xi32, #tpu.memory_space<vmem>>, vector<16xi32>,
    %ge3A_1062 = arith.constant 98304 : i32
    %ge3A_1063 = vector.broadcast %ge3A_1062 : i32 to vector<16xi32>
    %ge3A_1064 = arith.cmpi sge, %get3A_1061, %ge3A_1063 : vector<16xi32>
    %lt3A_1065 = arith.constant 100000 : i32
    %lt3A_1066 = vector.broadcast %lt3A_1065 : i32 to vector<16xi32>
    %lt3A_1067 = arith.cmpi slt, %get3A_1061, %lt3A_1066 : vector<16xi32>
    %and3A_1068 = arith.andi %ge3A_1064, %lt3A_1067 : vector<16xi1>
    %sub3A_1069 = arith.constant 98304 : i32
    %sub3A_1070 = vector.broadcast %sub3A_1069 : i32 to vector<16xi32>
    %sub3A_1071 = arith.subi %get3A_1061, %sub3A_1070 : vector<16xi32>
    %jit3A_1072 = arith.constant 0 : i32
    %broadcast_in_dim3A_1073 = vector.broadcast %jit3A_1072 : i32 to vector<16xi32>
    %select_n3A_1074 = arith.select %and3A_1068, %sub3A_1071, %broadcast_in_dim3A_1073 : vector<16xi1>, vector<16xi32>
    %get3A_1075 = arith.constant 6 : i32
    %get3A_1076 = arith.index_cast %get3A_1075 : i32 to index
    %get3A_1077 = arith.constant 16 : index
    %get3A_1078 = tpu.vector_load %arg10[%get3A_1076, %get3A_1077] {strides = array<i32>} : memref<8x32xf32, #tpu.memory_space<vmem>>, vector<16xf32>,
    tpu.vector_store_idx %arg8[%broadcast_in_dim3A_1036, %select_n3A_1074], %get3A_1078 masked %and3A_1068 : memref<8x1696xf32, #tpu.memory_space<vmem>>[vector<16xi32>, vector<16xi32>], vector<16xf32>, vector<16xi1>
    %broadcast_in_dim3A_1079 = arith.constant 7 : i32
    %broadcast_in_dim3A_1080 = vector.broadcast %broadcast_in_dim3A_1079 : i32 to vector<16xi32>
    %get3A_1081 = arith.constant 7 : i32
    %get3A_1082 = arith.index_cast %get3A_1081 : i32 to index
    %get3A_1083 = arith.constant 0 : index
    %get3A_1084 = tpu.vector_load %arg9[%get3A_1082, %get3A_1083] {strides = array<i32>} : memref<8x32xi32, #tpu.memory_space<vmem>>, vector<16xi32>,
    %ge3A_1085 = arith.constant 98304 : i32
    %ge3A_1086 = vector.broadcast %ge3A_1085 : i32 to vector<16xi32>
    %ge3A_1087 = arith.cmpi sge, %get3A_1084, %ge3A_1086 : vector<16xi32>
    %lt3A_1088 = arith.constant 100000 : i32
    %lt3A_1089 = vector.broadcast %lt3A_1088 : i32 to vector<16xi32>
    %lt3A_1090 = arith.cmpi slt, %get3A_1084, %lt3A_1089 : vector<16xi32>
    %and3A_1091 = arith.andi %ge3A_1087, %lt3A_1090 : vector<16xi1>
    %sub3A_1092 = arith.constant 98304 : i32
    %sub3A_1093 = vector.broadcast %sub3A_1092 : i32 to vector<16xi32>
    %sub3A_1094 = arith.subi %get3A_1084, %sub3A_1093 : vector<16xi32>
    %jit3A_1095 = arith.constant 0 : i32
    %broadcast_in_dim3A_1096 = vector.broadcast %jit3A_1095 : i32 to vector<16xi32>
    %select_n3A_1097 = arith.select %and3A_1091, %sub3A_1094, %broadcast_in_dim3A_1096 : vector<16xi1>, vector<16xi32>
    %get3A_1098 = arith.constant 7 : i32
    %get3A_1099 = arith.index_cast %get3A_1098 : i32 to index
    %get3A_1100 = arith.constant 0 : index
    %get3A_1101 = tpu.vector_load %arg10[%get3A_1099, %get3A_1100] {strides = array<i32>} : memref<8x32xf32, #tpu.memory_space<vmem>>, vector<16xf32>,
    tpu.vector_store_idx %arg8[%broadcast_in_dim3A_1080, %select_n3A_1097], %get3A_1101 masked %and3A_1091 : memref<8x1696xf32, #tpu.memory_space<vmem>>[vector<16xi32>, vector<16xi32>], vector<16xf32>, vector<16xi1>
    %get3A_1102 = arith.constant 7 : i32
    %get3A_1103 = arith.index_cast %get3A_1102 : i32 to index
    %get3A_1104 = arith.constant 16 : index
    %get3A_1105 = tpu.vector_load %arg9[%get3A_1103, %get3A_1104] {strides = array<i32>} : memref<8x32xi32, #tpu.memory_space<vmem>>, vector<16xi32>,
    %ge3A_1106 = arith.constant 98304 : i32
    %ge3A_1107 = vector.broadcast %ge3A_1106 : i32 to vector<16xi32>
    %ge3A_1108 = arith.cmpi sge, %get3A_1105, %ge3A_1107 : vector<16xi32>
    %lt3A_1109 = arith.constant 100000 : i32
    %lt3A_1110 = vector.broadcast %lt3A_1109 : i32 to vector<16xi32>
    %lt3A_1111 = arith.cmpi slt, %get3A_1105, %lt3A_1110 : vector<16xi32>
    %and3A_1112 = arith.andi %ge3A_1108, %lt3A_1111 : vector<16xi1>
    %sub3A_1113 = arith.constant 98304 : i32
    %sub3A_1114 = vector.broadcast %sub3A_1113 : i32 to vector<16xi32>
    %sub3A_1115 = arith.subi %get3A_1105, %sub3A_1114 : vector<16xi32>
    %jit3A_1116 = arith.constant 0 : i32
    %broadcast_in_dim3A_1117 = vector.broadcast %jit3A_1116 : i32 to vector<16xi32>
    %select_n3A_1118 = arith.select %and3A_1112, %sub3A_1115, %broadcast_in_dim3A_1117 : vector<16xi1>, vector<16xi32>
    %get3A_1119 = arith.constant 7 : i32
    %get3A_1120 = arith.index_cast %get3A_1119 : i32 to index
    %get3A_1121 = arith.constant 16 : index
    %get3A_1122 = tpu.vector_load %arg10[%get3A_1120, %get3A_1121] {strides = array<i32>} : memref<8x32xf32, #tpu.memory_space<vmem>>, vector<16xf32>,
    tpu.vector_store_idx %arg8[%broadcast_in_dim3A_1080, %select_n3A_1118], %get3A_1122 masked %and3A_1112 : memref<8x1696xf32, #tpu.memory_space<vmem>>[vector<16xi32>, vector<16xi32>], vector<16xf32>, vector<16xi1>
    %dma_start3A_1123 = arith.constant 0 : i32
    %dma_start3A_1124 = arith.constant 98304 : i32
    %dma_start3A_1125 = tpu.memref_slice %arg5[%add3A, %dma_start3A_1123, %dma_start3A_1124] : memref<32x8x100000xf32, #tpu.memory_space<hbm>> -> memref<1x8x1696xf32, #tpu.memory_space<hbm>>
    %dma_start3A_1126 = tpu.memref_squeeze %dma_start3A_1125 : memref<1x8x1696xf32, #tpu.memory_space<hbm>> -> memref<8x1696xf32, #tpu.memory_space<hbm>>
    %dma_start3A_1127 = arith.constant 0 : i32
    %dma_start3A_1128 = arith.constant 98304 : i32
    %dma_start3A_1129 = tpu.memref_slice %arg5[%add3A, %dma_start3A_1127, %dma_start3A_1128] : memref<32x8x100000xf32, #tpu.memory_space<hbm>> -> memref<1x8x1696xf32, #tpu.memory_space<hbm>>
    %dma_start3A_1130 = tpu.memref_squeeze %dma_start3A_1129 : memref<1x8x1696xf32, #tpu.memory_space<hbm>> -> memref<8x1696xf32, #tpu.memory_space<hbm>>
    tpu.enqueue_dma source(%arg8 : memref<8x1696xf32, #tpu.memory_space<vmem>>) target(%dma_start3A_1130 : memref<8x1696xf32, #tpu.memory_space<hbm>>) target_semaphore(%arg13 : memref<!tpu.dma_semaphore, #tpu.memory_space<semaphore_mem>>)
    %dma_wait3A_1131 = arith.constant 0 : i32
    %dma_wait3A_1132 = arith.constant 0 : i32
    %dma_wait3A_1133 = tpu.memref_slice %arg5[%add3A, %dma_wait3A_1131, %dma_wait3A_1132] : memref<32x8x100000xf32, #tpu.memory_space<hbm>> -> memref<1x8x1024xf32, #tpu.memory_space<hbm>>
    %dma_wait3A_1134 = tpu.memref_squeeze %dma_wait3A_1133 : memref<1x8x1024xf32, #tpu.memory_space<hbm>> -> memref<8x1024xf32, #tpu.memory_space<hbm>>
    %dma_wait3A_1135 = arith.constant 0 : i32
    %dma_wait3A_1136 = arith.constant 0 : i32
    %dma_wait3A_1137 = tpu.memref_slice %arg5[%add3A, %dma_wait3A_1135, %dma_wait3A_1136] : memref<32x8x100000xf32, #tpu.memory_space<hbm>> -> memref<1x8x1024xf32, #tpu.memory_space<hbm>>
    %dma_wait3A_1138 = tpu.memref_squeeze %dma_wait3A_1137 : memref<1x8x1024xf32, #tpu.memory_space<hbm>> -> memref<8x1024xf32, #tpu.memory_space<hbm>>
    tpu.wait_dma2 semaphore(%arg11 : memref<!tpu.dma_semaphore, #tpu.memory_space<semaphore_mem>>) src(%arg6 : memref<8x1024xf32, #tpu.memory_space<vmem>>) dst(%dma_wait3A_1138 : memref<8x1024xf32, #tpu.memory_space<hbm>>)
    %dma_wait3A_1139 = arith.constant 0 : i32
    %dma_wait3A_1140 = arith.constant 0 : i32
    %dma_wait3A_1141 = tpu.memref_slice %arg5[%add3A, %dma_wait3A_1139, %dma_wait3A_1140] : memref<32x8x100000xf32, #tpu.memory_space<hbm>> -> memref<1x8x1024xf32, #tpu.memory_space<hbm>>
    %dma_wait3A_1142 = tpu.memref_squeeze %dma_wait3A_1141 : memref<1x8x1024xf32, #tpu.memory_space<hbm>> -> memref<8x1024xf32, #tpu.memory_space<hbm>>
    %dma_wait3A_1143 = arith.constant 0 : i32
    %dma_wait3A_1144 = arith.constant 0 : i32
    %dma_wait3A_1145 = tpu.memref_slice %arg5[%add3A, %dma_wait3A_1143, %dma_wait3A_1144] : memref<32x8x100000xf32, #tpu.memory_space<hbm>> -> memref<1x8x1024xf32, #tpu.memory_space<hbm>>
    %dma_wait3A_1146 = tpu.memref_squeeze %dma_wait3A_1145 : memref<1x8x1024xf32, #tpu.memory_space<hbm>> -> memref<8x1024xf32, #tpu.memory_space<hbm>>
    tpu.wait_dma2 semaphore(%arg12 : memref<!tpu.dma_semaphore, #tpu.memory_space<semaphore_mem>>) src(%arg7 : memref<8x1024xf32, #tpu.memory_space<vmem>>) dst(%dma_wait3A_1146 : memref<8x1024xf32, #tpu.memory_space<hbm>>)
    %dma_wait3A_1147 = arith.constant 0 : i32
    %dma_wait3A_1148 = arith.constant 98304 : i32
    %dma_wait3A_1149 = tpu.memref_slice %arg5[%add3A, %dma_wait3A_1147, %dma_wait3A_1148] : memref<32x8x100000xf32, #tpu.memory_space<hbm>> -> memref<1x8x1696xf32, #tpu.memory_space<hbm>>
    %dma_wait3A_1150 = tpu.memref_squeeze %dma_wait3A_1149 : memref<1x8x1696xf32, #tpu.memory_space<hbm>> -> memref<8x1696xf32, #tpu.memory_space<hbm>>
    %dma_wait3A_1151 = arith.constant 0 : i32
    %dma_wait3A_1152 = arith.constant 98304 : i32
    %dma_wait3A_1153 = tpu.memref_slice %arg5[%add3A, %dma_wait3A_1151, %dma_wait3A_1152] : memref<32x8x100000xf32, #tpu.memory_space<hbm>> -> memref<1x8x1696xf32, #tpu.memory_space<hbm>>
    %dma_wait3A_1154 = tpu.memref_squeeze %dma_wait3A_1153 : memref<1x8x1696xf32, #tpu.memory_space<hbm>> -> memref<8x1696xf32, #tpu.memory_space<hbm>>
    tpu.wait_dma2 semaphore(%arg13 : memref<!tpu.dma_semaphore, #tpu.memory_space<semaphore_mem>>) src(%arg8 : memref<8x1696xf32, #tpu.memory_space<vmem>>) dst(%dma_wait3A_1154 : memref<8x1696xf32, #tpu.memory_space<hbm>>)
    return
  }
}

module attributes {stable_mosaic.version = 14 : i64} {
  func.func @_tc_body(%arg0: memref<256x32xi32, #tpu.memory_space<vmem>>, %arg1: memref<256x32xf32, #tpu.memory_space<vmem>>, %arg2: memref<32x64xf32, #tpu.memory_space<vmem>>, %arg3: memref<1x32xf32, #tpu.memory_space<vmem>>, %arg4: memref<1x32xf32, #tpu.memory_space<vmem>>, %arg5: memref<1x1xf32, #tpu.memory_space<vmem>>, %arg6: memref<256x32xf32, #tpu.memory_space<vmem>>) attributes {dimension_semantics = [], scalar_prefetch = 0 : i64, scratch_operands = 0 : i64, tpu.core_type = #tpu.core_type<tc>} {
    %iota3A = tpu.iota {dimensions = array<i32: 0>} : vector<32x1024xi32>
    %iota3A_0 = tpu.iota {dimensions = array<i32: 1>} : vector<32x1024xi32>
    %jit3A = arith.constant 32 : i32
    %div3A = vector.broadcast %jit3A : i32 to vector<32x1024xi32>
    %div3A_1 = arith.divsi %iota3A_0, %div3A : vector<32x1024xi32>
    %sign3A = arith.constant 0 : i32
    %sign3A_2 = vector.broadcast %sign3A : i32 to vector<32x1024xi32>
    %sign3A_3 = arith.cmpi sgt, %iota3A_0, %sign3A_2 : vector<32x1024xi32>
    %sign3A_4 = arith.extui %sign3A_3 : vector<32x1024xi1> to vector<32x1024xi32>
    %sign3A_5 = arith.constant 0 : i32
    %sign3A_6 = vector.broadcast %sign3A_5 : i32 to vector<32x1024xi32>
    %sign3A_7 = arith.cmpi slt, %iota3A_0, %sign3A_6 : vector<32x1024xi32>
    %sign3A_8 = arith.extui %sign3A_7 : vector<32x1024xi1> to vector<32x1024xi32>
    %sign3A_9 = arith.subi %sign3A_4, %sign3A_8 : vector<32x1024xi32>
    %sign3A_10 = arith.constant 0 : i32
    %sign3A_11 = arith.cmpi sgt, %jit3A, %sign3A_10 : i32
    %sign3A_12 = arith.extui %sign3A_11 : i1 to i32
    %sign3A_13 = arith.constant 0 : i32
    %sign3A_14 = arith.cmpi slt, %jit3A, %sign3A_13 : i32
    %sign3A_15 = arith.extui %sign3A_14 : i1 to i32
    %sign3A_16 = arith.subi %sign3A_12, %sign3A_15 : i32
    %ne3A = vector.broadcast %sign3A_16 : i32 to vector<32x1024xi32>
    %ne3A_17 = arith.cmpi ne, %sign3A_9, %ne3A : vector<32x1024xi32>
    %rem3A = vector.broadcast %jit3A : i32 to vector<32x1024xi32>
    %rem3A_18 = arith.remsi %iota3A_0, %rem3A : vector<32x1024xi32>
    %ne3A_19 = arith.constant 0 : i32
    %ne3A_20 = vector.broadcast %ne3A_19 : i32 to vector<32x1024xi32>
    %ne3A_21 = arith.cmpi ne, %rem3A_18, %ne3A_20 : vector<32x1024xi32>
    %and3A = arith.andi %ne3A_17, %ne3A_21 : vector<32x1024xi1>
    %sub3A = arith.constant 1 : i32
    %sub3A_22 = vector.broadcast %sub3A : i32 to vector<32x1024xi32>
    %sub3A_23 = arith.subi %div3A_1, %sub3A_22 : vector<32x1024xi32>
    %select_n3A = arith.select %and3A, %sub3A_23, %div3A_1 : vector<32x1024xi1>, vector<32x1024xi32>
    %eq3A = arith.cmpi eq, %select_n3A, %iota3A : vector<32x1024xi32>
    %convert_element_type3A = arith.extui %eq3A : vector<32x1024xi1> to vector<32x1024xi32>
    %convert_element_type3A_24 = arith.sitofp %convert_element_type3A : vector<32x1024xi32> to vector<32x1024xf32>
    %jit3A_25 = arith.constant 32 : i32
    %eq3A_26 = arith.constant 0 : i32
    %eq3A_27 = arith.cmpi eq, %jit3A_25, %eq3A_26 : i32
    %jit3A_28 = arith.constant 1 : i32
    %select_n3A_29 = arith.select %eq3A_27, %jit3A_28, %jit3A_25 : i32
    %rem3A_30 = vector.broadcast %select_n3A_29 : i32 to vector<32x1024xi32>
    %rem3A_31 = arith.remsi %iota3A_0, %rem3A_30 : vector<32x1024xi32>
    %ne3A_32 = arith.constant 0 : i32
    %ne3A_33 = vector.broadcast %ne3A_32 : i32 to vector<32x1024xi32>
    %ne3A_34 = arith.cmpi ne, %rem3A_31, %ne3A_33 : vector<32x1024xi32>
    %lt3A = arith.constant 0 : i32
    %lt3A_35 = vector.broadcast %lt3A : i32 to vector<32x1024xi32>
    %lt3A_36 = arith.cmpi slt, %rem3A_31, %lt3A_35 : vector<32x1024xi32>
    %lt3A_37 = arith.constant 0 : i32
    %lt3A_38 = arith.cmpi slt, %select_n3A_29, %lt3A_37 : i32
    %ne3A_39 = vector.broadcast %lt3A_38 : i1 to vector<32x1024xi1>
    %ne3A_40 = vector.broadcast %ne3A_39 : vector<32x1024xi1> to vector<32x1024xi1>
    %ne3A_41 = arith.xori %lt3A_36, %ne3A_40 : vector<32x1024xi1>
    %and3A_42 = arith.andi %ne3A_41, %ne3A_34 : vector<32x1024xi1>
    %add3A = vector.broadcast %select_n3A_29 : i32 to vector<32x1024xi32>
    %add3A_43 = arith.addi %rem3A_31, %add3A : vector<32x1024xi32>
    %select_n3A_44 = arith.select %and3A_42, %add3A_43, %rem3A_31 : vector<32x1024xi1>, vector<32x1024xi32>
    %eq3A_45 = arith.cmpi eq, %select_n3A_44, %iota3A : vector<32x1024xi32>
    %convert_element_type3A_46 = arith.extui %eq3A_45 : vector<32x1024xi1> to vector<32x1024xi32>
    %convert_element_type3A_47 = arith.sitofp %convert_element_type3A_46 : vector<32x1024xi32> to vector<32x1024xf32>
    %sub3A_48 = arith.subf %convert_element_type3A_24, %convert_element_type3A_47 : vector<32x1024xf32>
    %iota3A_49 = tpu.iota {dimensions = array<i32: 1>} : vector<1x1024xi32>
    %jit3A_50 = arith.constant 32 : i32
    %eq3A_51 = arith.constant 0 : i32
    %eq3A_52 = arith.cmpi eq, %jit3A_50, %eq3A_51 : i32
    %jit3A_53 = arith.constant 1 : i32
    %select_n3A_54 = arith.select %eq3A_52, %jit3A_53, %jit3A_50 : i32
    %rem3A_55 = vector.broadcast %select_n3A_54 : i32 to vector<1x1024xi32>
    %rem3A_56 = arith.remsi %iota3A_49, %rem3A_55 : vector<1x1024xi32>
    %ne3A_57 = arith.constant 0 : i32
    %ne3A_58 = vector.broadcast %ne3A_57 : i32 to vector<1x1024xi32>
    %ne3A_59 = arith.cmpi ne, %rem3A_56, %ne3A_58 : vector<1x1024xi32>
    %lt3A_60 = arith.constant 0 : i32
    %lt3A_61 = vector.broadcast %lt3A_60 : i32 to vector<1x1024xi32>
    %lt3A_62 = arith.cmpi slt, %rem3A_56, %lt3A_61 : vector<1x1024xi32>
    %lt3A_63 = arith.constant 0 : i32
    %lt3A_64 = arith.cmpi slt, %select_n3A_54, %lt3A_63 : i32
    %ne3A_65 = vector.broadcast %lt3A_64 : i1 to vector<1x1024xi1>
    %ne3A_66 = vector.broadcast %ne3A_65 : vector<1x1024xi1> to vector<1x1024xi1>
    %ne3A_67 = arith.xori %lt3A_62, %ne3A_66 : vector<1x1024xi1>
    %and3A_68 = arith.andi %ne3A_67, %ne3A_59 : vector<1x1024xi1>
    %add3A_69 = vector.broadcast %select_n3A_54 : i32 to vector<1x1024xi32>
    %add3A_70 = arith.addi %rem3A_56, %add3A_69 : vector<1x1024xi32>
    %select_n3A_71 = arith.select %and3A_68, %add3A_70, %rem3A_56 : vector<1x1024xi1>, vector<1x1024xi32>
    %jit3A_72 = arith.constant 32 : i32
    %div3A_73 = vector.broadcast %jit3A_72 : i32 to vector<1x1024xi32>
    %div3A_74 = arith.divsi %iota3A_49, %div3A_73 : vector<1x1024xi32>
    %sign3A_75 = arith.constant 0 : i32
    %sign3A_76 = vector.broadcast %sign3A_75 : i32 to vector<1x1024xi32>
    %sign3A_77 = arith.cmpi sgt, %iota3A_49, %sign3A_76 : vector<1x1024xi32>
    %sign3A_78 = arith.extui %sign3A_77 : vector<1x1024xi1> to vector<1x1024xi32>
    %sign3A_79 = arith.constant 0 : i32
    %sign3A_80 = vector.broadcast %sign3A_79 : i32 to vector<1x1024xi32>
    %sign3A_81 = arith.cmpi slt, %iota3A_49, %sign3A_80 : vector<1x1024xi32>
    %sign3A_82 = arith.extui %sign3A_81 : vector<1x1024xi1> to vector<1x1024xi32>
    %sign3A_83 = arith.subi %sign3A_78, %sign3A_82 : vector<1x1024xi32>
    %sign3A_84 = arith.constant 0 : i32
    %sign3A_85 = arith.cmpi sgt, %jit3A_72, %sign3A_84 : i32
    %sign3A_86 = arith.extui %sign3A_85 : i1 to i32
    %sign3A_87 = arith.constant 0 : i32
    %sign3A_88 = arith.cmpi slt, %jit3A_72, %sign3A_87 : i32
    %sign3A_89 = arith.extui %sign3A_88 : i1 to i32
    %sign3A_90 = arith.subi %sign3A_86, %sign3A_89 : i32
    %ne3A_91 = vector.broadcast %sign3A_90 : i32 to vector<1x1024xi32>
    %ne3A_92 = arith.cmpi ne, %sign3A_83, %ne3A_91 : vector<1x1024xi32>
    %rem3A_93 = vector.broadcast %jit3A_72 : i32 to vector<1x1024xi32>
    %rem3A_94 = arith.remsi %iota3A_49, %rem3A_93 : vector<1x1024xi32>
    %ne3A_95 = arith.constant 0 : i32
    %ne3A_96 = vector.broadcast %ne3A_95 : i32 to vector<1x1024xi32>
    %ne3A_97 = arith.cmpi ne, %rem3A_94, %ne3A_96 : vector<1x1024xi32>
    %and3A_98 = arith.andi %ne3A_92, %ne3A_97 : vector<1x1024xi1>
    %sub3A_99 = arith.constant 1 : i32
    %sub3A_100 = vector.broadcast %sub3A_99 : i32 to vector<1x1024xi32>
    %sub3A_101 = arith.subi %div3A_74, %sub3A_100 : vector<1x1024xi32>
    %select_n3A_102 = arith.select %and3A_98, %sub3A_101, %div3A_74 : vector<1x1024xi1>, vector<1x1024xi32>
    %lt3A_103 = arith.cmpi slt, %select_n3A_71, %select_n3A_102 : vector<1x1024xi32>
    %convert_element_type3A_104 = arith.extui %lt3A_103 : vector<1x1024xi1> to vector<1x1024xi32>
    %convert_element_type3A_105 = arith.sitofp %convert_element_type3A_104 : vector<1x1024xi32> to vector<1x1024xf32>
    %iota3A_106 = tpu.iota {dimensions = array<i32: 0>} : vector<1024x32xi32>
    %iota3A_107 = tpu.iota {dimensions = array<i32: 1>} : vector<1024x32xi32>
    %jit3A_108 = arith.constant 32 : i32
    %div3A_109 = vector.broadcast %jit3A_108 : i32 to vector<1024x32xi32>
    %div3A_110 = arith.divsi %iota3A_106, %div3A_109 : vector<1024x32xi32>
    %sign3A_111 = arith.constant 0 : i32
    %sign3A_112 = vector.broadcast %sign3A_111 : i32 to vector<1024x32xi32>
    %sign3A_113 = arith.cmpi sgt, %iota3A_106, %sign3A_112 : vector<1024x32xi32>
    %sign3A_114 = arith.extui %sign3A_113 : vector<1024x32xi1> to vector<1024x32xi32>
    %sign3A_115 = arith.constant 0 : i32
    %sign3A_116 = vector.broadcast %sign3A_115 : i32 to vector<1024x32xi32>
    %sign3A_117 = arith.cmpi slt, %iota3A_106, %sign3A_116 : vector<1024x32xi32>
    %sign3A_118 = arith.extui %sign3A_117 : vector<1024x32xi1> to vector<1024x32xi32>
    %sign3A_119 = arith.subi %sign3A_114, %sign3A_118 : vector<1024x32xi32>
    %sign3A_120 = arith.constant 0 : i32
    %sign3A_121 = arith.cmpi sgt, %jit3A_108, %sign3A_120 : i32
    %sign3A_122 = arith.extui %sign3A_121 : i1 to i32
    %sign3A_123 = arith.constant 0 : i32
    %sign3A_124 = arith.cmpi slt, %jit3A_108, %sign3A_123 : i32
    %sign3A_125 = arith.extui %sign3A_124 : i1 to i32
    %sign3A_126 = arith.subi %sign3A_122, %sign3A_125 : i32
    %ne3A_127 = vector.broadcast %sign3A_126 : i32 to vector<1024x32xi32>
    %ne3A_128 = arith.cmpi ne, %sign3A_119, %ne3A_127 : vector<1024x32xi32>
    %rem3A_129 = vector.broadcast %jit3A_108 : i32 to vector<1024x32xi32>
    %rem3A_130 = arith.remsi %iota3A_106, %rem3A_129 : vector<1024x32xi32>
    %ne3A_131 = arith.constant 0 : i32
    %ne3A_132 = vector.broadcast %ne3A_131 : i32 to vector<1024x32xi32>
    %ne3A_133 = arith.cmpi ne, %rem3A_130, %ne3A_132 : vector<1024x32xi32>
    %and3A_134 = arith.andi %ne3A_128, %ne3A_133 : vector<1024x32xi1>
    %sub3A_135 = arith.constant 1 : i32
    %sub3A_136 = vector.broadcast %sub3A_135 : i32 to vector<1024x32xi32>
    %sub3A_137 = arith.subi %div3A_110, %sub3A_136 : vector<1024x32xi32>
    %select_n3A_138 = arith.select %and3A_134, %sub3A_137, %div3A_110 : vector<1024x32xi1>, vector<1024x32xi32>
    %eq3A_139 = arith.cmpi eq, %select_n3A_138, %iota3A_107 : vector<1024x32xi32>
    %convert_element_type3A_140 = arith.extui %eq3A_139 : vector<1024x32xi1> to vector<1024x32xi32>
    %convert_element_type3A_141 = arith.sitofp %convert_element_type3A_140 : vector<1024x32xi32> to vector<1024x32xf32>
    %iota3A_142 = tpu.iota {dimensions = array<i32: 0>} : vector<32x32xi32>
    %iota3A_143 = tpu.iota {dimensions = array<i32: 1>} : vector<32x32xi32>
    %le3A = arith.cmpi sle, %iota3A_142, %iota3A_143 : vector<32x32xi32>
    %convert_element_type3A_144 = arith.extui %le3A : vector<32x32xi1> to vector<32x32xi32>
    %convert_element_type3A_145 = arith.sitofp %convert_element_type3A_144 : vector<32x32xi32> to vector<32x32xf32>
    %get3A = arith.constant 0 : index
    %get3A_146 = arith.constant 0 : index
    %get3A_147 = vector.load %arg0[%get3A, %get3A_146] : memref<256x32xi32, #tpu.memory_space<vmem>>, vector<256x32xi32>
    %get3A_148 = arith.constant 0 : index
    %get3A_149 = arith.constant 0 : index
    %get3A_150 = vector.load %arg1[%get3A_148, %get3A_149] : memref<256x32xf32, #tpu.memory_space<vmem>>, vector<256x32xf32>
    %convert_element_type3A_151 = arith.sitofp %get3A_147 : vector<256x32xi32> to vector<256x32xf32>
    %dot_general3A = arith.constant dense<0.000000e+00> : vector<256x1024xf32>
    %dot_general3A_152 = tpu.matmul %convert_element_type3A_151, %sub3A_48, %dot_general3A {dimension_numbers = #tpu.dot_dimension_numbers<[1], [0], [0], [1], [0, 0, 1, 1], [], []>, precision = #tpu.contract_precision<fp32>, transpose_lhs_hint = false} : vector<256x32xf32>, vector<32x1024xf32>, vector<256x1024xf32> -> vector<256x1024xf32>
    %eq3A_153 = arith.constant 0.000000e+00 : f32
    %eq3A_154 = vector.broadcast %eq3A_153 : f32 to vector<256x1024xf32>
    %eq3A_155 = arith.cmpf oeq, %dot_general3A_152, %eq3A_154 : vector<256x1024xf32>
    %convert_element_type3A_156 = arith.extui %eq3A_155 : vector<256x1024xi1> to vector<256x1024xi32>
    %convert_element_type3A_157 = arith.sitofp %convert_element_type3A_156 : vector<256x1024xi32> to vector<256x1024xf32>
    %mul3A = vector.broadcast %convert_element_type3A_105 : vector<1x1024xf32> to vector<256x1024xf32>
    %mul3A_158 = arith.mulf %convert_element_type3A_157, %mul3A : vector<256x1024xf32>
    %dot_general3A_159 = arith.constant dense<0.000000e+00> : vector<256x32xf32>
    %dot_general3A_160 = tpu.matmul %mul3A_158, %convert_element_type3A_141, %dot_general3A_159 {dimension_numbers = #tpu.dot_dimension_numbers<[1], [0], [0], [1], [0, 0, 1, 1], [], []>, transpose_lhs_hint = false} : vector<256x1024xf32>, vector<1024x32xf32>, vector<256x32xf32> -> vector<256x32xf32>
    %ne3A_161 = arith.constant 0 : i32
    %ne3A_162 = vector.broadcast %ne3A_161 : i32 to vector<256x32xi32>
    %ne3A_163 = arith.cmpi ne, %get3A_147, %ne3A_162 : vector<256x32xi32>
    %eq3A_164 = arith.constant 0.000000e+00 : f32
    %eq3A_165 = vector.broadcast %eq3A_164 : f32 to vector<256x32xf32>
    %eq3A_166 = arith.cmpf oeq, %dot_general3A_160, %eq3A_165 : vector<256x32xf32>
    %and3A_167 = arith.andi %ne3A_163, %eq3A_166 : vector<256x32xi1>
    %convert_element_type3A_168 = arith.extui %and3A_167 : vector<256x32xi1> to vector<256x32xi32>
    %convert_element_type3A_169 = arith.sitofp %convert_element_type3A_168 : vector<256x32xi32> to vector<256x32xf32>
    %dot_general3A_170 = arith.constant dense<0.000000e+00> : vector<256x32xf32>
    %dot_general3A_171 = tpu.matmul %convert_element_type3A_169, %convert_element_type3A_145, %dot_general3A_170 {dimension_numbers = #tpu.dot_dimension_numbers<[1], [0], [0], [1], [0, 0, 1, 1], [], []>, transpose_lhs_hint = false} : vector<256x32xf32>, vector<32x32xf32>, vector<256x32xf32> -> vector<256x32xf32>
    %concatenate3A = tpu.concatenate %get3A_150, %dot_general3A_171 in 1 : vector<256x32xf32>, vector<256x32xf32> -> vector<256x64xf32>
    %get3A_172 = arith.constant 0 : index
    %get3A_173 = arith.constant 0 : index
    %get3A_174 = vector.load %arg2[%get3A_172, %get3A_173] : memref<32x64xf32, #tpu.memory_space<vmem>>, vector<32x64xf32>
    %dot_general3A_175 = arith.constant dense<0.000000e+00> : vector<256x32xf32>
    %dot_general3A_176 = tpu.matmul %concatenate3A, %get3A_174, %dot_general3A_175 {dimension_numbers = #tpu.dot_dimension_numbers<[1], [1], [0], [0], [0, 0, 1, 0], [], []>, precision = #tpu.contract_precision<fp32>, transpose_lhs_hint = false} : vector<256x64xf32>, vector<32x64xf32>, vector<256x32xf32> -> vector<256x32xf32>
    %get3A_177 = arith.constant 0 : index
    %get3A_178 = arith.constant 0 : index
    %get3A_179 = vector.load %arg3[%get3A_177, %get3A_178] : memref<1x32xf32, #tpu.memory_space<vmem>>, vector<1x32xf32>
    %add3A_180 = vector.broadcast %get3A_179 : vector<1x32xf32> to vector<256x32xf32>
    %add3A_181 = arith.addf %dot_general3A_176, %add3A_180 : vector<256x32xf32>
    %tanh3A = math.tanh %add3A_181 : vector<256x32xf32>
    %get3A_182 = arith.constant 0 : index
    %get3A_183 = arith.constant 0 : index
    %get3A_184 = vector.load %arg4[%get3A_182, %get3A_183] : memref<1x32xf32, #tpu.memory_space<vmem>>, vector<1x32xf32>
    %mul3A_185 = vector.broadcast %get3A_184 : vector<1x32xf32> to vector<256x32xf32>
    %mul3A_186 = arith.mulf %tanh3A, %mul3A_185 : vector<256x32xf32>
    %reduce_sum3A = arith.constant dense<0.000000e+00> : vector<256xf32>
    %reduce_sum3A_187 = vector.multi_reduction <add>, %mul3A_186, %reduce_sum3A [1] : vector<256x32xf32> to vector<256xf32>
    %broadcast_in_dim3A = vector.shape_cast %reduce_sum3A_187 : vector<256xf32> to vector<256x1xf32>
    %get3A_188 = arith.constant 0 : index
    %get3A_189 = arith.constant 0 : index
    %get3A_190 = vector.load %arg5[%get3A_188, %get3A_189] : memref<1x1xf32, #tpu.memory_space<vmem>>, vector<1x1xf32>
    %add3A_191 = vector.broadcast %get3A_190 : vector<1x1xf32> to vector<256x1xf32>
    %add3A_192 = arith.addf %broadcast_in_dim3A, %add3A_191 : vector<256x1xf32>
    %logistic3A = arith.negf %add3A_192 : vector<256x1xf32>
    %logistic3A_193 = math.exp %logistic3A : vector<256x1xf32>
    %logistic3A_194 = arith.constant 1.000000e+00 : f32
    %logistic3A_195 = vector.broadcast %logistic3A_194 : f32 to vector<256x1xf32>
    %logistic3A_196 = arith.addf %logistic3A_195, %logistic3A_193 : vector<256x1xf32>
    %logistic3A_197 = arith.divf %logistic3A_195, %logistic3A_196 : vector<256x1xf32>
    %neg3A = arith.constant 0.000000e+00 : f32
    %neg3A_198 = vector.broadcast %neg3A : f32 to vector<256x32xf32>
    %neg3A_199 = arith.subf %neg3A_198, %get3A_150 : vector<256x32xf32>
    %mul3A_200 = vector.broadcast %logistic3A_197 : vector<256x1xf32> to vector<256x32xf32>
    %mul3A_201 = arith.mulf %neg3A_199, %mul3A_200 : vector<256x32xf32>
    %reduce_max3A = arith.constant dense<0xFF800000> : vector<256xf32>
    %reduce_max3A_202 = vector.multi_reduction <maximumf>, %mul3A_201, %reduce_max3A [1] : vector<256x32xf32> to vector<256xf32>
    %broadcast_in_dim3A_203 = vector.shape_cast %reduce_max3A_202 : vector<256xf32> to vector<256x1xf32>
    %sub3A_204 = vector.broadcast %broadcast_in_dim3A_203 : vector<256x1xf32> to vector<256x32xf32>
    %sub3A_205 = arith.subf %mul3A_201, %sub3A_204 : vector<256x32xf32>
    %exp3A = math.exp %sub3A_205 : vector<256x32xf32>
    %reduce_sum3A_206 = arith.constant dense<0.000000e+00> : vector<256xf32>
    %reduce_sum3A_207 = vector.multi_reduction <add>, %exp3A, %reduce_sum3A_206 [1] : vector<256x32xf32> to vector<256xf32>
    %broadcast_in_dim3A_208 = vector.shape_cast %reduce_sum3A_207 : vector<256xf32> to vector<256x1xf32>
    %div3A_209 = vector.broadcast %broadcast_in_dim3A_208 : vector<256x1xf32> to vector<256x32xf32>
    %div3A_210 = arith.divf %exp3A, %div3A_209 : vector<256x32xf32>
    %dot_general3A_211 = arith.constant dense<0.000000e+00> : vector<256x1024xf32>
    %dot_general3A_212 = tpu.matmul %div3A_210, %convert_element_type3A_47, %dot_general3A_211 {dimension_numbers = #tpu.dot_dimension_numbers<[1], [0], [0], [1], [0, 0, 1, 1], [], []>, precision = #tpu.contract_precision<fp32>, transpose_lhs_hint = false} : vector<256x32xf32>, vector<32x1024xf32>, vector<256x1024xf32> -> vector<256x1024xf32>
    %mul3A_213 = arith.mulf %convert_element_type3A_157, %dot_general3A_212 : vector<256x1024xf32>
    %dot_general3A_214 = arith.constant dense<0.000000e+00> : vector<256x32xf32>
    %dot_general3A_215 = tpu.matmul %mul3A_213, %convert_element_type3A_141, %dot_general3A_214 {dimension_numbers = #tpu.dot_dimension_numbers<[1], [0], [0], [1], [0, 0, 1, 1], [], []>, precision = #tpu.contract_precision<fp32>, transpose_lhs_hint = false} : vector<256x1024xf32>, vector<1024x32xf32>, vector<256x32xf32> -> vector<256x32xf32>
    %swap3A = arith.constant 0 : index
    %swap3A_216 = arith.constant 0 : index
    %swap3A_217 = vector.load %arg6[%swap3A, %swap3A_216] : memref<256x32xf32, #tpu.memory_space<vmem>>, vector<256x32xf32>
    tpu.vector_store %arg6[%swap3A, %swap3A_216], %dot_general3A_215 {strides = array<i32>} : memref<256x32xf32, #tpu.memory_space<vmem>>, vector<256x32xf32>,
    return
  }
}

</mosaic_0001>

<sc_bundles>
// kernel: kernel.4.cloned.1.call-start
scs
__scs_entry_jumppad:
0x0: {  	(pc) =	sbr.rel $0x88, $3  }
0x1: {  	(tag) =	ssettag $0x0;
	lr =	simm.s32 $0x1  }
0x2: {  	[smem:$0x3F9B] =	sst lr;
	_ =	strace $0xD0000000  }
0x3: {  	_ = 	snop  }
0x4: {  	_ = 	snop  }
0x5: {  	_ = 	snop  }
0x6: {  	_ = 	snop  }
0x7: {  	_ = 	snop  }
__scs_overlays_trampoline_lowered:
0x8: {  	[smem:$0x3FAA] =	sst s0  }
0x9: {  	[smem:$0x3FAB] =	sst s1  }
0xa: {  	[smem:$0x3FAC] =	sst s2  }
0xb: {  	[smem:$0x3FAD] =	sst s3  }
0xc: {  	[smem:$0x3FAE] =	sst s4  }
0xd: {  	[smem:$0x3FAF] =	sst s5  }
0xe: {  	[smem:$0x3FB0] =	sst s6  }
0xf: {  	[smem:$0x3FB1] =	sst s7  }
0x10: {  	[smem:$0x3FB2] =	sst s8  }
0x11: {  	[smem:$0x3FB3] =	sst s9;
	s0 =	simm.s32 @!p0 $0x0  }
0x12: {  	s1 =	sld [smem:$0x3F99];
	s0 =	simm.s32 @p0 $0x1  }
0x13: {  	[smem:$0x3FB4] =	sst s0;
	s0 =	simm.s32 @!p1 $0x0  }
0x14: {  	s2 =	sld [smem:$0x3F98];
	s0 =	simm.s32 @p1 $0x1  }
0x15: {  	[smem:$0x3FB5] =	sst s0;
	s0 =	simm.s32 @!p2 $0x0  }
0x16: {  	s3 =	sld [smem:$0x3FDB];
	s0 =	simm.s32 @p2 $0x1  }
0x17: {  	s4 =	simm.s32 $0x1BF5;
	[smem:$0x3FB7] =	sst s0  }
0x18: {  	s0 =	sld [smem:$0x3F9A];
	_ =	swait.ge [sflag:s4], $0x0  }
0x19: {  	s7 =	sld [smem:$0x3F9B]  }
0x1a: {  	s8 =	sadd.s32 $0xFFFFE003, lr  }
0x1b: {  	s9 =	sadd.s32 $0xFFFFFEF7, lr;
	s5 =	simm.s32 $0xFFFFFFFF;
	p2 =	slt.u32 s8, $0xFFFFF086  }
0x1c: {  	p1 =	slt.u32 s9, $0xF7A;
	s5 =	simm.s32 @!p2 $0x0  }
0x1d: {  	s5 =	simm.s32 @p1 $0x1;
	p0 =	seq.s32 s7, s2  }
0x1e: {  	s7 =	smul.u32 @!p0 $0xF7A, s2;
	p2 =	seq.s32 @!p0 s5, $0x0  }
0x1f: {  	s9 =	smul.u32 $0xF7A, s1;
	s8 =	simm.s32 @!p0 $0x1BF5;
	p2 =	por !p2, p0  }
0x20: {  	[sflag:s8] =	ssyncset.s32 @!p0 $0xFFFFF086;
	s6 =	sadd.s32 @!p0 s3, s7;
	s7 =	simm.s32 @!p0 $0x108  }
0x21: {  	s3 =	sadd.s32 s3, s9;
	s6 =	sadd.s32 @!p0 $0x88, s6;
	s7 =	simm.s32 @p2 $0x1082  }
0x22: {  	[simem:s7], [sflag:s8] =	dma.local @!p0 [hbm:s6], $0xF7A  }
0x23: {  	s9 =	sor.u32 $0xD0000000, s2;
	s6 =	simm.s32 $0x108;
	_ =	swait.ge @!p0 [sflag:s8], $0x0  }
0x24: {  	s3 =	sadd.s32 $0x88, s3;
	s6 =	simm.s32 @!p1 $0x1082;
	[sflag:s4] =	ssyncset.s32 $0xFFFFF086  }
0x25: {  	[simem:s6], [sflag:s4] =	dma.local [hbm:s3], $0xF7A  }
0x26: {  	[smem:$0x3F9B] =	sst s1;
	(tag) =	ssettag s2;
	_ =	strace s9  }
0x27: {  	s1 =	sld [smem:$0x3FAB]  }
0x28: {  	s2 =	sld [smem:$0x3FAC]  }
0x29: {  	s4 =	sld [smem:$0x3FAE]  }
0x2a: {  	p0 =	seq.s32 s5, $0x0;
	s5 =	sld [smem:$0x3FAF]  }
0x2b: {  	s6 =	sld [smem:$0x3FB0]  }
0x2c: {  	s7 =	sld [smem:$0x3FB1]  }
0x2d: {  	s3 =	simm.s32 $0x108;
	s8 =	sld [smem:$0x3FB2]  }
0x2e: {  	s3 =	simm.s32 @!p0 $0x1082;
	s9 =	sld [smem:$0x3FB3]  }
0x2f: {  	lr =	sadd.s32 s0, s3;
	s0 =	sld [smem:$0x3FAA]  }
0x30: {  	s3 =	sld [smem:$0x3FAD]  }
0x31: {  	[smem:$0x3FB6] =	sst s10  }
0x32: {  	s10 =	sld [smem:$0x3FB4];
	_ =	sdelay $0x3  }
0x33: {  	p0 =	seq.s32 s10, $0x1;
	s10 =	sld [smem:$0x3FB6];
	_ =	sdelay $0x3  }
0x34: {  	[smem:$0x3FB6] =	sst s10  }
0x35: {  	s10 =	sld [smem:$0x3FB5];
	_ =	sdelay $0x3  }
0x36: {  	p1 =	seq.s32 s10, $0x1;
	s10 =	sld [smem:$0x3FB6];
	_ =	sdelay $0x3  }
0x37: {  	[smem:$0x3FB6] =	sst s10  }
0x38: {  	s10 =	sld [smem:$0x3FB7]  }
0x39: {  	_ = 	snop;
	(pc) =	sbr.ind lr, $3  }
0x3a: {  	_ = 	snop  }
0x3b: {  	_ = 	snop  }
0x3c: {  	p2 =	seq.s32 s10, $0x1;
	s10 =	sld [smem:$0x3FB6]  }
0x3d: {  	_ =	shalt  }
0x3e: {  	_ =	shalt  }
0x3f: {  	_ =	shalt  }
0x40: {  	_ =	shalt  }
0x41: {  	_ =	shalt  }
0x42: {  	_ =	shalt  }
0x43: {  	_ =	shalt  }
0x44: {  	_ =	shalt  }
0x45: {  	_ =	shalt  }
0x46: {  	_ =	shalt  }
0x47: {  	_ =	shalt  }
0x48: {  	_ =	shalt  }
0x49: {  	_ =	shalt  }
0x4a: {  	_ =	shalt  }
0x4b: {  	_ =	shalt  }
0x4c: {  	_ =	shalt  }
0x4d: {  	_ =	shalt  }
0x4e: {  	_ =	shalt  }
0x4f: {  	_ =	shalt  }
0x50: {  	_ =	shalt  }
0x51: {  	_ =	shalt  }
0x52: {  	_ =	shalt  }
0x53: {  	_ =	shalt  }
0x54: {  	_ =	shalt  }
0x55: {  	_ =	shalt  }
0x56: {  	_ =	shalt  }
0x57: {  	_ =	shalt  }
0x58: {  	_ =	shalt  }
0x59: {  	_ =	shalt  }
0x5a: {  	_ =	shalt  }
0x5b: {  	_ =	shalt  }
0x5c: {  	_ =	shalt  }
0x5d: {  	_ =	shalt  }
0x5e: {  	_ =	shalt  }
0x5f: {  	_ =	shalt  }
0x60: {  	_ =	shalt  }
0x61: {  	_ =	shalt  }
0x62: {  	_ =	shalt  }
0x63: {  	_ =	shalt  }
0x64: {  	_ =	shalt  }
0x65: {  	_ =	shalt  }
0x66: {  	_ =	shalt  }
0x67: {  	_ =	shalt  }
0x68: {  	_ =	shalt  }
0x69: {  	_ =	shalt  }
0x6a: {  	_ =	shalt  }
0x6b: {  	_ =	shalt  }
0x6c: {  	_ =	shalt  }
0x6d: {  	_ =	shalt  }
0x6e: {  	_ =	shalt  }
0x6f: {  	_ =	shalt  }
0x70: {  	_ =	shalt  }
0x71: {  	_ =	shalt  }
0x72: {  	_ =	shalt  }
0x73: {  	_ =	shalt  }
0x74: {  	_ =	shalt  }
0x75: {  	_ =	shalt  }
0x76: {  	_ =	shalt  }
0x77: {  	_ =	shalt  }
0x78: {  	_ =	shalt  }
0x79: {  	_ =	shalt  }
0x7a: {  	_ =	shalt  }
0x7b: {  	_ =	shalt  }
0x7c: {  	_ =	shalt  }
0x7d: {  	_ =	shalt  }
0x7e: {  	_ =	shalt  }
0x7f: {  	_ =	shalt  }
0x80: {  	_ =	shalt  }
0x81: {  	_ =	shalt  }
0x82: {  	_ =	shalt  }
0x83: {  	_ =	shalt  }
0x84: {  	_ =	shalt  }
0x85: {  	_ =	shalt  }
0x86: {  	_ =	shalt  }
0x87: {  	_ =	shalt  }
.Lfunc_end0:
.L_simem_size_0:
called_computation_lowered:
.L_overlay_start_0:
0x88: {  	s2 =	sld [smem:$0x3FD9]  }
0x89: {  	s3 =	sld [smem:$0x3FFE];
	_ =	sdelay $0x1  }
0x8a: {  	s1 =	srdreg.scid  }
0x8b: {  	s0 =	sand.u32 $0x1, s1  }
0x8c: {  	s17 =	sshll.u32 s0, $0xA;
	s2 =	sadd.s32 s3, s2  }
0x8d: {  	s2 =	sadd.s32 s2, s17  }
0x8e: {  	[smem:$0x3FC2] =	sst s2  }
0x8f: {  	_ = 	snop  }
0x90: {  	s2 =	sld [smem:$0x3FC9]  }
0x91: {  	s18 =	sld [smem:$0x3FD0];
	(tm) =	ssettm $0x1  }
0x92: {  	s4 =	sld [smem:$0x3FFB];
	_ =	sdelay $0x3  }
0x93: {  	_ =	strace s4  }
0x94: {  	s4 =	sld [smem:$0x3FFC];
	_ =	sdelay $0x3  }
0x95: {  	_ =	strace s4  }
0x96: {  	s4 =	sld [smem:$0x3FFD];
	_ =	sdelay $0x3  }
0x97: {  	_ =	strace s4  }
0x98: {  	_ =	strace $0x8FFFFFFF  }
0x99: {  	s19 =	sld [smem:$0x3FDB];
	_ =	sdelay $0x1  }
0x9a: {  	s5 =	simm.s32 $_scs_section_size  }
0x9b: {  	s6 =	simm.s32 $_size__tile_overlayer_lowered;
	s7 =	simm.s32 $_tile_overlayer_lowered  }
0x9c: {  	s22 =	simm.s32 $0x1BFF;
	s21 =	sshll.u32 s7, $0x1;
	s4 =	sadd.s32 s5, s19  }
0x9d: {  	s8 =	simm.s32 $0x0;
	s20 =	sshll.u32 s6, $0x1;
	s6 =	sadd.s32 s21, s4  }
0x9e: {  	[timem:s8], [sflag:s22] =	dma.local [hbm:s6], s20  }
0x9f: {  	_ =	swait.ge [sflag:s22], s20  }
0xa0: {  	s5 =	ssub.s32 $0x0, s20;
	[sflag:s22] =	ssyncset.done $0x0  }
0xa1: {  	[sflag:s22] =	ssyncadd.s32 s5;
	_ =	sdelay $0x1  }
0xa2: {  	s23 =	simm.s32 $0x1B8B  }
0xa3: {  	_ =	swait.ge [sflag:s23], $0x1  }
0xa4: {  	[sflag:s23] =	ssyncset.done $0x0  }
0xa5: {  	s25 =	simm.s32 $0x1B8E;
	s24 =	sld [smem:$0x3FFE];
	[sflag:s23] =	ssyncadd.s32 $0xFFFFFFFF  }
0xa6: {  	s26 =	simm.s32 $execute0_lowered;
	[smem:$0x3FD2] =	sst s25  }
0xa7: {  	s6 =	sshll.u32 s26, $0x1;
	_ =	strace $0x80000046;
	[dreg:$0x1] =	wrdreg $0xFFFFFFFF  }
0xa8: {  	s28 =	simm.s32 $_size_execute0_lowered;
	s4 =	sadd.s32 s4, s6;
	[dreg:$0x0] =	wrdreg $0x0  }
0xa9: {  	s6 =	sshll.u32 s28, $0x1;
	[dreg:$0x2] =	wrdreg s4  }
0xaa: {  	[dreg:$0x3] =	wrdreg s6  }
0xab: {  	[dreg:$0x4] =	wrdreg $0xC0  }
0xac: {  	_ =	task [dreg:s8], $0x5FFFF  }
0xad: {  	[dreg:$0x1] =	wrdreg $0xFFFFFFFF  }
0xae: {  	[dreg:$0x0] =	wrdreg $0x60  }
0xaf: {  	[dreg:$0x2] =	wrdreg s24  }
0xb0: {  	[dreg:$0x3] =	wrdreg s2  }
0xb1: {  	[dreg:$0x4] =	wrdreg s18  }
0xb2: {  	[dreg:$0x5] =	wrdreg $0x9  }
0xb3: {  	_ =	task.clear_ibuf [dreg:s8], $0x6FFFF;
	_ =	strace $0x90000046  }
0xb4: {  	s29 =	simm.s32 $0x9;
	_ =	strace $0x80000048  }
0xb5: {  	_ =	swait.ge [sflag:s29], $0x1  }
0xb6: {  	[sflag:s29] =	ssyncadd.s32 $0xFFFFFFFF  }
0xb7: {  	_ =	strace $0x90000048  }
0xb8: {  	_ =	sfence  }
0xb9: {  	s30 =	sld [smem:$0x0];
	_ =	sdelay $0x2  }
0xba: {  	s31 =	sshll.u32 s1, $0xD;
	s1 =	sshrl.u32 s1, $0x2  }
0xbb: {  	s3 =	sand.u32 $0x4000, s31;
	s1 =	sadd.s32 s1, s30  }
0xbc: {  	s0 =	sor.u32 s3, s0;
	s1 =	sshll.u32 s1, $0x11  }
0xbd: {  	s0 =	sor.u32 s1, s0  }
0xbe: {  	s0 =	sadd.s32 $0x8F2B, s0  }
0xbf: {  	[sflag:s0] =	ssyncadd.remote.s32 $0x1  }
0xc0: {  	_ =	sfence.sel $0xFFFF  }
0xc1: {  	[dreg:$0x0] =	wrdreg $0xFFFFFFFF;
	(pc) =	sbr.abs _section_cstart, $3  }
0xc2: {  	[dreg:$0x1] =	wrdreg $0xFFFFFFFF  }
0xc3: {  	_ =	task.clear_ibuf [dreg:s8], $0x2FFFF;
	_ =	strace $0x9FFFFFFF  }
0xc4: {  	(tm) =	ssettm $0x7FFFFFFF  }
0xc5: {  	_ =	shalt  }
tec
execute0_lowered:
.L_overlay_start_1:
0x0: {  	(tag) =	ssettag $0x1  }
0x1: {  	s5 =	rddreg [dreg:$0x0]  }
0x2: {  	s6 =	rddreg [dreg:$0x1]  }
0x3: {  	s2 =	rddreg [dreg:$0x2]  }
0x4: {  	s0 =	rddreg [dreg:$0x3];
	s3 =	simm.s32 $0x0;
	s4 =	srdreg.scid  }
0x5: {  	s1 =	stileid.u32;
	s14 =	simm.s32 $0x2000;
	s15 =	simm.s32 $0x4000  }
0x6: {  	s16 =	simm.s32 $0x7800;
	s17 =	simm.s32 $0x7C00;
	s18 =	simm.s32 $0x3  }
0x7: {  	s19 =	simm.s32 $0x1;
	s20 =	simm.s32 $0x2;
	s21 =	simm.s32 $0x0  }
0x8: {  	[smem:$0x7FF] =	sst s3;
	s7 =	sand.u32 $0x1, s4;
	s28 =	sshll.u32 s1, $0x1  }
0x9: {  	s4 =	sadd.s32 $0x2000, s5;
	s12 =	smul.u32 $0x187000, s1;
	_ =	strace $0x80000047  }
0xa: {  	s8 =	sor.u32 s7, s28;
	s9 =	ssub.s32 $0x2, s7;
	s29 =	smul.u32 $0xC3800, s7  }
0xb: {  	s10 =	smul.u32 $0xC3800, s8;
	s8 =	sshll.u32 s8, $0x7;
	s11 =	sshrl.u32 s9, $0x1  }
0xc: {  	s13 =	sadd.s32 s8, s5;
	s11 =	ssub.s32 s9, s11;
	s5 =	sadd.s32 $0x2400, s5  }
0xd: {  	s6 =	sadd.s32 s6, s8;
	s12 =	sadd.s32 s29, s12;
	s30 =	sshrl.u32 s10, $0x3  }
0xe: {  	s7 =	sadd.s32 $0x1000, s13;
	s31 =	sshrl.u32 s12, $0x3;
	s11 =	smax.u32 s11, $0x1  }
0xf: {  	s12 =	sadd.s32 $0x4000, s12;
	s8 =	sadd.s32 s2, s30;
	s13 =	sadd.s32 s31, s2  }
0x10: {  	v0 =	vimm.f32 $0.0e+00;
	s9 =	sadd.s32 $0x400, s8;
	s10 =	sadd.s32 $0x18000, s8;
	s13 =	sadd.s32 $0xC00, s13  }
.LBB2_1:
0x11: {  	[tilespmem:s3], [sflag:$0x3] =	stream.linear.gather [hbm4b:s4+s3], $0x2000, $0x38;
	[tilespmem:$0x8000] =	vst v63  }
0x12: {  	_ = 	snop  }
0x13: {  	[tilespmem:s14], [sflag:$0x3] =	stream.linear.gather [hbm4b:s4+s3], $0x2000, $0x38;
	[tilespmem:$0x8000] =	vst v63  }
0x14: {  	_ = 	snop  }
0x15: {  	[tilespmem:s15], [sflag:$0x3] =	stream.linear.gather [hbm4b:s5+s3], $0x3800, $0x38;
	[tilespmem:$0x8000] =	vst v63  }
0x16: {  	_ = 	snop  }
0x17: {  	[tilespmem:s16], [sflag:$0x3] =	stream.linear.gather [hbm4b:s6+s3], $0x400, $0x38;
	[tilespmem:$0x8000] =	vst v63  }
0x18: {  	_ = 	snop  }
0x19: {  	[tilespmem:s17], [sflag:$0x3] =	stream.linear.gather [hbm4b:s7+s3], $0x400, $0x38;
	[tilespmem:$0x8000] =	vst v63  }
0x1a: {  	_ =	swait.ge [sflag:s18], $0x2000  }
0x1b: {  	[sflag:s18] =	ssyncset.done $0x0  }
0x1c: {  	[sflag:s18] =	ssyncadd.s32 $0xFFFFE000  }
0x1d: {  	_ =	swait.ge [sflag:s18], $0x2000  }
0x1e: {  	[sflag:s18] =	ssyncset.done $0x0  }
0x1f: {  	[sflag:s18] =	ssyncadd.s32 $0xFFFFE000  }
0x20: {  	_ =	swait.ge [sflag:s18], $0x3800  }
0x21: {  	[sflag:s18] =	ssyncset.done $0x0  }
0x22: {  	[sflag:s18] =	ssyncadd.s32 $0xFFFFC800  }
0x23: {  	_ =	swait.ge [sflag:s18], $0x400  }
0x24: {  	[sflag:s18] =	ssyncset.done $0x0  }
0x25: {  	[sflag:s18] =	ssyncadd.s32 $0xFFFFFC00  }
0x26: {  	_ =	swait.ge [sflag:s18], $0x400  }
0x27: {  	[sflag:s18] =	ssyncset.done $0x0  }
0x28: {  	[sflag:s18] =	ssyncadd.s32 $0xFFFFFC00  }
0x29: {  	v1 =	vld [tilespmem:$0x7800];
	_ =	sdelay $0x4  }
0x2a: {  	vm0 =	vlt.u32 v1, $0x400  }
0x2b: {  	v1 =	vnsel vm0, $0x0, v1  }
0x2c: {  	v2 =	vshll.u32 v1, $0x3  }
0x2d: {  	v1 =	vand.u32 $0x7F, v1;
	v2 =	vand.u32 $0xFFFFFC00, v2  }
0x2e: {  	v3 =	vld [tilespmem:$0x7C00];
	v1 =	vor.u32 v1, v2;
	_ =	sdelay $0x4  }
0x2f: {  	[tilespmem:v1+s3+$0x0] =	vst.idx.msk vm0, v3  }
0x30: {  	v1 =	vld [tilespmem:$0x7810];
	_ =	sdelay $0x4  }
0x31: {  	vm9 =	vlt.u32 v1, $0x400  }
0x32: {  	v1 =	vnsel vm9, $0x0, v1  }
0x33: {  	v2 =	vshll.u32 v1, $0x3  }
0x34: {  	v1 =	vand.u32 $0x7F, v1;
	v2 =	vand.u32 $0xFFFFFC00, v2  }
0x35: {  	v3 =	vld [tilespmem:$0x7C10];
	v1 =	vor.u32 v1, v2;
	_ =	sdelay $0x4  }
0x36: {  	[tilespmem:v1+s3+$0x0] =	vst.idx.msk vm9, v3  }
0x37: {  	v1 =	vld [tilespmem:$0x7880];
	_ =	sdelay $0x4  }
0x38: {  	vm10 =	vlt.u32 v1, $0x400  }
0x39: {  	v1 =	vnsel vm10, $0x0, v1  }
0x3a: {  	v2 =	vshll.u32 v1, $0x3  }
0x3b: {  	v1 =	vand.u32 $0x7F, v1;
	v2 =	vand.u32 $0xFFFFFC00, v2  }
0x3c: {  	v1 =	vor.u32 v2, v1  }
0x3d: {  	v2 =	vld [tilespmem:$0x7C80];
	v1 =	vor.u32 $0x80, v1;
	_ =	sdelay $0x4  }
0x3e: {  	[tilespmem:v1+s3+$0x0] =	vst.idx.msk vm10, v2  }
0x3f: {  	v1 =	vld [tilespmem:$0x7890];
	_ =	sdelay $0x4  }
0x40: {  	vm11 =	vlt.u32 v1, $0x400  }
0x41: {  	v1 =	vnsel vm11, $0x0, v1  }
0x42: {  	v2 =	vshll.u32 v1, $0x3  }
0x43: {  	v1 =	vand.u32 $0x7F, v1;
	v2 =	vand.u32 $0xFFFFFC00, v2  }
0x44: {  	v1 =	vor.u32 v2, v1  }
0x45: {  	v2 =	vld [tilespmem:$0x7C90];
	v1 =	vor.u32 $0x80, v1;
	_ =	sdelay $0x4  }
0x46: {  	[tilespmem:v1+s3+$0x0] =	vst.idx.msk vm11, v2  }
0x47: {  	v1 =	vld [tilespmem:$0x7900];
	_ =	sdelay $0x4  }
0x48: {  	vm12 =	vlt.u32 v1, $0x400  }
0x49: {  	v1 =	vnsel vm12, $0x0, v1  }
0x4a: {  	v2 =	vshll.u32 v1, $0x3  }
0x4b: {  	v1 =	vand.u32 $0x7F, v1;
	v2 =	vand.u32 $0xFFFFFC00, v2  }
0x4c: {  	v1 =	vor.u32 v2, v1  }
0x4d: {  	v2 =	vld [tilespmem:$0x7D00];
	v1 =	vor.u32 $0x100, v1;
	_ =	sdelay $0x4  }
0x4e: {  	[tilespmem:v1+s3+$0x0] =	vst.idx.msk vm12, v2  }
0x4f: {  	v1 =	vld [tilespmem:$0x7910];
	_ =	sdelay $0x4  }
0x50: {  	vm13 =	vlt.u32 v1, $0x400  }
0x51: {  	v1 =	vnsel vm13, $0x0, v1  }
0x52: {  	v2 =	vshll.u32 v1, $0x3  }
0x53: {  	v1 =	vand.u32 $0x7F, v1;
	v2 =	vand.u32 $0xFFFFFC00, v2  }
0x54: {  	v1 =	vor.u32 v2, v1  }
0x55: {  	v2 =	vld [tilespmem:$0x7D10];
	v1 =	vor.u32 $0x100, v1;
	_ =	sdelay $0x4  }
0x56: {  	[tilespmem:v1+s3+$0x0] =	vst.idx.msk vm13, v2  }
0x57: {  	v1 =	vld [tilespmem:$0x7980];
	_ =	sdelay $0x4  }
0x58: {  	vm14 =	vlt.u32 v1, $0x400  }
0x59: {  	v1 =	vnsel vm14, $0x0, v1  }
0x5a: {  	v2 =	vshll.u32 v1, $0x3  }
0x5b: {  	v1 =	vand.u32 $0x7F, v1;
	v2 =	vand.u32 $0xFFFFFC00, v2  }
0x5c: {  	v1 =	vor.u32 v2, v1  }
0x5d: {  	v2 =	vld [tilespmem:$0x7D80];
	v1 =	vor.u32 $0x180, v1;
	_ =	sdelay $0x4  }
0x5e: {  	[tilespmem:v1+s3+$0x0] =	vst.idx.msk vm14, v2  }
0x5f: {  	v1 =	vld [tilespmem:$0x7990];
	_ =	sdelay $0x4  }
0x60: {  	vm15 =	vlt.u32 v1, $0x400  }
0x61: {  	v1 =	vnsel vm15, $0x0, v1  }
0x62: {  	v2 =	vshll.u32 v1, $0x3  }
0x63: {  	v1 =	vand.u32 $0x7F, v1;
	v2 =	vand.u32 $0xFFFFFC00, v2  }
0x64: {  	v1 =	vor.u32 v2, v1  }
0x65: {  	v2 =	vld [tilespmem:$0x7D90];
	v1 =	vor.u32 $0x180, v1;
	_ =	sdelay $0x4  }
0x66: {  	[tilespmem:v1+s3+$0x0] =	vst.idx.msk vm15, v2  }
0x67: {  	v1 =	vld [tilespmem:$0x7A00];
	_ =	sdelay $0x4  }
0x68: {  	vm4 =	vlt.u32 v1, $0x400  }
0x69: {  	v1 =	vnsel vm4, $0x0, v1  }
0x6a: {  	v2 =	vshll.u32 v1, $0x3  }
0x6b: {  	v1 =	vand.u32 $0x7F, v1;
	v2 =	vand.u32 $0xFFFFFC00, v2  }
0x6c: {  	v1 =	vor.u32 v2, v1  }
0x6d: {  	v2 =	vld [tilespmem:$0x7E00];
	v1 =	vor.u32 $0x200, v1;
	_ =	sdelay $0x4  }
0x6e: {  	[tilespmem:v1+s3+$0x0] =	vst.idx.msk vm4, v2  }
0x6f: {  	v1 =	vld [tilespmem:$0x7A10];
	_ =	sdelay $0x4  }
0x70: {  	vm5 =	vlt.u32 v1, $0x400  }
0x71: {  	v1 =	vnsel vm5, $0x0, v1  }
0x72: {  	v2 =	vshll.u32 v1, $0x3  }
0x73: {  	v1 =	vand.u32 $0x7F, v1;
	v2 =	vand.u32 $0xFFFFFC00, v2  }
0x74: {  	v1 =	vor.u32 v2, v1  }
0x75: {  	v2 =	vld [tilespmem:$0x7E10];
	v1 =	vor.u32 $0x200, v1;
	_ =	sdelay $0x4  }
0x76: {  	[tilespmem:v1+s3+$0x0] =	vst.idx.msk vm5, v2  }
0x77: {  	v1 =	vld [tilespmem:$0x7A80];
	_ =	sdelay $0x4  }
0x78: {  	vm6 =	vlt.u32 v1, $0x400  }
0x79: {  	v1 =	vnsel vm6, $0x0, v1  }
0x7a: {  	v2 =	vshll.u32 v1, $0x3  }
0x7b: {  	v1 =	vand.u32 $0x7F, v1;
	v2 =	vand.u32 $0xFFFFFC00, v2  }
0x7c: {  	v1 =	vor.u32 v2, v1  }
0x7d: {  	v2 =	vld [tilespmem:$0x7E80];
	v1 =	vor.u32 $0x280, v1;
	_ =	sdelay $0x4  }
0x7e: {  	[tilespmem:v1+s3+$0x0] =	vst.idx.msk vm6, v2  }
0x7f: {  	v1 =	vld [tilespmem:$0x7A90];
	_ =	sdelay $0x4  }
0x80: {  	vm7 =	vlt.u32 v1, $0x400  }
0x81: {  	v1 =	vnsel vm7, $0x0, v1  }
0x82: {  	v2 =	vshll.u32 v1, $0x3  }
0x83: {  	v1 =	vand.u32 $0x7F, v1;
	v2 =	vand.u32 $0xFFFFFC00, v2  }
0x84: {  	v1 =	vor.u32 v2, v1  }
0x85: {  	v2 =	vld [tilespmem:$0x7E90];
	v1 =	vor.u32 $0x280, v1;
	_ =	sdelay $0x4  }
0x86: {  	[tilespmem:v1+s3+$0x0] =	vst.idx.msk vm7, v2  }
0x87: {  	v1 =	vld [tilespmem:$0x7B00];
	_ =	sdelay $0x4  }
0x88: {  	vm8 =	vlt.u32 v1, $0x400  }
0x89: {  	v1 =	vnsel vm8, $0x0, v1  }
0x8a: {  	v2 =	vshll.u32 v1, $0x3  }
0x8b: {  	v1 =	vand.u32 $0x7F, v1;
	v2 =	vand.u32 $0xFFFFFC00, v2  }
0x8c: {  	v1 =	vor.u32 v2, v1  }
0x8d: {  	v2 =	vld [tilespmem:$0x7F00];
	v1 =	vor.u32 $0x300, v1;
	_ =	sdelay $0x4  }
0x8e: {  	[tilespmem:v1+s3+$0x0] =	vst.idx.msk vm8, v2  }
0x8f: {  	v1 =	vld [tilespmem:$0x7B10];
	_ =	sdelay $0x4  }
0x90: {  	vm9 =	vlt.u32 v1, $0x400  }
0x91: {  	v1 =	vnsel vm9, $0x0, v1  }
0x92: {  	v2 =	vshll.u32 v1, $0x3  }
0x93: {  	v1 =	vand.u32 $0x7F, v1;
	v2 =	vand.u32 $0xFFFFFC00, v2  }
0x94: {  	v1 =	vor.u32 v2, v1  }
0x95: {  	v2 =	vld [tilespmem:$0x7F10];
	v1 =	vor.u32 $0x300, v1;
	_ =	sdelay $0x4  }
0x96: {  	[tilespmem:v1+s3+$0x0] =	vst.idx.msk vm9, v2  }
0x97: {  	v1 =	vld [tilespmem:$0x7B80];
	_ =	sdelay $0x4  }
0x98: {  	vm10 =	vlt.u32 v1, $0x400  }
0x99: {  	v1 =	vnsel vm10, $0x0, v1  }
0x9a: {  	v2 =	vshll.u32 v1, $0x3  }
0x9b: {  	v1 =	vand.u32 $0x7F, v1;
	v2 =	vand.u32 $0xFFFFFC00, v2  }
0x9c: {  	v1 =	vor.u32 v2, v1  }
0x9d: {  	v2 =	vld [tilespmem:$0x7F80];
	v1 =	vor.u32 $0x380, v1;
	_ =	sdelay $0x4  }
0x9e: {  	[tilespmem:v1+s3+$0x0] =	vst.idx.msk vm10, v2  }
0x9f: {  	v1 =	vld [tilespmem:$0x7B90];
	_ =	sdelay $0x4  }
0xa0: {  	vm11 =	vlt.u32 v1, $0x400  }
0xa1: {  	v1 =	vnsel vm11, $0x0, v1  }
0xa2: {  	v2 =	vshll.u32 v1, $0x3  }
0xa3: {  	v1 =	vand.u32 $0x7F, v1;
	v2 =	vand.u32 $0xFFFFFC00, v2  }
0xa4: {  	v1 =	vor.u32 v2, v1  }
0xa5: {  	v2 =	vld [tilespmem:$0x7F90];
	v1 =	vor.u32 $0x380, v1;
	_ =	sdelay $0x4  }
0xa6: {  	[tilespmem:v1+s3+$0x0] =	vst.idx.msk vm11, v2  }
0xa7: {  	[hbm4b:s8+s3] =	stream.linear.scatter [tilespmem:s3], [sflag:$0x1], $0x2000, $0x38;
	[tilespmem:$0x8000] =	vst v63  }
0xa8: {  	v1 =	vld [tilespmem:$0x7800];
	_ =	sdelay $0x4  }
0xa9: {  	v2 =	vand.u32 $0xFFFFFC00, v1  }
0xaa: {  	v1 =	vadd.s32 $0xFFFFFC00, v1;
	vm12 =	veq.s32 v2, $0x400  }
0xab: {  	v1 =	vnsel vm12, $0x0, v1  }
0xac: {  	v2 =	vshll.u32 v1, $0x3  }
0xad: {  	v1 =	vand.u32 $0x7F, v1;
	v2 =	vand.u32 $0xFFFFFC00, v2  }
0xae: {  	v3 =	vld [tilespmem:$0x7C00];
	v1 =	vor.u32 v1, v2;
	_ =	sdelay $0x4  }
0xaf: {  	[tilespmem:v1+s14+$0x0] =	vst.idx.msk vm12, v3  }
0xb0: {  	v1 =	vld [tilespmem:$0x7810];
	_ =	sdelay $0x4  }
0xb1: {  	v2 =	vand.u32 $0xFFFFFC00, v1  }
0xb2: {  	v1 =	vadd.s32 $0xFFFFFC00, v1;
	vm13 =	veq.s32 v2, $0x400  }
0xb3: {  	v1 =	vnsel vm13, $0x0, v1  }
0xb4: {  	v2 =	vshll.u32 v1, $0x3  }
0xb5: {  	v1 =	vand.u32 $0x7F, v1;
	v2 =	vand.u32 $0xFFFFFC00, v2  }
0xb6: {  	v3 =	vld [tilespmem:$0x7C10];
	v1 =	vor.u32 v1, v2;
	_ =	sdelay $0x4  }
0xb7: {  	[tilespmem:v1+s14+$0x0] =	vst.idx.msk vm13, v3  }
0xb8: {  	v1 =	vld [tilespmem:$0x7880];
	_ =	sdelay $0x4  }
0xb9: {  	v2 =	vand.u32 $0xFFFFFC00, v1  }
0xba: {  	v1 =	vadd.s32 $0xFFFFFC00, v1;
	vm14 =	veq.s32 v2, $0x400  }
0xbb: {  	v1 =	vnsel vm14, $0x0, v1  }
0xbc: {  	v2 =	vshll.u32 v1, $0x3  }
0xbd: {  	v1 =	vand.u32 $0x7F, v1;
	v2 =	vand.u32 $0xFFFFFC00, v2  }
0xbe: {  	v1 =	vor.u32 v2, v1  }
0xbf: {  	v2 =	vld [tilespmem:$0x7C80];
	v1 =	vor.u32 $0x80, v1;
	_ =	sdelay $0x4  }
0xc0: {  	[tilespmem:v1+s14+$0x0] =	vst.idx.msk vm14, v2  }
0xc1: {  	v1 =	vld [tilespmem:$0x7890];
	_ =	sdelay $0x4  }
0xc2: {  	v2 =	vand.u32 $0xFFFFFC00, v1  }
0xc3: {  	v1 =	vadd.s32 $0xFFFFFC00, v1;
	vm15 =	veq.s32 v2, $0x400  }
0xc4: {  	v1 =	vnsel vm15, $0x0, v1  }
0xc5: {  	v2 =	vshll.u32 v1, $0x3  }
0xc6: {  	v1 =	vand.u32 $0x7F, v1;
	v2 =	vand.u32 $0xFFFFFC00, v2  }
0xc7: {  	v1 =	vor.u32 v2, v1  }
0xc8: {  	v2 =	vld [tilespmem:$0x7C90];
	v1 =	vor.u32 $0x80, v1;
	_ =	sdelay $0x4  }
0xc9: {  	[tilespmem:v1+s14+$0x0] =	vst.idx.msk vm15, v2  }
0xca: {  	v1 =	vld [tilespmem:$0x7900];
	_ =	sdelay $0x4  }
0xcb: {  	v2 =	vand.u32 $0xFFFFFC00, v1  }
0xcc: {  	v1 =	vadd.s32 $0xFFFFFC00, v1;
	vm4 =	veq.s32 v2, $0x400  }
0xcd: {  	v1 =	vnsel vm4, $0x0, v1  }
0xce: {  	v2 =	vshll.u32 v1, $0x3  }
0xcf: {  	v1 =	vand.u32 $0x7F, v1;
	v2 =	vand.u32 $0xFFFFFC00, v2  }
0xd0: {  	v1 =	vor.u32 v2, v1  }
0xd1: {  	v2 =	vld [tilespmem:$0x7D00];
	v1 =	vor.u32 $0x100, v1;
	_ =	sdelay $0x4  }
0xd2: {  	[tilespmem:v1+s14+$0x0] =	vst.idx.msk vm4, v2  }
0xd3: {  	v1 =	vld [tilespmem:$0x7910];
	_ =	sdelay $0x4  }
0xd4: {  	v2 =	vand.u32 $0xFFFFFC00, v1  }
0xd5: {  	v1 =	vadd.s32 $0xFFFFFC00, v1;
	vm5 =	veq.s32 v2, $0x400  }
0xd6: {  	v1 =	vnsel vm5, $0x0, v1  }
0xd7: {  	v2 =	vshll.u32 v1, $0x3  }
0xd8: {  	v1 =	vand.u32 $0x7F, v1;
	v2 =	vand.u32 $0xFFFFFC00, v2  }
0xd9: {  	v1 =	vor.u32 v2, v1  }
0xda: {  	v2 =	vld [tilespmem:$0x7D10];
	v1 =	vor.u32 $0x100, v1;
	_ =	sdelay $0x4  }
0xdb: {  	[tilespmem:v1+s14+$0x0] =	vst.idx.msk vm5, v2  }
0xdc: {  	v1 =	vld [tilespmem:$0x7980];
	_ =	sdelay $0x4  }
0xdd: {  	v2 =	vand.u32 $0xFFFFFC00, v1  }
0xde: {  	v1 =	vadd.s32 $0xFFFFFC00, v1;
	vm6 =	veq.s32 v2, $0x400  }
0xdf: {  	v1 =	vnsel vm6, $0x0, v1  }
0xe0: {  	v2 =	vshll.u32 v1, $0x3  }
0xe1: {  	v1 =	vand.u32 $0x7F, v1;
	v2 =	vand.u32 $0xFFFFFC00, v2  }
0xe2: {  	v1 =	vor.u32 v2, v1  }
0xe3: {  	v2 =	vld [tilespmem:$0x7D80];
	v1 =	vor.u32 $0x180, v1;
	_ =	sdelay $0x4  }
0xe4: {  	[tilespmem:v1+s14+$0x0] =	vst.idx.msk vm6, v2  }
0xe5: {  	v1 =	vld [tilespmem:$0x7990];
	_ =	sdelay $0x4  }
0xe6: {  	v2 =	vand.u32 $0xFFFFFC00, v1  }
0xe7: {  	v1 =	vadd.s32 $0xFFFFFC00, v1;
	vm7 =	veq.s32 v2, $0x400  }
0xe8: {  	v1 =	vnsel vm7, $0x0, v1  }
0xe9: {  	v2 =	vshll.u32 v1, $0x3  }
0xea: {  	v1 =	vand.u32 $0x7F, v1;
	v2 =	vand.u32 $0xFFFFFC00, v2  }
0xeb: {  	v1 =	vor.u32 v2, v1  }
0xec: {  	v2 =	vld [tilespmem:$0x7D90];
	v1 =	vor.u32 $0x180, v1;
	_ =	sdelay $0x4  }
0xed: {  	[tilespmem:v1+s14+$0x0] =	vst.idx.msk vm7, v2  }
0xee: {  	v1 =	vld [tilespmem:$0x7A00];
	_ =	sdelay $0x4  }
0xef: {  	v2 =	vand.u32 $0xFFFFFC00, v1  }
0xf0: {  	v1 =	vadd.s32 $0xFFFFFC00, v1;
	vm8 =	veq.s32 v2, $0x400  }
0xf1: {  	v1 =	vnsel vm8, $0x0, v1  }
0xf2: {  	v2 =	vshll.u32 v1, $0x3  }
0xf3: {  	v1 =	vand.u32 $0x7F, v1;
	v2 =	vand.u32 $0xFFFFFC00, v2  }
0xf4: {  	v1 =	vor.u32 v2, v1  }
0xf5: {  	v2 =	vld [tilespmem:$0x7E00];
	v1 =	vor.u32 $0x200, v1;
	_ =	sdelay $0x4  }
0xf6: {  	[tilespmem:v1+s14+$0x0] =	vst.idx.msk vm8, v2  }
0xf7: {  	v1 =	vld [tilespmem:$0x7A10];
	_ =	sdelay $0x4  }
0xf8: {  	v2 =	vand.u32 $0xFFFFFC00, v1  }
0xf9: {  	v1 =	vadd.s32 $0xFFFFFC00, v1;
	vm9 =	veq.s32 v2, $0x400  }
0xfa: {  	v1 =	vnsel vm9, $0x0, v1  }
0xfb: {  	v2 =	vshll.u32 v1, $0x3  }
0xfc: {  	v1 =	vand.u32 $0x7F, v1;
	v2 =	vand.u32 $0xFFFFFC00, v2  }
0xfd: {  	v1 =	vor.u32 v2, v1  }
0xfe: {  	v2 =	vld [tilespmem:$0x7E10];
	v1 =	vor.u32 $0x200, v1;
	_ =	sdelay $0x4  }
0xff: {  	[tilespmem:v1+s14+$0x0] =	vst.idx.msk vm9, v2  }
0x100: {  	v1 =	vld [tilespmem:$0x7A80];
	_ =	sdelay $0x4  }
0x101: {  	v2 =	vand.u32 $0xFFFFFC00, v1  }
0x102: {  	v1 =	vadd.s32 $0xFFFFFC00, v1;
	vm10 =	veq.s32 v2, $0x400  }
0x103: {  	v1 =	vnsel vm10, $0x0, v1  }
0x104: {  	v2 =	vshll.u32 v1, $0x3  }
0x105: {  	v1 =	vand.u32 $0x7F, v1;
	v2 =	vand.u32 $0xFFFFFC00, v2  }
0x106: {  	v1 =	vor.u32 v2, v1  }
0x107: {  	v2 =	vld [tilespmem:$0x7E80];
	v1 =	vor.u32 $0x280, v1;
	_ =	sdelay $0x4  }
0x108: {  	[tilespmem:v1+s14+$0x0] =	vst.idx.msk vm10, v2  }
0x109: {  	v1 =	vld [tilespmem:$0x7A90];
	_ =	sdelay $0x4  }
0x10a: {  	v2 =	vand.u32 $0xFFFFFC00, v1  }
0x10b: {  	v1 =	vadd.s32 $0xFFFFFC00, v1;
	vm11 =	veq.s32 v2, $0x400  }
0x10c: {  	v1 =	vnsel vm11, $0x0, v1  }
0x10d: {  	v2 =	vshll.u32 v1, $0x3  }
0x10e: {  	v1 =	vand.u32 $0x7F, v1;
	v2 =	vand.u32 $0xFFFFFC00, v2  }
0x10f: {  	v1 =	vor.u32 v2, v1  }
0x110: {  	v2 =	vld [tilespmem:$0x7E90];
	v1 =	vor.u32 $0x280, v1;
	_ =	sdelay $0x4  }
0x111: {  	[tilespmem:v1+s14+$0x0] =	vst.idx.msk vm11, v2  }
0x112: {  	v1 =	vld [tilespmem:$0x7B00];
	_ =	sdelay $0x4  }
0x113: {  	v2 =	vand.u32 $0xFFFFFC00, v1  }
0x114: {  	v1 =	vadd.s32 $0xFFFFFC00, v1;
	vm12 =	veq.s32 v2, $0x400  }
0x115: {  	v1 =	vnsel vm12, $0x0, v1  }
0x116: {  	v2 =	vshll.u32 v1, $0x3  }
0x117: {  	v1 =	vand.u32 $0x7F, v1;
	v2 =	vand.u32 $0xFFFFFC00, v2  }
0x118: {  	v1 =	vor.u32 v2, v1  }
0x119: {  	v2 =	vld [tilespmem:$0x7F00];
	v1 =	vor.u32 $0x300, v1;
	_ =	sdelay $0x4  }
0x11a: {  	[tilespmem:v1+s14+$0x0] =	vst.idx.msk vm12, v2  }
0x11b: {  	v1 =	vld [tilespmem:$0x7B10];
	_ =	sdelay $0x4  }
0x11c: {  	v2 =	vand.u32 $0xFFFFFC00, v1  }
0x11d: {  	v1 =	vadd.s32 $0xFFFFFC00, v1;
	vm13 =	veq.s32 v2, $0x400  }
0x11e: {  	v1 =	vnsel vm13, $0x0, v1  }
0x11f: {  	v2 =	vshll.u32 v1, $0x3  }
0x120: {  	v1 =	vand.u32 $0x7F, v1;
	v2 =	vand.u32 $0xFFFFFC00, v2  }
0x121: {  	v1 =	vor.u32 v2, v1  }
0x122: {  	v2 =	vld [tilespmem:$0x7F10];
	v1 =	vor.u32 $0x300, v1;
	_ =	sdelay $0x4  }
0x123: {  	[tilespmem:v1+s14+$0x0] =	vst.idx.msk vm13, v2  }
0x124: {  	v1 =	vld [tilespmem:$0x7B80];
	_ =	sdelay $0x4  }
0x125: {  	v2 =	vand.u32 $0xFFFFFC00, v1  }
0x126: {  	v1 =	vadd.s32 $0xFFFFFC00, v1;
	vm14 =	veq.s32 v2, $0x400  }
0x127: {  	v1 =	vnsel vm14, $0x0, v1  }
0x128: {  	v2 =	vshll.u32 v1, $0x3  }
0x129: {  	v1 =	vand.u32 $0x7F, v1;
	v2 =	vand.u32 $0xFFFFFC00, v2  }
0x12a: {  	v1 =	vor.u32 v2, v1  }
0x12b: {  	v2 =	vld [tilespmem:$0x7F80];
	v1 =	vor.u32 $0x380, v1;
	_ =	sdelay $0x4  }
0x12c: {  	[tilespmem:v1+s14+$0x0] =	vst.idx.msk vm14, v2  }
0x12d: {  	v1 =	vld [tilespmem:$0x7B90];
	_ =	sdelay $0x4  }
0x12e: {  	v2 =	vand.u32 $0xFFFFFC00, v1  }
0x12f: {  	v1 =	vadd.s32 $0xFFFFFC00, v1;
	vm15 =	veq.s32 v2, $0x400  }
0x130: {  	v1 =	vnsel vm15, $0x0, v1  }
0x131: {  	v2 =	vshll.u32 v1, $0x3  }
0x132: {  	v1 =	vand.u32 $0x7F, v1;
	v2 =	vand.u32 $0xFFFFFC00, v2  }
0x133: {  	v1 =	vor.u32 v2, v1  }
0x134: {  	v2 =	vld [tilespmem:$0x7F90];
	v1 =	vor.u32 $0x380, v1;
	_ =	sdelay $0x4  }
0x135: {  	s22 =	simm.s32 $0x1000;
	s23 =	smov.u32 s12;
	[tilespmem:v1+s14+$0x0] =	vst.idx.msk vm15, v2  }
0x136: {  	[hbm4b:s9+s3] =	stream.linear.scatter [tilespmem:s14], [sflag:$0x2], $0x2000, $0x38;
	[tilespmem:$0x8000] =	vst v63  }
.LBB2_2:
0x137: {  	_ =	swait.ge [sflag:s19], $0x2000  }
0x138: {  	[sflag:s19] =	ssyncset.done $0x0  }
0x139: {  	[sflag:s19] =	ssyncadd.s32 $0xFFFFE000  }
0x13a: {  	v2 =	vld [tilespmem:$0x7800];
	_ =	sdelay $0x3  }
0x13b: {  	s24 =	sadd.s32 $0xFFFFF000, s22;
	s25 =	sadd.s32 $0xFFFFF400, s22  }
0x13c: {  	v1 =	vmov s24;
	vm0 =	vge.s32 v2, s24;
	vm1 =	vlt.s32 v2, s25  }
0x13d: {  	v2 =	vsub.s32 v2, v1;
	vm0 =	vmand vm0, vm1  }
0x13e: {  	v2 =	vnsel vm0, $0x0, v2  }
0x13f: {  	v3 =	vshll.u32 v2, $0x3  }
0x140: {  	v2 =	vand.u32 $0x7F, v2;
	v3 =	vand.u32 $0xFFFFFC00, v3  }
0x141: {  	v2 =	vor.u32 v2, v3;
	_ =	sdelay $0x4  }
0x142: {  	[tilespmem:v2+s3+$0x0] =	vst.idx.msk vm0, v0  }
0x143: {  	v2 =	vld [tilespmem:$0x7810];
	_ =	sdelay $0x4  }
0x144: {  	vm10 =	vge.s32 v2, s24;
	vm11 =	vlt.s32 v2, s25  }
0x145: {  	v2 =	vsub.s32 v2, v1;
	vm0 =	vmand vm10, vm11  }
0x146: {  	v2 =	vnsel vm0, $0x0, v2  }
0x147: {  	v3 =	vshll.u32 v2, $0x3  }
0x148: {  	v2 =	vand.u32 $0x7F, v2;
	v3 =	vand.u32 $0xFFFFFC00, v3  }
0x149: {  	v2 =	vor.u32 v2, v3;
	_ =	sdelay $0x4  }
0x14a: {  	[tilespmem:v2+s3+$0x0] =	vst.idx.msk vm0, v0  }
0x14b: {  	v2 =	vld [tilespmem:$0x7880];
	_ =	sdelay $0x4  }
0x14c: {  	vm12 =	vge.s32 v2, s24;
	vm13 =	vlt.s32 v2, s25  }
0x14d: {  	v2 =	vsub.s32 v2, v1;
	vm0 =	vmand vm12, vm13  }
0x14e: {  	v2 =	vnsel vm0, $0x0, v2  }
0x14f: {  	v3 =	vshll.u32 v2, $0x3  }
0x150: {  	v2 =	vand.u32 $0x7F, v2;
	v3 =	vand.u32 $0xFFFFFC00, v3  }
0x151: {  	v2 =	vor.u32 v3, v2  }
0x152: {  	v2 =	vor.u32 $0x80, v2;
	_ =	sdelay $0x4  }
0x153: {  	[tilespmem:v2+s3+$0x0] =	vst.idx.msk vm0, v0  }
0x154: {  	v2 =	vld [tilespmem:$0x7890];
	_ =	sdelay $0x4  }
0x155: {  	vm14 =	vge.s32 v2, s24;
	vm15 =	vlt.s32 v2, s25  }
0x156: {  	v2 =	vsub.s32 v2, v1;
	vm0 =	vmand vm14, vm15  }
0x157: {  	v2 =	vnsel vm0, $0x0, v2  }
0x158: {  	v3 =	vshll.u32 v2, $0x3  }
0x159: {  	v2 =	vand.u32 $0x7F, v2;
	v3 =	vand.u32 $0xFFFFFC00, v3  }
0x15a: {  	v2 =	vor.u32 v3, v2  }
0x15b: {  	v2 =	vor.u32 $0x80, v2;
	_ =	sdelay $0x4  }
0x15c: {  	[tilespmem:v2+s3+$0x0] =	vst.idx.msk vm0, v0  }
0x15d: {  	v2 =	vld [tilespmem:$0x7900];
	_ =	sdelay $0x4  }
0x15e: {  	vm4 =	vge.s32 v2, s24;
	vm5 =	vlt.s32 v2, s25  }
0x15f: {  	v2 =	vsub.s32 v2, v1;
	vm0 =	vmand vm4, vm5  }
0x160: {  	v2 =	vnsel vm0, $0x0, v2  }
0x161: {  	v3 =	vshll.u32 v2, $0x3  }
0x162: {  	v2 =	vand.u32 $0x7F, v2;
	v3 =	vand.u32 $0xFFFFFC00, v3  }
0x163: {  	v2 =	vor.u32 v3, v2  }
0x164: {  	v2 =	vor.u32 $0x100, v2;
	_ =	sdelay $0x4  }
0x165: {  	[tilespmem:v2+s3+$0x0] =	vst.idx.msk vm0, v0  }
0x166: {  	v2 =	vld [tilespmem:$0x7910];
	_ =	sdelay $0x4  }
0x167: {  	vm6 =	vge.s32 v2, s24;
	vm7 =	vlt.s32 v2, s25  }
0x168: {  	v2 =	vsub.s32 v2, v1;
	vm0 =	vmand vm6, vm7  }
0x169: {  	v2 =	vnsel vm0, $0x0, v2  }
0x16a: {  	v3 =	vshll.u32 v2, $0x3  }
0x16b: {  	v2 =	vand.u32 $0x7F, v2;
	v3 =	vand.u32 $0xFFFFFC00, v3  }
0x16c: {  	v2 =	vor.u32 v3, v2  }
0x16d: {  	v2 =	vor.u32 $0x100, v2;
	_ =	sdelay $0x4  }
0x16e: {  	[tilespmem:v2+s3+$0x0] =	vst.idx.msk vm0, v0  }
0x16f: {  	v2 =	vld [tilespmem:$0x7980];
	_ =	sdelay $0x4  }
0x170: {  	vm8 =	vge.s32 v2, s24;
	vm9 =	vlt.s32 v2, s25  }
0x171: {  	v2 =	vsub.s32 v2, v1;
	vm0 =	vmand vm8, vm9  }
0x172: {  	v2 =	vnsel vm0, $0x0, v2  }
0x173: {  	v3 =	vshll.u32 v2, $0x3  }
0x174: {  	v2 =	vand.u32 $0x7F, v2;
	v3 =	vand.u32 $0xFFFFFC00, v3  }
0x175: {  	v2 =	vor.u32 v3, v2  }
0x176: {  	v2 =	vor.u32 $0x180, v2;
	_ =	sdelay $0x4  }
0x177: {  	[tilespmem:v2+s3+$0x0] =	vst.idx.msk vm0, v0  }
0x178: {  	v2 =	vld [tilespmem:$0x7990];
	_ =	sdelay $0x4  }
0x179: {  	vm10 =	vge.s32 v2, s24;
	vm11 =	vlt.s32 v2, s25  }
0x17a: {  	v2 =	vsub.s32 v2, v1;
	vm0 =	vmand vm10, vm11  }
0x17b: {  	v2 =	vnsel vm0, $0x0, v2  }
0x17c: {  	v3 =	vshll.u32 v2, $0x3  }
0x17d: {  	v2 =	vand.u32 $0x7F, v2;
	v3 =	vand.u32 $0xFFFFFC00, v3  }
0x17e: {  	v2 =	vor.u32 v3, v2  }
0x17f: {  	v2 =	vor.u32 $0x180, v2;
	_ =	sdelay $0x4  }
0x180: {  	[tilespmem:v2+s3+$0x0] =	vst.idx.msk vm0, v0  }
0x181: {  	v2 =	vld [tilespmem:$0x7A00];
	_ =	sdelay $0x4  }
0x182: {  	vm12 =	vge.s32 v2, s24;
	vm13 =	vlt.s32 v2, s25  }
0x183: {  	v2 =	vsub.s32 v2, v1;
	vm0 =	vmand vm12, vm13  }
0x184: {  	v2 =	vnsel vm0, $0x0, v2  }
0x185: {  	v3 =	vshll.u32 v2, $0x3  }
0x186: {  	v2 =	vand.u32 $0x7F, v2;
	v3 =	vand.u32 $0xFFFFFC00, v3  }
0x187: {  	v2 =	vor.u32 v3, v2  }
0x188: {  	v2 =	vor.u32 $0x200, v2;
	_ =	sdelay $0x4  }
0x189: {  	[tilespmem:v2+s3+$0x0] =	vst.idx.msk vm0, v0  }
0x18a: {  	v2 =	vld [tilespmem:$0x7A10];
	_ =	sdelay $0x4  }
0x18b: {  	vm14 =	vge.s32 v2, s24;
	vm15 =	vlt.s32 v2, s25  }
0x18c: {  	v2 =	vsub.s32 v2, v1;
	vm0 =	vmand vm14, vm15  }
0x18d: {  	v2 =	vnsel vm0, $0x0, v2  }
0x18e: {  	v3 =	vshll.u32 v2, $0x3  }
0x18f: {  	v2 =	vand.u32 $0x7F, v2;
	v3 =	vand.u32 $0xFFFFFC00, v3  }
0x190: {  	v2 =	vor.u32 v3, v2  }
0x191: {  	v2 =	vor.u32 $0x200, v2;
	_ =	sdelay $0x4  }
0x192: {  	[tilespmem:v2+s3+$0x0] =	vst.idx.msk vm0, v0  }
0x193: {  	v2 =	vld [tilespmem:$0x7A80];
	_ =	sdelay $0x4  }
0x194: {  	vm4 =	vge.s32 v2, s24;
	vm5 =	vlt.s32 v2, s25  }
0x195: {  	v2 =	vsub.s32 v2, v1;
	vm0 =	vmand vm4, vm5  }
0x196: {  	v2 =	vnsel vm0, $0x0, v2  }
0x197: {  	v3 =	vshll.u32 v2, $0x3  }
0x198: {  	v2 =	vand.u32 $0x7F, v2;
	v3 =	vand.u32 $0xFFFFFC00, v3  }
0x199: {  	v2 =	vor.u32 v3, v2  }
0x19a: {  	v2 =	vor.u32 $0x280, v2;
	_ =	sdelay $0x4  }
0x19b: {  	[tilespmem:v2+s3+$0x0] =	vst.idx.msk vm0, v0  }
0x19c: {  	v2 =	vld [tilespmem:$0x7A90];
	_ =	sdelay $0x4  }
0x19d: {  	vm6 =	vge.s32 v2, s24;
	vm7 =	vlt.s32 v2, s25  }
0x19e: {  	v2 =	vsub.s32 v2, v1;
	vm0 =	vmand vm6, vm7  }
0x19f: {  	v2 =	vnsel vm0, $0x0, v2  }
0x1a0: {  	v3 =	vshll.u32 v2, $0x3  }
0x1a1: {  	v2 =	vand.u32 $0x7F, v2;
	v3 =	vand.u32 $0xFFFFFC00, v3  }
0x1a2: {  	v2 =	vor.u32 v3, v2  }
0x1a3: {  	v2 =	vor.u32 $0x280, v2;
	_ =	sdelay $0x4  }
0x1a4: {  	[tilespmem:v2+s3+$0x0] =	vst.idx.msk vm0, v0  }
0x1a5: {  	v2 =	vld [tilespmem:$0x7B00];
	_ =	sdelay $0x4  }
0x1a6: {  	vm8 =	vge.s32 v2, s24;
	vm9 =	vlt.s32 v2, s25  }
0x1a7: {  	v2 =	vsub.s32 v2, v1;
	vm0 =	vmand vm8, vm9  }
0x1a8: {  	v2 =	vnsel vm0, $0x0, v2  }
0x1a9: {  	v3 =	vshll.u32 v2, $0x3  }
0x1aa: {  	v2 =	vand.u32 $0x7F, v2;
	v3 =	vand.u32 $0xFFFFFC00, v3  }
0x1ab: {  	v2 =	vor.u32 v3, v2  }
0x1ac: {  	v2 =	vor.u32 $0x300, v2;
	_ =	sdelay $0x4  }
0x1ad: {  	[tilespmem:v2+s3+$0x0] =	vst.idx.msk vm0, v0  }
0x1ae: {  	v2 =	vld [tilespmem:$0x7B10];
	_ =	sdelay $0x4  }
0x1af: {  	vm10 =	vge.s32 v2, s24;
	vm11 =	vlt.s32 v2, s25  }
0x1b0: {  	v2 =	vsub.s32 v2, v1;
	vm0 =	vmand vm10, vm11  }
0x1b1: {  	v2 =	vnsel vm0, $0x0, v2  }
0x1b2: {  	v3 =	vshll.u32 v2, $0x3  }
0x1b3: {  	v2 =	vand.u32 $0x7F, v2;
	v3 =	vand.u32 $0xFFFFFC00, v3  }
0x1b4: {  	v2 =	vor.u32 v3, v2  }
0x1b5: {  	v2 =	vor.u32 $0x300, v2;
	_ =	sdelay $0x4  }
0x1b6: {  	[tilespmem:v2+s3+$0x0] =	vst.idx.msk vm0, v0  }
0x1b7: {  	v2 =	vld [tilespmem:$0x7B80];
	_ =	sdelay $0x4  }
0x1b8: {  	vm12 =	vge.s32 v2, s24;
	vm13 =	vlt.s32 v2, s25  }
0x1b9: {  	v2 =	vsub.s32 v2, v1;
	vm0 =	vmand vm12, vm13  }
0x1ba: {  	v2 =	vnsel vm0, $0x0, v2  }
0x1bb: {  	v3 =	vshll.u32 v2, $0x3  }
0x1bc: {  	v2 =	vand.u32 $0x7F, v2;
	v3 =	vand.u32 $0xFFFFFC00, v3  }
0x1bd: {  	v2 =	vor.u32 v3, v2  }
0x1be: {  	v2 =	vor.u32 $0x380, v2;
	_ =	sdelay $0x4  }
0x1bf: {  	[tilespmem:v2+s3+$0x0] =	vst.idx.msk vm0, v0  }
0x1c0: {  	v2 =	vld [tilespmem:$0x7B90];
	_ =	sdelay $0x4  }
0x1c1: {  	vm14 =	vge.s32 v2, s24;
	vm15 =	vlt.s32 v2, s25  }
0x1c2: {  	v1 =	vsub.s32 v2, v1;
	vm0 =	vmand vm14, vm15  }
0x1c3: {  	v1 =	vnsel vm0, $0x0, v1  }
0x1c4: {  	v2 =	vshll.u32 v1, $0x3  }
0x1c5: {  	v1 =	vand.u32 $0x7F, v1;
	v2 =	vand.u32 $0xFFFFFC00, v2  }
0x1c6: {  	v1 =	vor.u32 v2, v1  }
0x1c7: {  	v1 =	vor.u32 $0x380, v1;
	_ =	sdelay $0x4  }
0x1c8: {  	[tilespmem:v1+s3+$0x0] =	vst.idx.msk vm0, v0  }
0x1c9: {  	v2 =	vld [tilespmem:$0x7800];
	_ =	sdelay $0x3  }
0x1ca: {  	s26 =	sadd.s32 $0xFFFFF800, s22;
	s30 =	sadd.s32 $0xFFFFFC00, s22  }
0x1cb: {  	v1 =	vmov s26;
	vm4 =	vge.s32 v2, s26;
	vm5 =	vlt.s32 v2, s30  }
0x1cc: {  	v2 =	vsub.s32 v2, v1;
	vm0 =	vmand vm4, vm5  }
0x1cd: {  	v2 =	vnsel vm0, $0x0, v2  }
0x1ce: {  	v3 =	vshll.u32 v2, $0x3  }
0x1cf: {  	v2 =	vand.u32 $0x7F, v2;
	v3 =	vand.u32 $0xFFFFFC00, v3  }
0x1d0: {  	v4 =	vld [tilespmem:$0x7C00];
	v2 =	vor.u32 v2, v3;
	_ =	sdelay $0x4  }
0x1d1: {  	[tilespmem:v2+s3+$0x0] =	vst.idx.msk vm0, v4  }
0x1d2: {  	v2 =	vld [tilespmem:$0x7810];
	_ =	sdelay $0x4  }
0x1d3: {  	vm6 =	vge.s32 v2, s26;
	vm7 =	vlt.s32 v2, s30  }
0x1d4: {  	v2 =	vsub.s32 v2, v1;
	vm0 =	vmand vm6, vm7  }
0x1d5: {  	v2 =	vnsel vm0, $0x0, v2  }
0x1d6: {  	v3 =	vshll.u32 v2, $0x3  }
0x1d7: {  	v2 =	vand.u32 $0x7F, v2;
	v3 =	vand.u32 $0xFFFFFC00, v3  }
0x1d8: {  	v4 =	vld [tilespmem:$0x7C10];
	v2 =	vor.u32 v2, v3;
	_ =	sdelay $0x4  }
0x1d9: {  	[tilespmem:v2+s3+$0x0] =	vst.idx.msk vm0, v4  }
0x1da: {  	v2 =	vld [tilespmem:$0x7880];
	_ =	sdelay $0x4  }
0x1db: {  	vm8 =	vge.s32 v2, s26;
	vm9 =	vlt.s32 v2, s30  }
0x1dc: {  	v2 =	vsub.s32 v2, v1;
	vm0 =	vmand vm8, vm9  }
0x1dd: {  	v2 =	vnsel vm0, $0x0, v2  }
0x1de: {  	v3 =	vshll.u32 v2, $0x3  }
0x1df: {  	v2 =	vand.u32 $0x7F, v2;
	v3 =	vand.u32 $0xFFFFFC00, v3  }
0x1e0: {  	v2 =	vor.u32 v3, v2  }
0x1e1: {  	v3 =	vld [tilespmem:$0x7C80];
	v2 =	vor.u32 $0x80, v2;
	_ =	sdelay $0x4  }
0x1e2: {  	[tilespmem:v2+s3+$0x0] =	vst.idx.msk vm0, v3  }
0x1e3: {  	v2 =	vld [tilespmem:$0x7890];
	_ =	sdelay $0x4  }
0x1e4: {  	vm10 =	vge.s32 v2, s26;
	vm11 =	vlt.s32 v2, s30  }
0x1e5: {  	v2 =	vsub.s32 v2, v1;
	vm0 =	vmand vm10, vm11  }
0x1e6: {  	v2 =	vnsel vm0, $0x0, v2  }
0x1e7: {  	v3 =	vshll.u32 v2, $0x3  }
0x1e8: {  	v2 =	vand.u32 $0x7F, v2;
	v3 =	vand.u32 $0xFFFFFC00, v3  }
0x1e9: {  	v2 =	vor.u32 v3, v2  }
0x1ea: {  	v3 =	vld [tilespmem:$0x7C90];
	v2 =	vor.u32 $0x80, v2;
	_ =	sdelay $0x4  }
0x1eb: {  	[tilespmem:v2+s3+$0x0] =	vst.idx.msk vm0, v3  }
0x1ec: {  	v2 =	vld [tilespmem:$0x7900];
	_ =	sdelay $0x4  }
0x1ed: {  	vm12 =	vge.s32 v2, s26;
	vm13 =	vlt.s32 v2, s30  }
0x1ee: {  	v2 =	vsub.s32 v2, v1;
	vm0 =	vmand vm12, vm13  }
0x1ef: {  	v2 =	vnsel vm0, $0x0, v2  }
0x1f0: {  	v3 =	vshll.u32 v2, $0x3  }
0x1f1: {  	v2 =	vand.u32 $0x7F, v2;
	v3 =	vand.u32 $0xFFFFFC00, v3  }
0x1f2: {  	v2 =	vor.u32 v3, v2  }
0x1f3: {  	v3 =	vld [tilespmem:$0x7D00];
	v2 =	vor.u32 $0x100, v2;
	_ =	sdelay $0x4  }
0x1f4: {  	[tilespmem:v2+s3+$0x0] =	vst.idx.msk vm0, v3  }
0x1f5: {  	v2 =	vld [tilespmem:$0x7910];
	_ =	sdelay $0x4  }
0x1f6: {  	vm14 =	vge.s32 v2, s26;
	vm15 =	vlt.s32 v2, s30  }
0x1f7: {  	v2 =	vsub.s32 v2, v1;
	vm0 =	vmand vm14, vm15  }
0x1f8: {  	v2 =	vnsel vm0, $0x0, v2  }
0x1f9: {  	v3 =	vshll.u32 v2, $0x3  }
0x1fa: {  	v2 =	vand.u32 $0x7F, v2;
	v3 =	vand.u32 $0xFFFFFC00, v3  }
0x1fb: {  	v2 =	vor.u32 v3, v2  }
0x1fc: {  	v3 =	vld [tilespmem:$0x7D10];
	v2 =	vor.u32 $0x100, v2;
	_ =	sdelay $0x4  }
0x1fd: {  	[tilespmem:v2+s3+$0x0] =	vst.idx.msk vm0, v3  }
0x1fe: {  	v2 =	vld [tilespmem:$0x7980];
	_ =	sdelay $0x4  }
0x1ff: {  	vm4 =	vge.s32 v2, s26;
	vm5 =	vlt.s32 v2, s30  }
0x200: {  	v2 =	vsub.s32 v2, v1;
	vm0 =	vmand vm4, vm5  }
0x201: {  	v2 =	vnsel vm0, $0x0, v2  }
0x202: {  	v3 =	vshll.u32 v2, $0x3  }
0x203: {  	v2 =	vand.u32 $0x7F, v2;
	v3 =	vand.u32 $0xFFFFFC00, v3  }
0x204: {  	v2 =	vor.u32 v3, v2  }
0x205: {  	v3 =	vld [tilespmem:$0x7D80];
	v2 =	vor.u32 $0x180, v2;
	_ =	sdelay $0x4  }
0x206: {  	[tilespmem:v2+s3+$0x0] =	vst.idx.msk vm0, v3  }
0x207: {  	v2 =	vld [tilespmem:$0x7990];
	_ =	sdelay $0x4  }
0x208: {  	vm6 =	vge.s32 v2, s26;
	vm7 =	vlt.s32 v2, s30  }
0x209: {  	v2 =	vsub.s32 v2, v1;
	vm0 =	vmand vm6, vm7  }
0x20a: {  	v2 =	vnsel vm0, $0x0, v2  }
0x20b: {  	v3 =	vshll.u32 v2, $0x3  }
0x20c: {  	v2 =	vand.u32 $0x7F, v2;
	v3 =	vand.u32 $0xFFFFFC00, v3  }
0x20d: {  	v2 =	vor.u32 v3, v2  }
0x20e: {  	v3 =	vld [tilespmem:$0x7D90];
	v2 =	vor.u32 $0x180, v2;
	_ =	sdelay $0x4  }
0x20f: {  	[tilespmem:v2+s3+$0x0] =	vst.idx.msk vm0, v3  }
0x210: {  	v2 =	vld [tilespmem:$0x7A00];
	_ =	sdelay $0x4  }
0x211: {  	vm8 =	vge.s32 v2, s26;
	vm9 =	vlt.s32 v2, s30  }
0x212: {  	v2 =	vsub.s32 v2, v1;
	vm0 =	vmand vm8, vm9  }
0x213: {  	v2 =	vnsel vm0, $0x0, v2  }
0x214: {  	v3 =	vshll.u32 v2, $0x3  }
0x215: {  	v2 =	vand.u32 $0x7F, v2;
	v3 =	vand.u32 $0xFFFFFC00, v3  }
0x216: {  	v2 =	vor.u32 v3, v2  }
0x217: {  	v3 =	vld [tilespmem:$0x7E00];
	v2 =	vor.u32 $0x200, v2;
	_ =	sdelay $0x4  }
0x218: {  	[tilespmem:v2+s3+$0x0] =	vst.idx.msk vm0, v3  }
0x219: {  	v2 =	vld [tilespmem:$0x7A10];
	_ =	sdelay $0x4  }
0x21a: {  	vm10 =	vge.s32 v2, s26;
	vm11 =	vlt.s32 v2, s30  }
0x21b: {  	v2 =	vsub.s32 v2, v1;
	vm0 =	vmand vm10, vm11  }
0x21c: {  	v2 =	vnsel vm0, $0x0, v2  }
0x21d: {  	v3 =	vshll.u32 v2, $0x3  }
0x21e: {  	v2 =	vand.u32 $0x7F, v2;
	v3 =	vand.u32 $0xFFFFFC00, v3  }
0x21f: {  	v2 =	vor.u32 v3, v2  }
0x220: {  	v3 =	vld [tilespmem:$0x7E10];
	v2 =	vor.u32 $0x200, v2;
	_ =	sdelay $0x4  }
0x221: {  	[tilespmem:v2+s3+$0x0] =	vst.idx.msk vm0, v3  }
0x222: {  	v2 =	vld [tilespmem:$0x7A80];
	_ =	sdelay $0x4  }
0x223: {  	vm12 =	vge.s32 v2, s26;
	vm13 =	vlt.s32 v2, s30  }
0x224: {  	v2 =	vsub.s32 v2, v1;
	vm0 =	vmand vm12, vm13  }
0x225: {  	v2 =	vnsel vm0, $0x0, v2  }
0x226: {  	v3 =	vshll.u32 v2, $0x3  }
0x227: {  	v2 =	vand.u32 $0x7F, v2;
	v3 =	vand.u32 $0xFFFFFC00, v3  }
0x228: {  	v2 =	vor.u32 v3, v2  }
0x229: {  	v3 =	vld [tilespmem:$0x7E80];
	v2 =	vor.u32 $0x280, v2;
	_ =	sdelay $0x4  }
0x22a: {  	[tilespmem:v2+s3+$0x0] =	vst.idx.msk vm0, v3  }
0x22b: {  	v2 =	vld [tilespmem:$0x7A90];
	_ =	sdelay $0x4  }
0x22c: {  	vm14 =	vge.s32 v2, s26;
	vm15 =	vlt.s32 v2, s30  }
0x22d: {  	v2 =	vsub.s32 v2, v1;
	vm0 =	vmand vm14, vm15  }
0x22e: {  	v2 =	vnsel vm0, $0x0, v2  }
0x22f: {  	v3 =	vshll.u32 v2, $0x3  }
0x230: {  	v2 =	vand.u32 $0x7F, v2;
	v3 =	vand.u32 $0xFFFFFC00, v3  }
0x231: {  	v2 =	vor.u32 v3, v2  }
0x232: {  	v3 =	vld [tilespmem:$0x7E90];
	v2 =	vor.u32 $0x280, v2;
	_ =	sdelay $0x4  }
0x233: {  	[tilespmem:v2+s3+$0x0] =	vst.idx.msk vm0, v3  }
0x234: {  	v2 =	vld [tilespmem:$0x7B00];
	_ =	sdelay $0x4  }
0x235: {  	vm4 =	vge.s32 v2, s26;
	vm5 =	vlt.s32 v2, s30  }
0x236: {  	v2 =	vsub.s32 v2, v1;
	vm0 =	vmand vm4, vm5  }
0x237: {  	v2 =	vnsel vm0, $0x0, v2  }
0x238: {  	v3 =	vshll.u32 v2, $0x3  }
0x239: {  	v2 =	vand.u32 $0x7F, v2;
	v3 =	vand.u32 $0xFFFFFC00, v3  }
0x23a: {  	v2 =	vor.u32 v3, v2  }
0x23b: {  	v3 =	vld [tilespmem:$0x7F00];
	v2 =	vor.u32 $0x300, v2;
	_ =	sdelay $0x4  }
0x23c: {  	[tilespmem:v2+s3+$0x0] =	vst.idx.msk vm0, v3  }
0x23d: {  	v2 =	vld [tilespmem:$0x7B10];
	_ =	sdelay $0x4  }
0x23e: {  	vm6 =	vge.s32 v2, s26;
	vm7 =	vlt.s32 v2, s30  }
0x23f: {  	v2 =	vsub.s32 v2, v1;
	vm0 =	vmand vm6, vm7  }
0x240: {  	v2 =	vnsel vm0, $0x0, v2  }
0x241: {  	v3 =	vshll.u32 v2, $0x3  }
0x242: {  	v2 =	vand.u32 $0x7F, v2;
	v3 =	vand.u32 $0xFFFFFC00, v3  }
0x243: {  	v2 =	vor.u32 v3, v2  }
0x244: {  	v3 =	vld [tilespmem:$0x7F10];
	v2 =	vor.u32 $0x300, v2;
	_ =	sdelay $0x4  }
0x245: {  	[tilespmem:v2+s3+$0x0] =	vst.idx.msk vm0, v3  }
0x246: {  	v2 =	vld [tilespmem:$0x7B80];
	_ =	sdelay $0x4  }
0x247: {  	vm8 =	vge.s32 v2, s26;
	vm9 =	vlt.s32 v2, s30  }
0x248: {  	v2 =	vsub.s32 v2, v1;
	vm0 =	vmand vm8, vm9  }
0x249: {  	v2 =	vnsel vm0, $0x0, v2  }
0x24a: {  	v3 =	vshll.u32 v2, $0x3  }
0x24b: {  	v2 =	vand.u32 $0x7F, v2;
	v3 =	vand.u32 $0xFFFFFC00, v3  }
0x24c: {  	v2 =	vor.u32 v3, v2  }
0x24d: {  	v3 =	vld [tilespmem:$0x7F80];
	v2 =	vor.u32 $0x380, v2;
	_ =	sdelay $0x4  }
0x24e: {  	[tilespmem:v2+s3+$0x0] =	vst.idx.msk vm0, v3  }
0x24f: {  	v2 =	vld [tilespmem:$0x7B90];
	_ =	sdelay $0x4  }
0x250: {  	vm10 =	vge.s32 v2, s26;
	vm11 =	vlt.s32 v2, s30  }
0x251: {  	v1 =	vsub.s32 v2, v1;
	vm0 =	vmand vm10, vm11  }
0x252: {  	v1 =	vnsel vm0, $0x0, v1  }
0x253: {  	v2 =	vshll.u32 v1, $0x3  }
0x254: {  	v1 =	vand.u32 $0x7F, v1;
	v2 =	vand.u32 $0xFFFFFC00, v2  }
0x255: {  	v1 =	vor.u32 v2, v1  }
0x256: {  	v2 =	vld [tilespmem:$0x7F90];
	v1 =	vor.u32 $0x380, v1;
	_ =	sdelay $0x3  }
0x257: {  	s28 =	sshrl.u32 s23, $0x3  }
0x258: {  	s28 =	sadd.s32 s2, s28;
	[tilespmem:v1+s3+$0x0] =	vst.idx.msk vm0, v2  }
0x259: {  	[hbm4b:s28+s3] =	stream.linear.scatter [tilespmem:s3], [sflag:$0x1], $0x2000, $0x38;
	[tilespmem:$0x8000] =	vst v63  }
0x25a: {  	_ =	swait.ge [sflag:s20], $0x2000  }
0x25b: {  	[sflag:s20] =	ssyncset.done $0x0  }
0x25c: {  	[sflag:s20] =	ssyncadd.s32 $0xFFFFE000  }
0x25d: {  	v2 =	vld [tilespmem:$0x7800];
	_ =	sdelay $0x4  }
0x25e: {  	v1 =	vmov s25;
	vm12 =	vge.s32 v2, s25;
	vm13 =	vlt.s32 v2, s26  }
0x25f: {  	v2 =	vsub.s32 v2, v1;
	vm0 =	vmand vm12, vm13  }
0x260: {  	v2 =	vnsel vm0, $0x0, v2  }
0x261: {  	v3 =	vshll.u32 v2, $0x3  }
0x262: {  	v2 =	vand.u32 $0x7F, v2;
	v3 =	vand.u32 $0xFFFFFC00, v3  }
0x263: {  	v2 =	vor.u32 v2, v3;
	_ =	sdelay $0x4  }
0x264: {  	[tilespmem:v2+s14+$0x0] =	vst.idx.msk vm0, v0  }
0x265: {  	v2 =	vld [tilespmem:$0x7810];
	_ =	sdelay $0x4  }
0x266: {  	vm14 =	vge.s32 v2, s25;
	vm15 =	vlt.s32 v2, s26  }
0x267: {  	v2 =	vsub.s32 v2, v1;
	vm0 =	vmand vm14, vm15  }
0x268: {  	v2 =	vnsel vm0, $0x0, v2  }
0x269: {  	v3 =	vshll.u32 v2, $0x3  }
0x26a: {  	v2 =	vand.u32 $0x7F, v2;
	v3 =	vand.u32 $0xFFFFFC00, v3  }
0x26b: {  	v2 =	vor.u32 v2, v3;
	_ =	sdelay $0x4  }
0x26c: {  	[tilespmem:v2+s14+$0x0] =	vst.idx.msk vm0, v0  }
0x26d: {  	v2 =	vld [tilespmem:$0x7880];
	_ =	sdelay $0x4  }
0x26e: {  	vm4 =	vge.s32 v2, s25;
	vm5 =	vlt.s32 v2, s26  }
0x26f: {  	v2 =	vsub.s32 v2, v1;
	vm0 =	vmand vm4, vm5  }
0x270: {  	v2 =	vnsel vm0, $0x0, v2  }
0x271: {  	v3 =	vshll.u32 v2, $0x3  }
0x272: {  	v2 =	vand.u32 $0x7F, v2;
	v3 =	vand.u32 $0xFFFFFC00, v3  }
0x273: {  	v2 =	vor.u32 v3, v2  }
0x274: {  	v2 =	vor.u32 $0x80, v2;
	_ =	sdelay $0x4  }
0x275: {  	[tilespmem:v2+s14+$0x0] =	vst.idx.msk vm0, v0  }
0x276: {  	v2 =	vld [tilespmem:$0x7890];
	_ =	sdelay $0x4  }
0x277: {  	vm6 =	vge.s32 v2, s25;
	vm7 =	vlt.s32 v2, s26  }
0x278: {  	v2 =	vsub.s32 v2, v1;
	vm0 =	vmand vm6, vm7  }
0x279: {  	v2 =	vnsel vm0, $0x0, v2  }
0x27a: {  	v3 =	vshll.u32 v2, $0x3  }
0x27b: {  	v2 =	vand.u32 $0x7F, v2;
	v3 =	vand.u32 $0xFFFFFC00, v3  }
0x27c: {  	v2 =	vor.u32 v3, v2  }
0x27d: {  	v2 =	vor.u32 $0x80, v2;
	_ =	sdelay $0x4  }
0x27e: {  	[tilespmem:v2+s14+$0x0] =	vst.idx.msk vm0, v0  }
0x27f: {  	v2 =	vld [tilespmem:$0x7900];
	_ =	sdelay $0x4  }
0x280: {  	vm8 =	vge.s32 v2, s25;
	vm9 =	vlt.s32 v2, s26  }
0x281: {  	v2 =	vsub.s32 v2, v1;
	vm0 =	vmand vm8, vm9  }
0x282: {  	v2 =	vnsel vm0, $0x0, v2  }
0x283: {  	v3 =	vshll.u32 v2, $0x3  }
0x284: {  	v2 =	vand.u32 $0x7F, v2;
	v3 =	vand.u32 $0xFFFFFC00, v3  }
0x285: {  	v2 =	vor.u32 v3, v2  }
0x286: {  	v2 =	vor.u32 $0x100, v2;
	_ =	sdelay $0x4  }
0x287: {  	[tilespmem:v2+s14+$0x0] =	vst.idx.msk vm0, v0  }
0x288: {  	v2 =	vld [tilespmem:$0x7910];
	_ =	sdelay $0x4  }
0x289: {  	vm10 =	vge.s32 v2, s25;
	vm11 =	vlt.s32 v2, s26  }
0x28a: {  	v2 =	vsub.s32 v2, v1;
	vm0 =	vmand vm10, vm11  }
0x28b: {  	v2 =	vnsel vm0, $0x0, v2  }
0x28c: {  	v3 =	vshll.u32 v2, $0x3  }
0x28d: {  	v2 =	vand.u32 $0x7F, v2;
	v3 =	vand.u32 $0xFFFFFC00, v3  }
0x28e: {  	v2 =	vor.u32 v3, v2  }
0x28f: {  	v2 =	vor.u32 $0x100, v2;
	_ =	sdelay $0x4  }
0x290: {  	[tilespmem:v2+s14+$0x0] =	vst.idx.msk vm0, v0  }
0x291: {  	v2 =	vld [tilespmem:$0x7980];
	_ =	sdelay $0x4  }
0x292: {  	vm12 =	vge.s32 v2, s25;
	vm13 =	vlt.s32 v2, s26  }
0x293: {  	v2 =	vsub.s32 v2, v1;
	vm0 =	vmand vm12, vm13  }
0x294: {  	v2 =	vnsel vm0, $0x0, v2  }
0x295: {  	v3 =	vshll.u32 v2, $0x3  }
0x296: {  	v2 =	vand.u32 $0x7F, v2;
	v3 =	vand.u32 $0xFFFFFC00, v3  }
0x297: {  	v2 =	vor.u32 v3, v2  }
0x298: {  	v2 =	vor.u32 $0x180, v2;
	_ =	sdelay $0x4  }
0x299: {  	[tilespmem:v2+s14+$0x0] =	vst.idx.msk vm0, v0  }
0x29a: {  	v2 =	vld [tilespmem:$0x7990];
	_ =	sdelay $0x4  }
0x29b: {  	vm14 =	vge.s32 v2, s25;
	vm15 =	vlt.s32 v2, s26  }
0x29c: {  	v2 =	vsub.s32 v2, v1;
	vm0 =	vmand vm14, vm15  }
0x29d: {  	v2 =	vnsel vm0, $0x0, v2  }
0x29e: {  	v3 =	vshll.u32 v2, $0x3  }
0x29f: {  	v2 =	vand.u32 $0x7F, v2;
	v3 =	vand.u32 $0xFFFFFC00, v3  }
0x2a0: {  	v2 =	vor.u32 v3, v2  }
0x2a1: {  	v2 =	vor.u32 $0x180, v2;
	_ =	sdelay $0x4  }
0x2a2: {  	[tilespmem:v2+s14+$0x0] =	vst.idx.msk vm0, v0  }
0x2a3: {  	v2 =	vld [tilespmem:$0x7A00];
	_ =	sdelay $0x4  }
0x2a4: {  	vm4 =	vge.s32 v2, s25;
	vm5 =	vlt.s32 v2, s26  }
0x2a5: {  	v2 =	vsub.s32 v2, v1;
	vm0 =	vmand vm4, vm5  }
0x2a6: {  	v2 =	vnsel vm0, $0x0, v2  }
0x2a7: {  	v3 =	vshll.u32 v2, $0x3  }
0x2a8: {  	v2 =	vand.u32 $0x7F, v2;
	v3 =	vand.u32 $0xFFFFFC00, v3  }
0x2a9: {  	v2 =	vor.u32 v3, v2  }
0x2aa: {  	v2 =	vor.u32 $0x200, v2;
	_ =	sdelay $0x4  }
0x2ab: {  	[tilespmem:v2+s14+$0x0] =	vst.idx.msk vm0, v0  }
0x2ac: {  	v2 =	vld [tilespmem:$0x7A10];
	_ =	sdelay $0x4  }
0x2ad: {  	vm6 =	vge.s32 v2, s25;
	vm7 =	vlt.s32 v2, s26  }
0x2ae: {  	v2 =	vsub.s32 v2, v1;
	vm0 =	vmand vm6, vm7  }
0x2af: {  	v2 =	vnsel vm0, $0x0, v2  }
0x2b0: {  	v3 =	vshll.u32 v2, $0x3  }
0x2b1: {  	v2 =	vand.u32 $0x7F, v2;
	v3 =	vand.u32 $0xFFFFFC00, v3  }
0x2b2: {  	v2 =	vor.u32 v3, v2  }
0x2b3: {  	v2 =	vor.u32 $0x200, v2;
	_ =	sdelay $0x4  }
0x2b4: {  	[tilespmem:v2+s14+$0x0] =	vst.idx.msk vm0, v0  }
0x2b5: {  	v2 =	vld [tilespmem:$0x7A80];
	_ =	sdelay $0x4  }
0x2b6: {  	vm8 =	vge.s32 v2, s25;
	vm9 =	vlt.s32 v2, s26  }
0x2b7: {  	v2 =	vsub.s32 v2, v1;
	vm0 =	vmand vm8, vm9  }
0x2b8: {  	v2 =	vnsel vm0, $0x0, v2  }
0x2b9: {  	v3 =	vshll.u32 v2, $0x3  }
0x2ba: {  	v2 =	vand.u32 $0x7F, v2;
	v3 =	vand.u32 $0xFFFFFC00, v3  }
0x2bb: {  	v2 =	vor.u32 v3, v2  }
0x2bc: {  	v2 =	vor.u32 $0x280, v2;
	_ =	sdelay $0x4  }
0x2bd: {  	[tilespmem:v2+s14+$0x0] =	vst.idx.msk vm0, v0  }
0x2be: {  	v2 =	vld [tilespmem:$0x7A90];
	_ =	sdelay $0x4  }
0x2bf: {  	vm10 =	vge.s32 v2, s25;
	vm11 =	vlt.s32 v2, s26  }
0x2c0: {  	v2 =	vsub.s32 v2, v1;
	vm0 =	vmand vm10, vm11  }
0x2c1: {  	v2 =	vnsel vm0, $0x0, v2  }
0x2c2: {  	v3 =	vshll.u32 v2, $0x3  }
0x2c3: {  	v2 =	vand.u32 $0x7F, v2;
	v3 =	vand.u32 $0xFFFFFC00, v3  }
0x2c4: {  	v2 =	vor.u32 v3, v2  }
0x2c5: {  	v2 =	vor.u32 $0x280, v2;
	_ =	sdelay $0x4  }
0x2c6: {  	[tilespmem:v2+s14+$0x0] =	vst.idx.msk vm0, v0  }
0x2c7: {  	v2 =	vld [tilespmem:$0x7B00];
	_ =	sdelay $0x4  }
0x2c8: {  	vm12 =	vge.s32 v2, s25;
	vm13 =	vlt.s32 v2, s26  }
0x2c9: {  	v2 =	vsub.s32 v2, v1;
	vm0 =	vmand vm12, vm13  }
0x2ca: {  	v2 =	vnsel vm0, $0x0, v2  }
0x2cb: {  	v3 =	vshll.u32 v2, $0x3  }
0x2cc: {  	v2 =	vand.u32 $0x7F, v2;
	v3 =	vand.u32 $0xFFFFFC00, v3  }
0x2cd: {  	v2 =	vor.u32 v3, v2  }
0x2ce: {  	v2 =	vor.u32 $0x300, v2;
	_ =	sdelay $0x4  }
0x2cf: {  	[tilespmem:v2+s14+$0x0] =	vst.idx.msk vm0, v0  }
0x2d0: {  	v2 =	vld [tilespmem:$0x7B10];
	_ =	sdelay $0x4  }
0x2d1: {  	vm14 =	vge.s32 v2, s25;
	vm15 =	vlt.s32 v2, s26  }
0x2d2: {  	v2 =	vsub.s32 v2, v1;
	vm0 =	vmand vm14, vm15  }
0x2d3: {  	v2 =	vnsel vm0, $0x0, v2  }
0x2d4: {  	v3 =	vshll.u32 v2, $0x3  }
0x2d5: {  	v2 =	vand.u32 $0x7F, v2;
	v3 =	vand.u32 $0xFFFFFC00, v3  }
0x2d6: {  	v2 =	vor.u32 v3, v2  }
0x2d7: {  	v2 =	vor.u32 $0x300, v2;
	_ =	sdelay $0x4  }
0x2d8: {  	[tilespmem:v2+s14+$0x0] =	vst.idx.msk vm0, v0  }
0x2d9: {  	v2 =	vld [tilespmem:$0x7B80];
	_ =	sdelay $0x4  }
0x2da: {  	vm4 =	vge.s32 v2, s25;
	vm5 =	vlt.s32 v2, s26  }
0x2db: {  	v2 =	vsub.s32 v2, v1;
	vm0 =	vmand vm4, vm5  }
0x2dc: {  	v2 =	vnsel vm0, $0x0, v2  }
0x2dd: {  	v3 =	vshll.u32 v2, $0x3  }
0x2de: {  	v2 =	vand.u32 $0x7F, v2;
	v3 =	vand.u32 $0xFFFFFC00, v3  }
0x2df: {  	v2 =	vor.u32 v3, v2  }
0x2e0: {  	v2 =	vor.u32 $0x380, v2;
	_ =	sdelay $0x4  }
0x2e1: {  	[tilespmem:v2+s14+$0x0] =	vst.idx.msk vm0, v0  }
0x2e2: {  	v2 =	vld [tilespmem:$0x7B90];
	_ =	sdelay $0x4  }
0x2e3: {  	vm6 =	vge.s32 v2, s25;
	vm7 =	vlt.s32 v2, s26  }
0x2e4: {  	v1 =	vsub.s32 v2, v1;
	vm0 =	vmand vm6, vm7  }
0x2e5: {  	v1 =	vnsel vm0, $0x0, v1  }
0x2e6: {  	v2 =	vshll.u32 v1, $0x3  }
0x2e7: {  	v1 =	vand.u32 $0x7F, v1;
	v2 =	vand.u32 $0xFFFFFC00, v2  }
0x2e8: {  	v1 =	vor.u32 v2, v1  }
0x2e9: {  	v1 =	vor.u32 $0x380, v1;
	_ =	sdelay $0x4  }
0x2ea: {  	[tilespmem:v1+s14+$0x0] =	vst.idx.msk vm0, v0  }
0x2eb: {  	v2 =	vld [tilespmem:$0x7800];
	_ =	sdelay $0x4  }
0x2ec: {  	v1 =	vmov s30;
	vm8 =	vge.s32 v2, s30;
	vm9 =	vlt.s32 v2, s22  }
0x2ed: {  	v2 =	vsub.s32 v2, v1;
	vm0 =	vmand vm8, vm9  }
0x2ee: {  	v2 =	vnsel vm0, $0x0, v2  }
0x2ef: {  	v3 =	vshll.u32 v2, $0x3  }
0x2f0: {  	v2 =	vand.u32 $0x7F, v2;
	v3 =	vand.u32 $0xFFFFFC00, v3  }
0x2f1: {  	v63 =	vld [tilespmem:$0x7C00];
	v2 =	vor.u32 v2, v3;
	_ =	sdelay $0x4  }
0x2f2: {  	[tilespmem:v2+s14+$0x0] =	vst.idx.msk vm0, v63  }
0x2f3: {  	v2 =	vld [tilespmem:$0x7810];
	_ =	sdelay $0x4  }
0x2f4: {  	vm10 =	vge.s32 v2, s30;
	vm11 =	vlt.s32 v2, s22  }
0x2f5: {  	v2 =	vsub.s32 v2, v1;
	vm0 =	vmand vm10, vm11  }
0x2f6: {  	v2 =	vnsel vm0, $0x0, v2  }
0x2f7: {  	v3 =	vshll.u32 v2, $0x3  }
0x2f8: {  	v2 =	vand.u32 $0x7F, v2;
	v3 =	vand.u32 $0xFFFFFC00, v3  }
0x2f9: {  	v4 =	vld [tilespmem:$0x7C10];
	v2 =	vor.u32 v2, v3;
	_ =	sdelay $0x4  }
0x2fa: {  	[tilespmem:v2+s14+$0x0] =	vst.idx.msk vm0, v4  }
0x2fb: {  	v2 =	vld [tilespmem:$0x7880];
	_ =	sdelay $0x4  }
0x2fc: {  	vm12 =	vge.s32 v2, s30;
	vm13 =	vlt.s32 v2, s22  }
0x2fd: {  	v2 =	vsub.s32 v2, v1;
	vm0 =	vmand vm12, vm13  }
0x2fe: {  	v2 =	vnsel vm0, $0x0, v2  }
0x2ff: {  	v3 =	vshll.u32 v2, $0x3  }
0x300: {  	v2 =	vand.u32 $0x7F, v2;
	v3 =	vand.u32 $0xFFFFFC00, v3  }
0x301: {  	v2 =	vor.u32 v3, v2  }
0x302: {  	v3 =	vld [tilespmem:$0x7C80];
	v2 =	vor.u32 $0x80, v2;
	_ =	sdelay $0x4  }
0x303: {  	[tilespmem:v2+s14+$0x0] =	vst.idx.msk vm0, v3  }
0x304: {  	v2 =	vld [tilespmem:$0x7890];
	_ =	sdelay $0x4  }
0x305: {  	vm14 =	vge.s32 v2, s30;
	vm15 =	vlt.s32 v2, s22  }
0x306: {  	v2 =	vsub.s32 v2, v1;
	vm0 =	vmand vm14, vm15  }
0x307: {  	v2 =	vnsel vm0, $0x0, v2  }
0x308: {  	v3 =	vshll.u32 v2, $0x3  }
0x309: {  	v2 =	vand.u32 $0x7F, v2;
	v3 =	vand.u32 $0xFFFFFC00, v3  }
0x30a: {  	v2 =	vor.u32 v3, v2  }
0x30b: {  	v3 =	vld [tilespmem:$0x7C90];
	v2 =	vor.u32 $0x80, v2;
	_ =	sdelay $0x4  }
0x30c: {  	[tilespmem:v2+s14+$0x0] =	vst.idx.msk vm0, v3  }
0x30d: {  	v2 =	vld [tilespmem:$0x7900];
	_ =	sdelay $0x4  }
0x30e: {  	vm4 =	vge.s32 v2, s30;
	vm5 =	vlt.s32 v2, s22  }
0x30f: {  	v2 =	vsub.s32 v2, v1;
	vm0 =	vmand vm4, vm5  }
0x310: {  	v2 =	vnsel vm0, $0x0, v2  }
0x311: {  	v3 =	vshll.u32 v2, $0x3  }
0x312: {  	v2 =	vand.u32 $0x7F, v2;
	v3 =	vand.u32 $0xFFFFFC00, v3  }
0x313: {  	v2 =	vor.u32 v3, v2  }
0x314: {  	v3 =	vld [tilespmem:$0x7D00];
	v2 =	vor.u32 $0x100, v2;
	_ =	sdelay $0x4  }
0x315: {  	[tilespmem:v2+s14+$0x0] =	vst.idx.msk vm0, v3  }
0x316: {  	v2 =	vld [tilespmem:$0x7910];
	_ =	sdelay $0x4  }
0x317: {  	vm6 =	vge.s32 v2, s30;
	vm7 =	vlt.s32 v2, s22  }
0x318: {  	v2 =	vsub.s32 v2, v1;
	vm0 =	vmand vm6, vm7  }
0x319: {  	v2 =	vnsel vm0, $0x0, v2  }
0x31a: {  	v3 =	vshll.u32 v2, $0x3  }
0x31b: {  	v2 =	vand.u32 $0x7F, v2;
	v3 =	vand.u32 $0xFFFFFC00, v3  }
0x31c: {  	v2 =	vor.u32 v3, v2  }
0x31d: {  	v3 =	vld [tilespmem:$0x7D10];
	v2 =	vor.u32 $0x100, v2;
	_ =	sdelay $0x4  }
0x31e: {  	[tilespmem:v2+s14+$0x0] =	vst.idx.msk vm0, v3  }
0x31f: {  	v2 =	vld [tilespmem:$0x7980];
	_ =	sdelay $0x4  }
0x320: {  	vm8 =	vge.s32 v2, s30;
	vm9 =	vlt.s32 v2, s22  }
0x321: {  	v2 =	vsub.s32 v2, v1;
	vm0 =	vmand vm8, vm9  }
0x322: {  	v2 =	vnsel vm0, $0x0, v2  }
0x323: {  	v3 =	vshll.u32 v2, $0x3  }
0x324: {  	v2 =	vand.u32 $0x7F, v2;
	v3 =	vand.u32 $0xFFFFFC00, v3  }
0x325: {  	v2 =	vor.u32 v3, v2  }
0x326: {  	v3 =	vld [tilespmem:$0x7D80];
	v2 =	vor.u32 $0x180, v2;
	_ =	sdelay $0x4  }
0x327: {  	[tilespmem:v2+s14+$0x0] =	vst.idx.msk vm0, v3  }
0x328: {  	v2 =	vld [tilespmem:$0x7990];
	_ =	sdelay $0x4  }
0x329: {  	vm10 =	vge.s32 v2, s30;
	vm11 =	vlt.s32 v2, s22  }
0x32a: {  	v2 =	vsub.s32 v2, v1;
	vm0 =	vmand vm10, vm11  }
0x32b: {  	v2 =	vnsel vm0, $0x0, v2  }
0x32c: {  	v3 =	vshll.u32 v2, $0x3  }
0x32d: {  	v2 =	vand.u32 $0x7F, v2;
	v3 =	vand.u32 $0xFFFFFC00, v3  }
0x32e: {  	v2 =	vor.u32 v3, v2  }
0x32f: {  	v3 =	vld [tilespmem:$0x7D90];
	v2 =	vor.u32 $0x180, v2;
	_ =	sdelay $0x4  }
0x330: {  	[tilespmem:v2+s14+$0x0] =	vst.idx.msk vm0, v3  }
0x331: {  	v2 =	vld [tilespmem:$0x7A00];
	_ =	sdelay $0x4  }
0x332: {  	vm12 =	vge.s32 v2, s30;
	vm13 =	vlt.s32 v2, s22  }
0x333: {  	v2 =	vsub.s32 v2, v1;
	vm0 =	vmand vm12, vm13  }
0x334: {  	v2 =	vnsel vm0, $0x0, v2  }
0x335: {  	v3 =	vshll.u32 v2, $0x3  }
0x336: {  	v2 =	vand.u32 $0x7F, v2;
	v3 =	vand.u32 $0xFFFFFC00, v3  }
0x337: {  	v2 =	vor.u32 v3, v2  }
0x338: {  	v3 =	vld [tilespmem:$0x7E00];
	v2 =	vor.u32 $0x200, v2;
	_ =	sdelay $0x4  }
0x339: {  	[tilespmem:v2+s14+$0x0] =	vst.idx.msk vm0, v3  }
0x33a: {  	v2 =	vld [tilespmem:$0x7A10];
	_ =	sdelay $0x4  }
0x33b: {  	vm14 =	vge.s32 v2, s30;
	vm15 =	vlt.s32 v2, s22  }
0x33c: {  	v2 =	vsub.s32 v2, v1;
	vm0 =	vmand vm14, vm15  }
0x33d: {  	v2 =	vnsel vm0, $0x0, v2  }
0x33e: {  	v3 =	vshll.u32 v2, $0x3  }
0x33f: {  	v2 =	vand.u32 $0x7F, v2;
	v3 =	vand.u32 $0xFFFFFC00, v3  }
0x340: {  	v2 =	vor.u32 v3, v2  }
0x341: {  	v3 =	vld [tilespmem:$0x7E10];
	v2 =	vor.u32 $0x200, v2;
	_ =	sdelay $0x4  }
0x342: {  	[tilespmem:v2+s14+$0x0] =	vst.idx.msk vm0, v3  }
0x343: {  	v2 =	vld [tilespmem:$0x7A80];
	_ =	sdelay $0x4  }
0x344: {  	vm4 =	vge.s32 v2, s30;
	vm5 =	vlt.s32 v2, s22  }
0x345: {  	v2 =	vsub.s32 v2, v1;
	vm0 =	vmand vm4, vm5  }
0x346: {  	v2 =	vnsel vm0, $0x0, v2  }
0x347: {  	v3 =	vshll.u32 v2, $0x3  }
0x348: {  	v2 =	vand.u32 $0x7F, v2;
	v3 =	vand.u32 $0xFFFFFC00, v3  }
0x349: {  	v2 =	vor.u32 v3, v2  }
0x34a: {  	v3 =	vld [tilespmem:$0x7E80];
	v2 =	vor.u32 $0x280, v2;
	_ =	sdelay $0x4  }
0x34b: {  	[tilespmem:v2+s14+$0x0] =	vst.idx.msk vm0, v3  }
0x34c: {  	v2 =	vld [tilespmem:$0x7A90];
	_ =	sdelay $0x4  }
0x34d: {  	vm6 =	vge.s32 v2, s30;
	vm7 =	vlt.s32 v2, s22  }
0x34e: {  	v2 =	vsub.s32 v2, v1;
	vm0 =	vmand vm6, vm7  }
0x34f: {  	v2 =	vnsel vm0, $0x0, v2  }
0x350: {  	v3 =	vshll.u32 v2, $0x3  }
0x351: {  	v2 =	vand.u32 $0x7F, v2;
	v3 =	vand.u32 $0xFFFFFC00, v3  }
0x352: {  	v2 =	vor.u32 v3, v2  }
0x353: {  	v3 =	vld [tilespmem:$0x7E90];
	v2 =	vor.u32 $0x280, v2;
	_ =	sdelay $0x4  }
0x354: {  	[tilespmem:v2+s14+$0x0] =	vst.idx.msk vm0, v3  }
0x355: {  	v2 =	vld [tilespmem:$0x7B00];
	_ =	sdelay $0x4  }
0x356: {  	vm8 =	vge.s32 v2, s30;
	vm9 =	vlt.s32 v2, s22  }
0x357: {  	v2 =	vsub.s32 v2, v1;
	vm0 =	vmand vm8, vm9  }
0x358: {  	v2 =	vnsel vm0, $0x0, v2  }
0x359: {  	v3 =	vshll.u32 v2, $0x3  }
0x35a: {  	v2 =	vand.u32 $0x7F, v2;
	v3 =	vand.u32 $0xFFFFFC00, v3  }
0x35b: {  	v2 =	vor.u32 v3, v2  }
0x35c: {  	v3 =	vld [tilespmem:$0x7F00];
	v2 =	vor.u32 $0x300, v2;
	_ =	sdelay $0x4  }
0x35d: {  	[tilespmem:v2+s14+$0x0] =	vst.idx.msk vm0, v3  }
0x35e: {  	v2 =	vld [tilespmem:$0x7B10];
	_ =	sdelay $0x4  }
0x35f: {  	vm10 =	vge.s32 v2, s30;
	vm11 =	vlt.s32 v2, s22  }
0x360: {  	v2 =	vsub.s32 v2, v1;
	vm0 =	vmand vm10, vm11  }
0x361: {  	v2 =	vnsel vm0, $0x0, v2  }
0x362: {  	v3 =	vshll.u32 v2, $0x3  }
0x363: {  	v2 =	vand.u32 $0x7F, v2;
	v3 =	vand.u32 $0xFFFFFC00, v3  }
0x364: {  	v2 =	vor.u32 v3, v2  }
0x365: {  	v3 =	vld [tilespmem:$0x7F10];
	v2 =	vor.u32 $0x300, v2;
	_ =	sdelay $0x4  }
0x366: {  	[tilespmem:v2+s14+$0x0] =	vst.idx.msk vm0, v3  }
0x367: {  	v2 =	vld [tilespmem:$0x7B80];
	_ =	sdelay $0x4  }
0x368: {  	vm12 =	vge.s32 v2, s30;
	vm13 =	vlt.s32 v2, s22  }
0x369: {  	v2 =	vsub.s32 v2, v1;
	vm0 =	vmand vm12, vm13  }
0x36a: {  	v2 =	vnsel vm0, $0x0, v2  }
0x36b: {  	v3 =	vshll.u32 v2, $0x3  }
0x36c: {  	v2 =	vand.u32 $0x7F, v2;
	v3 =	vand.u32 $0xFFFFFC00, v3  }
0x36d: {  	v2 =	vor.u32 v3, v2  }
0x36e: {  	v3 =	vld [tilespmem:$0x7F80];
	v2 =	vor.u32 $0x380, v2;
	_ =	sdelay $0x4  }
0x36f: {  	[tilespmem:v2+s14+$0x0] =	vst.idx.msk vm0, v3  }
0x370: {  	v2 =	vld [tilespmem:$0x7B90];
	_ =	sdelay $0x4  }
0x371: {  	vm14 =	vge.s32 v2, s30;
	vm15 =	vlt.s32 v2, s22  }
0x372: {  	v1 =	vsub.s32 v2, v1;
	vm0 =	vmand vm14, vm15  }
0x373: {  	v1 =	vnsel vm0, $0x0, v1  }
0x374: {  	v2 =	vshll.u32 v1, $0x3  }
0x375: {  	v1 =	vand.u32 $0x7F, v1;
	v2 =	vand.u32 $0xFFFFFC00, v2  }
0x376: {  	v1 =	vor.u32 v2, v1  }
0x377: {  	v2 =	vld [tilespmem:$0x7F90];
	v1 =	vor.u32 $0x380, v1  }
0x378: {  	p0 =	sne.s32 s22, $0x18000  }
.Ltmp0:
0x379: {  	_ = 	snop;
	(pc) =	sbr.rel @p0 .LBB2_2-.Ltmp0, $4  }
0x37a: {  	_ = 	snop  }
0x37b: {  	s31 =	sadd.s32 s22, s13  }
0x37c: {  	s23 =	sadd.s32 $0x4000, s23;
	s24 =	sadd.s32 $0xFFFFF000, s31;
	s22 =	sadd.s32 $0x800, s22;
	[tilespmem:v1+s14+$0x0] =	vst.idx.msk vm0, v2  }
0x37d: {  	[hbm4b:s24+s3] =	stream.linear.scatter [tilespmem:s14], [sflag:$0x2], $0x2000, $0x38;
	[tilespmem:$0x8000] =	vst v63  }
0x37e: {  	v1 =	vld [tilespmem:$0x7800];
	_ =	sdelay $0x4  }
0x37f: {  	v1 =	vadd.s32 $0xFFFE8000, v1  }
0x380: {  	vm0 =	vlt.u32 v1, $0x6A0  }
0x381: {  	v1 =	vnsel vm0, $0x0, v1  }
0x382: {  	v2 =	vshll.u32 v1, $0x3  }
0x383: {  	v1 =	vand.u32 $0x7F, v1;
	v2 =	vand.u32 $0xFFFFFC00, v2  }
0x384: {  	v3 =	vld [tilespmem:$0x7C00];
	v1 =	vor.u32 v1, v2;
	_ =	sdelay $0x4  }
0x385: {  	[tilespmem:v1+s15+$0x0] =	vst.idx.msk vm0, v3  }
0x386: {  	v1 =	vld [tilespmem:$0x7810];
	_ =	sdelay $0x4  }
0x387: {  	v1 =	vadd.s32 $0xFFFE8000, v1  }
0x388: {  	vm13 =	vlt.u32 v1, $0x6A0  }
0x389: {  	v1 =	vnsel vm13, $0x0, v1  }
0x38a: {  	v2 =	vshll.u32 v1, $0x3  }
0x38b: {  	v1 =	vand.u32 $0x7F, v1;
	v2 =	vand.u32 $0xFFFFFC00, v2  }
0x38c: {  	v3 =	vld [tilespmem:$0x7C10];
	v1 =	vor.u32 v1, v2;
	_ =	sdelay $0x4  }
0x38d: {  	[tilespmem:v1+s15+$0x0] =	vst.idx.msk vm13, v3  }
0x38e: {  	v1 =	vld [tilespmem:$0x7880];
	_ =	sdelay $0x4  }
0x38f: {  	v1 =	vadd.s32 $0xFFFE8000, v1  }
0x390: {  	vm14 =	vlt.u32 v1, $0x6A0  }
0x391: {  	v1 =	vnsel vm14, $0x0, v1  }
0x392: {  	v2 =	vshll.u32 v1, $0x3  }
0x393: {  	v1 =	vand.u32 $0x7F, v1;
	v2 =	vand.u32 $0xFFFFFC00, v2  }
0x394: {  	v1 =	vor.u32 v2, v1  }
0x395: {  	v2 =	vld [tilespmem:$0x7C80];
	v1 =	vor.u32 $0x80, v1;
	_ =	sdelay $0x4  }
0x396: {  	[tilespmem:v1+s15+$0x0] =	vst.idx.msk vm14, v2  }
0x397: {  	v1 =	vld [tilespmem:$0x7890];
	_ =	sdelay $0x4  }
0x398: {  	v1 =	vadd.s32 $0xFFFE8000, v1  }
0x399: {  	vm15 =	vlt.u32 v1, $0x6A0  }
0x39a: {  	v1 =	vnsel vm15, $0x0, v1  }
0x39b: {  	v2 =	vshll.u32 v1, $0x3  }
0x39c: {  	v1 =	vand.u32 $0x7F, v1;
	v2 =	vand.u32 $0xFFFFFC00, v2  }
0x39d: {  	v1 =	vor.u32 v2, v1  }
0x39e: {  	v2 =	vld [tilespmem:$0x7C90];
	v1 =	vor.u32 $0x80, v1;
	_ =	sdelay $0x4  }
0x39f: {  	[tilespmem:v1+s15+$0x0] =	vst.idx.msk vm15, v2  }
0x3a0: {  	v1 =	vld [tilespmem:$0x7900];
	_ =	sdelay $0x4  }
0x3a1: {  	v1 =	vadd.s32 $0xFFFE8000, v1  }
0x3a2: {  	vm4 =	vlt.u32 v1, $0x6A0  }
0x3a3: {  	v1 =	vnsel vm4, $0x0, v1  }
0x3a4: {  	v2 =	vshll.u32 v1, $0x3  }
0x3a5: {  	v1 =	vand.u32 $0x7F, v1;
	v2 =	vand.u32 $0xFFFFFC00, v2  }
0x3a6: {  	v1 =	vor.u32 v2, v1  }
0x3a7: {  	v2 =	vld [tilespmem:$0x7D00];
	v1 =	vor.u32 $0x100, v1;
	_ =	sdelay $0x4  }
0x3a8: {  	[tilespmem:v1+s15+$0x0] =	vst.idx.msk vm4, v2  }
0x3a9: {  	v1 =	vld [tilespmem:$0x7910];
	_ =	sdelay $0x4  }
0x3aa: {  	v1 =	vadd.s32 $0xFFFE8000, v1  }
0x3ab: {  	vm5 =	vlt.u32 v1, $0x6A0  }
0x3ac: {  	v1 =	vnsel vm5, $0x0, v1  }
0x3ad: {  	v2 =	vshll.u32 v1, $0x3  }
0x3ae: {  	v1 =	vand.u32 $0x7F, v1;
	v2 =	vand.u32 $0xFFFFFC00, v2  }
0x3af: {  	v1 =	vor.u32 v2, v1  }
0x3b0: {  	v2 =	vld [tilespmem:$0x7D10];
	v1 =	vor.u32 $0x100, v1;
	_ =	sdelay $0x4  }
0x3b1: {  	[tilespmem:v1+s15+$0x0] =	vst.idx.msk vm5, v2  }
0x3b2: {  	v1 =	vld [tilespmem:$0x7980];
	_ =	sdelay $0x4  }
0x3b3: {  	v1 =	vadd.s32 $0xFFFE8000, v1  }
0x3b4: {  	vm6 =	vlt.u32 v1, $0x6A0  }
0x3b5: {  	v1 =	vnsel vm6, $0x0, v1  }
0x3b6: {  	v2 =	vshll.u32 v1, $0x3  }
0x3b7: {  	v1 =	vand.u32 $0x7F, v1;
	v2 =	vand.u32 $0xFFFFFC00, v2  }
0x3b8: {  	v1 =	vor.u32 v2, v1  }
0x3b9: {  	v2 =	vld [tilespmem:$0x7D80];
	v1 =	vor.u32 $0x180, v1;
	_ =	sdelay $0x4  }
0x3ba: {  	[tilespmem:v1+s15+$0x0] =	vst.idx.msk vm6, v2  }
0x3bb: {  	v1 =	vld [tilespmem:$0x7990];
	_ =	sdelay $0x4  }
0x3bc: {  	v1 =	vadd.s32 $0xFFFE8000, v1  }
0x3bd: {  	vm7 =	vlt.u32 v1, $0x6A0  }
0x3be: {  	v1 =	vnsel vm7, $0x0, v1  }
0x3bf: {  	v2 =	vshll.u32 v1, $0x3  }
0x3c0: {  	v1 =	vand.u32 $0x7F, v1;
	v2 =	vand.u32 $0xFFFFFC00, v2  }
0x3c1: {  	v1 =	vor.u32 v2, v1  }
0x3c2: {  	v2 =	vld [tilespmem:$0x7D90];
	v1 =	vor.u32 $0x180, v1;
	_ =	sdelay $0x4  }
0x3c3: {  	[tilespmem:v1+s15+$0x0] =	vst.idx.msk vm7, v2  }
0x3c4: {  	v1 =	vld [tilespmem:$0x7A00];
	_ =	sdelay $0x4  }
0x3c5: {  	v1 =	vadd.s32 $0xFFFE8000, v1  }
0x3c6: {  	vm8 =	vlt.u32 v1, $0x6A0  }
0x3c7: {  	v1 =	vnsel vm8, $0x0, v1  }
0x3c8: {  	v2 =	vshll.u32 v1, $0x3  }
0x3c9: {  	v1 =	vand.u32 $0x7F, v1;
	v2 =	vand.u32 $0xFFFFFC00, v2  }
0x3ca: {  	v1 =	vor.u32 v2, v1  }
0x3cb: {  	v2 =	vld [tilespmem:$0x7E00];
	v1 =	vor.u32 $0x200, v1;
	_ =	sdelay $0x4  }
0x3cc: {  	[tilespmem:v1+s15+$0x0] =	vst.idx.msk vm8, v2  }
0x3cd: {  	v1 =	vld [tilespmem:$0x7A10];
	_ =	sdelay $0x4  }
0x3ce: {  	v1 =	vadd.s32 $0xFFFE8000, v1  }
0x3cf: {  	vm9 =	vlt.u32 v1, $0x6A0  }
0x3d0: {  	v1 =	vnsel vm9, $0x0, v1  }
0x3d1: {  	v2 =	vshll.u32 v1, $0x3  }
0x3d2: {  	v1 =	vand.u32 $0x7F, v1;
	v2 =	vand.u32 $0xFFFFFC00, v2  }
0x3d3: {  	v1 =	vor.u32 v2, v1  }
0x3d4: {  	v2 =	vld [tilespmem:$0x7E10];
	v1 =	vor.u32 $0x200, v1;
	_ =	sdelay $0x4  }
0x3d5: {  	[tilespmem:v1+s15+$0x0] =	vst.idx.msk vm9, v2  }
0x3d6: {  	v1 =	vld [tilespmem:$0x7A80];
	_ =	sdelay $0x4  }
0x3d7: {  	v1 =	vadd.s32 $0xFFFE8000, v1  }
0x3d8: {  	vm10 =	vlt.u32 v1, $0x6A0  }
0x3d9: {  	v1 =	vnsel vm10, $0x0, v1  }
0x3da: {  	v2 =	vshll.u32 v1, $0x3  }
0x3db: {  	v1 =	vand.u32 $0x7F, v1;
	v2 =	vand.u32 $0xFFFFFC00, v2  }
0x3dc: {  	v1 =	vor.u32 v2, v1  }
0x3dd: {  	v2 =	vld [tilespmem:$0x7E80];
	v1 =	vor.u32 $0x280, v1;
	_ =	sdelay $0x4  }
0x3de: {  	[tilespmem:v1+s15+$0x0] =	vst.idx.msk vm10, v2  }
0x3df: {  	v1 =	vld [tilespmem:$0x7A90];
	_ =	sdelay $0x4  }
0x3e0: {  	v1 =	vadd.s32 $0xFFFE8000, v1  }
0x3e1: {  	vm11 =	vlt.u32 v1, $0x6A0  }
0x3e2: {  	v1 =	vnsel vm11, $0x0, v1  }
0x3e3: {  	v2 =	vshll.u32 v1, $0x3  }
0x3e4: {  	v1 =	vand.u32 $0x7F, v1;
	v2 =	vand.u32 $0xFFFFFC00, v2  }
0x3e5: {  	v1 =	vor.u32 v2, v1  }
0x3e6: {  	v2 =	vld [tilespmem:$0x7E90];
	v1 =	vor.u32 $0x280, v1;
	_ =	sdelay $0x4  }
0x3e7: {  	[tilespmem:v1+s15+$0x0] =	vst.idx.msk vm11, v2  }
0x3e8: {  	v1 =	vld [tilespmem:$0x7B00];
	_ =	sdelay $0x4  }
0x3e9: {  	v1 =	vadd.s32 $0xFFFE8000, v1  }
0x3ea: {  	vm12 =	vlt.u32 v1, $0x6A0  }
0x3eb: {  	v1 =	vnsel vm12, $0x0, v1  }
0x3ec: {  	v2 =	vshll.u32 v1, $0x3  }
0x3ed: {  	v1 =	vand.u32 $0x7F, v1;
	v2 =	vand.u32 $0xFFFFFC00, v2  }
0x3ee: {  	v1 =	vor.u32 v2, v1  }
0x3ef: {  	v2 =	vld [tilespmem:$0x7F00];
	v1 =	vor.u32 $0x300, v1;
	_ =	sdelay $0x4  }
0x3f0: {  	[tilespmem:v1+s15+$0x0] =	vst.idx.msk vm12, v2  }
0x3f1: {  	v1 =	vld [tilespmem:$0x7B10];
	_ =	sdelay $0x4  }
0x3f2: {  	v1 =	vadd.s32 $0xFFFE8000, v1  }
0x3f3: {  	vm13 =	vlt.u32 v1, $0x6A0  }
0x3f4: {  	v1 =	vnsel vm13, $0x0, v1  }
0x3f5: {  	v2 =	vshll.u32 v1, $0x3  }
0x3f6: {  	v1 =	vand.u32 $0x7F, v1;
	v2 =	vand.u32 $0xFFFFFC00, v2  }
0x3f7: {  	v1 =	vor.u32 v2, v1  }
0x3f8: {  	v2 =	vld [tilespmem:$0x7F10];
	v1 =	vor.u32 $0x300, v1;
	_ =	sdelay $0x4  }
0x3f9: {  	[tilespmem:v1+s15+$0x0] =	vst.idx.msk vm13, v2  }
0x3fa: {  	v1 =	vld [tilespmem:$0x7B80];
	_ =	sdelay $0x4  }
0x3fb: {  	v1 =	vadd.s32 $0xFFFE8000, v1  }
0x3fc: {  	vm14 =	vlt.u32 v1, $0x6A0  }
0x3fd: {  	v1 =	vnsel vm14, $0x0, v1  }
0x3fe: {  	v2 =	vshll.u32 v1, $0x3  }
0x3ff: {  	v1 =	vand.u32 $0x7F, v1;
	v2 =	vand.u32 $0xFFFFFC00, v2  }
0x400: {  	v1 =	vor.u32 v2, v1  }
0x401: {  	v2 =	vld [tilespmem:$0x7F80];
	v1 =	vor.u32 $0x380, v1;
	_ =	sdelay $0x4  }
0x402: {  	[tilespmem:v1+s15+$0x0] =	vst.idx.msk vm14, v2  }
0x403: {  	v1 =	vld [tilespmem:$0x7B90];
	_ =	sdelay $0x4  }
0x404: {  	v1 =	vadd.s32 $0xFFFE8000, v1  }
0x405: {  	vm15 =	vlt.u32 v1, $0x6A0  }
0x406: {  	v1 =	vnsel vm15, $0x0, v1  }
0x407: {  	v2 =	vshll.u32 v1, $0x3  }
0x408: {  	v1 =	vand.u32 $0x7F, v1;
	v2 =	vand.u32 $0xFFFFFC00, v2  }
0x409: {  	v1 =	vor.u32 v2, v1  }
0x40a: {  	v2 =	vld [tilespmem:$0x7F90];
	v1 =	vor.u32 $0x380, v1;
	_ =	sdelay $0x4  }
0x40b: {  	[tilespmem:v1+s15+$0x0] =	vst.idx.msk vm15, v2  }
0x40c: {  	[hbm4b:s10+s3] =	stream.linear.scatter [tilespmem:s15], [sflag:$0x3], $0x3800, $0x38;
	[tilespmem:$0x8000] =	vst v63  }
0x40d: {  	_ =	swait.ge [sflag:s19], $0x2000  }
0x40e: {  	[sflag:s19] =	ssyncset.done $0x0  }
0x40f: {  	s21 =	sadd.s32 $0x1, s21;
	[sflag:s19] =	ssyncadd.s32 $0xFFFFE000  }
0x410: {  	p0 =	sne.s32 s21, s11;
	_ =	swait.ge [sflag:s20], $0x2000  }
.Ltmp1:
0x411: {  	[sflag:s20] =	ssyncset.done $0x0;
	(pc) =	sbr.rel @p0 .LBB2_1-.Ltmp1, $4  }
0x412: {  	[sflag:s20] =	ssyncadd.s32 $0xFFFFE000  }
0x413: {  	_ =	swait.ge [sflag:s18], $0x3800  }
0x414: {  	[sflag:s18] =	ssyncset.done $0x0  }
0x415: {  	[sflag:s18] =	ssyncadd.s32 $0xFFFFC800  }
0x416: {  	_ =	sfence.sel $0x180000  }
0x417: {  	[bflag:$0x0] =	sbarrier.arrive $0xFFFF  }
0x418: {  	p0 =	sne.s32 s1, $0x0;
	_ =	strace $0x90000047  }
0x419: {  	s0 =	sadd.s32 @!p0 $0x100000, s0;
	[bflag:$0x2] =	sbarrier.arrive $0xFFFF  }
0x41a: {  	[sflag:s0] =	ssyncadd.tile.s32 @!p0 $0x1;
	_ =	shalt  }
.Lfunc_end2:
_tile_overlayer_lowered:
.L_overlay_start_2:
0x41b: {  	(tag) =	ssettag $0x2  }
0x41c: {  	s0 =	rddreg [dreg:$0x0];
	s2 =	stileid.u32  }
0x41d: {  	s1 =	rddreg [dreg:$0x1];
	p0 =	sne.s32 s2, $0x0  }
0x41e: {  	s3 =	rddreg [dreg:$0x2];
	[bflag:$0x3] =	sbarrier.arrive $0xFFFF;
	s2 =	simm.s32 @!p0 $0x1C04  }
0x41f: {  	[timem:s3], [sflag:s2] =	dma.local @!p0 [hbm:s0], s1  }
0x420: {  	s0 =	simm.s32 @!p0 $0x4  }
0x421: {  	_ =	swait.ge @!p0 [sflag:s0], s1  }
0x422: {  	s1 =	ssub.s32 @!p0 $0x0, s1;
	[sflag:s0] =	ssyncset.done @!p0 $0x0  }
0x423: {  	[sflag:s0] =	ssyncadd.s32 @!p0 s1  }
0x424: {  	[bflag:$0x3] =	sbarrier.arrive $0xFFFF  }
0x425: {  	_ =	shalt  }

</sc_bundles>
